<compile_context>
chip_gen: v7x
topology: tpu7x:2x2x1
jax: 0.10.2.dev20260603
libtpu: 0.0.44.dev20260713+nightly
codegen_flags: <defaults>
</compile_context>

<pallas_src>
import jax
import jax.numpy as jnp
import numpy as np
from jax import lax
from jax.experimental import pallas as pl
from jax.experimental.pallas import tpu as pltpu
from jax.experimental.pallas import tpu_sc as plsc

_H = 512
_W = 512
_STEP = 10
_DH = _H // _STEP
_DW = _W // _STEP
_NCEN = _DH * _DW
_NNEI = 1000
_ROWS = 1024
_NB = 4
_WPB = 8
_NWORK = _NB * _WPB
_TPW = 336
_LANES = 16


_CONST_CACHE = {}


def _threefry2x32(k0, k1, x0, x1):
    rotations = [[13, 15, 26, 6], [17, 29, 16, 24]]
    ks = [k0, k1, k0 ^ k1 ^ np.uint32(0x1BD11BDA)]
    x = [x0 + ks[0], x1 + ks[1]]

    def rotl(v, d):
        return (v << np.uint32(d)) | (v >> np.uint32(32 - d))

    for i in range(5):
        for r in rotations[i % 2]:
            x[0] = x[0] + x[1]
            x[1] = rotl(x[1], r)
            x[1] = x[1] ^ x[0]
        x[0] = x[0] + ks[(i + 1) % 3]
        x[1] = x[1] + ks[(i + 2) % 3] + np.uint32(i + 1)
    return x[0], x[1]


def _erfinv32(x):
    w = (-np.log((np.float32(1.0) - x) * (np.float32(1.0) + x))).astype(
        np.float32)
    wa = (w - np.float32(2.5)).astype(np.float32)
    p = np.float32(2.81022636e-08)
    for cf in [3.43273939e-07, -3.5233877e-06, -4.39150654e-06, 0.00021858087,
               -0.00125372503, -0.00417768164, 0.246640727, 1.50140941]:
        p = (np.float32(cf) + p * wa).astype(np.float32)
    pa = p
    with np.errstate(invalid="ignore"):
        wb = (np.sqrt(w) - np.float32(3.0)).astype(np.float32)
    p = np.float32(-0.000200214257)
    for cf in [0.000100950558, 0.00134934322, -0.00367342844, 0.00573950773,
               -0.0076224613, 0.00943887047, 1.00167406, 2.83297682]:
        p = (np.float32(cf) + p * wb).astype(np.float32)
    return (np.where(w < np.float32(5.0), pa, p) * x).astype(np.float32)


def _np_normal(seed, batch, shape):
    k0, k1 = _threefry2x32(np.uint32(0), np.uint32(seed),
                           np.uint32(0), np.uint32(batch))
    n = int(np.prod(shape))
    lo_ct = np.arange(n, dtype=np.uint32)
    b0, b1 = _threefry2x32(k0, k1, np.zeros(n, dtype=np.uint32), lo_ct)
    bits = b0 ^ b1
    f = ((bits >> np.uint32(9)) | np.uint32(0x3F800000)).view(np.float32)
    u01 = (f - np.float32(1.0)).astype(np.float32)
    lo = np.float32(np.nextafter(np.float32(-1.0), np.float32(0.0)))
    hi = np.float32(1.0)
    u = np.maximum(lo, (u01 * (hi - lo) + lo).astype(np.float32))
    return (np.float32(np.sqrt(2.0)) * _erfinv32(u)).reshape(shape)


def _get_consts():
    if "idx" in _CONST_CACHE:
        return _CONST_CACHE["idx"], _CONST_CACHE["inv"]
    ys = np.arange(_DH) * _STEP
    xs = np.arange(_DW) * _STEP
    cy, cx = np.meshgrid(ys, xs, indexing="ij")
    centers = np.stack([cy, cx], axis=-1)
    sigma = np.array([_H * 0.25, _W * 0.25], dtype=np.float32)
    clin = (cy * _W + cx).astype(np.int32)

    idx_all = np.zeros((_NWORK, _TPW, 8, 128), dtype=np.int32)
    inv_all = np.zeros((_NWORK, _TPW), dtype=np.float32)
    for b in range(_NB):
        noise = _np_normal(42, b, (_DH, _DW, 2, _NNEI))
        neigh = np.round(centers[..., None].astype(np.float32)
                         + sigma[None, None, :, None] * noise)
        neigh = np.maximum(neigh, 0.0).astype(np.int32)
        ny = neigh[:, :, 0, :]
        nx = neigh[:, :, 1, :]
        valid = (ny < _H) & (nx < _W)
        lin = np.minimum(ny, _H - 1) * _W + np.minimum(nx, _W - 1)
        lin = np.where(valid, lin, clin[..., None])
        lin = np.sort(lin, axis=-1)
        rows = np.concatenate(
            [clin[..., None],
             lin,
             np.repeat(clin[..., None], _ROWS - 1 - _NNEI, axis=-1)],
            axis=-1).reshape(_NCEN, _ROWS) + b * (_H * _W)
        cnt = np.maximum(valid.sum(axis=-1), 1).astype(np.float32)
        inv = (1.0 / cnt).reshape(_NCEN)
        for j in range(_WPB):
            sel = np.arange(j, _NCEN, _WPB)
            w = b * _WPB + j
            idx_all[w, :len(sel)] = rows[sel].reshape(len(sel), 8, 128)
            inv_all[w, :len(sel)] = inv[sel]
    _CONST_CACHE["idx"] = idx_all
    _CONST_CACHE["inv"] = inv_all
    return idx_all, inv_all


_M00, _M01, _M02 = 0.4124564, 0.3575761, 0.1804375
_M10, _M11, _M12 = 0.2126729, 0.7151522, 0.0721750
_M20, _M21, _M22 = 0.0193339, 0.1191920, 0.9503041
_IWP0, _IWP1, _IWP2 = 1.0 / 0.95047, 1.0, 1.0 / 1.08883
_D3 = (6.0 / 29.0) ** 3
_K1 = 1.0 / (3.0 * (6.0 / 29.0) ** 2)
_K2 = 4.0 / 29.0


def _lab_tc_body(img_ref, out_ref):
    x = img_ref[0]
    lin = jnp.where(
        x <= 0.04045,
        x * (1.0 / 12.92),
        jnp.exp(2.4 * jnp.log((x + 0.055) * (1.0 / 1.055))))

    def f_of(t):
        cbrt = jnp.exp(jnp.log(jnp.maximum(t, 1e-30)) * (1.0 / 3.0))
        return jnp.where(t > _D3, cbrt, t * _K1 + _K2)

    f0 = f_of((_M00 * lin[0] + _M01 * lin[1] + _M02 * lin[2]) * _IWP0)
    f1 = f_of((_M10 * lin[0] + _M11 * lin[1] + _M12 * lin[2]) * _IWP1)
    f2 = f_of((_M20 * lin[0] + _M21 * lin[1] + _M22 * lin[2]) * _IWP2)
    out_ref[0, 0] = 116.0 * f1 - 16.0
    out_ref[0, 1] = 500.0 * (f0 - f1)
    out_ref[0, 2] = 200.0 * (f1 - f2)


def _lab_call(imgs8):
    return pl.pallas_call(
        _lab_tc_body,
        grid=(8,),
        in_specs=[pl.BlockSpec((1, 3, _H, _W), lambda g: (g, 0, 0, 0))],
        out_specs=pl.BlockSpec((1, 3, _H, _W), lambda g: (g, 0, 0, 0)),
        out_shape=jax.ShapeDtypeStruct((8, 3, _H, _W), jnp.float32),
    )(imgs8)


def _sqrt16(x, iters):
    i = lax.bitcast_convert_type(x, jnp.int32)
    r = lax.bitcast_convert_type(
        jnp.int32(0x5F3759DF) - lax.shift_right_arithmetic(i, 1), jnp.float32)
    hx = x * 0.5
    for _ in range(iters):
        r = r * (1.5 - (hx * r) * r)
    return x * r


def _lane_take(v, idx):
    return v.at[idx].get(mode="promise_in_bounds")


_NGRP = _TPW // _LANES


def _sc_body(t0, t1, t2, t3, t4, t5, idxs, invc, out, idxb, comp_v, invc_v,
             oout_v, semi, sema, semb):
    c = lax.axis_index("c")
    s = lax.axis_index("s")
    w = s * 2 + c
    pltpu.sync_copy(invc.at[w], invc_v)

    zero16 = jnp.zeros((_LANES,), jnp.float32)
    iota16 = lax.iota(jnp.int32, _LANES)
    zidx16 = jnp.zeros((_LANES,), jnp.int32)
    tabs = (t0, t1, t2, t3, t4, t5)
    sems = (sema, semb)

    def enqueue48(t, buf, sem):
        slot = (t // _LANES) % 3
        row = t % _LANES
        return [pltpu.async_copy(tabs[comp].at[idxb.at[slot, row, j]],
                                 comp_v.at[buf, comp, pl.ds(j * 128, 128)],
                                 sem)
                for comp in range(6)
                for j in range(8)]

    def drain48(buf, sem):
        for comp in range(6):
            pltpu.make_async_copy(tabs[comp].at[pl.ds(0, _ROWS)],
                                  comp_v.at[buf, comp], sem).wait()

    def compute(buf):
        cvs = [_lane_take(comp_v[buf, comp, pl.ds(0, _LANES)], zidx16)
               for comp in range(6)]

        def chunk(k, acc):
            b = k * _LANES
            e0 = comp_v[buf, 0, pl.ds(b, _LANES)] - cvs[0]
            e1 = comp_v[buf, 1, pl.ds(b, _LANES)] - cvs[1]
            e2 = comp_v[buf, 2, pl.ds(b, _LANES)] - cvs[2]
            e3 = comp_v[buf, 3, pl.ds(b, _LANES)] - cvs[3]
            e4 = comp_v[buf, 4, pl.ds(b, _LANES)] - cvs[4]
            e5 = comp_v[buf, 5, pl.ds(b, _LANES)] - cvs[5]
            s1 = e0 * e0 + e1 * e1 + e2 * e2 + 1e-12
            s2 = e3 * e3 + e4 * e4 + e5 * e5 + 1e-12
            df = _sqrt16(s1, 3) - _sqrt16(s2, 3)
            return acc + df * df

        acc = lax.fori_loop(0, _ROWS // _LANES, chunk, zero16)
        for stride in (1, 2, 4, 8):
            acc = acc + _lane_take(acc, iota16 ^ stride)
        return acc

    pltpu.sync_copy(idxs.at[w, pl.ds(0, _LANES)], idxb.at[0])
    pltpu.async_copy(idxs.at[w, pl.ds(_LANES, _LANES)], idxb.at[1], semi)
    enqueue48(0, 0, sema)

    def group(g, wacc):
        @pl.when(g + 1 < _NGRP)
        def _():
            pltpu.make_async_copy(idxs.at[w, pl.ds(0, _LANES)],
                                  idxb.at[0], semi).wait()

        @pl.when(g + 2 < _NGRP)
        def _():
            pltpu.async_copy(idxs.at[w, pl.ds((g + 2) * _LANES, _LANES)],
                             idxb.at[(g + 2) % 3], semi)

        def pair(jp, gvec):
            te = g * _LANES + 2 * jp
            cps = enqueue48(te + 1, 1, semb)
            drain48(0, sema)
            tsum = compute(0)
            gvec = jnp.where(iota16 == 2 * jp, tsum, gvec)

            @pl.when(te + 2 < _TPW)
            def _():
                enqueue48(te + 2, 0, sema)

            for cp in cps:
                cp.wait()
            tsum = compute(1)
            return jnp.where(iota16 == 2 * jp + 1, tsum, gvec)

        gvec = lax.fori_loop(0, _LANES // 2, pair, zero16)
        iv = invc_v[pl.ds(g * _LANES, _LANES)]
        return wacc + _sqrt16(gvec * iv, 3)

    oout_v[...] = lax.fori_loop(0, _NGRP, group, zero16)
    pltpu.sync_copy(oout_v, out.at[w])


def _sc_rms(tables, idxs, invc):
    kfn = pl.kernel(
        _sc_body,
        mesh=plsc.VectorSubcoreMesh(core_axis_name="c", subcore_axis_name="s"),
        compiler_params=pltpu.CompilerParams(use_tc_tiling_on_sc=False),
        out_type=jax.ShapeDtypeStruct((_NWORK, _LANES), jnp.float32),
        scratch_types=[
            pltpu.VMEM((3, _LANES, 8, 128), jnp.int32),
            pltpu.VMEM((2, 6, _ROWS), jnp.float32),
            pltpu.VMEM((_TPW,), jnp.float32),
            pltpu.VMEM((_LANES,), jnp.float32),
            pltpu.SemaphoreType.DMA,
            pltpu.SemaphoreType.DMA,
            pltpu.SemaphoreType.DMA,
        ],
    )
    return kfn(*tables, idxs, invc)


def kernel(img1, img2):
    idx_np, inv_np = _get_consts()
    idxs = jnp.asarray(idx_np)
    invc = jnp.asarray(inv_np)
    imgs = jnp.stack([img1, img2], axis=1).reshape(2 * _NB, 3, _H, _W)
    lab = _lab_call(imgs)
    soa = lab.reshape(_NB, 2, 3, _H * _W).transpose(1, 2, 0, 3)
    tables = [soa[i, k].reshape(-1) for i in range(2) for k in range(3)]
    partials = _sc_rms(tables, idxs, invc)
    return partials.reshape(_NB, _WPB * _LANES).sum(axis=1) * jnp.float32(
        0.625 / _NCEN)

# --- scband reference (transcript-rebuilt; emitter-appended) ---
"""Pipeline reference for scband-rms-24455543783579 (READ-ONLY COPY).

The authoritative reference and input builder live on the scoring server;
editing this copy changes nothing except your own understanding.
"""

import jax, jax.numpy as jnp
import numpy as np

_M = jnp.array([[0.4124564, 0.3575761, 0.1804375],
                [0.2126729, 0.7151522, 0.0721750],
                [0.0193339, 0.1191920, 0.9503041]], dtype=jnp.float32)
_WP = jnp.array([0.95047, 1.0, 1.08883], dtype=jnp.float32)


def _srgb2lab(img):
    # img: [3, H, W] in [0, 1] sRGB
    lin = jnp.where(img <= 0.04045, img / 12.92, ((img + 0.055) / 1.055) ** 2.4)
    xyz = jnp.einsum('ij,jhw->ihw', _M, lin)
    t = xyz / _WP[:, None, None]
    d = 6.0 / 29.0
    f = jnp.where(t > d ** 3, jnp.cbrt(t), t / (3.0 * d * d) + 4.0 / 29.0)
    L = 116.0 * f[1] - 16.0
    a = 500.0 * (f[0] - f[1])
    b = 200.0 * (f[1] - f[2])
    return jnp.stack([L, a, b])


def _rms_map(img1, img2, key, n_neighbors=1000, step=10, sigma_rate=0.25):
    _, H, W = img1.shape
    dh, dw = H // step, W // step
    ys = jnp.arange(dh) * step
    xs = jnp.arange(dw) * step
    centers = jnp.stack(jnp.meshgrid(ys, xs, indexing='ij'), axis=-1)  # [dh, dw, 2]
    sigma = jnp.array([H * sigma_rate, W * sigma_rate], dtype=jnp.float32)
    noise = jax.random.normal(key, (dh, dw, 2, n_neighbors), dtype=jnp.float32)
    neigh = jnp.round(centers[..., None].astype(jnp.float32) + sigma[None, None, :, None] * noise)
    neigh = jnp.maximum(neigh, 0.0).astype(jnp.int32)  # clamp(min=0).long()
    ny = neigh[:, :, 0, :]
    nx = neigh[:, :, 1, :]
    valid = (ny < H) & (nx < W)  # torch filters out-of-range neighbors; we mask instead
    nyc = jnp.minimum(ny, H - 1)
    nxc = jnp.minimum(nx, W - 1)
    lab1 = _srgb2lab(img1)
    lab2 = _srgb2lab(img2)

    def contrasts(lab):
        cvals = lab[:, centers[..., 0], centers[..., 1]]        # [3, dh, dw]
        nvals = lab[:, nyc, nxc]                                # [3, dh, dw, n]
        return jnp.sqrt(jnp.sum((cvals[..., None] - nvals) ** 2, axis=0) + 1e-12)

    diff = (contrasts(lab1) - contrasts(lab2)) / 1.6
    sq = (diff * diff) * valid.astype(jnp.float32)
    cnt = jnp.maximum(jnp.sum(valid, axis=-1).astype(jnp.float32), 1.0)
    return jnp.sqrt(jnp.sum(sq, axis=-1) / cnt)  # [dh, dw]


def setup_inputs(seed: int = 0) -> dict:
    key = jax.random.key(seed)
    k1, k2 = jax.random.split(key)
    img1 = jax.random.uniform(k1, (4, 3, 512, 512), dtype=jnp.float32)
    img2 = jax.random.uniform(k2, (4, 3, 512, 512), dtype=jnp.float32)
    return {"img1": img1, "img2": img2}


def reference(img1, img2):
    outs = []
    for b in range(img1.shape[0]):
        k = jax.random.fold_in(jax.random.key(42), b)
        outs.append(jnp.mean(_rms_map(img1[b], img2[b], k, 1000, 10, 0.25)))
    return jnp.stack(outs)

if __name__ == "__main__":
    import jax
    _d = setup_inputs()
    print(jax.jit(kernel)(*tuple(_d.values())))

</pallas_src>

<mosaic_0001>
#map = affine_map<(d0, d1) -> (0)>
#map1 = affine_map<(d0, d1) -> (0, 0, 0, 0)>
#map2 = affine_map<(d0, d1) -> (0, 0)>
module attributes {stable_mosaic.version = 14 : i64} {
  func.func @_sc_body(%arg0: i32, %arg1: i32, %arg2: memref<1048576xf32, #tpu.memory_space<hbm>>, %arg3: memref<1048576xf32, #tpu.memory_space<hbm>>, %arg4: memref<1048576xf32, #tpu.memory_space<hbm>>, %arg5: memref<1048576xf32, #tpu.memory_space<hbm>>, %arg6: memref<1048576xf32, #tpu.memory_space<hbm>>, %arg7: memref<1048576xf32, #tpu.memory_space<hbm>>, %arg8: memref<32x336x8x128xi32, #tpu.memory_space<hbm>>, %arg9: memref<32x336xf32, #tpu.memory_space<hbm>>, %arg10: memref<32x16xf32, #tpu.memory_space<hbm>>, %arg11: memref<3x16x8x128xi32, #tpu.memory_space<vmem>>, %arg12: memref<2x6x1024xf32, #tpu.memory_space<vmem>>, %arg13: memref<336xf32, #tpu.memory_space<vmem>>, %arg14: memref<16xf32, #tpu.memory_space<vmem>>, %arg15: memref<!tpu.dma_semaphore, #tpu.memory_space<semaphore_mem>>, %arg16: memref<!tpu.dma_semaphore, #tpu.memory_space<semaphore_mem>>, %arg17: memref<!tpu.dma_semaphore, #tpu.memory_space<semaphore_mem>>) attributes {dimension_semantics = [#tpu.dimension_semantics<core_parallel>, #tpu.dimension_semantics<subcore_parallel>], iteration_bounds = array<i64: 2, 16>, scalar_prefetch = 0 : i64, scratch_operands = 7 : i64, tpu.core_type = #tpu.core_type<sc_vector_subcore>, window_params = [{transform_indices = #map}, {transform_indices = #map}, {transform_indices = #map}, {transform_indices = #map}, {transform_indices = #map}, {transform_indices = #map}, {transform_indices = #map1}, {transform_indices = #map2}, {transform_indices = #map2}]} {
    %mul3A = arith.constant 2 : i32
    %mul3A_0 = arith.muli %arg1, %mul3A : i32
    %add3A = arith.addi %mul3A_0, %arg0 : i32
    "tpu.region"() ({
      %run_scoped3A_656 = tpu.sem_alloc : memref<!tpu.dma_semaphore, #tpu.memory_space<semaphore_mem>>
      %dma_start3A_657 = arith.constant 0 : i32
      %dma_start3A_658 = tpu.memref_slice %arg9[%add3A, %dma_start3A_657] : memref<32x336xf32, #tpu.memory_space<hbm>> -> memref<1x336xf32, #tpu.memory_space<hbm>>
      %dma_start3A_659 = tpu.memref_squeeze %dma_start3A_658 : memref<1x336xf32, #tpu.memory_space<hbm>> -> memref<336xf32, #tpu.memory_space<hbm>>
      %dma_start3A_660 = arith.constant 0 : i32
      %dma_start3A_661 = tpu.memref_slice %arg9[%add3A, %dma_start3A_660] : memref<32x336xf32, #tpu.memory_space<hbm>> -> memref<1x336xf32, #tpu.memory_space<hbm>>
      %dma_start3A_662 = tpu.memref_squeeze %dma_start3A_661 : memref<1x336xf32, #tpu.memory_space<hbm>> -> memref<336xf32, #tpu.memory_space<hbm>>
      tpu.enqueue_dma source(%dma_start3A_662 : memref<336xf32, #tpu.memory_space<hbm>>) target(%arg13 : memref<336xf32, #tpu.memory_space<vmem>>) target_semaphore(%run_scoped3A_656 : memref<!tpu.dma_semaphore, #tpu.memory_space<semaphore_mem>>)
      %dma_wait3A = arith.constant 0 : i32
      %dma_wait3A_663 = tpu.memref_slice %arg9[%add3A, %dma_wait3A] : memref<32x336xf32, #tpu.memory_space<hbm>> -> memref<1x336xf32, #tpu.memory_space<hbm>>
      %dma_wait3A_664 = tpu.memref_squeeze %dma_wait3A_663 : memref<1x336xf32, #tpu.memory_space<hbm>> -> memref<336xf32, #tpu.memory_space<hbm>>
      %dma_wait3A_665 = arith.constant 0 : i32
      %dma_wait3A_666 = tpu.memref_slice %arg9[%add3A, %dma_wait3A_665] : memref<32x336xf32, #tpu.memory_space<hbm>> -> memref<1x336xf32, #tpu.memory_space<hbm>>
      %dma_wait3A_667 = tpu.memref_squeeze %dma_wait3A_666 : memref<1x336xf32, #tpu.memory_space<hbm>> -> memref<336xf32, #tpu.memory_space<hbm>>
      tpu.wait_dma2 semaphore(%run_scoped3A_656 : memref<!tpu.dma_semaphore, #tpu.memory_space<semaphore_mem>>) src(%dma_wait3A_667 : memref<336xf32, #tpu.memory_space<hbm>>) dst(%arg13 : memref<336xf32, #tpu.memory_space<vmem>>)
      tpu.yield
    }) : () -> ()
    %broadcast_in_dim3A = arith.constant 0.000000e+00 : f32
    %broadcast_in_dim3A_1 = vector.broadcast %broadcast_in_dim3A : f32 to vector<16xf32>
    %iota3A = tpu.iota {dimensions = array<i32: 0>} : vector<16xi32>
    %broadcast_in_dim3A_2 = arith.constant 0 : i32
    %broadcast_in_dim3A_3 = vector.broadcast %broadcast_in_dim3A_2 : i32 to vector<16xi32>
    %run_scoped3A = arith.constant 0 : i32
    "tpu.region"() ({
      %run_scoped3A_656 = tpu.sem_alloc : memref<!tpu.dma_semaphore, #tpu.memory_space<semaphore_mem>>
      %dma_start3A_657 = arith.constant 0 : i32
      %dma_start3A_658 = arith.constant 0 : i32
      %dma_start3A_659 = arith.constant 0 : i32
      %dma_start3A_660 = tpu.memref_slice %arg11[%run_scoped3A, %dma_start3A_657, %dma_start3A_658, %dma_start3A_659] : memref<3x16x8x128xi32, #tpu.memory_space<vmem>> -> memref<1x16x8x128xi32, #tpu.memory_space<vmem>>
      %dma_start3A_661 = tpu.memref_squeeze %dma_start3A_660 : memref<1x16x8x128xi32, #tpu.memory_space<vmem>> -> memref<16x8x128xi32, #tpu.memory_space<vmem>>
      %dma_start3A_662 = arith.constant 0 : i32
      %dma_start3A_663 = arith.constant 0 : i32
      %dma_start3A_664 = arith.constant 0 : i32
      %dma_start3A_665 = tpu.memref_slice %arg8[%add3A, %dma_start3A_662, %dma_start3A_663, %dma_start3A_664] : memref<32x336x8x128xi32, #tpu.memory_space<hbm>> -> memref<1x16x8x128xi32, #tpu.memory_space<hbm>>
      %dma_start3A_666 = tpu.memref_squeeze %dma_start3A_665 : memref<1x16x8x128xi32, #tpu.memory_space<hbm>> -> memref<16x8x128xi32, #tpu.memory_space<hbm>>
      %dma_start3A_667 = arith.constant 0 : i32
      %dma_start3A_668 = arith.constant 0 : i32
      %dma_start3A_669 = arith.constant 0 : i32
      %dma_start3A_670 = tpu.memref_slice %arg11[%run_scoped3A, %dma_start3A_667, %dma_start3A_668, %dma_start3A_669] : memref<3x16x8x128xi32, #tpu.memory_space<vmem>> -> memref<1x16x8x128xi32, #tpu.memory_space<vmem>>
      %dma_start3A_671 = tpu.memref_squeeze %dma_start3A_670 : memref<1x16x8x128xi32, #tpu.memory_space<vmem>> -> memref<16x8x128xi32, #tpu.memory_space<vmem>>
      %dma_start3A_672 = arith.constant 0 : i32
      %dma_start3A_673 = arith.constant 0 : i32
      %dma_start3A_674 = arith.constant 0 : i32
      %dma_start3A_675 = tpu.memref_slice %arg8[%add3A, %dma_start3A_672, %dma_start3A_673, %dma_start3A_674] : memref<32x336x8x128xi32, #tpu.memory_space<hbm>> -> memref<1x16x8x128xi32, #tpu.memory_space<hbm>>
      %dma_start3A_676 = tpu.memref_squeeze %dma_start3A_675 : memref<1x16x8x128xi32, #tpu.memory_space<hbm>> -> memref<16x8x128xi32, #tpu.memory_space<hbm>>
      tpu.enqueue_dma source(%dma_start3A_676 : memref<16x8x128xi32, #tpu.memory_space<hbm>>) target(%dma_start3A_671 : memref<16x8x128xi32, #tpu.memory_space<vmem>>) target_semaphore(%run_scoped3A_656 : memref<!tpu.dma_semaphore, #tpu.memory_space<semaphore_mem>>)
      %dma_wait3A = arith.constant 0 : i32
      %dma_wait3A_677 = arith.constant 0 : i32
      %dma_wait3A_678 = arith.constant 0 : i32
      %dma_wait3A_679 = tpu.memref_slice %arg11[%run_scoped3A, %dma_wait3A, %dma_wait3A_677, %dma_wait3A_678] : memref<3x16x8x128xi32, #tpu.memory_space<vmem>> -> memref<1x16x8x128xi32, #tpu.memory_space<vmem>>
      %dma_wait3A_680 = tpu.memref_squeeze %dma_wait3A_679 : memref<1x16x8x128xi32, #tpu.memory_space<vmem>> -> memref<16x8x128xi32, #tpu.memory_space<vmem>>
      %dma_wait3A_681 = arith.constant 0 : i32
      %dma_wait3A_682 = arith.constant 0 : i32
      %dma_wait3A_683 = arith.constant 0 : i32
      %dma_wait3A_684 = tpu.memref_slice %arg8[%add3A, %dma_wait3A_681, %dma_wait3A_682, %dma_wait3A_683] : memref<32x336x8x128xi32, #tpu.memory_space<hbm>> -> memref<1x16x8x128xi32, #tpu.memory_space<hbm>>
      %dma_wait3A_685 = tpu.memref_squeeze %dma_wait3A_684 : memref<1x16x8x128xi32, #tpu.memory_space<hbm>> -> memref<16x8x128xi32, #tpu.memory_space<hbm>>
      %dma_wait3A_686 = arith.constant 0 : i32
      %dma_wait3A_687 = arith.constant 0 : i32
      %dma_wait3A_688 = arith.constant 0 : i32
      %dma_wait3A_689 = tpu.memref_slice %arg11[%run_scoped3A, %dma_wait3A_686, %dma_wait3A_687, %dma_wait3A_688] : memref<3x16x8x128xi32, #tpu.memory_space<vmem>> -> memref<1x16x8x128xi32, #tpu.memory_space<vmem>>
      %dma_wait3A_690 = tpu.memref_squeeze %dma_wait3A_689 : memref<1x16x8x128xi32, #tpu.memory_space<vmem>> -> memref<16x8x128xi32, #tpu.memory_space<vmem>>
      %dma_wait3A_691 = arith.constant 0 : i32
      %dma_wait3A_692 = arith.constant 0 : i32
      %dma_wait3A_693 = arith.constant 0 : i32
      %dma_wait3A_694 = tpu.memref_slice %arg8[%add3A, %dma_wait3A_691, %dma_wait3A_692, %dma_wait3A_693] : memref<32x336x8x128xi32, #tpu.memory_space<hbm>> -> memref<1x16x8x128xi32, #tpu.memory_space<hbm>>
      %dma_wait3A_695 = tpu.memref_squeeze %dma_wait3A_694 : memref<1x16x8x128xi32, #tpu.memory_space<hbm>> -> memref<16x8x128xi32, #tpu.memory_space<hbm>>
      tpu.wait_dma2 semaphore(%run_scoped3A_656 : memref<!tpu.dma_semaphore, #tpu.memory_space<semaphore_mem>>) src(%dma_wait3A_695 : memref<16x8x128xi32, #tpu.memory_space<hbm>>) dst(%dma_wait3A_690 : memref<16x8x128xi32, #tpu.memory_space<vmem>>)
      tpu.yield
    }) : () -> ()
    %dma_start3A = arith.constant 1 : i32
    %dma_start3A_4 = arith.constant 0 : i32
    %dma_start3A_5 = arith.constant 0 : i32
    %dma_start3A_6 = arith.constant 0 : i32
    %dma_start3A_7 = tpu.memref_slice %arg11[%dma_start3A, %dma_start3A_4, %dma_start3A_5, %dma_start3A_6] : memref<3x16x8x128xi32, #tpu.memory_space<vmem>> -> memref<1x16x8x128xi32, #tpu.memory_space<vmem>>
    %dma_start3A_8 = tpu.memref_squeeze %dma_start3A_7 : memref<1x16x8x128xi32, #tpu.memory_space<vmem>> -> memref<16x8x128xi32, #tpu.memory_space<vmem>>
    %dma_start3A_9 = arith.constant 16 : i32
    %dma_start3A_10 = arith.constant 0 : i32
    %dma_start3A_11 = arith.constant 0 : i32
    %dma_start3A_12 = tpu.memref_slice %arg8[%add3A, %dma_start3A_9, %dma_start3A_10, %dma_start3A_11] : memref<32x336x8x128xi32, #tpu.memory_space<hbm>> -> memref<1x16x8x128xi32, #tpu.memory_space<hbm>>
    %dma_start3A_13 = tpu.memref_squeeze %dma_start3A_12 : memref<1x16x8x128xi32, #tpu.memory_space<hbm>> -> memref<16x8x128xi32, #tpu.memory_space<hbm>>
    %dma_start3A_14 = arith.constant 0 : i32
    %dma_start3A_15 = arith.constant 0 : i32
    %dma_start3A_16 = arith.constant 0 : i32
    %dma_start3A_17 = tpu.memref_slice %arg11[%dma_start3A, %dma_start3A_14, %dma_start3A_15, %dma_start3A_16] : memref<3x16x8x128xi32, #tpu.memory_space<vmem>> -> memref<1x16x8x128xi32, #tpu.memory_space<vmem>>
    %dma_start3A_18 = tpu.memref_squeeze %dma_start3A_17 : memref<1x16x8x128xi32, #tpu.memory_space<vmem>> -> memref<16x8x128xi32, #tpu.memory_space<vmem>>
    %dma_start3A_19 = arith.constant 16 : i32
    %dma_start3A_20 = arith.constant 0 : i32
    %dma_start3A_21 = arith.constant 0 : i32
    %dma_start3A_22 = tpu.memref_slice %arg8[%add3A, %dma_start3A_19, %dma_start3A_20, %dma_start3A_21] : memref<32x336x8x128xi32, #tpu.memory_space<hbm>> -> memref<1x16x8x128xi32, #tpu.memory_space<hbm>>
    %dma_start3A_23 = tpu.memref_squeeze %dma_start3A_22 : memref<1x16x8x128xi32, #tpu.memory_space<hbm>> -> memref<16x8x128xi32, #tpu.memory_space<hbm>>
    tpu.enqueue_dma source(%dma_start3A_23 : memref<16x8x128xi32, #tpu.memory_space<hbm>>) target(%dma_start3A_18 : memref<16x8x128xi32, #tpu.memory_space<vmem>>) target_semaphore(%arg15 : memref<!tpu.dma_semaphore, #tpu.memory_space<semaphore_mem>>)
    %dma_start3A_24 = arith.constant 0 : i32
    %dma_start3A_25 = arith.constant 0 : i32
    %dma_start3A_26 = arith.constant 0 : i32
    %dma_start3A_27 = arith.constant 0 : i32
    %dma_start3A_28 = arith.constant 0 : i32
    %dma_start3A_29 = arith.constant 0 : i32
    %dma_start3A_30 = tpu.memref_slice %arg12[%dma_start3A_27, %dma_start3A_28, %dma_start3A_29] : memref<2x6x1024xf32, #tpu.memory_space<vmem>> -> memref<1x1x128xf32, #tpu.memory_space<vmem>>
    %dma_start3A_31 = tpu.memref_squeeze %dma_start3A_30 : memref<1x1x128xf32, #tpu.memory_space<vmem>> -> memref<128xf32, #tpu.memory_space<vmem>>
    %dma_start3A_32 = arith.constant 0 : i32
    %dma_start3A_33 = tpu.memref_slice %arg11[%dma_start3A_24, %dma_start3A_25, %dma_start3A_26, %dma_start3A_32] : memref<3x16x8x128xi32, #tpu.memory_space<vmem>> -> memref<1x1x1x128xi32, #tpu.memory_space<vmem>>
    %dma_start3A_34 = tpu.memref_squeeze %dma_start3A_33 : memref<1x1x1x128xi32, #tpu.memory_space<vmem>> -> memref<128xi32, #tpu.memory_space<vmem>>
    %dma_start3A_35 = arith.constant 0 : i32
    %dma_start3A_36 = tpu.memref_slice %arg2[%dma_start3A_35] : memref<1048576xf32, #tpu.memory_space<hbm>> -> memref<1048576xf32, #tpu.memory_space<hbm>>
    tpu.enqueue_indirect_dma source(%dma_start3A_36 : memref<1048576xf32, #tpu.memory_space<hbm>>) target(%dma_start3A_31 : memref<128xf32, #tpu.memory_space<vmem>>) offsets(%dma_start3A_34 : memref<128xi32, #tpu.memory_space<vmem>>) semaphore(%arg16 : memref<!tpu.dma_semaphore, #tpu.memory_space<semaphore_mem>>)
    %dma_start3A_37 = arith.constant 0 : i32
    %dma_start3A_38 = arith.constant 0 : i32
    %dma_start3A_39 = arith.constant 1 : i32
    %dma_start3A_40 = arith.constant 0 : i32
    %dma_start3A_41 = arith.constant 0 : i32
    %dma_start3A_42 = arith.constant 128 : i32
    %dma_start3A_43 = tpu.memref_slice %arg12[%dma_start3A_40, %dma_start3A_41, %dma_start3A_42] : memref<2x6x1024xf32, #tpu.memory_space<vmem>> -> memref<1x1x128xf32, #tpu.memory_space<vmem>>
    %dma_start3A_44 = tpu.memref_squeeze %dma_start3A_43 : memref<1x1x128xf32, #tpu.memory_space<vmem>> -> memref<128xf32, #tpu.memory_space<vmem>>
    %dma_start3A_45 = arith.constant 0 : i32
    %dma_start3A_46 = tpu.memref_slice %arg11[%dma_start3A_37, %dma_start3A_38, %dma_start3A_39, %dma_start3A_45] : memref<3x16x8x128xi32, #tpu.memory_space<vmem>> -> memref<1x1x1x128xi32, #tpu.memory_space<vmem>>
    %dma_start3A_47 = tpu.memref_squeeze %dma_start3A_46 : memref<1x1x1x128xi32, #tpu.memory_space<vmem>> -> memref<128xi32, #tpu.memory_space<vmem>>
    %dma_start3A_48 = arith.constant 0 : i32
    %dma_start3A_49 = tpu.memref_slice %arg2[%dma_start3A_48] : memref<1048576xf32, #tpu.memory_space<hbm>> -> memref<1048576xf32, #tpu.memory_space<hbm>>
    tpu.enqueue_indirect_dma source(%dma_start3A_49 : memref<1048576xf32, #tpu.memory_space<hbm>>) target(%dma_start3A_44 : memref<128xf32, #tpu.memory_space<vmem>>) offsets(%dma_start3A_47 : memref<128xi32, #tpu.memory_space<vmem>>) semaphore(%arg16 : memref<!tpu.dma_semaphore, #tpu.memory_space<semaphore_mem>>)
    %dma_start3A_50 = arith.constant 0 : i32
    %dma_start3A_51 = arith.constant 0 : i32
    %dma_start3A_52 = arith.constant 2 : i32
    %dma_start3A_53 = arith.constant 0 : i32
    %dma_start3A_54 = arith.constant 0 : i32
    %dma_start3A_55 = arith.constant 256 : i32
    %dma_start3A_56 = tpu.memref_slice %arg12[%dma_start3A_53, %dma_start3A_54, %dma_start3A_55] : memref<2x6x1024xf32, #tpu.memory_space<vmem>> -> memref<1x1x128xf32, #tpu.memory_space<vmem>>
    %dma_start3A_57 = tpu.memref_squeeze %dma_start3A_56 : memref<1x1x128xf32, #tpu.memory_space<vmem>> -> memref<128xf32, #tpu.memory_space<vmem>>
    %dma_start3A_58 = arith.constant 0 : i32
    %dma_start3A_59 = tpu.memref_slice %arg11[%dma_start3A_50, %dma_start3A_51, %dma_start3A_52, %dma_start3A_58] : memref<3x16x8x128xi32, #tpu.memory_space<vmem>> -> memref<1x1x1x128xi32, #tpu.memory_space<vmem>>
    %dma_start3A_60 = tpu.memref_squeeze %dma_start3A_59 : memref<1x1x1x128xi32, #tpu.memory_space<vmem>> -> memref<128xi32, #tpu.memory_space<vmem>>
    %dma_start3A_61 = arith.constant 0 : i32
    %dma_start3A_62 = tpu.memref_slice %arg2[%dma_start3A_61] : memref<1048576xf32, #tpu.memory_space<hbm>> -> memref<1048576xf32, #tpu.memory_space<hbm>>
    tpu.enqueue_indirect_dma source(%dma_start3A_62 : memref<1048576xf32, #tpu.memory_space<hbm>>) target(%dma_start3A_57 : memref<128xf32, #tpu.memory_space<vmem>>) offsets(%dma_start3A_60 : memref<128xi32, #tpu.memory_space<vmem>>) semaphore(%arg16 : memref<!tpu.dma_semaphore, #tpu.memory_space<semaphore_mem>>)
    %dma_start3A_63 = arith.constant 0 : i32
    %dma_start3A_64 = arith.constant 0 : i32
    %dma_start3A_65 = arith.constant 3 : i32
    %dma_start3A_66 = arith.constant 0 : i32
    %dma_start3A_67 = arith.constant 0 : i32
    %dma_start3A_68 = arith.constant 384 : i32
    %dma_start3A_69 = tpu.memref_slice %arg12[%dma_start3A_66, %dma_start3A_67, %dma_start3A_68] : memref<2x6x1024xf32, #tpu.memory_space<vmem>> -> memref<1x1x128xf32, #tpu.memory_space<vmem>>
    %dma_start3A_70 = tpu.memref_squeeze %dma_start3A_69 : memref<1x1x128xf32, #tpu.memory_space<vmem>> -> memref<128xf32, #tpu.memory_space<vmem>>
    %dma_start3A_71 = arith.constant 0 : i32
    %dma_start3A_72 = tpu.memref_slice %arg11[%dma_start3A_63, %dma_start3A_64, %dma_start3A_65, %dma_start3A_71] : memref<3x16x8x128xi32, #tpu.memory_space<vmem>> -> memref<1x1x1x128xi32, #tpu.memory_space<vmem>>
    %dma_start3A_73 = tpu.memref_squeeze %dma_start3A_72 : memref<1x1x1x128xi32, #tpu.memory_space<vmem>> -> memref<128xi32, #tpu.memory_space<vmem>>
    %dma_start3A_74 = arith.constant 0 : i32
    %dma_start3A_75 = tpu.memref_slice %arg2[%dma_start3A_74] : memref<1048576xf32, #tpu.memory_space<hbm>> -> memref<1048576xf32, #tpu.memory_space<hbm>>
    tpu.enqueue_indirect_dma source(%dma_start3A_75 : memref<1048576xf32, #tpu.memory_space<hbm>>) target(%dma_start3A_70 : memref<128xf32, #tpu.memory_space<vmem>>) offsets(%dma_start3A_73 : memref<128xi32, #tpu.memory_space<vmem>>) semaphore(%arg16 : memref<!tpu.dma_semaphore, #tpu.memory_space<semaphore_mem>>)
    %dma_start3A_76 = arith.constant 0 : i32
    %dma_start3A_77 = arith.constant 0 : i32
    %dma_start3A_78 = arith.constant 4 : i32
    %dma_start3A_79 = arith.constant 0 : i32
    %dma_start3A_80 = arith.constant 0 : i32
    %dma_start3A_81 = arith.constant 512 : i32
    %dma_start3A_82 = tpu.memref_slice %arg12[%dma_start3A_79, %dma_start3A_80, %dma_start3A_81] : memref<2x6x1024xf32, #tpu.memory_space<vmem>> -> memref<1x1x128xf32, #tpu.memory_space<vmem>>
    %dma_start3A_83 = tpu.memref_squeeze %dma_start3A_82 : memref<1x1x128xf32, #tpu.memory_space<vmem>> -> memref<128xf32, #tpu.memory_space<vmem>>
    %dma_start3A_84 = arith.constant 0 : i32
    %dma_start3A_85 = tpu.memref_slice %arg11[%dma_start3A_76, %dma_start3A_77, %dma_start3A_78, %dma_start3A_84] : memref<3x16x8x128xi32, #tpu.memory_space<vmem>> -> memref<1x1x1x128xi32, #tpu.memory_space<vmem>>
    %dma_start3A_86 = tpu.memref_squeeze %dma_start3A_85 : memref<1x1x1x128xi32, #tpu.memory_space<vmem>> -> memref<128xi32, #tpu.memory_space<vmem>>
    %dma_start3A_87 = arith.constant 0 : i32
    %dma_start3A_88 = tpu.memref_slice %arg2[%dma_start3A_87] : memref<1048576xf32, #tpu.memory_space<hbm>> -> memref<1048576xf32, #tpu.memory_space<hbm>>
    tpu.enqueue_indirect_dma source(%dma_start3A_88 : memref<1048576xf32, #tpu.memory_space<hbm>>) target(%dma_start3A_83 : memref<128xf32, #tpu.memory_space<vmem>>) offsets(%dma_start3A_86 : memref<128xi32, #tpu.memory_space<vmem>>) semaphore(%arg16 : memref<!tpu.dma_semaphore, #tpu.memory_space<semaphore_mem>>)
    %dma_start3A_89 = arith.constant 0 : i32
    %dma_start3A_90 = arith.constant 0 : i32
    %dma_start3A_91 = arith.constant 5 : i32
    %dma_start3A_92 = arith.constant 0 : i32
    %dma_start3A_93 = arith.constant 0 : i32
    %dma_start3A_94 = arith.constant 640 : i32
    %dma_start3A_95 = tpu.memref_slice %arg12[%dma_start3A_92, %dma_start3A_93, %dma_start3A_94] : memref<2x6x1024xf32, #tpu.memory_space<vmem>> -> memref<1x1x128xf32, #tpu.memory_space<vmem>>
    %dma_start3A_96 = tpu.memref_squeeze %dma_start3A_95 : memref<1x1x128xf32, #tpu.memory_space<vmem>> -> memref<128xf32, #tpu.memory_space<vmem>>
    %dma_start3A_97 = arith.constant 0 : i32
    %dma_start3A_98 = tpu.memref_slice %arg11[%dma_start3A_89, %dma_start3A_90, %dma_start3A_91, %dma_start3A_97] : memref<3x16x8x128xi32, #tpu.memory_space<vmem>> -> memref<1x1x1x128xi32, #tpu.memory_space<vmem>>
    %dma_start3A_99 = tpu.memref_squeeze %dma_start3A_98 : memref<1x1x1x128xi32, #tpu.memory_space<vmem>> -> memref<128xi32, #tpu.memory_space<vmem>>
    %dma_start3A_100 = arith.constant 0 : i32
    %dma_start3A_101 = tpu.memref_slice %arg2[%dma_start3A_100] : memref<1048576xf32, #tpu.memory_space<hbm>> -> memref<1048576xf32, #tpu.memory_space<hbm>>
    tpu.enqueue_indirect_dma source(%dma_start3A_101 : memref<1048576xf32, #tpu.memory_space<hbm>>) target(%dma_start3A_96 : memref<128xf32, #tpu.memory_space<vmem>>) offsets(%dma_start3A_99 : memref<128xi32, #tpu.memory_space<vmem>>) semaphore(%arg16 : memref<!tpu.dma_semaphore, #tpu.memory_space<semaphore_mem>>)
    %dma_start3A_102 = arith.constant 0 : i32
    %dma_start3A_103 = arith.constant 0 : i32
    %dma_start3A_104 = arith.constant 6 : i32
    %dma_start3A_105 = arith.constant 0 : i32
    %dma_start3A_106 = arith.constant 0 : i32
    %dma_start3A_107 = arith.constant 768 : i32
    %dma_start3A_108 = tpu.memref_slice %arg12[%dma_start3A_105, %dma_start3A_106, %dma_start3A_107] : memref<2x6x1024xf32, #tpu.memory_space<vmem>> -> memref<1x1x128xf32, #tpu.memory_space<vmem>>
    %dma_start3A_109 = tpu.memref_squeeze %dma_start3A_108 : memref<1x1x128xf32, #tpu.memory_space<vmem>> -> memref<128xf32, #tpu.memory_space<vmem>>
    %dma_start3A_110 = arith.constant 0 : i32
    %dma_start3A_111 = tpu.memref_slice %arg11[%dma_start3A_102, %dma_start3A_103, %dma_start3A_104, %dma_start3A_110] : memref<3x16x8x128xi32, #tpu.memory_space<vmem>> -> memref<1x1x1x128xi32, #tpu.memory_space<vmem>>
    %dma_start3A_112 = tpu.memref_squeeze %dma_start3A_111 : memref<1x1x1x128xi32, #tpu.memory_space<vmem>> -> memref<128xi32, #tpu.memory_space<vmem>>
    %dma_start3A_113 = arith.constant 0 : i32
    %dma_start3A_114 = tpu.memref_slice %arg2[%dma_start3A_113] : memref<1048576xf32, #tpu.memory_space<hbm>> -> memref<1048576xf32, #tpu.memory_space<hbm>>
    tpu.enqueue_indirect_dma source(%dma_start3A_114 : memref<1048576xf32, #tpu.memory_space<hbm>>) target(%dma_start3A_109 : memref<128xf32, #tpu.memory_space<vmem>>) offsets(%dma_start3A_112 : memref<128xi32, #tpu.memory_space<vmem>>) semaphore(%arg16 : memref<!tpu.dma_semaphore, #tpu.memory_space<semaphore_mem>>)
    %dma_start3A_115 = arith.constant 0 : i32
    %dma_start3A_116 = arith.constant 0 : i32
    %dma_start3A_117 = arith.constant 7 : i32
    %dma_start3A_118 = arith.constant 0 : i32
    %dma_start3A_119 = arith.constant 0 : i32
    %dma_start3A_120 = arith.constant 896 : i32
    %dma_start3A_121 = tpu.memref_slice %arg12[%dma_start3A_118, %dma_start3A_119, %dma_start3A_120] : memref<2x6x1024xf32, #tpu.memory_space<vmem>> -> memref<1x1x128xf32, #tpu.memory_space<vmem>>
    %dma_start3A_122 = tpu.memref_squeeze %dma_start3A_121 : memref<1x1x128xf32, #tpu.memory_space<vmem>> -> memref<128xf32, #tpu.memory_space<vmem>>
    %dma_start3A_123 = arith.constant 0 : i32
    %dma_start3A_124 = tpu.memref_slice %arg11[%dma_start3A_115, %dma_start3A_116, %dma_start3A_117, %dma_start3A_123] : memref<3x16x8x128xi32, #tpu.memory_space<vmem>> -> memref<1x1x1x128xi32, #tpu.memory_space<vmem>>
    %dma_start3A_125 = tpu.memref_squeeze %dma_start3A_124 : memref<1x1x1x128xi32, #tpu.memory_space<vmem>> -> memref<128xi32, #tpu.memory_space<vmem>>
    %dma_start3A_126 = arith.constant 0 : i32
    %dma_start3A_127 = tpu.memref_slice %arg2[%dma_start3A_126] : memref<1048576xf32, #tpu.memory_space<hbm>> -> memref<1048576xf32, #tpu.memory_space<hbm>>
    tpu.enqueue_indirect_dma source(%dma_start3A_127 : memref<1048576xf32, #tpu.memory_space<hbm>>) target(%dma_start3A_122 : memref<128xf32, #tpu.memory_space<vmem>>) offsets(%dma_start3A_125 : memref<128xi32, #tpu.memory_space<vmem>>) semaphore(%arg16 : memref<!tpu.dma_semaphore, #tpu.memory_space<semaphore_mem>>)
    %dma_start3A_128 = arith.constant 0 : i32
    %dma_start3A_129 = arith.constant 0 : i32
    %dma_start3A_130 = arith.constant 0 : i32
    %dma_start3A_131 = arith.constant 0 : i32
    %dma_start3A_132 = arith.constant 1 : i32
    %dma_start3A_133 = arith.constant 0 : i32
    %dma_start3A_134 = tpu.memref_slice %arg12[%dma_start3A_131, %dma_start3A_132, %dma_start3A_133] : memref<2x6x1024xf32, #tpu.memory_space<vmem>> -> memref<1x1x128xf32, #tpu.memory_space<vmem>>
    %dma_start3A_135 = tpu.memref_squeeze %dma_start3A_134 : memref<1x1x128xf32, #tpu.memory_space<vmem>> -> memref<128xf32, #tpu.memory_space<vmem>>
    %dma_start3A_136 = arith.constant 0 : i32
    %dma_start3A_137 = tpu.memref_slice %arg11[%dma_start3A_128, %dma_start3A_129, %dma_start3A_130, %dma_start3A_136] : memref<3x16x8x128xi32, #tpu.memory_space<vmem>> -> memref<1x1x1x128xi32, #tpu.memory_space<vmem>>
    %dma_start3A_138 = tpu.memref_squeeze %dma_start3A_137 : memref<1x1x1x128xi32, #tpu.memory_space<vmem>> -> memref<128xi32, #tpu.memory_space<vmem>>
    %dma_start3A_139 = arith.constant 0 : i32
    %dma_start3A_140 = tpu.memref_slice %arg3[%dma_start3A_139] : memref<1048576xf32, #tpu.memory_space<hbm>> -> memref<1048576xf32, #tpu.memory_space<hbm>>
    tpu.enqueue_indirect_dma source(%dma_start3A_140 : memref<1048576xf32, #tpu.memory_space<hbm>>) target(%dma_start3A_135 : memref<128xf32, #tpu.memory_space<vmem>>) offsets(%dma_start3A_138 : memref<128xi32, #tpu.memory_space<vmem>>) semaphore(%arg16 : memref<!tpu.dma_semaphore, #tpu.memory_space<semaphore_mem>>)
    %dma_start3A_141 = arith.constant 0 : i32
    %dma_start3A_142 = arith.constant 0 : i32
    %dma_start3A_143 = arith.constant 1 : i32
    %dma_start3A_144 = arith.constant 0 : i32
    %dma_start3A_145 = arith.constant 1 : i32
    %dma_start3A_146 = arith.constant 128 : i32
    %dma_start3A_147 = tpu.memref_slice %arg12[%dma_start3A_144, %dma_start3A_145, %dma_start3A_146] : memref<2x6x1024xf32, #tpu.memory_space<vmem>> -> memref<1x1x128xf32, #tpu.memory_space<vmem>>
    %dma_start3A_148 = tpu.memref_squeeze %dma_start3A_147 : memref<1x1x128xf32, #tpu.memory_space<vmem>> -> memref<128xf32, #tpu.memory_space<vmem>>
    %dma_start3A_149 = arith.constant 0 : i32
    %dma_start3A_150 = tpu.memref_slice %arg11[%dma_start3A_141, %dma_start3A_142, %dma_start3A_143, %dma_start3A_149] : memref<3x16x8x128xi32, #tpu.memory_space<vmem>> -> memref<1x1x1x128xi32, #tpu.memory_space<vmem>>
    %dma_start3A_151 = tpu.memref_squeeze %dma_start3A_150 : memref<1x1x1x128xi32, #tpu.memory_space<vmem>> -> memref<128xi32, #tpu.memory_space<vmem>>
    %dma_start3A_152 = arith.constant 0 : i32
    %dma_start3A_153 = tpu.memref_slice %arg3[%dma_start3A_152] : memref<1048576xf32, #tpu.memory_space<hbm>> -> memref<1048576xf32, #tpu.memory_space<hbm>>
    tpu.enqueue_indirect_dma source(%dma_start3A_153 : memref<1048576xf32, #tpu.memory_space<hbm>>) target(%dma_start3A_148 : memref<128xf32, #tpu.memory_space<vmem>>) offsets(%dma_start3A_151 : memref<128xi32, #tpu.memory_space<vmem>>) semaphore(%arg16 : memref<!tpu.dma_semaphore, #tpu.memory_space<semaphore_mem>>)
    %dma_start3A_154 = arith.constant 0 : i32
    %dma_start3A_155 = arith.constant 0 : i32
    %dma_start3A_156 = arith.constant 2 : i32
    %dma_start3A_157 = arith.constant 0 : i32
    %dma_start3A_158 = arith.constant 1 : i32
    %dma_start3A_159 = arith.constant 256 : i32
    %dma_start3A_160 = tpu.memref_slice %arg12[%dma_start3A_157, %dma_start3A_158, %dma_start3A_159] : memref<2x6x1024xf32, #tpu.memory_space<vmem>> -> memref<1x1x128xf32, #tpu.memory_space<vmem>>
    %dma_start3A_161 = tpu.memref_squeeze %dma_start3A_160 : memref<1x1x128xf32, #tpu.memory_space<vmem>> -> memref<128xf32, #tpu.memory_space<vmem>>
    %dma_start3A_162 = arith.constant 0 : i32
    %dma_start3A_163 = tpu.memref_slice %arg11[%dma_start3A_154, %dma_start3A_155, %dma_start3A_156, %dma_start3A_162] : memref<3x16x8x128xi32, #tpu.memory_space<vmem>> -> memref<1x1x1x128xi32, #tpu.memory_space<vmem>>
    %dma_start3A_164 = tpu.memref_squeeze %dma_start3A_163 : memref<1x1x1x128xi32, #tpu.memory_space<vmem>> -> memref<128xi32, #tpu.memory_space<vmem>>
    %dma_start3A_165 = arith.constant 0 : i32
    %dma_start3A_166 = tpu.memref_slice %arg3[%dma_start3A_165] : memref<1048576xf32, #tpu.memory_space<hbm>> -> memref<1048576xf32, #tpu.memory_space<hbm>>
    tpu.enqueue_indirect_dma source(%dma_start3A_166 : memref<1048576xf32, #tpu.memory_space<hbm>>) target(%dma_start3A_161 : memref<128xf32, #tpu.memory_space<vmem>>) offsets(%dma_start3A_164 : memref<128xi32, #tpu.memory_space<vmem>>) semaphore(%arg16 : memref<!tpu.dma_semaphore, #tpu.memory_space<semaphore_mem>>)
    %dma_start3A_167 = arith.constant 0 : i32
    %dma_start3A_168 = arith.constant 0 : i32
    %dma_start3A_169 = arith.constant 3 : i32
    %dma_start3A_170 = arith.constant 0 : i32
    %dma_start3A_171 = arith.constant 1 : i32
    %dma_start3A_172 = arith.constant 384 : i32
    %dma_start3A_173 = tpu.memref_slice %arg12[%dma_start3A_170, %dma_start3A_171, %dma_start3A_172] : memref<2x6x1024xf32, #tpu.memory_space<vmem>> -> memref<1x1x128xf32, #tpu.memory_space<vmem>>
    %dma_start3A_174 = tpu.memref_squeeze %dma_start3A_173 : memref<1x1x128xf32, #tpu.memory_space<vmem>> -> memref<128xf32, #tpu.memory_space<vmem>>
    %dma_start3A_175 = arith.constant 0 : i32
    %dma_start3A_176 = tpu.memref_slice %arg11[%dma_start3A_167, %dma_start3A_168, %dma_start3A_169, %dma_start3A_175] : memref<3x16x8x128xi32, #tpu.memory_space<vmem>> -> memref<1x1x1x128xi32, #tpu.memory_space<vmem>>
    %dma_start3A_177 = tpu.memref_squeeze %dma_start3A_176 : memref<1x1x1x128xi32, #tpu.memory_space<vmem>> -> memref<128xi32, #tpu.memory_space<vmem>>
    %dma_start3A_178 = arith.constant 0 : i32
    %dma_start3A_179 = tpu.memref_slice %arg3[%dma_start3A_178] : memref<1048576xf32, #tpu.memory_space<hbm>> -> memref<1048576xf32, #tpu.memory_space<hbm>>
    tpu.enqueue_indirect_dma source(%dma_start3A_179 : memref<1048576xf32, #tpu.memory_space<hbm>>) target(%dma_start3A_174 : memref<128xf32, #tpu.memory_space<vmem>>) offsets(%dma_start3A_177 : memref<128xi32, #tpu.memory_space<vmem>>) semaphore(%arg16 : memref<!tpu.dma_semaphore, #tpu.memory_space<semaphore_mem>>)
    %dma_start3A_180 = arith.constant 0 : i32
    %dma_start3A_181 = arith.constant 0 : i32
    %dma_start3A_182 = arith.constant 4 : i32
    %dma_start3A_183 = arith.constant 0 : i32
    %dma_start3A_184 = arith.constant 1 : i32
    %dma_start3A_185 = arith.constant 512 : i32
    %dma_start3A_186 = tpu.memref_slice %arg12[%dma_start3A_183, %dma_start3A_184, %dma_start3A_185] : memref<2x6x1024xf32, #tpu.memory_space<vmem>> -> memref<1x1x128xf32, #tpu.memory_space<vmem>>
    %dma_start3A_187 = tpu.memref_squeeze %dma_start3A_186 : memref<1x1x128xf32, #tpu.memory_space<vmem>> -> memref<128xf32, #tpu.memory_space<vmem>>
    %dma_start3A_188 = arith.constant 0 : i32
    %dma_start3A_189 = tpu.memref_slice %arg11[%dma_start3A_180, %dma_start3A_181, %dma_start3A_182, %dma_start3A_188] : memref<3x16x8x128xi32, #tpu.memory_space<vmem>> -> memref<1x1x1x128xi32, #tpu.memory_space<vmem>>
    %dma_start3A_190 = tpu.memref_squeeze %dma_start3A_189 : memref<1x1x1x128xi32, #tpu.memory_space<vmem>> -> memref<128xi32, #tpu.memory_space<vmem>>
    %dma_start3A_191 = arith.constant 0 : i32
    %dma_start3A_192 = tpu.memref_slice %arg3[%dma_start3A_191] : memref<1048576xf32, #tpu.memory_space<hbm>> -> memref<1048576xf32, #tpu.memory_space<hbm>>
    tpu.enqueue_indirect_dma source(%dma_start3A_192 : memref<1048576xf32, #tpu.memory_space<hbm>>) target(%dma_start3A_187 : memref<128xf32, #tpu.memory_space<vmem>>) offsets(%dma_start3A_190 : memref<128xi32, #tpu.memory_space<vmem>>) semaphore(%arg16 : memref<!tpu.dma_semaphore, #tpu.memory_space<semaphore_mem>>)
    %dma_start3A_193 = arith.constant 0 : i32
    %dma_start3A_194 = arith.constant 0 : i32
    %dma_start3A_195 = arith.constant 5 : i32
    %dma_start3A_196 = arith.constant 0 : i32
    %dma_start3A_197 = arith.constant 1 : i32
    %dma_start3A_198 = arith.constant 640 : i32
    %dma_start3A_199 = tpu.memref_slice %arg12[%dma_start3A_196, %dma_start3A_197, %dma_start3A_198] : memref<2x6x1024xf32, #tpu.memory_space<vmem>> -> memref<1x1x128xf32, #tpu.memory_space<vmem>>
    %dma_start3A_200 = tpu.memref_squeeze %dma_start3A_199 : memref<1x1x128xf32, #tpu.memory_space<vmem>> -> memref<128xf32, #tpu.memory_space<vmem>>
    %dma_start3A_201 = arith.constant 0 : i32
    %dma_start3A_202 = tpu.memref_slice %arg11[%dma_start3A_193, %dma_start3A_194, %dma_start3A_195, %dma_start3A_201] : memref<3x16x8x128xi32, #tpu.memory_space<vmem>> -> memref<1x1x1x128xi32, #tpu.memory_space<vmem>>
    %dma_start3A_203 = tpu.memref_squeeze %dma_start3A_202 : memref<1x1x1x128xi32, #tpu.memory_space<vmem>> -> memref<128xi32, #tpu.memory_space<vmem>>
    %dma_start3A_204 = arith.constant 0 : i32
    %dma_start3A_205 = tpu.memref_slice %arg3[%dma_start3A_204] : memref<1048576xf32, #tpu.memory_space<hbm>> -> memref<1048576xf32, #tpu.memory_space<hbm>>
    tpu.enqueue_indirect_dma source(%dma_start3A_205 : memref<1048576xf32, #tpu.memory_space<hbm>>) target(%dma_start3A_200 : memref<128xf32, #tpu.memory_space<vmem>>) offsets(%dma_start3A_203 : memref<128xi32, #tpu.memory_space<vmem>>) semaphore(%arg16 : memref<!tpu.dma_semaphore, #tpu.memory_space<semaphore_mem>>)
    %dma_start3A_206 = arith.constant 0 : i32
    %dma_start3A_207 = arith.constant 0 : i32
    %dma_start3A_208 = arith.constant 6 : i32
    %dma_start3A_209 = arith.constant 0 : i32
    %dma_start3A_210 = arith.constant 1 : i32
    %dma_start3A_211 = arith.constant 768 : i32
    %dma_start3A_212 = tpu.memref_slice %arg12[%dma_start3A_209, %dma_start3A_210, %dma_start3A_211] : memref<2x6x1024xf32, #tpu.memory_space<vmem>> -> memref<1x1x128xf32, #tpu.memory_space<vmem>>
    %dma_start3A_213 = tpu.memref_squeeze %dma_start3A_212 : memref<1x1x128xf32, #tpu.memory_space<vmem>> -> memref<128xf32, #tpu.memory_space<vmem>>
    %dma_start3A_214 = arith.constant 0 : i32
    %dma_start3A_215 = tpu.memref_slice %arg11[%dma_start3A_206, %dma_start3A_207, %dma_start3A_208, %dma_start3A_214] : memref<3x16x8x128xi32, #tpu.memory_space<vmem>> -> memref<1x1x1x128xi32, #tpu.memory_space<vmem>>
    %dma_start3A_216 = tpu.memref_squeeze %dma_start3A_215 : memref<1x1x1x128xi32, #tpu.memory_space<vmem>> -> memref<128xi32, #tpu.memory_space<vmem>>
    %dma_start3A_217 = arith.constant 0 : i32
    %dma_start3A_218 = tpu.memref_slice %arg3[%dma_start3A_217] : memref<1048576xf32, #tpu.memory_space<hbm>> -> memref<1048576xf32, #tpu.memory_space<hbm>>
    tpu.enqueue_indirect_dma source(%dma_start3A_218 : memref<1048576xf32, #tpu.memory_space<hbm>>) target(%dma_start3A_213 : memref<128xf32, #tpu.memory_space<vmem>>) offsets(%dma_start3A_216 : memref<128xi32, #tpu.memory_space<vmem>>) semaphore(%arg16 : memref<!tpu.dma_semaphore, #tpu.memory_space<semaphore_mem>>)
    %dma_start3A_219 = arith.constant 0 : i32
    %dma_start3A_220 = arith.constant 0 : i32
    %dma_start3A_221 = arith.constant 7 : i32
    %dma_start3A_222 = arith.constant 0 : i32
    %dma_start3A_223 = arith.constant 1 : i32
    %dma_start3A_224 = arith.constant 896 : i32
    %dma_start3A_225 = tpu.memref_slice %arg12[%dma_start3A_222, %dma_start3A_223, %dma_start3A_224] : memref<2x6x1024xf32, #tpu.memory_space<vmem>> -> memref<1x1x128xf32, #tpu.memory_space<vmem>>
    %dma_start3A_226 = tpu.memref_squeeze %dma_start3A_225 : memref<1x1x128xf32, #tpu.memory_space<vmem>> -> memref<128xf32, #tpu.memory_space<vmem>>
    %dma_start3A_227 = arith.constant 0 : i32
    %dma_start3A_228 = tpu.memref_slice %arg11[%dma_start3A_219, %dma_start3A_220, %dma_start3A_221, %dma_start3A_227] : memref<3x16x8x128xi32, #tpu.memory_space<vmem>> -> memref<1x1x1x128xi32, #tpu.memory_space<vmem>>
    %dma_start3A_229 = tpu.memref_squeeze %dma_start3A_228 : memref<1x1x1x128xi32, #tpu.memory_space<vmem>> -> memref<128xi32, #tpu.memory_space<vmem>>
    %dma_start3A_230 = arith.constant 0 : i32
    %dma_start3A_231 = tpu.memref_slice %arg3[%dma_start3A_230] : memref<1048576xf32, #tpu.memory_space<hbm>> -> memref<1048576xf32, #tpu.memory_space<hbm>>
    tpu.enqueue_indirect_dma source(%dma_start3A_231 : memref<1048576xf32, #tpu.memory_space<hbm>>) target(%dma_start3A_226 : memref<128xf32, #tpu.memory_space<vmem>>) offsets(%dma_start3A_229 : memref<128xi32, #tpu.memory_space<vmem>>) semaphore(%arg16 : memref<!tpu.dma_semaphore, #tpu.memory_space<semaphore_mem>>)
    %dma_start3A_232 = arith.constant 0 : i32
    %dma_start3A_233 = arith.constant 0 : i32
    %dma_start3A_234 = arith.constant 0 : i32
    %dma_start3A_235 = arith.constant 0 : i32
    %dma_start3A_236 = arith.constant 2 : i32
    %dma_start3A_237 = arith.constant 0 : i32
    %dma_start3A_238 = tpu.memref_slice %arg12[%dma_start3A_235, %dma_start3A_236, %dma_start3A_237] : memref<2x6x1024xf32, #tpu.memory_space<vmem>> -> memref<1x1x128xf32, #tpu.memory_space<vmem>>
    %dma_start3A_239 = tpu.memref_squeeze %dma_start3A_238 : memref<1x1x128xf32, #tpu.memory_space<vmem>> -> memref<128xf32, #tpu.memory_space<vmem>>
    %dma_start3A_240 = arith.constant 0 : i32
    %dma_start3A_241 = tpu.memref_slice %arg11[%dma_start3A_232, %dma_start3A_233, %dma_start3A_234, %dma_start3A_240] : memref<3x16x8x128xi32, #tpu.memory_space<vmem>> -> memref<1x1x1x128xi32, #tpu.memory_space<vmem>>
    %dma_start3A_242 = tpu.memref_squeeze %dma_start3A_241 : memref<1x1x1x128xi32, #tpu.memory_space<vmem>> -> memref<128xi32, #tpu.memory_space<vmem>>
    %dma_start3A_243 = arith.constant 0 : i32
    %dma_start3A_244 = tpu.memref_slice %arg4[%dma_start3A_243] : memref<1048576xf32, #tpu.memory_space<hbm>> -> memref<1048576xf32, #tpu.memory_space<hbm>>
    tpu.enqueue_indirect_dma source(%dma_start3A_244 : memref<1048576xf32, #tpu.memory_space<hbm>>) target(%dma_start3A_239 : memref<128xf32, #tpu.memory_space<vmem>>) offsets(%dma_start3A_242 : memref<128xi32, #tpu.memory_space<vmem>>) semaphore(%arg16 : memref<!tpu.dma_semaphore, #tpu.memory_space<semaphore_mem>>)
    %dma_start3A_245 = arith.constant 0 : i32
    %dma_start3A_246 = arith.constant 0 : i32
    %dma_start3A_247 = arith.constant 1 : i32
    %dma_start3A_248 = arith.constant 0 : i32
    %dma_start3A_249 = arith.constant 2 : i32
    %dma_start3A_250 = arith.constant 128 : i32
    %dma_start3A_251 = tpu.memref_slice %arg12[%dma_start3A_248, %dma_start3A_249, %dma_start3A_250] : memref<2x6x1024xf32, #tpu.memory_space<vmem>> -> memref<1x1x128xf32, #tpu.memory_space<vmem>>
    %dma_start3A_252 = tpu.memref_squeeze %dma_start3A_251 : memref<1x1x128xf32, #tpu.memory_space<vmem>> -> memref<128xf32, #tpu.memory_space<vmem>>
    %dma_start3A_253 = arith.constant 0 : i32
    %dma_start3A_254 = tpu.memref_slice %arg11[%dma_start3A_245, %dma_start3A_246, %dma_start3A_247, %dma_start3A_253] : memref<3x16x8x128xi32, #tpu.memory_space<vmem>> -> memref<1x1x1x128xi32, #tpu.memory_space<vmem>>
    %dma_start3A_255 = tpu.memref_squeeze %dma_start3A_254 : memref<1x1x1x128xi32, #tpu.memory_space<vmem>> -> memref<128xi32, #tpu.memory_space<vmem>>
    %dma_start3A_256 = arith.constant 0 : i32
    %dma_start3A_257 = tpu.memref_slice %arg4[%dma_start3A_256] : memref<1048576xf32, #tpu.memory_space<hbm>> -> memref<1048576xf32, #tpu.memory_space<hbm>>
    tpu.enqueue_indirect_dma source(%dma_start3A_257 : memref<1048576xf32, #tpu.memory_space<hbm>>) target(%dma_start3A_252 : memref<128xf32, #tpu.memory_space<vmem>>) offsets(%dma_start3A_255 : memref<128xi32, #tpu.memory_space<vmem>>) semaphore(%arg16 : memref<!tpu.dma_semaphore, #tpu.memory_space<semaphore_mem>>)
    %dma_start3A_258 = arith.constant 0 : i32
    %dma_start3A_259 = arith.constant 0 : i32
    %dma_start3A_260 = arith.constant 2 : i32
    %dma_start3A_261 = arith.constant 0 : i32
    %dma_start3A_262 = arith.constant 2 : i32
    %dma_start3A_263 = arith.constant 256 : i32
    %dma_start3A_264 = tpu.memref_slice %arg12[%dma_start3A_261, %dma_start3A_262, %dma_start3A_263] : memref<2x6x1024xf32, #tpu.memory_space<vmem>> -> memref<1x1x128xf32, #tpu.memory_space<vmem>>
    %dma_start3A_265 = tpu.memref_squeeze %dma_start3A_264 : memref<1x1x128xf32, #tpu.memory_space<vmem>> -> memref<128xf32, #tpu.memory_space<vmem>>
    %dma_start3A_266 = arith.constant 0 : i32
    %dma_start3A_267 = tpu.memref_slice %arg11[%dma_start3A_258, %dma_start3A_259, %dma_start3A_260, %dma_start3A_266] : memref<3x16x8x128xi32, #tpu.memory_space<vmem>> -> memref<1x1x1x128xi32, #tpu.memory_space<vmem>>
    %dma_start3A_268 = tpu.memref_squeeze %dma_start3A_267 : memref<1x1x1x128xi32, #tpu.memory_space<vmem>> -> memref<128xi32, #tpu.memory_space<vmem>>
    %dma_start3A_269 = arith.constant 0 : i32
    %dma_start3A_270 = tpu.memref_slice %arg4[%dma_start3A_269] : memref<1048576xf32, #tpu.memory_space<hbm>> -> memref<1048576xf32, #tpu.memory_space<hbm>>
    tpu.enqueue_indirect_dma source(%dma_start3A_270 : memref<1048576xf32, #tpu.memory_space<hbm>>) target(%dma_start3A_265 : memref<128xf32, #tpu.memory_space<vmem>>) offsets(%dma_start3A_268 : memref<128xi32, #tpu.memory_space<vmem>>) semaphore(%arg16 : memref<!tpu.dma_semaphore, #tpu.memory_space<semaphore_mem>>)
    %dma_start3A_271 = arith.constant 0 : i32
    %dma_start3A_272 = arith.constant 0 : i32
    %dma_start3A_273 = arith.constant 3 : i32
    %dma_start3A_274 = arith.constant 0 : i32
    %dma_start3A_275 = arith.constant 2 : i32
    %dma_start3A_276 = arith.constant 384 : i32
    %dma_start3A_277 = tpu.memref_slice %arg12[%dma_start3A_274, %dma_start3A_275, %dma_start3A_276] : memref<2x6x1024xf32, #tpu.memory_space<vmem>> -> memref<1x1x128xf32, #tpu.memory_space<vmem>>
    %dma_start3A_278 = tpu.memref_squeeze %dma_start3A_277 : memref<1x1x128xf32, #tpu.memory_space<vmem>> -> memref<128xf32, #tpu.memory_space<vmem>>
    %dma_start3A_279 = arith.constant 0 : i32
    %dma_start3A_280 = tpu.memref_slice %arg11[%dma_start3A_271, %dma_start3A_272, %dma_start3A_273, %dma_start3A_279] : memref<3x16x8x128xi32, #tpu.memory_space<vmem>> -> memref<1x1x1x128xi32, #tpu.memory_space<vmem>>
    %dma_start3A_281 = tpu.memref_squeeze %dma_start3A_280 : memref<1x1x1x128xi32, #tpu.memory_space<vmem>> -> memref<128xi32, #tpu.memory_space<vmem>>
    %dma_start3A_282 = arith.constant 0 : i32
    %dma_start3A_283 = tpu.memref_slice %arg4[%dma_start3A_282] : memref<1048576xf32, #tpu.memory_space<hbm>> -> memref<1048576xf32, #tpu.memory_space<hbm>>
    tpu.enqueue_indirect_dma source(%dma_start3A_283 : memref<1048576xf32, #tpu.memory_space<hbm>>) target(%dma_start3A_278 : memref<128xf32, #tpu.memory_space<vmem>>) offsets(%dma_start3A_281 : memref<128xi32, #tpu.memory_space<vmem>>) semaphore(%arg16 : memref<!tpu.dma_semaphore, #tpu.memory_space<semaphore_mem>>)
    %dma_start3A_284 = arith.constant 0 : i32
    %dma_start3A_285 = arith.constant 0 : i32
    %dma_start3A_286 = arith.constant 4 : i32
    %dma_start3A_287 = arith.constant 0 : i32
    %dma_start3A_288 = arith.constant 2 : i32
    %dma_start3A_289 = arith.constant 512 : i32
    %dma_start3A_290 = tpu.memref_slice %arg12[%dma_start3A_287, %dma_start3A_288, %dma_start3A_289] : memref<2x6x1024xf32, #tpu.memory_space<vmem>> -> memref<1x1x128xf32, #tpu.memory_space<vmem>>
    %dma_start3A_291 = tpu.memref_squeeze %dma_start3A_290 : memref<1x1x128xf32, #tpu.memory_space<vmem>> -> memref<128xf32, #tpu.memory_space<vmem>>
    %dma_start3A_292 = arith.constant 0 : i32
    %dma_start3A_293 = tpu.memref_slice %arg11[%dma_start3A_284, %dma_start3A_285, %dma_start3A_286, %dma_start3A_292] : memref<3x16x8x128xi32, #tpu.memory_space<vmem>> -> memref<1x1x1x128xi32, #tpu.memory_space<vmem>>
    %dma_start3A_294 = tpu.memref_squeeze %dma_start3A_293 : memref<1x1x1x128xi32, #tpu.memory_space<vmem>> -> memref<128xi32, #tpu.memory_space<vmem>>
    %dma_start3A_295 = arith.constant 0 : i32
    %dma_start3A_296 = tpu.memref_slice %arg4[%dma_start3A_295] : memref<1048576xf32, #tpu.memory_space<hbm>> -> memref<1048576xf32, #tpu.memory_space<hbm>>
    tpu.enqueue_indirect_dma source(%dma_start3A_296 : memref<1048576xf32, #tpu.memory_space<hbm>>) target(%dma_start3A_291 : memref<128xf32, #tpu.memory_space<vmem>>) offsets(%dma_start3A_294 : memref<128xi32, #tpu.memory_space<vmem>>) semaphore(%arg16 : memref<!tpu.dma_semaphore, #tpu.memory_space<semaphore_mem>>)
    %dma_start3A_297 = arith.constant 0 : i32
    %dma_start3A_298 = arith.constant 0 : i32
    %dma_start3A_299 = arith.constant 5 : i32
    %dma_start3A_300 = arith.constant 0 : i32
    %dma_start3A_301 = arith.constant 2 : i32
    %dma_start3A_302 = arith.constant 640 : i32
    %dma_start3A_303 = tpu.memref_slice %arg12[%dma_start3A_300, %dma_start3A_301, %dma_start3A_302] : memref<2x6x1024xf32, #tpu.memory_space<vmem>> -> memref<1x1x128xf32, #tpu.memory_space<vmem>>
    %dma_start3A_304 = tpu.memref_squeeze %dma_start3A_303 : memref<1x1x128xf32, #tpu.memory_space<vmem>> -> memref<128xf32, #tpu.memory_space<vmem>>
    %dma_start3A_305 = arith.constant 0 : i32
    %dma_start3A_306 = tpu.memref_slice %arg11[%dma_start3A_297, %dma_start3A_298, %dma_start3A_299, %dma_start3A_305] : memref<3x16x8x128xi32, #tpu.memory_space<vmem>> -> memref<1x1x1x128xi32, #tpu.memory_space<vmem>>
    %dma_start3A_307 = tpu.memref_squeeze %dma_start3A_306 : memref<1x1x1x128xi32, #tpu.memory_space<vmem>> -> memref<128xi32, #tpu.memory_space<vmem>>
    %dma_start3A_308 = arith.constant 0 : i32
    %dma_start3A_309 = tpu.memref_slice %arg4[%dma_start3A_308] : memref<1048576xf32, #tpu.memory_space<hbm>> -> memref<1048576xf32, #tpu.memory_space<hbm>>
    tpu.enqueue_indirect_dma source(%dma_start3A_309 : memref<1048576xf32, #tpu.memory_space<hbm>>) target(%dma_start3A_304 : memref<128xf32, #tpu.memory_space<vmem>>) offsets(%dma_start3A_307 : memref<128xi32, #tpu.memory_space<vmem>>) semaphore(%arg16 : memref<!tpu.dma_semaphore, #tpu.memory_space<semaphore_mem>>)
    %dma_start3A_310 = arith.constant 0 : i32
    %dma_start3A_311 = arith.constant 0 : i32
    %dma_start3A_312 = arith.constant 6 : i32
    %dma_start3A_313 = arith.constant 0 : i32
    %dma_start3A_314 = arith.constant 2 : i32
    %dma_start3A_315 = arith.constant 768 : i32
    %dma_start3A_316 = tpu.memref_slice %arg12[%dma_start3A_313, %dma_start3A_314, %dma_start3A_315] : memref<2x6x1024xf32, #tpu.memory_space<vmem>> -> memref<1x1x128xf32, #tpu.memory_space<vmem>>
    %dma_start3A_317 = tpu.memref_squeeze %dma_start3A_316 : memref<1x1x128xf32, #tpu.memory_space<vmem>> -> memref<128xf32, #tpu.memory_space<vmem>>
    %dma_start3A_318 = arith.constant 0 : i32
    %dma_start3A_319 = tpu.memref_slice %arg11[%dma_start3A_310, %dma_start3A_311, %dma_start3A_312, %dma_start3A_318] : memref<3x16x8x128xi32, #tpu.memory_space<vmem>> -> memref<1x1x1x128xi32, #tpu.memory_space<vmem>>
    %dma_start3A_320 = tpu.memref_squeeze %dma_start3A_319 : memref<1x1x1x128xi32, #tpu.memory_space<vmem>> -> memref<128xi32, #tpu.memory_space<vmem>>
    %dma_start3A_321 = arith.constant 0 : i32
    %dma_start3A_322 = tpu.memref_slice %arg4[%dma_start3A_321] : memref<1048576xf32, #tpu.memory_space<hbm>> -> memref<1048576xf32, #tpu.memory_space<hbm>>
    tpu.enqueue_indirect_dma source(%dma_start3A_322 : memref<1048576xf32, #tpu.memory_space<hbm>>) target(%dma_start3A_317 : memref<128xf32, #tpu.memory_space<vmem>>) offsets(%dma_start3A_320 : memref<128xi32, #tpu.memory_space<vmem>>) semaphore(%arg16 : memref<!tpu.dma_semaphore, #tpu.memory_space<semaphore_mem>>)
    %dma_start3A_323 = arith.constant 0 : i32
    %dma_start3A_324 = arith.constant 0 : i32
    %dma_start3A_325 = arith.constant 7 : i32
    %dma_start3A_326 = arith.constant 0 : i32
    %dma_start3A_327 = arith.constant 2 : i32
    %dma_start3A_328 = arith.constant 896 : i32
    %dma_start3A_329 = tpu.memref_slice %arg12[%dma_start3A_326, %dma_start3A_327, %dma_start3A_328] : memref<2x6x1024xf32, #tpu.memory_space<vmem>> -> memref<1x1x128xf32, #tpu.memory_space<vmem>>
    %dma_start3A_330 = tpu.memref_squeeze %dma_start3A_329 : memref<1x1x128xf32, #tpu.memory_space<vmem>> -> memref<128xf32, #tpu.memory_space<vmem>>
    %dma_start3A_331 = arith.constant 0 : i32
    %dma_start3A_332 = tpu.memref_slice %arg11[%dma_start3A_323, %dma_start3A_324, %dma_start3A_325, %dma_start3A_331] : memref<3x16x8x128xi32, #tpu.memory_space<vmem>> -> memref<1x1x1x128xi32, #tpu.memory_space<vmem>>
    %dma_start3A_333 = tpu.memref_squeeze %dma_start3A_332 : memref<1x1x1x128xi32, #tpu.memory_space<vmem>> -> memref<128xi32, #tpu.memory_space<vmem>>
    %dma_start3A_334 = arith.constant 0 : i32
    %dma_start3A_335 = tpu.memref_slice %arg4[%dma_start3A_334] : memref<1048576xf32, #tpu.memory_space<hbm>> -> memref<1048576xf32, #tpu.memory_space<hbm>>
    tpu.enqueue_indirect_dma source(%dma_start3A_335 : memref<1048576xf32, #tpu.memory_space<hbm>>) target(%dma_start3A_330 : memref<128xf32, #tpu.memory_space<vmem>>) offsets(%dma_start3A_333 : memref<128xi32, #tpu.memory_space<vmem>>) semaphore(%arg16 : memref<!tpu.dma_semaphore, #tpu.memory_space<semaphore_mem>>)
    %dma_start3A_336 = arith.constant 0 : i32
    %dma_start3A_337 = arith.constant 0 : i32
    %dma_start3A_338 = arith.constant 0 : i32
    %dma_start3A_339 = arith.constant 0 : i32
    %dma_start3A_340 = arith.constant 3 : i32
    %dma_start3A_341 = arith.constant 0 : i32
    %dma_start3A_342 = tpu.memref_slice %arg12[%dma_start3A_339, %dma_start3A_340, %dma_start3A_341] : memref<2x6x1024xf32, #tpu.memory_space<vmem>> -> memref<1x1x128xf32, #tpu.memory_space<vmem>>
    %dma_start3A_343 = tpu.memref_squeeze %dma_start3A_342 : memref<1x1x128xf32, #tpu.memory_space<vmem>> -> memref<128xf32, #tpu.memory_space<vmem>>
    %dma_start3A_344 = arith.constant 0 : i32
    %dma_start3A_345 = tpu.memref_slice %arg11[%dma_start3A_336, %dma_start3A_337, %dma_start3A_338, %dma_start3A_344] : memref<3x16x8x128xi32, #tpu.memory_space<vmem>> -> memref<1x1x1x128xi32, #tpu.memory_space<vmem>>
    %dma_start3A_346 = tpu.memref_squeeze %dma_start3A_345 : memref<1x1x1x128xi32, #tpu.memory_space<vmem>> -> memref<128xi32, #tpu.memory_space<vmem>>
    %dma_start3A_347 = arith.constant 0 : i32
    %dma_start3A_348 = tpu.memref_slice %arg5[%dma_start3A_347] : memref<1048576xf32, #tpu.memory_space<hbm>> -> memref<1048576xf32, #tpu.memory_space<hbm>>
    tpu.enqueue_indirect_dma source(%dma_start3A_348 : memref<1048576xf32, #tpu.memory_space<hbm>>) target(%dma_start3A_343 : memref<128xf32, #tpu.memory_space<vmem>>) offsets(%dma_start3A_346 : memref<128xi32, #tpu.memory_space<vmem>>) semaphore(%arg16 : memref<!tpu.dma_semaphore, #tpu.memory_space<semaphore_mem>>)
    %dma_start3A_349 = arith.constant 0 : i32
    %dma_start3A_350 = arith.constant 0 : i32
    %dma_start3A_351 = arith.constant 1 : i32
    %dma_start3A_352 = arith.constant 0 : i32
    %dma_start3A_353 = arith.constant 3 : i32
    %dma_start3A_354 = arith.constant 128 : i32
    %dma_start3A_355 = tpu.memref_slice %arg12[%dma_start3A_352, %dma_start3A_353, %dma_start3A_354] : memref<2x6x1024xf32, #tpu.memory_space<vmem>> -> memref<1x1x128xf32, #tpu.memory_space<vmem>>
    %dma_start3A_356 = tpu.memref_squeeze %dma_start3A_355 : memref<1x1x128xf32, #tpu.memory_space<vmem>> -> memref<128xf32, #tpu.memory_space<vmem>>
    %dma_start3A_357 = arith.constant 0 : i32
    %dma_start3A_358 = tpu.memref_slice %arg11[%dma_start3A_349, %dma_start3A_350, %dma_start3A_351, %dma_start3A_357] : memref<3x16x8x128xi32, #tpu.memory_space<vmem>> -> memref<1x1x1x128xi32, #tpu.memory_space<vmem>>
    %dma_start3A_359 = tpu.memref_squeeze %dma_start3A_358 : memref<1x1x1x128xi32, #tpu.memory_space<vmem>> -> memref<128xi32, #tpu.memory_space<vmem>>
    %dma_start3A_360 = arith.constant 0 : i32
    %dma_start3A_361 = tpu.memref_slice %arg5[%dma_start3A_360] : memref<1048576xf32, #tpu.memory_space<hbm>> -> memref<1048576xf32, #tpu.memory_space<hbm>>
    tpu.enqueue_indirect_dma source(%dma_start3A_361 : memref<1048576xf32, #tpu.memory_space<hbm>>) target(%dma_start3A_356 : memref<128xf32, #tpu.memory_space<vmem>>) offsets(%dma_start3A_359 : memref<128xi32, #tpu.memory_space<vmem>>) semaphore(%arg16 : memref<!tpu.dma_semaphore, #tpu.memory_space<semaphore_mem>>)
    %dma_start3A_362 = arith.constant 0 : i32
    %dma_start3A_363 = arith.constant 0 : i32
    %dma_start3A_364 = arith.constant 2 : i32
    %dma_start3A_365 = arith.constant 0 : i32
    %dma_start3A_366 = arith.constant 3 : i32
    %dma_start3A_367 = arith.constant 256 : i32
    %dma_start3A_368 = tpu.memref_slice %arg12[%dma_start3A_365, %dma_start3A_366, %dma_start3A_367] : memref<2x6x1024xf32, #tpu.memory_space<vmem>> -> memref<1x1x128xf32, #tpu.memory_space<vmem>>
    %dma_start3A_369 = tpu.memref_squeeze %dma_start3A_368 : memref<1x1x128xf32, #tpu.memory_space<vmem>> -> memref<128xf32, #tpu.memory_space<vmem>>
    %dma_start3A_370 = arith.constant 0 : i32
    %dma_start3A_371 = tpu.memref_slice %arg11[%dma_start3A_362, %dma_start3A_363, %dma_start3A_364, %dma_start3A_370] : memref<3x16x8x128xi32, #tpu.memory_space<vmem>> -> memref<1x1x1x128xi32, #tpu.memory_space<vmem>>
    %dma_start3A_372 = tpu.memref_squeeze %dma_start3A_371 : memref<1x1x1x128xi32, #tpu.memory_space<vmem>> -> memref<128xi32, #tpu.memory_space<vmem>>
    %dma_start3A_373 = arith.constant 0 : i32
    %dma_start3A_374 = tpu.memref_slice %arg5[%dma_start3A_373] : memref<1048576xf32, #tpu.memory_space<hbm>> -> memref<1048576xf32, #tpu.memory_space<hbm>>
    tpu.enqueue_indirect_dma source(%dma_start3A_374 : memref<1048576xf32, #tpu.memory_space<hbm>>) target(%dma_start3A_369 : memref<128xf32, #tpu.memory_space<vmem>>) offsets(%dma_start3A_372 : memref<128xi32, #tpu.memory_space<vmem>>) semaphore(%arg16 : memref<!tpu.dma_semaphore, #tpu.memory_space<semaphore_mem>>)
    %dma_start3A_375 = arith.constant 0 : i32
    %dma_start3A_376 = arith.constant 0 : i32
    %dma_start3A_377 = arith.constant 3 : i32
    %dma_start3A_378 = arith.constant 0 : i32
    %dma_start3A_379 = arith.constant 3 : i32
    %dma_start3A_380 = arith.constant 384 : i32
    %dma_start3A_381 = tpu.memref_slice %arg12[%dma_start3A_378, %dma_start3A_379, %dma_start3A_380] : memref<2x6x1024xf32, #tpu.memory_space<vmem>> -> memref<1x1x128xf32, #tpu.memory_space<vmem>>
    %dma_start3A_382 = tpu.memref_squeeze %dma_start3A_381 : memref<1x1x128xf32, #tpu.memory_space<vmem>> -> memref<128xf32, #tpu.memory_space<vmem>>
    %dma_start3A_383 = arith.constant 0 : i32
    %dma_start3A_384 = tpu.memref_slice %arg11[%dma_start3A_375, %dma_start3A_376, %dma_start3A_377, %dma_start3A_383] : memref<3x16x8x128xi32, #tpu.memory_space<vmem>> -> memref<1x1x1x128xi32, #tpu.memory_space<vmem>>
    %dma_start3A_385 = tpu.memref_squeeze %dma_start3A_384 : memref<1x1x1x128xi32, #tpu.memory_space<vmem>> -> memref<128xi32, #tpu.memory_space<vmem>>
    %dma_start3A_386 = arith.constant 0 : i32
    %dma_start3A_387 = tpu.memref_slice %arg5[%dma_start3A_386] : memref<1048576xf32, #tpu.memory_space<hbm>> -> memref<1048576xf32, #tpu.memory_space<hbm>>
    tpu.enqueue_indirect_dma source(%dma_start3A_387 : memref<1048576xf32, #tpu.memory_space<hbm>>) target(%dma_start3A_382 : memref<128xf32, #tpu.memory_space<vmem>>) offsets(%dma_start3A_385 : memref<128xi32, #tpu.memory_space<vmem>>) semaphore(%arg16 : memref<!tpu.dma_semaphore, #tpu.memory_space<semaphore_mem>>)
    %dma_start3A_388 = arith.constant 0 : i32
    %dma_start3A_389 = arith.constant 0 : i32
    %dma_start3A_390 = arith.constant 4 : i32
    %dma_start3A_391 = arith.constant 0 : i32
    %dma_start3A_392 = arith.constant 3 : i32
    %dma_start3A_393 = arith.constant 512 : i32
    %dma_start3A_394 = tpu.memref_slice %arg12[%dma_start3A_391, %dma_start3A_392, %dma_start3A_393] : memref<2x6x1024xf32, #tpu.memory_space<vmem>> -> memref<1x1x128xf32, #tpu.memory_space<vmem>>
    %dma_start3A_395 = tpu.memref_squeeze %dma_start3A_394 : memref<1x1x128xf32, #tpu.memory_space<vmem>> -> memref<128xf32, #tpu.memory_space<vmem>>
    %dma_start3A_396 = arith.constant 0 : i32
    %dma_start3A_397 = tpu.memref_slice %arg11[%dma_start3A_388, %dma_start3A_389, %dma_start3A_390, %dma_start3A_396] : memref<3x16x8x128xi32, #tpu.memory_space<vmem>> -> memref<1x1x1x128xi32, #tpu.memory_space<vmem>>
    %dma_start3A_398 = tpu.memref_squeeze %dma_start3A_397 : memref<1x1x1x128xi32, #tpu.memory_space<vmem>> -> memref<128xi32, #tpu.memory_space<vmem>>
    %dma_start3A_399 = arith.constant 0 : i32
    %dma_start3A_400 = tpu.memref_slice %arg5[%dma_start3A_399] : memref<1048576xf32, #tpu.memory_space<hbm>> -> memref<1048576xf32, #tpu.memory_space<hbm>>
    tpu.enqueue_indirect_dma source(%dma_start3A_400 : memref<1048576xf32, #tpu.memory_space<hbm>>) target(%dma_start3A_395 : memref<128xf32, #tpu.memory_space<vmem>>) offsets(%dma_start3A_398 : memref<128xi32, #tpu.memory_space<vmem>>) semaphore(%arg16 : memref<!tpu.dma_semaphore, #tpu.memory_space<semaphore_mem>>)
    %dma_start3A_401 = arith.constant 0 : i32
    %dma_start3A_402 = arith.constant 0 : i32
    %dma_start3A_403 = arith.constant 5 : i32
    %dma_start3A_404 = arith.constant 0 : i32
    %dma_start3A_405 = arith.constant 3 : i32
    %dma_start3A_406 = arith.constant 640 : i32
    %dma_start3A_407 = tpu.memref_slice %arg12[%dma_start3A_404, %dma_start3A_405, %dma_start3A_406] : memref<2x6x1024xf32, #tpu.memory_space<vmem>> -> memref<1x1x128xf32, #tpu.memory_space<vmem>>
    %dma_start3A_408 = tpu.memref_squeeze %dma_start3A_407 : memref<1x1x128xf32, #tpu.memory_space<vmem>> -> memref<128xf32, #tpu.memory_space<vmem>>
    %dma_start3A_409 = arith.constant 0 : i32
    %dma_start3A_410 = tpu.memref_slice %arg11[%dma_start3A_401, %dma_start3A_402, %dma_start3A_403, %dma_start3A_409] : memref<3x16x8x128xi32, #tpu.memory_space<vmem>> -> memref<1x1x1x128xi32, #tpu.memory_space<vmem>>
    %dma_start3A_411 = tpu.memref_squeeze %dma_start3A_410 : memref<1x1x1x128xi32, #tpu.memory_space<vmem>> -> memref<128xi32, #tpu.memory_space<vmem>>
    %dma_start3A_412 = arith.constant 0 : i32
    %dma_start3A_413 = tpu.memref_slice %arg5[%dma_start3A_412] : memref<1048576xf32, #tpu.memory_space<hbm>> -> memref<1048576xf32, #tpu.memory_space<hbm>>
    tpu.enqueue_indirect_dma source(%dma_start3A_413 : memref<1048576xf32, #tpu.memory_space<hbm>>) target(%dma_start3A_408 : memref<128xf32, #tpu.memory_space<vmem>>) offsets(%dma_start3A_411 : memref<128xi32, #tpu.memory_space<vmem>>) semaphore(%arg16 : memref<!tpu.dma_semaphore, #tpu.memory_space<semaphore_mem>>)
    %dma_start3A_414 = arith.constant 0 : i32
    %dma_start3A_415 = arith.constant 0 : i32
    %dma_start3A_416 = arith.constant 6 : i32
    %dma_start3A_417 = arith.constant 0 : i32
    %dma_start3A_418 = arith.constant 3 : i32
    %dma_start3A_419 = arith.constant 768 : i32
    %dma_start3A_420 = tpu.memref_slice %arg12[%dma_start3A_417, %dma_start3A_418, %dma_start3A_419] : memref<2x6x1024xf32, #tpu.memory_space<vmem>> -> memref<1x1x128xf32, #tpu.memory_space<vmem>>
    %dma_start3A_421 = tpu.memref_squeeze %dma_start3A_420 : memref<1x1x128xf32, #tpu.memory_space<vmem>> -> memref<128xf32, #tpu.memory_space<vmem>>
    %dma_start3A_422 = arith.constant 0 : i32
    %dma_start3A_423 = tpu.memref_slice %arg11[%dma_start3A_414, %dma_start3A_415, %dma_start3A_416, %dma_start3A_422] : memref<3x16x8x128xi32, #tpu.memory_space<vmem>> -> memref<1x1x1x128xi32, #tpu.memory_space<vmem>>
    %dma_start3A_424 = tpu.memref_squeeze %dma_start3A_423 : memref<1x1x1x128xi32, #tpu.memory_space<vmem>> -> memref<128xi32, #tpu.memory_space<vmem>>
    %dma_start3A_425 = arith.constant 0 : i32
    %dma_start3A_426 = tpu.memref_slice %arg5[%dma_start3A_425] : memref<1048576xf32, #tpu.memory_space<hbm>> -> memref<1048576xf32, #tpu.memory_space<hbm>>
    tpu.enqueue_indirect_dma source(%dma_start3A_426 : memref<1048576xf32, #tpu.memory_space<hbm>>) target(%dma_start3A_421 : memref<128xf32, #tpu.memory_space<vmem>>) offsets(%dma_start3A_424 : memref<128xi32, #tpu.memory_space<vmem>>) semaphore(%arg16 : memref<!tpu.dma_semaphore, #tpu.memory_space<semaphore_mem>>)
    %dma_start3A_427 = arith.constant 0 : i32
    %dma_start3A_428 = arith.constant 0 : i32
    %dma_start3A_429 = arith.constant 7 : i32
    %dma_start3A_430 = arith.constant 0 : i32
    %dma_start3A_431 = arith.constant 3 : i32
    %dma_start3A_432 = arith.constant 896 : i32
    %dma_start3A_433 = tpu.memref_slice %arg12[%dma_start3A_430, %dma_start3A_431, %dma_start3A_432] : memref<2x6x1024xf32, #tpu.memory_space<vmem>> -> memref<1x1x128xf32, #tpu.memory_space<vmem>>
    %dma_start3A_434 = tpu.memref_squeeze %dma_start3A_433 : memref<1x1x128xf32, #tpu.memory_space<vmem>> -> memref<128xf32, #tpu.memory_space<vmem>>
    %dma_start3A_435 = arith.constant 0 : i32
    %dma_start3A_436 = tpu.memref_slice %arg11[%dma_start3A_427, %dma_start3A_428, %dma_start3A_429, %dma_start3A_435] : memref<3x16x8x128xi32, #tpu.memory_space<vmem>> -> memref<1x1x1x128xi32, #tpu.memory_space<vmem>>
    %dma_start3A_437 = tpu.memref_squeeze %dma_start3A_436 : memref<1x1x1x128xi32, #tpu.memory_space<vmem>> -> memref<128xi32, #tpu.memory_space<vmem>>
    %dma_start3A_438 = arith.constant 0 : i32
    %dma_start3A_439 = tpu.memref_slice %arg5[%dma_start3A_438] : memref<1048576xf32, #tpu.memory_space<hbm>> -> memref<1048576xf32, #tpu.memory_space<hbm>>
    tpu.enqueue_indirect_dma source(%dma_start3A_439 : memref<1048576xf32, #tpu.memory_space<hbm>>) target(%dma_start3A_434 : memref<128xf32, #tpu.memory_space<vmem>>) offsets(%dma_start3A_437 : memref<128xi32, #tpu.memory_space<vmem>>) semaphore(%arg16 : memref<!tpu.dma_semaphore, #tpu.memory_space<semaphore_mem>>)
    %dma_start3A_440 = arith.constant 0 : i32
    %dma_start3A_441 = arith.constant 0 : i32
    %dma_start3A_442 = arith.constant 0 : i32
    %dma_start3A_443 = arith.constant 0 : i32
    %dma_start3A_444 = arith.constant 4 : i32
    %dma_start3A_445 = arith.constant 0 : i32
    %dma_start3A_446 = tpu.memref_slice %arg12[%dma_start3A_443, %dma_start3A_444, %dma_start3A_445] : memref<2x6x1024xf32, #tpu.memory_space<vmem>> -> memref<1x1x128xf32, #tpu.memory_space<vmem>>
    %dma_start3A_447 = tpu.memref_squeeze %dma_start3A_446 : memref<1x1x128xf32, #tpu.memory_space<vmem>> -> memref<128xf32, #tpu.memory_space<vmem>>
    %dma_start3A_448 = arith.constant 0 : i32
    %dma_start3A_449 = tpu.memref_slice %arg11[%dma_start3A_440, %dma_start3A_441, %dma_start3A_442, %dma_start3A_448] : memref<3x16x8x128xi32, #tpu.memory_space<vmem>> -> memref<1x1x1x128xi32, #tpu.memory_space<vmem>>
    %dma_start3A_450 = tpu.memref_squeeze %dma_start3A_449 : memref<1x1x1x128xi32, #tpu.memory_space<vmem>> -> memref<128xi32, #tpu.memory_space<vmem>>
    %dma_start3A_451 = arith.constant 0 : i32
    %dma_start3A_452 = tpu.memref_slice %arg6[%dma_start3A_451] : memref<1048576xf32, #tpu.memory_space<hbm>> -> memref<1048576xf32, #tpu.memory_space<hbm>>
    tpu.enqueue_indirect_dma source(%dma_start3A_452 : memref<1048576xf32, #tpu.memory_space<hbm>>) target(%dma_start3A_447 : memref<128xf32, #tpu.memory_space<vmem>>) offsets(%dma_start3A_450 : memref<128xi32, #tpu.memory_space<vmem>>) semaphore(%arg16 : memref<!tpu.dma_semaphore, #tpu.memory_space<semaphore_mem>>)
    %dma_start3A_453 = arith.constant 0 : i32
    %dma_start3A_454 = arith.constant 0 : i32
    %dma_start3A_455 = arith.constant 1 : i32
    %dma_start3A_456 = arith.constant 0 : i32
    %dma_start3A_457 = arith.constant 4 : i32
    %dma_start3A_458 = arith.constant 128 : i32
    %dma_start3A_459 = tpu.memref_slice %arg12[%dma_start3A_456, %dma_start3A_457, %dma_start3A_458] : memref<2x6x1024xf32, #tpu.memory_space<vmem>> -> memref<1x1x128xf32, #tpu.memory_space<vmem>>
    %dma_start3A_460 = tpu.memref_squeeze %dma_start3A_459 : memref<1x1x128xf32, #tpu.memory_space<vmem>> -> memref<128xf32, #tpu.memory_space<vmem>>
    %dma_start3A_461 = arith.constant 0 : i32
    %dma_start3A_462 = tpu.memref_slice %arg11[%dma_start3A_453, %dma_start3A_454, %dma_start3A_455, %dma_start3A_461] : memref<3x16x8x128xi32, #tpu.memory_space<vmem>> -> memref<1x1x1x128xi32, #tpu.memory_space<vmem>>
    %dma_start3A_463 = tpu.memref_squeeze %dma_start3A_462 : memref<1x1x1x128xi32, #tpu.memory_space<vmem>> -> memref<128xi32, #tpu.memory_space<vmem>>
    %dma_start3A_464 = arith.constant 0 : i32
    %dma_start3A_465 = tpu.memref_slice %arg6[%dma_start3A_464] : memref<1048576xf32, #tpu.memory_space<hbm>> -> memref<1048576xf32, #tpu.memory_space<hbm>>
    tpu.enqueue_indirect_dma source(%dma_start3A_465 : memref<1048576xf32, #tpu.memory_space<hbm>>) target(%dma_start3A_460 : memref<128xf32, #tpu.memory_space<vmem>>) offsets(%dma_start3A_463 : memref<128xi32, #tpu.memory_space<vmem>>) semaphore(%arg16 : memref<!tpu.dma_semaphore, #tpu.memory_space<semaphore_mem>>)
    %dma_start3A_466 = arith.constant 0 : i32
    %dma_start3A_467 = arith.constant 0 : i32
    %dma_start3A_468 = arith.constant 2 : i32
    %dma_start3A_469 = arith.constant 0 : i32
    %dma_start3A_470 = arith.constant 4 : i32
    %dma_start3A_471 = arith.constant 256 : i32
    %dma_start3A_472 = tpu.memref_slice %arg12[%dma_start3A_469, %dma_start3A_470, %dma_start3A_471] : memref<2x6x1024xf32, #tpu.memory_space<vmem>> -> memref<1x1x128xf32, #tpu.memory_space<vmem>>
    %dma_start3A_473 = tpu.memref_squeeze %dma_start3A_472 : memref<1x1x128xf32, #tpu.memory_space<vmem>> -> memref<128xf32, #tpu.memory_space<vmem>>
    %dma_start3A_474 = arith.constant 0 : i32
    %dma_start3A_475 = tpu.memref_slice %arg11[%dma_start3A_466, %dma_start3A_467, %dma_start3A_468, %dma_start3A_474] : memref<3x16x8x128xi32, #tpu.memory_space<vmem>> -> memref<1x1x1x128xi32, #tpu.memory_space<vmem>>
    %dma_start3A_476 = tpu.memref_squeeze %dma_start3A_475 : memref<1x1x1x128xi32, #tpu.memory_space<vmem>> -> memref<128xi32, #tpu.memory_space<vmem>>
    %dma_start3A_477 = arith.constant 0 : i32
    %dma_start3A_478 = tpu.memref_slice %arg6[%dma_start3A_477] : memref<1048576xf32, #tpu.memory_space<hbm>> -> memref<1048576xf32, #tpu.memory_space<hbm>>
    tpu.enqueue_indirect_dma source(%dma_start3A_478 : memref<1048576xf32, #tpu.memory_space<hbm>>) target(%dma_start3A_473 : memref<128xf32, #tpu.memory_space<vmem>>) offsets(%dma_start3A_476 : memref<128xi32, #tpu.memory_space<vmem>>) semaphore(%arg16 : memref<!tpu.dma_semaphore, #tpu.memory_space<semaphore_mem>>)
    %dma_start3A_479 = arith.constant 0 : i32
    %dma_start3A_480 = arith.constant 0 : i32
    %dma_start3A_481 = arith.constant 3 : i32
    %dma_start3A_482 = arith.constant 0 : i32
    %dma_start3A_483 = arith.constant 4 : i32
    %dma_start3A_484 = arith.constant 384 : i32
    %dma_start3A_485 = tpu.memref_slice %arg12[%dma_start3A_482, %dma_start3A_483, %dma_start3A_484] : memref<2x6x1024xf32, #tpu.memory_space<vmem>> -> memref<1x1x128xf32, #tpu.memory_space<vmem>>
    %dma_start3A_486 = tpu.memref_squeeze %dma_start3A_485 : memref<1x1x128xf32, #tpu.memory_space<vmem>> -> memref<128xf32, #tpu.memory_space<vmem>>
    %dma_start3A_487 = arith.constant 0 : i32
    %dma_start3A_488 = tpu.memref_slice %arg11[%dma_start3A_479, %dma_start3A_480, %dma_start3A_481, %dma_start3A_487] : memref<3x16x8x128xi32, #tpu.memory_space<vmem>> -> memref<1x1x1x128xi32, #tpu.memory_space<vmem>>
    %dma_start3A_489 = tpu.memref_squeeze %dma_start3A_488 : memref<1x1x1x128xi32, #tpu.memory_space<vmem>> -> memref<128xi32, #tpu.memory_space<vmem>>
    %dma_start3A_490 = arith.constant 0 : i32
    %dma_start3A_491 = tpu.memref_slice %arg6[%dma_start3A_490] : memref<1048576xf32, #tpu.memory_space<hbm>> -> memref<1048576xf32, #tpu.memory_space<hbm>>
    tpu.enqueue_indirect_dma source(%dma_start3A_491 : memref<1048576xf32, #tpu.memory_space<hbm>>) target(%dma_start3A_486 : memref<128xf32, #tpu.memory_space<vmem>>) offsets(%dma_start3A_489 : memref<128xi32, #tpu.memory_space<vmem>>) semaphore(%arg16 : memref<!tpu.dma_semaphore, #tpu.memory_space<semaphore_mem>>)
    %dma_start3A_492 = arith.constant 0 : i32
    %dma_start3A_493 = arith.constant 0 : i32
    %dma_start3A_494 = arith.constant 4 : i32
    %dma_start3A_495 = arith.constant 0 : i32
    %dma_start3A_496 = arith.constant 4 : i32
    %dma_start3A_497 = arith.constant 512 : i32
    %dma_start3A_498 = tpu.memref_slice %arg12[%dma_start3A_495, %dma_start3A_496, %dma_start3A_497] : memref<2x6x1024xf32, #tpu.memory_space<vmem>> -> memref<1x1x128xf32, #tpu.memory_space<vmem>>
    %dma_start3A_499 = tpu.memref_squeeze %dma_start3A_498 : memref<1x1x128xf32, #tpu.memory_space<vmem>> -> memref<128xf32, #tpu.memory_space<vmem>>
    %dma_start3A_500 = arith.constant 0 : i32
    %dma_start3A_501 = tpu.memref_slice %arg11[%dma_start3A_492, %dma_start3A_493, %dma_start3A_494, %dma_start3A_500] : memref<3x16x8x128xi32, #tpu.memory_space<vmem>> -> memref<1x1x1x128xi32, #tpu.memory_space<vmem>>
    %dma_start3A_502 = tpu.memref_squeeze %dma_start3A_501 : memref<1x1x1x128xi32, #tpu.memory_space<vmem>> -> memref<128xi32, #tpu.memory_space<vmem>>
    %dma_start3A_503 = arith.constant 0 : i32
    %dma_start3A_504 = tpu.memref_slice %arg6[%dma_start3A_503] : memref<1048576xf32, #tpu.memory_space<hbm>> -> memref<1048576xf32, #tpu.memory_space<hbm>>
    tpu.enqueue_indirect_dma source(%dma_start3A_504 : memref<1048576xf32, #tpu.memory_space<hbm>>) target(%dma_start3A_499 : memref<128xf32, #tpu.memory_space<vmem>>) offsets(%dma_start3A_502 : memref<128xi32, #tpu.memory_space<vmem>>) semaphore(%arg16 : memref<!tpu.dma_semaphore, #tpu.memory_space<semaphore_mem>>)
    %dma_start3A_505 = arith.constant 0 : i32
    %dma_start3A_506 = arith.constant 0 : i32
    %dma_start3A_507 = arith.constant 5 : i32
    %dma_start3A_508 = arith.constant 0 : i32
    %dma_start3A_509 = arith.constant 4 : i32
    %dma_start3A_510 = arith.constant 640 : i32
    %dma_start3A_511 = tpu.memref_slice %arg12[%dma_start3A_508, %dma_start3A_509, %dma_start3A_510] : memref<2x6x1024xf32, #tpu.memory_space<vmem>> -> memref<1x1x128xf32, #tpu.memory_space<vmem>>
    %dma_start3A_512 = tpu.memref_squeeze %dma_start3A_511 : memref<1x1x128xf32, #tpu.memory_space<vmem>> -> memref<128xf32, #tpu.memory_space<vmem>>
    %dma_start3A_513 = arith.constant 0 : i32
    %dma_start3A_514 = tpu.memref_slice %arg11[%dma_start3A_505, %dma_start3A_506, %dma_start3A_507, %dma_start3A_513] : memref<3x16x8x128xi32, #tpu.memory_space<vmem>> -> memref<1x1x1x128xi32, #tpu.memory_space<vmem>>
    %dma_start3A_515 = tpu.memref_squeeze %dma_start3A_514 : memref<1x1x1x128xi32, #tpu.memory_space<vmem>> -> memref<128xi32, #tpu.memory_space<vmem>>
    %dma_start3A_516 = arith.constant 0 : i32
    %dma_start3A_517 = tpu.memref_slice %arg6[%dma_start3A_516] : memref<1048576xf32, #tpu.memory_space<hbm>> -> memref<1048576xf32, #tpu.memory_space<hbm>>
    tpu.enqueue_indirect_dma source(%dma_start3A_517 : memref<1048576xf32, #tpu.memory_space<hbm>>) target(%dma_start3A_512 : memref<128xf32, #tpu.memory_space<vmem>>) offsets(%dma_start3A_515 : memref<128xi32, #tpu.memory_space<vmem>>) semaphore(%arg16 : memref<!tpu.dma_semaphore, #tpu.memory_space<semaphore_mem>>)
    %dma_start3A_518 = arith.constant 0 : i32
    %dma_start3A_519 = arith.constant 0 : i32
    %dma_start3A_520 = arith.constant 6 : i32
    %dma_start3A_521 = arith.constant 0 : i32
    %dma_start3A_522 = arith.constant 4 : i32
    %dma_start3A_523 = arith.constant 768 : i32
    %dma_start3A_524 = tpu.memref_slice %arg12[%dma_start3A_521, %dma_start3A_522, %dma_start3A_523] : memref<2x6x1024xf32, #tpu.memory_space<vmem>> -> memref<1x1x128xf32, #tpu.memory_space<vmem>>
    %dma_start3A_525 = tpu.memref_squeeze %dma_start3A_524 : memref<1x1x128xf32, #tpu.memory_space<vmem>> -> memref<128xf32, #tpu.memory_space<vmem>>
    %dma_start3A_526 = arith.constant 0 : i32
    %dma_start3A_527 = tpu.memref_slice %arg11[%dma_start3A_518, %dma_start3A_519, %dma_start3A_520, %dma_start3A_526] : memref<3x16x8x128xi32, #tpu.memory_space<vmem>> -> memref<1x1x1x128xi32, #tpu.memory_space<vmem>>
    %dma_start3A_528 = tpu.memref_squeeze %dma_start3A_527 : memref<1x1x1x128xi32, #tpu.memory_space<vmem>> -> memref<128xi32, #tpu.memory_space<vmem>>
    %dma_start3A_529 = arith.constant 0 : i32
    %dma_start3A_530 = tpu.memref_slice %arg6[%dma_start3A_529] : memref<1048576xf32, #tpu.memory_space<hbm>> -> memref<1048576xf32, #tpu.memory_space<hbm>>
    tpu.enqueue_indirect_dma source(%dma_start3A_530 : memref<1048576xf32, #tpu.memory_space<hbm>>) target(%dma_start3A_525 : memref<128xf32, #tpu.memory_space<vmem>>) offsets(%dma_start3A_528 : memref<128xi32, #tpu.memory_space<vmem>>) semaphore(%arg16 : memref<!tpu.dma_semaphore, #tpu.memory_space<semaphore_mem>>)
    %dma_start3A_531 = arith.constant 0 : i32
    %dma_start3A_532 = arith.constant 0 : i32
    %dma_start3A_533 = arith.constant 7 : i32
    %dma_start3A_534 = arith.constant 0 : i32
    %dma_start3A_535 = arith.constant 4 : i32
    %dma_start3A_536 = arith.constant 896 : i32
    %dma_start3A_537 = tpu.memref_slice %arg12[%dma_start3A_534, %dma_start3A_535, %dma_start3A_536] : memref<2x6x1024xf32, #tpu.memory_space<vmem>> -> memref<1x1x128xf32, #tpu.memory_space<vmem>>
    %dma_start3A_538 = tpu.memref_squeeze %dma_start3A_537 : memref<1x1x128xf32, #tpu.memory_space<vmem>> -> memref<128xf32, #tpu.memory_space<vmem>>
    %dma_start3A_539 = arith.constant 0 : i32
    %dma_start3A_540 = tpu.memref_slice %arg11[%dma_start3A_531, %dma_start3A_532, %dma_start3A_533, %dma_start3A_539] : memref<3x16x8x128xi32, #tpu.memory_space<vmem>> -> memref<1x1x1x128xi32, #tpu.memory_space<vmem>>
    %dma_start3A_541 = tpu.memref_squeeze %dma_start3A_540 : memref<1x1x1x128xi32, #tpu.memory_space<vmem>> -> memref<128xi32, #tpu.memory_space<vmem>>
    %dma_start3A_542 = arith.constant 0 : i32
    %dma_start3A_543 = tpu.memref_slice %arg6[%dma_start3A_542] : memref<1048576xf32, #tpu.memory_space<hbm>> -> memref<1048576xf32, #tpu.memory_space<hbm>>
    tpu.enqueue_indirect_dma source(%dma_start3A_543 : memref<1048576xf32, #tpu.memory_space<hbm>>) target(%dma_start3A_538 : memref<128xf32, #tpu.memory_space<vmem>>) offsets(%dma_start3A_541 : memref<128xi32, #tpu.memory_space<vmem>>) semaphore(%arg16 : memref<!tpu.dma_semaphore, #tpu.memory_space<semaphore_mem>>)
    %dma_start3A_544 = arith.constant 0 : i32
    %dma_start3A_545 = arith.constant 0 : i32
    %dma_start3A_546 = arith.constant 0 : i32
    %dma_start3A_547 = arith.constant 0 : i32
    %dma_start3A_548 = arith.constant 5 : i32
    %dma_start3A_549 = arith.constant 0 : i32
    %dma_start3A_550 = tpu.memref_slice %arg12[%dma_start3A_547, %dma_start3A_548, %dma_start3A_549] : memref<2x6x1024xf32, #tpu.memory_space<vmem>> -> memref<1x1x128xf32, #tpu.memory_space<vmem>>
    %dma_start3A_551 = tpu.memref_squeeze %dma_start3A_550 : memref<1x1x128xf32, #tpu.memory_space<vmem>> -> memref<128xf32, #tpu.memory_space<vmem>>
    %dma_start3A_552 = arith.constant 0 : i32
    %dma_start3A_553 = tpu.memref_slice %arg11[%dma_start3A_544, %dma_start3A_545, %dma_start3A_546, %dma_start3A_552] : memref<3x16x8x128xi32, #tpu.memory_space<vmem>> -> memref<1x1x1x128xi32, #tpu.memory_space<vmem>>
    %dma_start3A_554 = tpu.memref_squeeze %dma_start3A_553 : memref<1x1x1x128xi32, #tpu.memory_space<vmem>> -> memref<128xi32, #tpu.memory_space<vmem>>
    %dma_start3A_555 = arith.constant 0 : i32
    %dma_start3A_556 = tpu.memref_slice %arg7[%dma_start3A_555] : memref<1048576xf32, #tpu.memory_space<hbm>> -> memref<1048576xf32, #tpu.memory_space<hbm>>
    tpu.enqueue_indirect_dma source(%dma_start3A_556 : memref<1048576xf32, #tpu.memory_space<hbm>>) target(%dma_start3A_551 : memref<128xf32, #tpu.memory_space<vmem>>) offsets(%dma_start3A_554 : memref<128xi32, #tpu.memory_space<vmem>>) semaphore(%arg16 : memref<!tpu.dma_semaphore, #tpu.memory_space<semaphore_mem>>)
    %dma_start3A_557 = arith.constant 0 : i32
    %dma_start3A_558 = arith.constant 0 : i32
    %dma_start3A_559 = arith.constant 1 : i32
    %dma_start3A_560 = arith.constant 0 : i32
    %dma_start3A_561 = arith.constant 5 : i32
    %dma_start3A_562 = arith.constant 128 : i32
    %dma_start3A_563 = tpu.memref_slice %arg12[%dma_start3A_560, %dma_start3A_561, %dma_start3A_562] : memref<2x6x1024xf32, #tpu.memory_space<vmem>> -> memref<1x1x128xf32, #tpu.memory_space<vmem>>
    %dma_start3A_564 = tpu.memref_squeeze %dma_start3A_563 : memref<1x1x128xf32, #tpu.memory_space<vmem>> -> memref<128xf32, #tpu.memory_space<vmem>>
    %dma_start3A_565 = arith.constant 0 : i32
    %dma_start3A_566 = tpu.memref_slice %arg11[%dma_start3A_557, %dma_start3A_558, %dma_start3A_559, %dma_start3A_565] : memref<3x16x8x128xi32, #tpu.memory_space<vmem>> -> memref<1x1x1x128xi32, #tpu.memory_space<vmem>>
    %dma_start3A_567 = tpu.memref_squeeze %dma_start3A_566 : memref<1x1x1x128xi32, #tpu.memory_space<vmem>> -> memref<128xi32, #tpu.memory_space<vmem>>
    %dma_start3A_568 = arith.constant 0 : i32
    %dma_start3A_569 = tpu.memref_slice %arg7[%dma_start3A_568] : memref<1048576xf32, #tpu.memory_space<hbm>> -> memref<1048576xf32, #tpu.memory_space<hbm>>
    tpu.enqueue_indirect_dma source(%dma_start3A_569 : memref<1048576xf32, #tpu.memory_space<hbm>>) target(%dma_start3A_564 : memref<128xf32, #tpu.memory_space<vmem>>) offsets(%dma_start3A_567 : memref<128xi32, #tpu.memory_space<vmem>>) semaphore(%arg16 : memref<!tpu.dma_semaphore, #tpu.memory_space<semaphore_mem>>)
    %dma_start3A_570 = arith.constant 0 : i32
    %dma_start3A_571 = arith.constant 0 : i32
    %dma_start3A_572 = arith.constant 2 : i32
    %dma_start3A_573 = arith.constant 0 : i32
    %dma_start3A_574 = arith.constant 5 : i32
    %dma_start3A_575 = arith.constant 256 : i32
    %dma_start3A_576 = tpu.memref_slice %arg12[%dma_start3A_573, %dma_start3A_574, %dma_start3A_575] : memref<2x6x1024xf32, #tpu.memory_space<vmem>> -> memref<1x1x128xf32, #tpu.memory_space<vmem>>
    %dma_start3A_577 = tpu.memref_squeeze %dma_start3A_576 : memref<1x1x128xf32, #tpu.memory_space<vmem>> -> memref<128xf32, #tpu.memory_space<vmem>>
    %dma_start3A_578 = arith.constant 0 : i32
    %dma_start3A_579 = tpu.memref_slice %arg11[%dma_start3A_570, %dma_start3A_571, %dma_start3A_572, %dma_start3A_578] : memref<3x16x8x128xi32, #tpu.memory_space<vmem>> -> memref<1x1x1x128xi32, #tpu.memory_space<vmem>>
    %dma_start3A_580 = tpu.memref_squeeze %dma_start3A_579 : memref<1x1x1x128xi32, #tpu.memory_space<vmem>> -> memref<128xi32, #tpu.memory_space<vmem>>
    %dma_start3A_581 = arith.constant 0 : i32
    %dma_start3A_582 = tpu.memref_slice %arg7[%dma_start3A_581] : memref<1048576xf32, #tpu.memory_space<hbm>> -> memref<1048576xf32, #tpu.memory_space<hbm>>
    tpu.enqueue_indirect_dma source(%dma_start3A_582 : memref<1048576xf32, #tpu.memory_space<hbm>>) target(%dma_start3A_577 : memref<128xf32, #tpu.memory_space<vmem>>) offsets(%dma_start3A_580 : memref<128xi32, #tpu.memory_space<vmem>>) semaphore(%arg16 : memref<!tpu.dma_semaphore, #tpu.memory_space<semaphore_mem>>)
    %dma_start3A_583 = arith.constant 0 : i32
    %dma_start3A_584 = arith.constant 0 : i32
    %dma_start3A_585 = arith.constant 3 : i32
    %dma_start3A_586 = arith.constant 0 : i32
    %dma_start3A_587 = arith.constant 5 : i32
    %dma_start3A_588 = arith.constant 384 : i32
    %dma_start3A_589 = tpu.memref_slice %arg12[%dma_start3A_586, %dma_start3A_587, %dma_start3A_588] : memref<2x6x1024xf32, #tpu.memory_space<vmem>> -> memref<1x1x128xf32, #tpu.memory_space<vmem>>
    %dma_start3A_590 = tpu.memref_squeeze %dma_start3A_589 : memref<1x1x128xf32, #tpu.memory_space<vmem>> -> memref<128xf32, #tpu.memory_space<vmem>>
    %dma_start3A_591 = arith.constant 0 : i32
    %dma_start3A_592 = tpu.memref_slice %arg11[%dma_start3A_583, %dma_start3A_584, %dma_start3A_585, %dma_start3A_591] : memref<3x16x8x128xi32, #tpu.memory_space<vmem>> -> memref<1x1x1x128xi32, #tpu.memory_space<vmem>>
    %dma_start3A_593 = tpu.memref_squeeze %dma_start3A_592 : memref<1x1x1x128xi32, #tpu.memory_space<vmem>> -> memref<128xi32, #tpu.memory_space<vmem>>
    %dma_start3A_594 = arith.constant 0 : i32
    %dma_start3A_595 = tpu.memref_slice %arg7[%dma_start3A_594] : memref<1048576xf32, #tpu.memory_space<hbm>> -> memref<1048576xf32, #tpu.memory_space<hbm>>
    tpu.enqueue_indirect_dma source(%dma_start3A_595 : memref<1048576xf32, #tpu.memory_space<hbm>>) target(%dma_start3A_590 : memref<128xf32, #tpu.memory_space<vmem>>) offsets(%dma_start3A_593 : memref<128xi32, #tpu.memory_space<vmem>>) semaphore(%arg16 : memref<!tpu.dma_semaphore, #tpu.memory_space<semaphore_mem>>)
    %dma_start3A_596 = arith.constant 0 : i32
    %dma_start3A_597 = arith.constant 0 : i32
    %dma_start3A_598 = arith.constant 4 : i32
    %dma_start3A_599 = arith.constant 0 : i32
    %dma_start3A_600 = arith.constant 5 : i32
    %dma_start3A_601 = arith.constant 512 : i32
    %dma_start3A_602 = tpu.memref_slice %arg12[%dma_start3A_599, %dma_start3A_600, %dma_start3A_601] : memref<2x6x1024xf32, #tpu.memory_space<vmem>> -> memref<1x1x128xf32, #tpu.memory_space<vmem>>
    %dma_start3A_603 = tpu.memref_squeeze %dma_start3A_602 : memref<1x1x128xf32, #tpu.memory_space<vmem>> -> memref<128xf32, #tpu.memory_space<vmem>>
    %dma_start3A_604 = arith.constant 0 : i32
    %dma_start3A_605 = tpu.memref_slice %arg11[%dma_start3A_596, %dma_start3A_597, %dma_start3A_598, %dma_start3A_604] : memref<3x16x8x128xi32, #tpu.memory_space<vmem>> -> memref<1x1x1x128xi32, #tpu.memory_space<vmem>>
    %dma_start3A_606 = tpu.memref_squeeze %dma_start3A_605 : memref<1x1x1x128xi32, #tpu.memory_space<vmem>> -> memref<128xi32, #tpu.memory_space<vmem>>
    %dma_start3A_607 = arith.constant 0 : i32
    %dma_start3A_608 = tpu.memref_slice %arg7[%dma_start3A_607] : memref<1048576xf32, #tpu.memory_space<hbm>> -> memref<1048576xf32, #tpu.memory_space<hbm>>
    tpu.enqueue_indirect_dma source(%dma_start3A_608 : memref<1048576xf32, #tpu.memory_space<hbm>>) target(%dma_start3A_603 : memref<128xf32, #tpu.memory_space<vmem>>) offsets(%dma_start3A_606 : memref<128xi32, #tpu.memory_space<vmem>>) semaphore(%arg16 : memref<!tpu.dma_semaphore, #tpu.memory_space<semaphore_mem>>)
    %dma_start3A_609 = arith.constant 0 : i32
    %dma_start3A_610 = arith.constant 0 : i32
    %dma_start3A_611 = arith.constant 5 : i32
    %dma_start3A_612 = arith.constant 0 : i32
    %dma_start3A_613 = arith.constant 5 : i32
    %dma_start3A_614 = arith.constant 640 : i32
    %dma_start3A_615 = tpu.memref_slice %arg12[%dma_start3A_612, %dma_start3A_613, %dma_start3A_614] : memref<2x6x1024xf32, #tpu.memory_space<vmem>> -> memref<1x1x128xf32, #tpu.memory_space<vmem>>
    %dma_start3A_616 = tpu.memref_squeeze %dma_start3A_615 : memref<1x1x128xf32, #tpu.memory_space<vmem>> -> memref<128xf32, #tpu.memory_space<vmem>>
    %dma_start3A_617 = arith.constant 0 : i32
    %dma_start3A_618 = tpu.memref_slice %arg11[%dma_start3A_609, %dma_start3A_610, %dma_start3A_611, %dma_start3A_617] : memref<3x16x8x128xi32, #tpu.memory_space<vmem>> -> memref<1x1x1x128xi32, #tpu.memory_space<vmem>>
    %dma_start3A_619 = tpu.memref_squeeze %dma_start3A_618 : memref<1x1x1x128xi32, #tpu.memory_space<vmem>> -> memref<128xi32, #tpu.memory_space<vmem>>
    %dma_start3A_620 = arith.constant 0 : i32
    %dma_start3A_621 = tpu.memref_slice %arg7[%dma_start3A_620] : memref<1048576xf32, #tpu.memory_space<hbm>> -> memref<1048576xf32, #tpu.memory_space<hbm>>
    tpu.enqueue_indirect_dma source(%dma_start3A_621 : memref<1048576xf32, #tpu.memory_space<hbm>>) target(%dma_start3A_616 : memref<128xf32, #tpu.memory_space<vmem>>) offsets(%dma_start3A_619 : memref<128xi32, #tpu.memory_space<vmem>>) semaphore(%arg16 : memref<!tpu.dma_semaphore, #tpu.memory_space<semaphore_mem>>)
    %dma_start3A_622 = arith.constant 0 : i32
    %dma_start3A_623 = arith.constant 0 : i32
    %dma_start3A_624 = arith.constant 6 : i32
    %dma_start3A_625 = arith.constant 0 : i32
    %dma_start3A_626 = arith.constant 5 : i32
    %dma_start3A_627 = arith.constant 768 : i32
    %dma_start3A_628 = tpu.memref_slice %arg12[%dma_start3A_625, %dma_start3A_626, %dma_start3A_627] : memref<2x6x1024xf32, #tpu.memory_space<vmem>> -> memref<1x1x128xf32, #tpu.memory_space<vmem>>
    %dma_start3A_629 = tpu.memref_squeeze %dma_start3A_628 : memref<1x1x128xf32, #tpu.memory_space<vmem>> -> memref<128xf32, #tpu.memory_space<vmem>>
    %dma_start3A_630 = arith.constant 0 : i32
    %dma_start3A_631 = tpu.memref_slice %arg11[%dma_start3A_622, %dma_start3A_623, %dma_start3A_624, %dma_start3A_630] : memref<3x16x8x128xi32, #tpu.memory_space<vmem>> -> memref<1x1x1x128xi32, #tpu.memory_space<vmem>>
    %dma_start3A_632 = tpu.memref_squeeze %dma_start3A_631 : memref<1x1x1x128xi32, #tpu.memory_space<vmem>> -> memref<128xi32, #tpu.memory_space<vmem>>
    %dma_start3A_633 = arith.constant 0 : i32
    %dma_start3A_634 = tpu.memref_slice %arg7[%dma_start3A_633] : memref<1048576xf32, #tpu.memory_space<hbm>> -> memref<1048576xf32, #tpu.memory_space<hbm>>
    tpu.enqueue_indirect_dma source(%dma_start3A_634 : memref<1048576xf32, #tpu.memory_space<hbm>>) target(%dma_start3A_629 : memref<128xf32, #tpu.memory_space<vmem>>) offsets(%dma_start3A_632 : memref<128xi32, #tpu.memory_space<vmem>>) semaphore(%arg16 : memref<!tpu.dma_semaphore, #tpu.memory_space<semaphore_mem>>)
    %dma_start3A_635 = arith.constant 0 : i32
    %dma_start3A_636 = arith.constant 0 : i32
    %dma_start3A_637 = arith.constant 7 : i32
    %dma_start3A_638 = arith.constant 0 : i32
    %dma_start3A_639 = arith.constant 5 : i32
    %dma_start3A_640 = arith.constant 896 : i32
    %dma_start3A_641 = tpu.memref_slice %arg12[%dma_start3A_638, %dma_start3A_639, %dma_start3A_640] : memref<2x6x1024xf32, #tpu.memory_space<vmem>> -> memref<1x1x128xf32, #tpu.memory_space<vmem>>
    %dma_start3A_642 = tpu.memref_squeeze %dma_start3A_641 : memref<1x1x128xf32, #tpu.memory_space<vmem>> -> memref<128xf32, #tpu.memory_space<vmem>>
    %dma_start3A_643 = arith.constant 0 : i32
    %dma_start3A_644 = tpu.memref_slice %arg11[%dma_start3A_635, %dma_start3A_636, %dma_start3A_637, %dma_start3A_643] : memref<3x16x8x128xi32, #tpu.memory_space<vmem>> -> memref<1x1x1x128xi32, #tpu.memory_space<vmem>>
    %dma_start3A_645 = tpu.memref_squeeze %dma_start3A_644 : memref<1x1x1x128xi32, #tpu.memory_space<vmem>> -> memref<128xi32, #tpu.memory_space<vmem>>
    %dma_start3A_646 = arith.constant 0 : i32
    %dma_start3A_647 = tpu.memref_slice %arg7[%dma_start3A_646] : memref<1048576xf32, #tpu.memory_space<hbm>> -> memref<1048576xf32, #tpu.memory_space<hbm>>
    tpu.enqueue_indirect_dma source(%dma_start3A_647 : memref<1048576xf32, #tpu.memory_space<hbm>>) target(%dma_start3A_642 : memref<128xf32, #tpu.memory_space<vmem>>) offsets(%dma_start3A_645 : memref<128xi32, #tpu.memory_space<vmem>>) semaphore(%arg16 : memref<!tpu.dma_semaphore, #tpu.memory_space<semaphore_mem>>)
    %scan3A = arith.constant 0 : i32
    %scan3A_648 = arith.constant 21 : i32
    %scan3A_649 = arith.addi %scan3A, %scan3A_648 : i32
    %scan3A_650 = arith.constant 1 : i32
    %scan3A_651 = scf.for %scan3A_656 = %scan3A to %scan3A_649 step %scan3A_650 iter_args(%scan3A_657 = %broadcast_in_dim3A_1) -> (vector<16xf32>)  : i32 {
      %add3A_658 = arith.constant 1 : i32
      %add3A_659 = arith.addi %scan3A_656, %add3A_658 : i32
      %lt3A = arith.constant 21 : i32
      %lt3A_660 = arith.cmpi slt, %add3A_659, %lt3A : i32
      %convert_element_type3A = arith.extui %lt3A_660 : i1 to i32
      %cond3A = arith.constant 0 : i32
      %cond3A_661 = arith.cmpi ne, %convert_element_type3A, %cond3A : i32
      scf.if %cond3A_661 {
        %dma_wait3A = arith.constant 0 : i32
        %dma_wait3A_708 = arith.constant 0 : i32
        %dma_wait3A_709 = arith.constant 0 : i32
        %dma_wait3A_710 = arith.constant 0 : i32
        %dma_wait3A_711 = tpu.memref_slice %arg11[%dma_wait3A, %dma_wait3A_708, %dma_wait3A_709, %dma_wait3A_710] : memref<3x16x8x128xi32, #tpu.memory_space<vmem>> -> memref<1x16x8x128xi32, #tpu.memory_space<vmem>>
        %dma_wait3A_712 = tpu.memref_squeeze %dma_wait3A_711 : memref<1x16x8x128xi32, #tpu.memory_space<vmem>> -> memref<16x8x128xi32, #tpu.memory_space<vmem>>
        %dma_wait3A_713 = arith.constant 0 : i32
        %dma_wait3A_714 = arith.constant 0 : i32
        %dma_wait3A_715 = arith.constant 0 : i32
        %dma_wait3A_716 = tpu.memref_slice %arg8[%add3A, %dma_wait3A_713, %dma_wait3A_714, %dma_wait3A_715] : memref<32x336x8x128xi32, #tpu.memory_space<hbm>> -> memref<1x16x8x128xi32, #tpu.memory_space<hbm>>
        %dma_wait3A_717 = tpu.memref_squeeze %dma_wait3A_716 : memref<1x16x8x128xi32, #tpu.memory_space<hbm>> -> memref<16x8x128xi32, #tpu.memory_space<hbm>>
        %dma_wait3A_718 = arith.constant 0 : i32
        %dma_wait3A_719 = arith.constant 0 : i32
        %dma_wait3A_720 = arith.constant 0 : i32
        %dma_wait3A_721 = tpu.memref_slice %arg11[%dma_wait3A, %dma_wait3A_718, %dma_wait3A_719, %dma_wait3A_720] : memref<3x16x8x128xi32, #tpu.memory_space<vmem>> -> memref<1x16x8x128xi32, #tpu.memory_space<vmem>>
        %dma_wait3A_722 = tpu.memref_squeeze %dma_wait3A_721 : memref<1x16x8x128xi32, #tpu.memory_space<vmem>> -> memref<16x8x128xi32, #tpu.memory_space<vmem>>
        %dma_wait3A_723 = arith.constant 0 : i32
        %dma_wait3A_724 = arith.constant 0 : i32
        %dma_wait3A_725 = arith.constant 0 : i32
        %dma_wait3A_726 = tpu.memref_slice %arg8[%add3A, %dma_wait3A_723, %dma_wait3A_724, %dma_wait3A_725] : memref<32x336x8x128xi32, #tpu.memory_space<hbm>> -> memref<1x16x8x128xi32, #tpu.memory_space<hbm>>
        %dma_wait3A_727 = tpu.memref_squeeze %dma_wait3A_726 : memref<1x16x8x128xi32, #tpu.memory_space<hbm>> -> memref<16x8x128xi32, #tpu.memory_space<hbm>>
        tpu.wait_dma2 semaphore(%arg15 : memref<!tpu.dma_semaphore, #tpu.memory_space<semaphore_mem>>) src(%dma_wait3A_727 : memref<16x8x128xi32, #tpu.memory_space<hbm>>) dst(%dma_wait3A_722 : memref<16x8x128xi32, #tpu.memory_space<vmem>>)
      } else {
      }
      %add3A_662 = arith.constant 2 : i32
      %add3A_663 = arith.addi %scan3A_656, %add3A_662 : i32
      %lt3A_664 = arith.constant 21 : i32
      %lt3A_665 = arith.cmpi slt, %add3A_663, %lt3A_664 : i32
      %convert_element_type3A_666 = arith.extui %lt3A_665 : i1 to i32
      %cond3A_667 = arith.constant 0 : i32
      %cond3A_668 = arith.cmpi ne, %convert_element_type3A_666, %cond3A_667 : i32
      scf.if %cond3A_668 {
        %add3A_708 = arith.constant 2 : i32
        %add3A_709 = arith.addi %scan3A_656, %add3A_708 : i32
        %mul3A_710 = arith.constant 16 : i32
        %mul3A_711 = arith.muli %add3A_709, %mul3A_710 : i32
        %add3A_712 = arith.constant 2 : i32
        %add3A_713 = arith.addi %scan3A_656, %add3A_712 : i32
        %jit3A = arith.constant 3 : i32
        %eq3A = arith.constant 0 : i32
        %eq3A_714 = arith.cmpi eq, %jit3A, %eq3A : i32
        %jit3A_715 = arith.constant 1 : i32
        %select_n3A = arith.select %eq3A_714, %jit3A_715, %jit3A : i32
        %rem3A = arith.remsi %add3A_713, %select_n3A : i32
        %ne3A = arith.constant 0 : i32
        %ne3A_716 = arith.cmpi ne, %rem3A, %ne3A : i32
        %lt3A_717 = arith.constant 0 : i32
        %lt3A_718 = arith.cmpi slt, %rem3A, %lt3A_717 : i32
        %lt3A_719 = arith.constant 0 : i32
        %lt3A_720 = arith.cmpi slt, %select_n3A, %lt3A_719 : i32
        %ne3A_721 = arith.xori %lt3A_718, %lt3A_720 : i1
        %and3A = arith.andi %ne3A_721, %ne3A_716 : i1
        %add3A_722 = arith.addi %rem3A, %select_n3A : i32
        %select_n3A_723 = arith.select %and3A, %add3A_722, %rem3A : i32
        %dma_start3A_724 = arith.constant 0 : i32
        %dma_start3A_725 = arith.constant 0 : i32
        %dma_start3A_726 = arith.constant 0 : i32
        %dma_start3A_727 = tpu.memref_slice %arg11[%select_n3A_723, %dma_start3A_724, %dma_start3A_725, %dma_start3A_726] : memref<3x16x8x128xi32, #tpu.memory_space<vmem>> -> memref<1x16x8x128xi32, #tpu.memory_space<vmem>>
        %dma_start3A_728 = tpu.memref_squeeze %dma_start3A_727 : memref<1x16x8x128xi32, #tpu.memory_space<vmem>> -> memref<16x8x128xi32, #tpu.memory_space<vmem>>
        %dma_start3A_729 = arith.constant 0 : i32
        %dma_start3A_730 = arith.constant 0 : i32
        %dma_start3A_731 = tpu.memref_slice %arg8[%add3A, %mul3A_711, %dma_start3A_729, %dma_start3A_730] : memref<32x336x8x128xi32, #tpu.memory_space<hbm>> -> memref<1x16x8x128xi32, #tpu.memory_space<hbm>>
        %dma_start3A_732 = tpu.memref_squeeze %dma_start3A_731 : memref<1x16x8x128xi32, #tpu.memory_space<hbm>> -> memref<16x8x128xi32, #tpu.memory_space<hbm>>
        %dma_start3A_733 = arith.constant 0 : i32
        %dma_start3A_734 = arith.constant 0 : i32
        %dma_start3A_735 = arith.constant 0 : i32
        %dma_start3A_736 = tpu.memref_slice %arg11[%select_n3A_723, %dma_start3A_733, %dma_start3A_734, %dma_start3A_735] : memref<3x16x8x128xi32, #tpu.memory_space<vmem>> -> memref<1x16x8x128xi32, #tpu.memory_space<vmem>>
        %dma_start3A_737 = tpu.memref_squeeze %dma_start3A_736 : memref<1x16x8x128xi32, #tpu.memory_space<vmem>> -> memref<16x8x128xi32, #tpu.memory_space<vmem>>
        %dma_start3A_738 = arith.constant 0 : i32
        %dma_start3A_739 = arith.constant 0 : i32
        %dma_start3A_740 = tpu.memref_slice %arg8[%add3A, %mul3A_711, %dma_start3A_738, %dma_start3A_739] : memref<32x336x8x128xi32, #tpu.memory_space<hbm>> -> memref<1x16x8x128xi32, #tpu.memory_space<hbm>>
        %dma_start3A_741 = tpu.memref_squeeze %dma_start3A_740 : memref<1x16x8x128xi32, #tpu.memory_space<hbm>> -> memref<16x8x128xi32, #tpu.memory_space<hbm>>
        tpu.enqueue_dma source(%dma_start3A_741 : memref<16x8x128xi32, #tpu.memory_space<hbm>>) target(%dma_start3A_737 : memref<16x8x128xi32, #tpu.memory_space<vmem>>) target_semaphore(%arg15 : memref<!tpu.dma_semaphore, #tpu.memory_space<semaphore_mem>>)
      } else {
      }
      %scan3A_669 = arith.constant 0 : i32
      %scan3A_670 = arith.constant 8 : i32
      %scan3A_671 = arith.addi %scan3A_669, %scan3A_670 : i32
      %scan3A_672 = arith.constant 1 : i32
      %scan3A_673 = scf.for %scan3A_708 = %scan3A_669 to %scan3A_671 step %scan3A_672 iter_args(%scan3A_709 = %broadcast_in_dim3A_1) -> (vector<16xf32>)  : i32 {
        %mul3A_710 = arith.constant 16 : i32
        %mul3A_711 = arith.muli %scan3A_656, %mul3A_710 : i32
        %mul3A_712 = arith.constant 2 : i32
        %mul3A_713 = arith.muli %mul3A_712, %scan3A_708 : i32
        %add3A_714 = arith.addi %mul3A_711, %mul3A_713 : i32
        %add3A_715 = arith.constant 1 : i32
        %add3A_716 = arith.addi %add3A_714, %add3A_715 : i32
        %jit3A = arith.constant 16 : i32
        %div3A = arith.divsi %add3A_716, %jit3A : i32
        %sign3A = arith.constant 0 : i32
        %sign3A_717 = arith.cmpi sgt, %add3A_716, %sign3A : i32
        %sign3A_718 = arith.extui %sign3A_717 : i1 to i32
        %sign3A_719 = arith.constant 0 : i32
        %sign3A_720 = arith.cmpi slt, %add3A_716, %sign3A_719 : i32
        %sign3A_721 = arith.extui %sign3A_720 : i1 to i32
        %sign3A_722 = arith.subi %sign3A_718, %sign3A_721 : i32
        %sign3A_723 = arith.constant 0 : i32
        %sign3A_724 = arith.cmpi sgt, %jit3A, %sign3A_723 : i32
        %sign3A_725 = arith.extui %sign3A_724 : i1 to i32
        %sign3A_726 = arith.constant 0 : i32
        %sign3A_727 = arith.cmpi slt, %jit3A, %sign3A_726 : i32
        %sign3A_728 = arith.extui %sign3A_727 : i1 to i32
        %sign3A_729 = arith.subi %sign3A_725, %sign3A_728 : i32
        %ne3A = arith.cmpi ne, %sign3A_722, %sign3A_729 : i32
        %rem3A = arith.remsi %add3A_716, %jit3A : i32
        %ne3A_730 = arith.constant 0 : i32
        %ne3A_731 = arith.cmpi ne, %rem3A, %ne3A_730 : i32
        %and3A = arith.andi %ne3A, %ne3A_731 : i1
        %sub3A_732 = arith.constant 1 : i32
        %sub3A_733 = arith.subi %div3A, %sub3A_732 : i32
        %select_n3A = arith.select %and3A, %sub3A_733, %div3A : i32
        %jit3A_734 = arith.constant 3 : i32
        %eq3A = arith.constant 0 : i32
        %eq3A_735 = arith.cmpi eq, %jit3A_734, %eq3A : i32
        %jit3A_736 = arith.constant 1 : i32
        %select_n3A_737 = arith.select %eq3A_735, %jit3A_736, %jit3A_734 : i32
        %rem3A_738 = arith.remsi %select_n3A, %select_n3A_737 : i32
        %ne3A_739 = arith.constant 0 : i32
        %ne3A_740 = arith.cmpi ne, %rem3A_738, %ne3A_739 : i32
        %lt3A_741 = arith.constant 0 : i32
        %lt3A_742 = arith.cmpi slt, %rem3A_738, %lt3A_741 : i32
        %lt3A_743 = arith.constant 0 : i32
        %lt3A_744 = arith.cmpi slt, %select_n3A_737, %lt3A_743 : i32
        %ne3A_745 = arith.xori %lt3A_742, %lt3A_744 : i1
        %and3A_746 = arith.andi %ne3A_745, %ne3A_740 : i1
        %add3A_747 = arith.addi %rem3A_738, %select_n3A_737 : i32
        %select_n3A_748 = arith.select %and3A_746, %add3A_747, %rem3A_738 : i32
        %jit3A_749 = arith.constant 16 : i32
        %eq3A_750 = arith.constant 0 : i32
        %eq3A_751 = arith.cmpi eq, %jit3A_749, %eq3A_750 : i32
        %jit3A_752 = arith.constant 1 : i32
        %select_n3A_753 = arith.select %eq3A_751, %jit3A_752, %jit3A_749 : i32
        %rem3A_754 = arith.remsi %add3A_716, %select_n3A_753 : i32
        %ne3A_755 = arith.constant 0 : i32
        %ne3A_756 = arith.cmpi ne, %rem3A_754, %ne3A_755 : i32
        %lt3A_757 = arith.constant 0 : i32
        %lt3A_758 = arith.cmpi slt, %rem3A_754, %lt3A_757 : i32
        %lt3A_759 = arith.constant 0 : i32
        %lt3A_760 = arith.cmpi slt, %select_n3A_753, %lt3A_759 : i32
        %ne3A_761 = arith.xori %lt3A_758, %lt3A_760 : i1
        %and3A_762 = arith.andi %ne3A_761, %ne3A_756 : i1
        %add3A_763 = arith.addi %rem3A_754, %select_n3A_753 : i32
        %select_n3A_764 = arith.select %and3A_762, %add3A_763, %rem3A_754 : i32
        %dma_start3A_765 = arith.constant 0 : i32
        %dma_start3A_766 = arith.constant 1 : i32
        %dma_start3A_767 = arith.constant 0 : i32
        %dma_start3A_768 = arith.constant 0 : i32
        %dma_start3A_769 = tpu.memref_slice %arg12[%dma_start3A_766, %dma_start3A_767, %dma_start3A_768] : memref<2x6x1024xf32, #tpu.memory_space<vmem>> -> memref<1x1x128xf32, #tpu.memory_space<vmem>>
        %dma_start3A_770 = tpu.memref_squeeze %dma_start3A_769 : memref<1x1x128xf32, #tpu.memory_space<vmem>> -> memref<128xf32, #tpu.memory_space<vmem>>
        %dma_start3A_771 = arith.constant 0 : i32
        %dma_start3A_772 = tpu.memref_slice %arg11[%select_n3A_748, %select_n3A_764, %dma_start3A_765, %dma_start3A_771] : memref<3x16x8x128xi32, #tpu.memory_space<vmem>> -> memref<1x1x1x128xi32, #tpu.memory_space<vmem>>
        %dma_start3A_773 = tpu.memref_squeeze %dma_start3A_772 : memref<1x1x1x128xi32, #tpu.memory_space<vmem>> -> memref<128xi32, #tpu.memory_space<vmem>>
        %dma_start3A_774 = arith.constant 0 : i32
        %dma_start3A_775 = tpu.memref_slice %arg2[%dma_start3A_774] : memref<1048576xf32, #tpu.memory_space<hbm>> -> memref<1048576xf32, #tpu.memory_space<hbm>>
        tpu.enqueue_indirect_dma source(%dma_start3A_775 : memref<1048576xf32, #tpu.memory_space<hbm>>) target(%dma_start3A_770 : memref<128xf32, #tpu.memory_space<vmem>>) offsets(%dma_start3A_773 : memref<128xi32, #tpu.memory_space<vmem>>) semaphore(%arg17 : memref<!tpu.dma_semaphore, #tpu.memory_space<semaphore_mem>>)
        %dma_start3A_776 = arith.constant 1 : i32
        %dma_start3A_777 = arith.constant 1 : i32
        %dma_start3A_778 = arith.constant 0 : i32
        %dma_start3A_779 = arith.constant 128 : i32
        %dma_start3A_780 = tpu.memref_slice %arg12[%dma_start3A_777, %dma_start3A_778, %dma_start3A_779] : memref<2x6x1024xf32, #tpu.memory_space<vmem>> -> memref<1x1x128xf32, #tpu.memory_space<vmem>>
        %dma_start3A_781 = tpu.memref_squeeze %dma_start3A_780 : memref<1x1x128xf32, #tpu.memory_space<vmem>> -> memref<128xf32, #tpu.memory_space<vmem>>
        %dma_start3A_782 = arith.constant 0 : i32
        %dma_start3A_783 = tpu.memref_slice %arg11[%select_n3A_748, %select_n3A_764, %dma_start3A_776, %dma_start3A_782] : memref<3x16x8x128xi32, #tpu.memory_space<vmem>> -> memref<1x1x1x128xi32, #tpu.memory_space<vmem>>
        %dma_start3A_784 = tpu.memref_squeeze %dma_start3A_783 : memref<1x1x1x128xi32, #tpu.memory_space<vmem>> -> memref<128xi32, #tpu.memory_space<vmem>>
        %dma_start3A_785 = arith.constant 0 : i32
        %dma_start3A_786 = tpu.memref_slice %arg2[%dma_start3A_785] : memref<1048576xf32, #tpu.memory_space<hbm>> -> memref<1048576xf32, #tpu.memory_space<hbm>>
        tpu.enqueue_indirect_dma source(%dma_start3A_786 : memref<1048576xf32, #tpu.memory_space<hbm>>) target(%dma_start3A_781 : memref<128xf32, #tpu.memory_space<vmem>>) offsets(%dma_start3A_784 : memref<128xi32, #tpu.memory_space<vmem>>) semaphore(%arg17 : memref<!tpu.dma_semaphore, #tpu.memory_space<semaphore_mem>>)
        %dma_start3A_787 = arith.constant 2 : i32
        %dma_start3A_788 = arith.constant 1 : i32
        %dma_start3A_789 = arith.constant 0 : i32
        %dma_start3A_790 = arith.constant 256 : i32
        %dma_start3A_791 = tpu.memref_slice %arg12[%dma_start3A_788, %dma_start3A_789, %dma_start3A_790] : memref<2x6x1024xf32, #tpu.memory_space<vmem>> -> memref<1x1x128xf32, #tpu.memory_space<vmem>>
        %dma_start3A_792 = tpu.memref_squeeze %dma_start3A_791 : memref<1x1x128xf32, #tpu.memory_space<vmem>> -> memref<128xf32, #tpu.memory_space<vmem>>
        %dma_start3A_793 = arith.constant 0 : i32
        %dma_start3A_794 = tpu.memref_slice %arg11[%select_n3A_748, %select_n3A_764, %dma_start3A_787, %dma_start3A_793] : memref<3x16x8x128xi32, #tpu.memory_space<vmem>> -> memref<1x1x1x128xi32, #tpu.memory_space<vmem>>
        %dma_start3A_795 = tpu.memref_squeeze %dma_start3A_794 : memref<1x1x1x128xi32, #tpu.memory_space<vmem>> -> memref<128xi32, #tpu.memory_space<vmem>>
        %dma_start3A_796 = arith.constant 0 : i32
        %dma_start3A_797 = tpu.memref_slice %arg2[%dma_start3A_796] : memref<1048576xf32, #tpu.memory_space<hbm>> -> memref<1048576xf32, #tpu.memory_space<hbm>>
        tpu.enqueue_indirect_dma source(%dma_start3A_797 : memref<1048576xf32, #tpu.memory_space<hbm>>) target(%dma_start3A_792 : memref<128xf32, #tpu.memory_space<vmem>>) offsets(%dma_start3A_795 : memref<128xi32, #tpu.memory_space<vmem>>) semaphore(%arg17 : memref<!tpu.dma_semaphore, #tpu.memory_space<semaphore_mem>>)
        %dma_start3A_798 = arith.constant 3 : i32
        %dma_start3A_799 = arith.constant 1 : i32
        %dma_start3A_800 = arith.constant 0 : i32
        %dma_start3A_801 = arith.constant 384 : i32
        %dma_start3A_802 = tpu.memref_slice %arg12[%dma_start3A_799, %dma_start3A_800, %dma_start3A_801] : memref<2x6x1024xf32, #tpu.memory_space<vmem>> -> memref<1x1x128xf32, #tpu.memory_space<vmem>>
        %dma_start3A_803 = tpu.memref_squeeze %dma_start3A_802 : memref<1x1x128xf32, #tpu.memory_space<vmem>> -> memref<128xf32, #tpu.memory_space<vmem>>
        %dma_start3A_804 = arith.constant 0 : i32
        %dma_start3A_805 = tpu.memref_slice %arg11[%select_n3A_748, %select_n3A_764, %dma_start3A_798, %dma_start3A_804] : memref<3x16x8x128xi32, #tpu.memory_space<vmem>> -> memref<1x1x1x128xi32, #tpu.memory_space<vmem>>
        %dma_start3A_806 = tpu.memref_squeeze %dma_start3A_805 : memref<1x1x1x128xi32, #tpu.memory_space<vmem>> -> memref<128xi32, #tpu.memory_space<vmem>>
        %dma_start3A_807 = arith.constant 0 : i32
        %dma_start3A_808 = tpu.memref_slice %arg2[%dma_start3A_807] : memref<1048576xf32, #tpu.memory_space<hbm>> -> memref<1048576xf32, #tpu.memory_space<hbm>>
        tpu.enqueue_indirect_dma source(%dma_start3A_808 : memref<1048576xf32, #tpu.memory_space<hbm>>) target(%dma_start3A_803 : memref<128xf32, #tpu.memory_space<vmem>>) offsets(%dma_start3A_806 : memref<128xi32, #tpu.memory_space<vmem>>) semaphore(%arg17 : memref<!tpu.dma_semaphore, #tpu.memory_space<semaphore_mem>>)
        %dma_start3A_809 = arith.constant 4 : i32
        %dma_start3A_810 = arith.constant 1 : i32
        %dma_start3A_811 = arith.constant 0 : i32
        %dma_start3A_812 = arith.constant 512 : i32
        %dma_start3A_813 = tpu.memref_slice %arg12[%dma_start3A_810, %dma_start3A_811, %dma_start3A_812] : memref<2x6x1024xf32, #tpu.memory_space<vmem>> -> memref<1x1x128xf32, #tpu.memory_space<vmem>>
        %dma_start3A_814 = tpu.memref_squeeze %dma_start3A_813 : memref<1x1x128xf32, #tpu.memory_space<vmem>> -> memref<128xf32, #tpu.memory_space<vmem>>
        %dma_start3A_815 = arith.constant 0 : i32
        %dma_start3A_816 = tpu.memref_slice %arg11[%select_n3A_748, %select_n3A_764, %dma_start3A_809, %dma_start3A_815] : memref<3x16x8x128xi32, #tpu.memory_space<vmem>> -> memref<1x1x1x128xi32, #tpu.memory_space<vmem>>
        %dma_start3A_817 = tpu.memref_squeeze %dma_start3A_816 : memref<1x1x1x128xi32, #tpu.memory_space<vmem>> -> memref<128xi32, #tpu.memory_space<vmem>>
        %dma_start3A_818 = arith.constant 0 : i32
        %dma_start3A_819 = tpu.memref_slice %arg2[%dma_start3A_818] : memref<1048576xf32, #tpu.memory_space<hbm>> -> memref<1048576xf32, #tpu.memory_space<hbm>>
        tpu.enqueue_indirect_dma source(%dma_start3A_819 : memref<1048576xf32, #tpu.memory_space<hbm>>) target(%dma_start3A_814 : memref<128xf32, #tpu.memory_space<vmem>>) offsets(%dma_start3A_817 : memref<128xi32, #tpu.memory_space<vmem>>) semaphore(%arg17 : memref<!tpu.dma_semaphore, #tpu.memory_space<semaphore_mem>>)
        %dma_start3A_820 = arith.constant 5 : i32
        %dma_start3A_821 = arith.constant 1 : i32
        %dma_start3A_822 = arith.constant 0 : i32
        %dma_start3A_823 = arith.constant 640 : i32
        %dma_start3A_824 = tpu.memref_slice %arg12[%dma_start3A_821, %dma_start3A_822, %dma_start3A_823] : memref<2x6x1024xf32, #tpu.memory_space<vmem>> -> memref<1x1x128xf32, #tpu.memory_space<vmem>>
        %dma_start3A_825 = tpu.memref_squeeze %dma_start3A_824 : memref<1x1x128xf32, #tpu.memory_space<vmem>> -> memref<128xf32, #tpu.memory_space<vmem>>
        %dma_start3A_826 = arith.constant 0 : i32
        %dma_start3A_827 = tpu.memref_slice %arg11[%select_n3A_748, %select_n3A_764, %dma_start3A_820, %dma_start3A_826] : memref<3x16x8x128xi32, #tpu.memory_space<vmem>> -> memref<1x1x1x128xi32, #tpu.memory_space<vmem>>
        %dma_start3A_828 = tpu.memref_squeeze %dma_start3A_827 : memref<1x1x1x128xi32, #tpu.memory_space<vmem>> -> memref<128xi32, #tpu.memory_space<vmem>>
        %dma_start3A_829 = arith.constant 0 : i32
        %dma_start3A_830 = tpu.memref_slice %arg2[%dma_start3A_829] : memref<1048576xf32, #tpu.memory_space<hbm>> -> memref<1048576xf32, #tpu.memory_space<hbm>>
        tpu.enqueue_indirect_dma source(%dma_start3A_830 : memref<1048576xf32, #tpu.memory_space<hbm>>) target(%dma_start3A_825 : memref<128xf32, #tpu.memory_space<vmem>>) offsets(%dma_start3A_828 : memref<128xi32, #tpu.memory_space<vmem>>) semaphore(%arg17 : memref<!tpu.dma_semaphore, #tpu.memory_space<semaphore_mem>>)
        %dma_start3A_831 = arith.constant 6 : i32
        %dma_start3A_832 = arith.constant 1 : i32
        %dma_start3A_833 = arith.constant 0 : i32
        %dma_start3A_834 = arith.constant 768 : i32
        %dma_start3A_835 = tpu.memref_slice %arg12[%dma_start3A_832, %dma_start3A_833, %dma_start3A_834] : memref<2x6x1024xf32, #tpu.memory_space<vmem>> -> memref<1x1x128xf32, #tpu.memory_space<vmem>>
        %dma_start3A_836 = tpu.memref_squeeze %dma_start3A_835 : memref<1x1x128xf32, #tpu.memory_space<vmem>> -> memref<128xf32, #tpu.memory_space<vmem>>
        %dma_start3A_837 = arith.constant 0 : i32
        %dma_start3A_838 = tpu.memref_slice %arg11[%select_n3A_748, %select_n3A_764, %dma_start3A_831, %dma_start3A_837] : memref<3x16x8x128xi32, #tpu.memory_space<vmem>> -> memref<1x1x1x128xi32, #tpu.memory_space<vmem>>
        %dma_start3A_839 = tpu.memref_squeeze %dma_start3A_838 : memref<1x1x1x128xi32, #tpu.memory_space<vmem>> -> memref<128xi32, #tpu.memory_space<vmem>>
        %dma_start3A_840 = arith.constant 0 : i32
        %dma_start3A_841 = tpu.memref_slice %arg2[%dma_start3A_840] : memref<1048576xf32, #tpu.memory_space<hbm>> -> memref<1048576xf32, #tpu.memory_space<hbm>>
        tpu.enqueue_indirect_dma source(%dma_start3A_841 : memref<1048576xf32, #tpu.memory_space<hbm>>) target(%dma_start3A_836 : memref<128xf32, #tpu.memory_space<vmem>>) offsets(%dma_start3A_839 : memref<128xi32, #tpu.memory_space<vmem>>) semaphore(%arg17 : memref<!tpu.dma_semaphore, #tpu.memory_space<semaphore_mem>>)
        %dma_start3A_842 = arith.constant 7 : i32
        %dma_start3A_843 = arith.constant 1 : i32
        %dma_start3A_844 = arith.constant 0 : i32
        %dma_start3A_845 = arith.constant 896 : i32
        %dma_start3A_846 = tpu.memref_slice %arg12[%dma_start3A_843, %dma_start3A_844, %dma_start3A_845] : memref<2x6x1024xf32, #tpu.memory_space<vmem>> -> memref<1x1x128xf32, #tpu.memory_space<vmem>>
        %dma_start3A_847 = tpu.memref_squeeze %dma_start3A_846 : memref<1x1x128xf32, #tpu.memory_space<vmem>> -> memref<128xf32, #tpu.memory_space<vmem>>
        %dma_start3A_848 = arith.constant 0 : i32
        %dma_start3A_849 = tpu.memref_slice %arg11[%select_n3A_748, %select_n3A_764, %dma_start3A_842, %dma_start3A_848] : memref<3x16x8x128xi32, #tpu.memory_space<vmem>> -> memref<1x1x1x128xi32, #tpu.memory_space<vmem>>
        %dma_start3A_850 = tpu.memref_squeeze %dma_start3A_849 : memref<1x1x1x128xi32, #tpu.memory_space<vmem>> -> memref<128xi32, #tpu.memory_space<vmem>>
        %dma_start3A_851 = arith.constant 0 : i32
        %dma_start3A_852 = tpu.memref_slice %arg2[%dma_start3A_851] : memref<1048576xf32, #tpu.memory_space<hbm>> -> memref<1048576xf32, #tpu.memory_space<hbm>>
        tpu.enqueue_indirect_dma source(%dma_start3A_852 : memref<1048576xf32, #tpu.memory_space<hbm>>) target(%dma_start3A_847 : memref<128xf32, #tpu.memory_space<vmem>>) offsets(%dma_start3A_850 : memref<128xi32, #tpu.memory_space<vmem>>) semaphore(%arg17 : memref<!tpu.dma_semaphore, #tpu.memory_space<semaphore_mem>>)
        %dma_start3A_853 = arith.constant 0 : i32
        %dma_start3A_854 = arith.constant 1 : i32
        %dma_start3A_855 = arith.constant 1 : i32
        %dma_start3A_856 = arith.constant 0 : i32
        %dma_start3A_857 = tpu.memref_slice %arg12[%dma_start3A_854, %dma_start3A_855, %dma_start3A_856] : memref<2x6x1024xf32, #tpu.memory_space<vmem>> -> memref<1x1x128xf32, #tpu.memory_space<vmem>>
        %dma_start3A_858 = tpu.memref_squeeze %dma_start3A_857 : memref<1x1x128xf32, #tpu.memory_space<vmem>> -> memref<128xf32, #tpu.memory_space<vmem>>
        %dma_start3A_859 = arith.constant 0 : i32
        %dma_start3A_860 = tpu.memref_slice %arg11[%select_n3A_748, %select_n3A_764, %dma_start3A_853, %dma_start3A_859] : memref<3x16x8x128xi32, #tpu.memory_space<vmem>> -> memref<1x1x1x128xi32, #tpu.memory_space<vmem>>
        %dma_start3A_861 = tpu.memref_squeeze %dma_start3A_860 : memref<1x1x1x128xi32, #tpu.memory_space<vmem>> -> memref<128xi32, #tpu.memory_space<vmem>>
        %dma_start3A_862 = arith.constant 0 : i32
        %dma_start3A_863 = tpu.memref_slice %arg3[%dma_start3A_862] : memref<1048576xf32, #tpu.memory_space<hbm>> -> memref<1048576xf32, #tpu.memory_space<hbm>>
        tpu.enqueue_indirect_dma source(%dma_start3A_863 : memref<1048576xf32, #tpu.memory_space<hbm>>) target(%dma_start3A_858 : memref<128xf32, #tpu.memory_space<vmem>>) offsets(%dma_start3A_861 : memref<128xi32, #tpu.memory_space<vmem>>) semaphore(%arg17 : memref<!tpu.dma_semaphore, #tpu.memory_space<semaphore_mem>>)
        %dma_start3A_864 = arith.constant 1 : i32
        %dma_start3A_865 = arith.constant 1 : i32
        %dma_start3A_866 = arith.constant 1 : i32
        %dma_start3A_867 = arith.constant 128 : i32
        %dma_start3A_868 = tpu.memref_slice %arg12[%dma_start3A_865, %dma_start3A_866, %dma_start3A_867] : memref<2x6x1024xf32, #tpu.memory_space<vmem>> -> memref<1x1x128xf32, #tpu.memory_space<vmem>>
        %dma_start3A_869 = tpu.memref_squeeze %dma_start3A_868 : memref<1x1x128xf32, #tpu.memory_space<vmem>> -> memref<128xf32, #tpu.memory_space<vmem>>
        %dma_start3A_870 = arith.constant 0 : i32
        %dma_start3A_871 = tpu.memref_slice %arg11[%select_n3A_748, %select_n3A_764, %dma_start3A_864, %dma_start3A_870] : memref<3x16x8x128xi32, #tpu.memory_space<vmem>> -> memref<1x1x1x128xi32, #tpu.memory_space<vmem>>
        %dma_start3A_872 = tpu.memref_squeeze %dma_start3A_871 : memref<1x1x1x128xi32, #tpu.memory_space<vmem>> -> memref<128xi32, #tpu.memory_space<vmem>>
        %dma_start3A_873 = arith.constant 0 : i32
        %dma_start3A_874 = tpu.memref_slice %arg3[%dma_start3A_873] : memref<1048576xf32, #tpu.memory_space<hbm>> -> memref<1048576xf32, #tpu.memory_space<hbm>>
        tpu.enqueue_indirect_dma source(%dma_start3A_874 : memref<1048576xf32, #tpu.memory_space<hbm>>) target(%dma_start3A_869 : memref<128xf32, #tpu.memory_space<vmem>>) offsets(%dma_start3A_872 : memref<128xi32, #tpu.memory_space<vmem>>) semaphore(%arg17 : memref<!tpu.dma_semaphore, #tpu.memory_space<semaphore_mem>>)
        %dma_start3A_875 = arith.constant 2 : i32
        %dma_start3A_876 = arith.constant 1 : i32
        %dma_start3A_877 = arith.constant 1 : i32
        %dma_start3A_878 = arith.constant 256 : i32
        %dma_start3A_879 = tpu.memref_slice %arg12[%dma_start3A_876, %dma_start3A_877, %dma_start3A_878] : memref<2x6x1024xf32, #tpu.memory_space<vmem>> -> memref<1x1x128xf32, #tpu.memory_space<vmem>>
        %dma_start3A_880 = tpu.memref_squeeze %dma_start3A_879 : memref<1x1x128xf32, #tpu.memory_space<vmem>> -> memref<128xf32, #tpu.memory_space<vmem>>
        %dma_start3A_881 = arith.constant 0 : i32
        %dma_start3A_882 = tpu.memref_slice %arg11[%select_n3A_748, %select_n3A_764, %dma_start3A_875, %dma_start3A_881] : memref<3x16x8x128xi32, #tpu.memory_space<vmem>> -> memref<1x1x1x128xi32, #tpu.memory_space<vmem>>
        %dma_start3A_883 = tpu.memref_squeeze %dma_start3A_882 : memref<1x1x1x128xi32, #tpu.memory_space<vmem>> -> memref<128xi32, #tpu.memory_space<vmem>>
        %dma_start3A_884 = arith.constant 0 : i32
        %dma_start3A_885 = tpu.memref_slice %arg3[%dma_start3A_884] : memref<1048576xf32, #tpu.memory_space<hbm>> -> memref<1048576xf32, #tpu.memory_space<hbm>>
        tpu.enqueue_indirect_dma source(%dma_start3A_885 : memref<1048576xf32, #tpu.memory_space<hbm>>) target(%dma_start3A_880 : memref<128xf32, #tpu.memory_space<vmem>>) offsets(%dma_start3A_883 : memref<128xi32, #tpu.memory_space<vmem>>) semaphore(%arg17 : memref<!tpu.dma_semaphore, #tpu.memory_space<semaphore_mem>>)
        %dma_start3A_886 = arith.constant 3 : i32
        %dma_start3A_887 = arith.constant 1 : i32
        %dma_start3A_888 = arith.constant 1 : i32
        %dma_start3A_889 = arith.constant 384 : i32
        %dma_start3A_890 = tpu.memref_slice %arg12[%dma_start3A_887, %dma_start3A_888, %dma_start3A_889] : memref<2x6x1024xf32, #tpu.memory_space<vmem>> -> memref<1x1x128xf32, #tpu.memory_space<vmem>>
        %dma_start3A_891 = tpu.memref_squeeze %dma_start3A_890 : memref<1x1x128xf32, #tpu.memory_space<vmem>> -> memref<128xf32, #tpu.memory_space<vmem>>
        %dma_start3A_892 = arith.constant 0 : i32
        %dma_start3A_893 = tpu.memref_slice %arg11[%select_n3A_748, %select_n3A_764, %dma_start3A_886, %dma_start3A_892] : memref<3x16x8x128xi32, #tpu.memory_space<vmem>> -> memref<1x1x1x128xi32, #tpu.memory_space<vmem>>
        %dma_start3A_894 = tpu.memref_squeeze %dma_start3A_893 : memref<1x1x1x128xi32, #tpu.memory_space<vmem>> -> memref<128xi32, #tpu.memory_space<vmem>>
        %dma_start3A_895 = arith.constant 0 : i32
        %dma_start3A_896 = tpu.memref_slice %arg3[%dma_start3A_895] : memref<1048576xf32, #tpu.memory_space<hbm>> -> memref<1048576xf32, #tpu.memory_space<hbm>>
        tpu.enqueue_indirect_dma source(%dma_start3A_896 : memref<1048576xf32, #tpu.memory_space<hbm>>) target(%dma_start3A_891 : memref<128xf32, #tpu.memory_space<vmem>>) offsets(%dma_start3A_894 : memref<128xi32, #tpu.memory_space<vmem>>) semaphore(%arg17 : memref<!tpu.dma_semaphore, #tpu.memory_space<semaphore_mem>>)
        %dma_start3A_897 = arith.constant 4 : i32
        %dma_start3A_898 = arith.constant 1 : i32
        %dma_start3A_899 = arith.constant 1 : i32
        %dma_start3A_900 = arith.constant 512 : i32
        %dma_start3A_901 = tpu.memref_slice %arg12[%dma_start3A_898, %dma_start3A_899, %dma_start3A_900] : memref<2x6x1024xf32, #tpu.memory_space<vmem>> -> memref<1x1x128xf32, #tpu.memory_space<vmem>>
        %dma_start3A_902 = tpu.memref_squeeze %dma_start3A_901 : memref<1x1x128xf32, #tpu.memory_space<vmem>> -> memref<128xf32, #tpu.memory_space<vmem>>
        %dma_start3A_903 = arith.constant 0 : i32
        %dma_start3A_904 = tpu.memref_slice %arg11[%select_n3A_748, %select_n3A_764, %dma_start3A_897, %dma_start3A_903] : memref<3x16x8x128xi32, #tpu.memory_space<vmem>> -> memref<1x1x1x128xi32, #tpu.memory_space<vmem>>
        %dma_start3A_905 = tpu.memref_squeeze %dma_start3A_904 : memref<1x1x1x128xi32, #tpu.memory_space<vmem>> -> memref<128xi32, #tpu.memory_space<vmem>>
        %dma_start3A_906 = arith.constant 0 : i32
        %dma_start3A_907 = tpu.memref_slice %arg3[%dma_start3A_906] : memref<1048576xf32, #tpu.memory_space<hbm>> -> memref<1048576xf32, #tpu.memory_space<hbm>>
        tpu.enqueue_indirect_dma source(%dma_start3A_907 : memref<1048576xf32, #tpu.memory_space<hbm>>) target(%dma_start3A_902 : memref<128xf32, #tpu.memory_space<vmem>>) offsets(%dma_start3A_905 : memref<128xi32, #tpu.memory_space<vmem>>) semaphore(%arg17 : memref<!tpu.dma_semaphore, #tpu.memory_space<semaphore_mem>>)
        %dma_start3A_908 = arith.constant 5 : i32
        %dma_start3A_909 = arith.constant 1 : i32
        %dma_start3A_910 = arith.constant 1 : i32
        %dma_start3A_911 = arith.constant 640 : i32
        %dma_start3A_912 = tpu.memref_slice %arg12[%dma_start3A_909, %dma_start3A_910, %dma_start3A_911] : memref<2x6x1024xf32, #tpu.memory_space<vmem>> -> memref<1x1x128xf32, #tpu.memory_space<vmem>>
        %dma_start3A_913 = tpu.memref_squeeze %dma_start3A_912 : memref<1x1x128xf32, #tpu.memory_space<vmem>> -> memref<128xf32, #tpu.memory_space<vmem>>
        %dma_start3A_914 = arith.constant 0 : i32
        %dma_start3A_915 = tpu.memref_slice %arg11[%select_n3A_748, %select_n3A_764, %dma_start3A_908, %dma_start3A_914] : memref<3x16x8x128xi32, #tpu.memory_space<vmem>> -> memref<1x1x1x128xi32, #tpu.memory_space<vmem>>
        %dma_start3A_916 = tpu.memref_squeeze %dma_start3A_915 : memref<1x1x1x128xi32, #tpu.memory_space<vmem>> -> memref<128xi32, #tpu.memory_space<vmem>>
        %dma_start3A_917 = arith.constant 0 : i32
        %dma_start3A_918 = tpu.memref_slice %arg3[%dma_start3A_917] : memref<1048576xf32, #tpu.memory_space<hbm>> -> memref<1048576xf32, #tpu.memory_space<hbm>>
        tpu.enqueue_indirect_dma source(%dma_start3A_918 : memref<1048576xf32, #tpu.memory_space<hbm>>) target(%dma_start3A_913 : memref<128xf32, #tpu.memory_space<vmem>>) offsets(%dma_start3A_916 : memref<128xi32, #tpu.memory_space<vmem>>) semaphore(%arg17 : memref<!tpu.dma_semaphore, #tpu.memory_space<semaphore_mem>>)
        %dma_start3A_919 = arith.constant 6 : i32
        %dma_start3A_920 = arith.constant 1 : i32
        %dma_start3A_921 = arith.constant 1 : i32
        %dma_start3A_922 = arith.constant 768 : i32
        %dma_start3A_923 = tpu.memref_slice %arg12[%dma_start3A_920, %dma_start3A_921, %dma_start3A_922] : memref<2x6x1024xf32, #tpu.memory_space<vmem>> -> memref<1x1x128xf32, #tpu.memory_space<vmem>>
        %dma_start3A_924 = tpu.memref_squeeze %dma_start3A_923 : memref<1x1x128xf32, #tpu.memory_space<vmem>> -> memref<128xf32, #tpu.memory_space<vmem>>
        %dma_start3A_925 = arith.constant 0 : i32
        %dma_start3A_926 = tpu.memref_slice %arg11[%select_n3A_748, %select_n3A_764, %dma_start3A_919, %dma_start3A_925] : memref<3x16x8x128xi32, #tpu.memory_space<vmem>> -> memref<1x1x1x128xi32, #tpu.memory_space<vmem>>
        %dma_start3A_927 = tpu.memref_squeeze %dma_start3A_926 : memref<1x1x1x128xi32, #tpu.memory_space<vmem>> -> memref<128xi32, #tpu.memory_space<vmem>>
        %dma_start3A_928 = arith.constant 0 : i32
        %dma_start3A_929 = tpu.memref_slice %arg3[%dma_start3A_928] : memref<1048576xf32, #tpu.memory_space<hbm>> -> memref<1048576xf32, #tpu.memory_space<hbm>>
        tpu.enqueue_indirect_dma source(%dma_start3A_929 : memref<1048576xf32, #tpu.memory_space<hbm>>) target(%dma_start3A_924 : memref<128xf32, #tpu.memory_space<vmem>>) offsets(%dma_start3A_927 : memref<128xi32, #tpu.memory_space<vmem>>) semaphore(%arg17 : memref<!tpu.dma_semaphore, #tpu.memory_space<semaphore_mem>>)
        %dma_start3A_930 = arith.constant 7 : i32
        %dma_start3A_931 = arith.constant 1 : i32
        %dma_start3A_932 = arith.constant 1 : i32
        %dma_start3A_933 = arith.constant 896 : i32
        %dma_start3A_934 = tpu.memref_slice %arg12[%dma_start3A_931, %dma_start3A_932, %dma_start3A_933] : memref<2x6x1024xf32, #tpu.memory_space<vmem>> -> memref<1x1x128xf32, #tpu.memory_space<vmem>>
        %dma_start3A_935 = tpu.memref_squeeze %dma_start3A_934 : memref<1x1x128xf32, #tpu.memory_space<vmem>> -> memref<128xf32, #tpu.memory_space<vmem>>
        %dma_start3A_936 = arith.constant 0 : i32
        %dma_start3A_937 = tpu.memref_slice %arg11[%select_n3A_748, %select_n3A_764, %dma_start3A_930, %dma_start3A_936] : memref<3x16x8x128xi32, #tpu.memory_space<vmem>> -> memref<1x1x1x128xi32, #tpu.memory_space<vmem>>
        %dma_start3A_938 = tpu.memref_squeeze %dma_start3A_937 : memref<1x1x1x128xi32, #tpu.memory_space<vmem>> -> memref<128xi32, #tpu.memory_space<vmem>>
        %dma_start3A_939 = arith.constant 0 : i32
        %dma_start3A_940 = tpu.memref_slice %arg3[%dma_start3A_939] : memref<1048576xf32, #tpu.memory_space<hbm>> -> memref<1048576xf32, #tpu.memory_space<hbm>>
        tpu.enqueue_indirect_dma source(%dma_start3A_940 : memref<1048576xf32, #tpu.memory_space<hbm>>) target(%dma_start3A_935 : memref<128xf32, #tpu.memory_space<vmem>>) offsets(%dma_start3A_938 : memref<128xi32, #tpu.memory_space<vmem>>) semaphore(%arg17 : memref<!tpu.dma_semaphore, #tpu.memory_space<semaphore_mem>>)
        %dma_start3A_941 = arith.constant 0 : i32
        %dma_start3A_942 = arith.constant 1 : i32
        %dma_start3A_943 = arith.constant 2 : i32
        %dma_start3A_944 = arith.constant 0 : i32
        %dma_start3A_945 = tpu.memref_slice %arg12[%dma_start3A_942, %dma_start3A_943, %dma_start3A_944] : memref<2x6x1024xf32, #tpu.memory_space<vmem>> -> memref<1x1x128xf32, #tpu.memory_space<vmem>>
        %dma_start3A_946 = tpu.memref_squeeze %dma_start3A_945 : memref<1x1x128xf32, #tpu.memory_space<vmem>> -> memref<128xf32, #tpu.memory_space<vmem>>
        %dma_start3A_947 = arith.constant 0 : i32
        %dma_start3A_948 = tpu.memref_slice %arg11[%select_n3A_748, %select_n3A_764, %dma_start3A_941, %dma_start3A_947] : memref<3x16x8x128xi32, #tpu.memory_space<vmem>> -> memref<1x1x1x128xi32, #tpu.memory_space<vmem>>
        %dma_start3A_949 = tpu.memref_squeeze %dma_start3A_948 : memref<1x1x1x128xi32, #tpu.memory_space<vmem>> -> memref<128xi32, #tpu.memory_space<vmem>>
        %dma_start3A_950 = arith.constant 0 : i32
        %dma_start3A_951 = tpu.memref_slice %arg4[%dma_start3A_950] : memref<1048576xf32, #tpu.memory_space<hbm>> -> memref<1048576xf32, #tpu.memory_space<hbm>>
        tpu.enqueue_indirect_dma source(%dma_start3A_951 : memref<1048576xf32, #tpu.memory_space<hbm>>) target(%dma_start3A_946 : memref<128xf32, #tpu.memory_space<vmem>>) offsets(%dma_start3A_949 : memref<128xi32, #tpu.memory_space<vmem>>) semaphore(%arg17 : memref<!tpu.dma_semaphore, #tpu.memory_space<semaphore_mem>>)
        %dma_start3A_952 = arith.constant 1 : i32
        %dma_start3A_953 = arith.constant 1 : i32
        %dma_start3A_954 = arith.constant 2 : i32
        %dma_start3A_955 = arith.constant 128 : i32
        %dma_start3A_956 = tpu.memref_slice %arg12[%dma_start3A_953, %dma_start3A_954, %dma_start3A_955] : memref<2x6x1024xf32, #tpu.memory_space<vmem>> -> memref<1x1x128xf32, #tpu.memory_space<vmem>>
        %dma_start3A_957 = tpu.memref_squeeze %dma_start3A_956 : memref<1x1x128xf32, #tpu.memory_space<vmem>> -> memref<128xf32, #tpu.memory_space<vmem>>
        %dma_start3A_958 = arith.constant 0 : i32
        %dma_start3A_959 = tpu.memref_slice %arg11[%select_n3A_748, %select_n3A_764, %dma_start3A_952, %dma_start3A_958] : memref<3x16x8x128xi32, #tpu.memory_space<vmem>> -> memref<1x1x1x128xi32, #tpu.memory_space<vmem>>
        %dma_start3A_960 = tpu.memref_squeeze %dma_start3A_959 : memref<1x1x1x128xi32, #tpu.memory_space<vmem>> -> memref<128xi32, #tpu.memory_space<vmem>>
        %dma_start3A_961 = arith.constant 0 : i32
        %dma_start3A_962 = tpu.memref_slice %arg4[%dma_start3A_961] : memref<1048576xf32, #tpu.memory_space<hbm>> -> memref<1048576xf32, #tpu.memory_space<hbm>>
        tpu.enqueue_indirect_dma source(%dma_start3A_962 : memref<1048576xf32, #tpu.memory_space<hbm>>) target(%dma_start3A_957 : memref<128xf32, #tpu.memory_space<vmem>>) offsets(%dma_start3A_960 : memref<128xi32, #tpu.memory_space<vmem>>) semaphore(%arg17 : memref<!tpu.dma_semaphore, #tpu.memory_space<semaphore_mem>>)
        %dma_start3A_963 = arith.constant 2 : i32
        %dma_start3A_964 = arith.constant 1 : i32
        %dma_start3A_965 = arith.constant 2 : i32
        %dma_start3A_966 = arith.constant 256 : i32
        %dma_start3A_967 = tpu.memref_slice %arg12[%dma_start3A_964, %dma_start3A_965, %dma_start3A_966] : memref<2x6x1024xf32, #tpu.memory_space<vmem>> -> memref<1x1x128xf32, #tpu.memory_space<vmem>>
        %dma_start3A_968 = tpu.memref_squeeze %dma_start3A_967 : memref<1x1x128xf32, #tpu.memory_space<vmem>> -> memref<128xf32, #tpu.memory_space<vmem>>
        %dma_start3A_969 = arith.constant 0 : i32
        %dma_start3A_970 = tpu.memref_slice %arg11[%select_n3A_748, %select_n3A_764, %dma_start3A_963, %dma_start3A_969] : memref<3x16x8x128xi32, #tpu.memory_space<vmem>> -> memref<1x1x1x128xi32, #tpu.memory_space<vmem>>
        %dma_start3A_971 = tpu.memref_squeeze %dma_start3A_970 : memref<1x1x1x128xi32, #tpu.memory_space<vmem>> -> memref<128xi32, #tpu.memory_space<vmem>>
        %dma_start3A_972 = arith.constant 0 : i32
        %dma_start3A_973 = tpu.memref_slice %arg4[%dma_start3A_972] : memref<1048576xf32, #tpu.memory_space<hbm>> -> memref<1048576xf32, #tpu.memory_space<hbm>>
        tpu.enqueue_indirect_dma source(%dma_start3A_973 : memref<1048576xf32, #tpu.memory_space<hbm>>) target(%dma_start3A_968 : memref<128xf32, #tpu.memory_space<vmem>>) offsets(%dma_start3A_971 : memref<128xi32, #tpu.memory_space<vmem>>) semaphore(%arg17 : memref<!tpu.dma_semaphore, #tpu.memory_space<semaphore_mem>>)
        %dma_start3A_974 = arith.constant 3 : i32
        %dma_start3A_975 = arith.constant 1 : i32
        %dma_start3A_976 = arith.constant 2 : i32
        %dma_start3A_977 = arith.constant 384 : i32
        %dma_start3A_978 = tpu.memref_slice %arg12[%dma_start3A_975, %dma_start3A_976, %dma_start3A_977] : memref<2x6x1024xf32, #tpu.memory_space<vmem>> -> memref<1x1x128xf32, #tpu.memory_space<vmem>>
        %dma_start3A_979 = tpu.memref_squeeze %dma_start3A_978 : memref<1x1x128xf32, #tpu.memory_space<vmem>> -> memref<128xf32, #tpu.memory_space<vmem>>
        %dma_start3A_980 = arith.constant 0 : i32
        %dma_start3A_981 = tpu.memref_slice %arg11[%select_n3A_748, %select_n3A_764, %dma_start3A_974, %dma_start3A_980] : memref<3x16x8x128xi32, #tpu.memory_space<vmem>> -> memref<1x1x1x128xi32, #tpu.memory_space<vmem>>
        %dma_start3A_982 = tpu.memref_squeeze %dma_start3A_981 : memref<1x1x1x128xi32, #tpu.memory_space<vmem>> -> memref<128xi32, #tpu.memory_space<vmem>>
        %dma_start3A_983 = arith.constant 0 : i32
        %dma_start3A_984 = tpu.memref_slice %arg4[%dma_start3A_983] : memref<1048576xf32, #tpu.memory_space<hbm>> -> memref<1048576xf32, #tpu.memory_space<hbm>>
        tpu.enqueue_indirect_dma source(%dma_start3A_984 : memref<1048576xf32, #tpu.memory_space<hbm>>) target(%dma_start3A_979 : memref<128xf32, #tpu.memory_space<vmem>>) offsets(%dma_start3A_982 : memref<128xi32, #tpu.memory_space<vmem>>) semaphore(%arg17 : memref<!tpu.dma_semaphore, #tpu.memory_space<semaphore_mem>>)
        %dma_start3A_985 = arith.constant 4 : i32
        %dma_start3A_986 = arith.constant 1 : i32
        %dma_start3A_987 = arith.constant 2 : i32
        %dma_start3A_988 = arith.constant 512 : i32
        %dma_start3A_989 = tpu.memref_slice %arg12[%dma_start3A_986, %dma_start3A_987, %dma_start3A_988] : memref<2x6x1024xf32, #tpu.memory_space<vmem>> -> memref<1x1x128xf32, #tpu.memory_space<vmem>>
        %dma_start3A_990 = tpu.memref_squeeze %dma_start3A_989 : memref<1x1x128xf32, #tpu.memory_space<vmem>> -> memref<128xf32, #tpu.memory_space<vmem>>
        %dma_start3A_991 = arith.constant 0 : i32
        %dma_start3A_992 = tpu.memref_slice %arg11[%select_n3A_748, %select_n3A_764, %dma_start3A_985, %dma_start3A_991] : memref<3x16x8x128xi32, #tpu.memory_space<vmem>> -> memref<1x1x1x128xi32, #tpu.memory_space<vmem>>
        %dma_start3A_993 = tpu.memref_squeeze %dma_start3A_992 : memref<1x1x1x128xi32, #tpu.memory_space<vmem>> -> memref<128xi32, #tpu.memory_space<vmem>>
        %dma_start3A_994 = arith.constant 0 : i32
        %dma_start3A_995 = tpu.memref_slice %arg4[%dma_start3A_994] : memref<1048576xf32, #tpu.memory_space<hbm>> -> memref<1048576xf32, #tpu.memory_space<hbm>>
        tpu.enqueue_indirect_dma source(%dma_start3A_995 : memref<1048576xf32, #tpu.memory_space<hbm>>) target(%dma_start3A_990 : memref<128xf32, #tpu.memory_space<vmem>>) offsets(%dma_start3A_993 : memref<128xi32, #tpu.memory_space<vmem>>) semaphore(%arg17 : memref<!tpu.dma_semaphore, #tpu.memory_space<semaphore_mem>>)
        %dma_start3A_996 = arith.constant 5 : i32
        %dma_start3A_997 = arith.constant 1 : i32
        %dma_start3A_998 = arith.constant 2 : i32
        %dma_start3A_999 = arith.constant 640 : i32
        %dma_start3A_1000 = tpu.memref_slice %arg12[%dma_start3A_997, %dma_start3A_998, %dma_start3A_999] : memref<2x6x1024xf32, #tpu.memory_space<vmem>> -> memref<1x1x128xf32, #tpu.memory_space<vmem>>
        %dma_start3A_1001 = tpu.memref_squeeze %dma_start3A_1000 : memref<1x1x128xf32, #tpu.memory_space<vmem>> -> memref<128xf32, #tpu.memory_space<vmem>>
        %dma_start3A_1002 = arith.constant 0 : i32
        %dma_start3A_1003 = tpu.memref_slice %arg11[%select_n3A_748, %select_n3A_764, %dma_start3A_996, %dma_start3A_1002] : memref<3x16x8x128xi32, #tpu.memory_space<vmem>> -> memref<1x1x1x128xi32, #tpu.memory_space<vmem>>
        %dma_start3A_1004 = tpu.memref_squeeze %dma_start3A_1003 : memref<1x1x1x128xi32, #tpu.memory_space<vmem>> -> memref<128xi32, #tpu.memory_space<vmem>>
        %dma_start3A_1005 = arith.constant 0 : i32
        %dma_start3A_1006 = tpu.memref_slice %arg4[%dma_start3A_1005] : memref<1048576xf32, #tpu.memory_space<hbm>> -> memref<1048576xf32, #tpu.memory_space<hbm>>
        tpu.enqueue_indirect_dma source(%dma_start3A_1006 : memref<1048576xf32, #tpu.memory_space<hbm>>) target(%dma_start3A_1001 : memref<128xf32, #tpu.memory_space<vmem>>) offsets(%dma_start3A_1004 : memref<128xi32, #tpu.memory_space<vmem>>) semaphore(%arg17 : memref<!tpu.dma_semaphore, #tpu.memory_space<semaphore_mem>>)
        %dma_start3A_1007 = arith.constant 6 : i32
        %dma_start3A_1008 = arith.constant 1 : i32
        %dma_start3A_1009 = arith.constant 2 : i32
        %dma_start3A_1010 = arith.constant 768 : i32
        %dma_start3A_1011 = tpu.memref_slice %arg12[%dma_start3A_1008, %dma_start3A_1009, %dma_start3A_1010] : memref<2x6x1024xf32, #tpu.memory_space<vmem>> -> memref<1x1x128xf32, #tpu.memory_space<vmem>>
        %dma_start3A_1012 = tpu.memref_squeeze %dma_start3A_1011 : memref<1x1x128xf32, #tpu.memory_space<vmem>> -> memref<128xf32, #tpu.memory_space<vmem>>
        %dma_start3A_1013 = arith.constant 0 : i32
        %dma_start3A_1014 = tpu.memref_slice %arg11[%select_n3A_748, %select_n3A_764, %dma_start3A_1007, %dma_start3A_1013] : memref<3x16x8x128xi32, #tpu.memory_space<vmem>> -> memref<1x1x1x128xi32, #tpu.memory_space<vmem>>
        %dma_start3A_1015 = tpu.memref_squeeze %dma_start3A_1014 : memref<1x1x1x128xi32, #tpu.memory_space<vmem>> -> memref<128xi32, #tpu.memory_space<vmem>>
        %dma_start3A_1016 = arith.constant 0 : i32
        %dma_start3A_1017 = tpu.memref_slice %arg4[%dma_start3A_1016] : memref<1048576xf32, #tpu.memory_space<hbm>> -> memref<1048576xf32, #tpu.memory_space<hbm>>
        tpu.enqueue_indirect_dma source(%dma_start3A_1017 : memref<1048576xf32, #tpu.memory_space<hbm>>) target(%dma_start3A_1012 : memref<128xf32, #tpu.memory_space<vmem>>) offsets(%dma_start3A_1015 : memref<128xi32, #tpu.memory_space<vmem>>) semaphore(%arg17 : memref<!tpu.dma_semaphore, #tpu.memory_space<semaphore_mem>>)
        %dma_start3A_1018 = arith.constant 7 : i32
        %dma_start3A_1019 = arith.constant 1 : i32
        %dma_start3A_1020 = arith.constant 2 : i32
        %dma_start3A_1021 = arith.constant 896 : i32
        %dma_start3A_1022 = tpu.memref_slice %arg12[%dma_start3A_1019, %dma_start3A_1020, %dma_start3A_1021] : memref<2x6x1024xf32, #tpu.memory_space<vmem>> -> memref<1x1x128xf32, #tpu.memory_space<vmem>>
        %dma_start3A_1023 = tpu.memref_squeeze %dma_start3A_1022 : memref<1x1x128xf32, #tpu.memory_space<vmem>> -> memref<128xf32, #tpu.memory_space<vmem>>
        %dma_start3A_1024 = arith.constant 0 : i32
        %dma_start3A_1025 = tpu.memref_slice %arg11[%select_n3A_748, %select_n3A_764, %dma_start3A_1018, %dma_start3A_1024] : memref<3x16x8x128xi32, #tpu.memory_space<vmem>> -> memref<1x1x1x128xi32, #tpu.memory_space<vmem>>
        %dma_start3A_1026 = tpu.memref_squeeze %dma_start3A_1025 : memref<1x1x1x128xi32, #tpu.memory_space<vmem>> -> memref<128xi32, #tpu.memory_space<vmem>>
        %dma_start3A_1027 = arith.constant 0 : i32
        %dma_start3A_1028 = tpu.memref_slice %arg4[%dma_start3A_1027] : memref<1048576xf32, #tpu.memory_space<hbm>> -> memref<1048576xf32, #tpu.memory_space<hbm>>
        tpu.enqueue_indirect_dma source(%dma_start3A_1028 : memref<1048576xf32, #tpu.memory_space<hbm>>) target(%dma_start3A_1023 : memref<128xf32, #tpu.memory_space<vmem>>) offsets(%dma_start3A_1026 : memref<128xi32, #tpu.memory_space<vmem>>) semaphore(%arg17 : memref<!tpu.dma_semaphore, #tpu.memory_space<semaphore_mem>>)
        %dma_start3A_1029 = arith.constant 0 : i32
        %dma_start3A_1030 = arith.constant 1 : i32
        %dma_start3A_1031 = arith.constant 3 : i32
        %dma_start3A_1032 = arith.constant 0 : i32
        %dma_start3A_1033 = tpu.memref_slice %arg12[%dma_start3A_1030, %dma_start3A_1031, %dma_start3A_1032] : memref<2x6x1024xf32, #tpu.memory_space<vmem>> -> memref<1x1x128xf32, #tpu.memory_space<vmem>>
        %dma_start3A_1034 = tpu.memref_squeeze %dma_start3A_1033 : memref<1x1x128xf32, #tpu.memory_space<vmem>> -> memref<128xf32, #tpu.memory_space<vmem>>
        %dma_start3A_1035 = arith.constant 0 : i32
        %dma_start3A_1036 = tpu.memref_slice %arg11[%select_n3A_748, %select_n3A_764, %dma_start3A_1029, %dma_start3A_1035] : memref<3x16x8x128xi32, #tpu.memory_space<vmem>> -> memref<1x1x1x128xi32, #tpu.memory_space<vmem>>
        %dma_start3A_1037 = tpu.memref_squeeze %dma_start3A_1036 : memref<1x1x1x128xi32, #tpu.memory_space<vmem>> -> memref<128xi32, #tpu.memory_space<vmem>>
        %dma_start3A_1038 = arith.constant 0 : i32
        %dma_start3A_1039 = tpu.memref_slice %arg5[%dma_start3A_1038] : memref<1048576xf32, #tpu.memory_space<hbm>> -> memref<1048576xf32, #tpu.memory_space<hbm>>
        tpu.enqueue_indirect_dma source(%dma_start3A_1039 : memref<1048576xf32, #tpu.memory_space<hbm>>) target(%dma_start3A_1034 : memref<128xf32, #tpu.memory_space<vmem>>) offsets(%dma_start3A_1037 : memref<128xi32, #tpu.memory_space<vmem>>) semaphore(%arg17 : memref<!tpu.dma_semaphore, #tpu.memory_space<semaphore_mem>>)
        %dma_start3A_1040 = arith.constant 1 : i32
        %dma_start3A_1041 = arith.constant 1 : i32
        %dma_start3A_1042 = arith.constant 3 : i32
        %dma_start3A_1043 = arith.constant 128 : i32
        %dma_start3A_1044 = tpu.memref_slice %arg12[%dma_start3A_1041, %dma_start3A_1042, %dma_start3A_1043] : memref<2x6x1024xf32, #tpu.memory_space<vmem>> -> memref<1x1x128xf32, #tpu.memory_space<vmem>>
        %dma_start3A_1045 = tpu.memref_squeeze %dma_start3A_1044 : memref<1x1x128xf32, #tpu.memory_space<vmem>> -> memref<128xf32, #tpu.memory_space<vmem>>
        %dma_start3A_1046 = arith.constant 0 : i32
        %dma_start3A_1047 = tpu.memref_slice %arg11[%select_n3A_748, %select_n3A_764, %dma_start3A_1040, %dma_start3A_1046] : memref<3x16x8x128xi32, #tpu.memory_space<vmem>> -> memref<1x1x1x128xi32, #tpu.memory_space<vmem>>
        %dma_start3A_1048 = tpu.memref_squeeze %dma_start3A_1047 : memref<1x1x1x128xi32, #tpu.memory_space<vmem>> -> memref<128xi32, #tpu.memory_space<vmem>>
        %dma_start3A_1049 = arith.constant 0 : i32
        %dma_start3A_1050 = tpu.memref_slice %arg5[%dma_start3A_1049] : memref<1048576xf32, #tpu.memory_space<hbm>> -> memref<1048576xf32, #tpu.memory_space<hbm>>
        tpu.enqueue_indirect_dma source(%dma_start3A_1050 : memref<1048576xf32, #tpu.memory_space<hbm>>) target(%dma_start3A_1045 : memref<128xf32, #tpu.memory_space<vmem>>) offsets(%dma_start3A_1048 : memref<128xi32, #tpu.memory_space<vmem>>) semaphore(%arg17 : memref<!tpu.dma_semaphore, #tpu.memory_space<semaphore_mem>>)
        %dma_start3A_1051 = arith.constant 2 : i32
        %dma_start3A_1052 = arith.constant 1 : i32
        %dma_start3A_1053 = arith.constant 3 : i32
        %dma_start3A_1054 = arith.constant 256 : i32
        %dma_start3A_1055 = tpu.memref_slice %arg12[%dma_start3A_1052, %dma_start3A_1053, %dma_start3A_1054] : memref<2x6x1024xf32, #tpu.memory_space<vmem>> -> memref<1x1x128xf32, #tpu.memory_space<vmem>>
        %dma_start3A_1056 = tpu.memref_squeeze %dma_start3A_1055 : memref<1x1x128xf32, #tpu.memory_space<vmem>> -> memref<128xf32, #tpu.memory_space<vmem>>
        %dma_start3A_1057 = arith.constant 0 : i32
        %dma_start3A_1058 = tpu.memref_slice %arg11[%select_n3A_748, %select_n3A_764, %dma_start3A_1051, %dma_start3A_1057] : memref<3x16x8x128xi32, #tpu.memory_space<vmem>> -> memref<1x1x1x128xi32, #tpu.memory_space<vmem>>
        %dma_start3A_1059 = tpu.memref_squeeze %dma_start3A_1058 : memref<1x1x1x128xi32, #tpu.memory_space<vmem>> -> memref<128xi32, #tpu.memory_space<vmem>>
        %dma_start3A_1060 = arith.constant 0 : i32
        %dma_start3A_1061 = tpu.memref_slice %arg5[%dma_start3A_1060] : memref<1048576xf32, #tpu.memory_space<hbm>> -> memref<1048576xf32, #tpu.memory_space<hbm>>
        tpu.enqueue_indirect_dma source(%dma_start3A_1061 : memref<1048576xf32, #tpu.memory_space<hbm>>) target(%dma_start3A_1056 : memref<128xf32, #tpu.memory_space<vmem>>) offsets(%dma_start3A_1059 : memref<128xi32, #tpu.memory_space<vmem>>) semaphore(%arg17 : memref<!tpu.dma_semaphore, #tpu.memory_space<semaphore_mem>>)
        %dma_start3A_1062 = arith.constant 3 : i32
        %dma_start3A_1063 = arith.constant 1 : i32
        %dma_start3A_1064 = arith.constant 3 : i32
        %dma_start3A_1065 = arith.constant 384 : i32
        %dma_start3A_1066 = tpu.memref_slice %arg12[%dma_start3A_1063, %dma_start3A_1064, %dma_start3A_1065] : memref<2x6x1024xf32, #tpu.memory_space<vmem>> -> memref<1x1x128xf32, #tpu.memory_space<vmem>>
        %dma_start3A_1067 = tpu.memref_squeeze %dma_start3A_1066 : memref<1x1x128xf32, #tpu.memory_space<vmem>> -> memref<128xf32, #tpu.memory_space<vmem>>
        %dma_start3A_1068 = arith.constant 0 : i32
        %dma_start3A_1069 = tpu.memref_slice %arg11[%select_n3A_748, %select_n3A_764, %dma_start3A_1062, %dma_start3A_1068] : memref<3x16x8x128xi32, #tpu.memory_space<vmem>> -> memref<1x1x1x128xi32, #tpu.memory_space<vmem>>
        %dma_start3A_1070 = tpu.memref_squeeze %dma_start3A_1069 : memref<1x1x1x128xi32, #tpu.memory_space<vmem>> -> memref<128xi32, #tpu.memory_space<vmem>>
        %dma_start3A_1071 = arith.constant 0 : i32
        %dma_start3A_1072 = tpu.memref_slice %arg5[%dma_start3A_1071] : memref<1048576xf32, #tpu.memory_space<hbm>> -> memref<1048576xf32, #tpu.memory_space<hbm>>
        tpu.enqueue_indirect_dma source(%dma_start3A_1072 : memref<1048576xf32, #tpu.memory_space<hbm>>) target(%dma_start3A_1067 : memref<128xf32, #tpu.memory_space<vmem>>) offsets(%dma_start3A_1070 : memref<128xi32, #tpu.memory_space<vmem>>) semaphore(%arg17 : memref<!tpu.dma_semaphore, #tpu.memory_space<semaphore_mem>>)
        %dma_start3A_1073 = arith.constant 4 : i32
        %dma_start3A_1074 = arith.constant 1 : i32
        %dma_start3A_1075 = arith.constant 3 : i32
        %dma_start3A_1076 = arith.constant 512 : i32
        %dma_start3A_1077 = tpu.memref_slice %arg12[%dma_start3A_1074, %dma_start3A_1075, %dma_start3A_1076] : memref<2x6x1024xf32, #tpu.memory_space<vmem>> -> memref<1x1x128xf32, #tpu.memory_space<vmem>>
        %dma_start3A_1078 = tpu.memref_squeeze %dma_start3A_1077 : memref<1x1x128xf32, #tpu.memory_space<vmem>> -> memref<128xf32, #tpu.memory_space<vmem>>
        %dma_start3A_1079 = arith.constant 0 : i32
        %dma_start3A_1080 = tpu.memref_slice %arg11[%select_n3A_748, %select_n3A_764, %dma_start3A_1073, %dma_start3A_1079] : memref<3x16x8x128xi32, #tpu.memory_space<vmem>> -> memref<1x1x1x128xi32, #tpu.memory_space<vmem>>
        %dma_start3A_1081 = tpu.memref_squeeze %dma_start3A_1080 : memref<1x1x1x128xi32, #tpu.memory_space<vmem>> -> memref<128xi32, #tpu.memory_space<vmem>>
        %dma_start3A_1082 = arith.constant 0 : i32
        %dma_start3A_1083 = tpu.memref_slice %arg5[%dma_start3A_1082] : memref<1048576xf32, #tpu.memory_space<hbm>> -> memref<1048576xf32, #tpu.memory_space<hbm>>
        tpu.enqueue_indirect_dma source(%dma_start3A_1083 : memref<1048576xf32, #tpu.memory_space<hbm>>) target(%dma_start3A_1078 : memref<128xf32, #tpu.memory_space<vmem>>) offsets(%dma_start3A_1081 : memref<128xi32, #tpu.memory_space<vmem>>) semaphore(%arg17 : memref<!tpu.dma_semaphore, #tpu.memory_space<semaphore_mem>>)
        %dma_start3A_1084 = arith.constant 5 : i32
        %dma_start3A_1085 = arith.constant 1 : i32
        %dma_start3A_1086 = arith.constant 3 : i32
        %dma_start3A_1087 = arith.constant 640 : i32
        %dma_start3A_1088 = tpu.memref_slice %arg12[%dma_start3A_1085, %dma_start3A_1086, %dma_start3A_1087] : memref<2x6x1024xf32, #tpu.memory_space<vmem>> -> memref<1x1x128xf32, #tpu.memory_space<vmem>>
        %dma_start3A_1089 = tpu.memref_squeeze %dma_start3A_1088 : memref<1x1x128xf32, #tpu.memory_space<vmem>> -> memref<128xf32, #tpu.memory_space<vmem>>
        %dma_start3A_1090 = arith.constant 0 : i32
        %dma_start3A_1091 = tpu.memref_slice %arg11[%select_n3A_748, %select_n3A_764, %dma_start3A_1084, %dma_start3A_1090] : memref<3x16x8x128xi32, #tpu.memory_space<vmem>> -> memref<1x1x1x128xi32, #tpu.memory_space<vmem>>
        %dma_start3A_1092 = tpu.memref_squeeze %dma_start3A_1091 : memref<1x1x1x128xi32, #tpu.memory_space<vmem>> -> memref<128xi32, #tpu.memory_space<vmem>>
        %dma_start3A_1093 = arith.constant 0 : i32
        %dma_start3A_1094 = tpu.memref_slice %arg5[%dma_start3A_1093] : memref<1048576xf32, #tpu.memory_space<hbm>> -> memref<1048576xf32, #tpu.memory_space<hbm>>
        tpu.enqueue_indirect_dma source(%dma_start3A_1094 : memref<1048576xf32, #tpu.memory_space<hbm>>) target(%dma_start3A_1089 : memref<128xf32, #tpu.memory_space<vmem>>) offsets(%dma_start3A_1092 : memref<128xi32, #tpu.memory_space<vmem>>) semaphore(%arg17 : memref<!tpu.dma_semaphore, #tpu.memory_space<semaphore_mem>>)
        %dma_start3A_1095 = arith.constant 6 : i32
        %dma_start3A_1096 = arith.constant 1 : i32
        %dma_start3A_1097 = arith.constant 3 : i32
        %dma_start3A_1098 = arith.constant 768 : i32
        %dma_start3A_1099 = tpu.memref_slice %arg12[%dma_start3A_1096, %dma_start3A_1097, %dma_start3A_1098] : memref<2x6x1024xf32, #tpu.memory_space<vmem>> -> memref<1x1x128xf32, #tpu.memory_space<vmem>>
        %dma_start3A_1100 = tpu.memref_squeeze %dma_start3A_1099 : memref<1x1x128xf32, #tpu.memory_space<vmem>> -> memref<128xf32, #tpu.memory_space<vmem>>
        %dma_start3A_1101 = arith.constant 0 : i32
        %dma_start3A_1102 = tpu.memref_slice %arg11[%select_n3A_748, %select_n3A_764, %dma_start3A_1095, %dma_start3A_1101] : memref<3x16x8x128xi32, #tpu.memory_space<vmem>> -> memref<1x1x1x128xi32, #tpu.memory_space<vmem>>
        %dma_start3A_1103 = tpu.memref_squeeze %dma_start3A_1102 : memref<1x1x1x128xi32, #tpu.memory_space<vmem>> -> memref<128xi32, #tpu.memory_space<vmem>>
        %dma_start3A_1104 = arith.constant 0 : i32
        %dma_start3A_1105 = tpu.memref_slice %arg5[%dma_start3A_1104] : memref<1048576xf32, #tpu.memory_space<hbm>> -> memref<1048576xf32, #tpu.memory_space<hbm>>
        tpu.enqueue_indirect_dma source(%dma_start3A_1105 : memref<1048576xf32, #tpu.memory_space<hbm>>) target(%dma_start3A_1100 : memref<128xf32, #tpu.memory_space<vmem>>) offsets(%dma_start3A_1103 : memref<128xi32, #tpu.memory_space<vmem>>) semaphore(%arg17 : memref<!tpu.dma_semaphore, #tpu.memory_space<semaphore_mem>>)
        %dma_start3A_1106 = arith.constant 7 : i32
        %dma_start3A_1107 = arith.constant 1 : i32
        %dma_start3A_1108 = arith.constant 3 : i32
        %dma_start3A_1109 = arith.constant 896 : i32
        %dma_start3A_1110 = tpu.memref_slice %arg12[%dma_start3A_1107, %dma_start3A_1108, %dma_start3A_1109] : memref<2x6x1024xf32, #tpu.memory_space<vmem>> -> memref<1x1x128xf32, #tpu.memory_space<vmem>>
        %dma_start3A_1111 = tpu.memref_squeeze %dma_start3A_1110 : memref<1x1x128xf32, #tpu.memory_space<vmem>> -> memref<128xf32, #tpu.memory_space<vmem>>
        %dma_start3A_1112 = arith.constant 0 : i32
        %dma_start3A_1113 = tpu.memref_slice %arg11[%select_n3A_748, %select_n3A_764, %dma_start3A_1106, %dma_start3A_1112] : memref<3x16x8x128xi32, #tpu.memory_space<vmem>> -> memref<1x1x1x128xi32, #tpu.memory_space<vmem>>
        %dma_start3A_1114 = tpu.memref_squeeze %dma_start3A_1113 : memref<1x1x1x128xi32, #tpu.memory_space<vmem>> -> memref<128xi32, #tpu.memory_space<vmem>>
        %dma_start3A_1115 = arith.constant 0 : i32
        %dma_start3A_1116 = tpu.memref_slice %arg5[%dma_start3A_1115] : memref<1048576xf32, #tpu.memory_space<hbm>> -> memref<1048576xf32, #tpu.memory_space<hbm>>
        tpu.enqueue_indirect_dma source(%dma_start3A_1116 : memref<1048576xf32, #tpu.memory_space<hbm>>) target(%dma_start3A_1111 : memref<128xf32, #tpu.memory_space<vmem>>) offsets(%dma_start3A_1114 : memref<128xi32, #tpu.memory_space<vmem>>) semaphore(%arg17 : memref<!tpu.dma_semaphore, #tpu.memory_space<semaphore_mem>>)
        %dma_start3A_1117 = arith.constant 0 : i32
        %dma_start3A_1118 = arith.constant 1 : i32
        %dma_start3A_1119 = arith.constant 4 : i32
        %dma_start3A_1120 = arith.constant 0 : i32
        %dma_start3A_1121 = tpu.memref_slice %arg12[%dma_start3A_1118, %dma_start3A_1119, %dma_start3A_1120] : memref<2x6x1024xf32, #tpu.memory_space<vmem>> -> memref<1x1x128xf32, #tpu.memory_space<vmem>>
        %dma_start3A_1122 = tpu.memref_squeeze %dma_start3A_1121 : memref<1x1x128xf32, #tpu.memory_space<vmem>> -> memref<128xf32, #tpu.memory_space<vmem>>
        %dma_start3A_1123 = arith.constant 0 : i32
        %dma_start3A_1124 = tpu.memref_slice %arg11[%select_n3A_748, %select_n3A_764, %dma_start3A_1117, %dma_start3A_1123] : memref<3x16x8x128xi32, #tpu.memory_space<vmem>> -> memref<1x1x1x128xi32, #tpu.memory_space<vmem>>
        %dma_start3A_1125 = tpu.memref_squeeze %dma_start3A_1124 : memref<1x1x1x128xi32, #tpu.memory_space<vmem>> -> memref<128xi32, #tpu.memory_space<vmem>>
        %dma_start3A_1126 = arith.constant 0 : i32
        %dma_start3A_1127 = tpu.memref_slice %arg6[%dma_start3A_1126] : memref<1048576xf32, #tpu.memory_space<hbm>> -> memref<1048576xf32, #tpu.memory_space<hbm>>
        tpu.enqueue_indirect_dma source(%dma_start3A_1127 : memref<1048576xf32, #tpu.memory_space<hbm>>) target(%dma_start3A_1122 : memref<128xf32, #tpu.memory_space<vmem>>) offsets(%dma_start3A_1125 : memref<128xi32, #tpu.memory_space<vmem>>) semaphore(%arg17 : memref<!tpu.dma_semaphore, #tpu.memory_space<semaphore_mem>>)
        %dma_start3A_1128 = arith.constant 1 : i32
        %dma_start3A_1129 = arith.constant 1 : i32
        %dma_start3A_1130 = arith.constant 4 : i32
        %dma_start3A_1131 = arith.constant 128 : i32
        %dma_start3A_1132 = tpu.memref_slice %arg12[%dma_start3A_1129, %dma_start3A_1130, %dma_start3A_1131] : memref<2x6x1024xf32, #tpu.memory_space<vmem>> -> memref<1x1x128xf32, #tpu.memory_space<vmem>>
        %dma_start3A_1133 = tpu.memref_squeeze %dma_start3A_1132 : memref<1x1x128xf32, #tpu.memory_space<vmem>> -> memref<128xf32, #tpu.memory_space<vmem>>
        %dma_start3A_1134 = arith.constant 0 : i32
        %dma_start3A_1135 = tpu.memref_slice %arg11[%select_n3A_748, %select_n3A_764, %dma_start3A_1128, %dma_start3A_1134] : memref<3x16x8x128xi32, #tpu.memory_space<vmem>> -> memref<1x1x1x128xi32, #tpu.memory_space<vmem>>
        %dma_start3A_1136 = tpu.memref_squeeze %dma_start3A_1135 : memref<1x1x1x128xi32, #tpu.memory_space<vmem>> -> memref<128xi32, #tpu.memory_space<vmem>>
        %dma_start3A_1137 = arith.constant 0 : i32
        %dma_start3A_1138 = tpu.memref_slice %arg6[%dma_start3A_1137] : memref<1048576xf32, #tpu.memory_space<hbm>> -> memref<1048576xf32, #tpu.memory_space<hbm>>
        tpu.enqueue_indirect_dma source(%dma_start3A_1138 : memref<1048576xf32, #tpu.memory_space<hbm>>) target(%dma_start3A_1133 : memref<128xf32, #tpu.memory_space<vmem>>) offsets(%dma_start3A_1136 : memref<128xi32, #tpu.memory_space<vmem>>) semaphore(%arg17 : memref<!tpu.dma_semaphore, #tpu.memory_space<semaphore_mem>>)
        %dma_start3A_1139 = arith.constant 2 : i32
        %dma_start3A_1140 = arith.constant 1 : i32
        %dma_start3A_1141 = arith.constant 4 : i32
        %dma_start3A_1142 = arith.constant 256 : i32
        %dma_start3A_1143 = tpu.memref_slice %arg12[%dma_start3A_1140, %dma_start3A_1141, %dma_start3A_1142] : memref<2x6x1024xf32, #tpu.memory_space<vmem>> -> memref<1x1x128xf32, #tpu.memory_space<vmem>>
        %dma_start3A_1144 = tpu.memref_squeeze %dma_start3A_1143 : memref<1x1x128xf32, #tpu.memory_space<vmem>> -> memref<128xf32, #tpu.memory_space<vmem>>
        %dma_start3A_1145 = arith.constant 0 : i32
        %dma_start3A_1146 = tpu.memref_slice %arg11[%select_n3A_748, %select_n3A_764, %dma_start3A_1139, %dma_start3A_1145] : memref<3x16x8x128xi32, #tpu.memory_space<vmem>> -> memref<1x1x1x128xi32, #tpu.memory_space<vmem>>
        %dma_start3A_1147 = tpu.memref_squeeze %dma_start3A_1146 : memref<1x1x1x128xi32, #tpu.memory_space<vmem>> -> memref<128xi32, #tpu.memory_space<vmem>>
        %dma_start3A_1148 = arith.constant 0 : i32
        %dma_start3A_1149 = tpu.memref_slice %arg6[%dma_start3A_1148] : memref<1048576xf32, #tpu.memory_space<hbm>> -> memref<1048576xf32, #tpu.memory_space<hbm>>
        tpu.enqueue_indirect_dma source(%dma_start3A_1149 : memref<1048576xf32, #tpu.memory_space<hbm>>) target(%dma_start3A_1144 : memref<128xf32, #tpu.memory_space<vmem>>) offsets(%dma_start3A_1147 : memref<128xi32, #tpu.memory_space<vmem>>) semaphore(%arg17 : memref<!tpu.dma_semaphore, #tpu.memory_space<semaphore_mem>>)
        %dma_start3A_1150 = arith.constant 3 : i32
        %dma_start3A_1151 = arith.constant 1 : i32
        %dma_start3A_1152 = arith.constant 4 : i32
        %dma_start3A_1153 = arith.constant 384 : i32
        %dma_start3A_1154 = tpu.memref_slice %arg12[%dma_start3A_1151, %dma_start3A_1152, %dma_start3A_1153] : memref<2x6x1024xf32, #tpu.memory_space<vmem>> -> memref<1x1x128xf32, #tpu.memory_space<vmem>>
        %dma_start3A_1155 = tpu.memref_squeeze %dma_start3A_1154 : memref<1x1x128xf32, #tpu.memory_space<vmem>> -> memref<128xf32, #tpu.memory_space<vmem>>
        %dma_start3A_1156 = arith.constant 0 : i32
        %dma_start3A_1157 = tpu.memref_slice %arg11[%select_n3A_748, %select_n3A_764, %dma_start3A_1150, %dma_start3A_1156] : memref<3x16x8x128xi32, #tpu.memory_space<vmem>> -> memref<1x1x1x128xi32, #tpu.memory_space<vmem>>
        %dma_start3A_1158 = tpu.memref_squeeze %dma_start3A_1157 : memref<1x1x1x128xi32, #tpu.memory_space<vmem>> -> memref<128xi32, #tpu.memory_space<vmem>>
        %dma_start3A_1159 = arith.constant 0 : i32
        %dma_start3A_1160 = tpu.memref_slice %arg6[%dma_start3A_1159] : memref<1048576xf32, #tpu.memory_space<hbm>> -> memref<1048576xf32, #tpu.memory_space<hbm>>
        tpu.enqueue_indirect_dma source(%dma_start3A_1160 : memref<1048576xf32, #tpu.memory_space<hbm>>) target(%dma_start3A_1155 : memref<128xf32, #tpu.memory_space<vmem>>) offsets(%dma_start3A_1158 : memref<128xi32, #tpu.memory_space<vmem>>) semaphore(%arg17 : memref<!tpu.dma_semaphore, #tpu.memory_space<semaphore_mem>>)
        %dma_start3A_1161 = arith.constant 4 : i32
        %dma_start3A_1162 = arith.constant 1 : i32
        %dma_start3A_1163 = arith.constant 4 : i32
        %dma_start3A_1164 = arith.constant 512 : i32
        %dma_start3A_1165 = tpu.memref_slice %arg12[%dma_start3A_1162, %dma_start3A_1163, %dma_start3A_1164] : memref<2x6x1024xf32, #tpu.memory_space<vmem>> -> memref<1x1x128xf32, #tpu.memory_space<vmem>>
        %dma_start3A_1166 = tpu.memref_squeeze %dma_start3A_1165 : memref<1x1x128xf32, #tpu.memory_space<vmem>> -> memref<128xf32, #tpu.memory_space<vmem>>
        %dma_start3A_1167 = arith.constant 0 : i32
        %dma_start3A_1168 = tpu.memref_slice %arg11[%select_n3A_748, %select_n3A_764, %dma_start3A_1161, %dma_start3A_1167] : memref<3x16x8x128xi32, #tpu.memory_space<vmem>> -> memref<1x1x1x128xi32, #tpu.memory_space<vmem>>
        %dma_start3A_1169 = tpu.memref_squeeze %dma_start3A_1168 : memref<1x1x1x128xi32, #tpu.memory_space<vmem>> -> memref<128xi32, #tpu.memory_space<vmem>>
        %dma_start3A_1170 = arith.constant 0 : i32
        %dma_start3A_1171 = tpu.memref_slice %arg6[%dma_start3A_1170] : memref<1048576xf32, #tpu.memory_space<hbm>> -> memref<1048576xf32, #tpu.memory_space<hbm>>
        tpu.enqueue_indirect_dma source(%dma_start3A_1171 : memref<1048576xf32, #tpu.memory_space<hbm>>) target(%dma_start3A_1166 : memref<128xf32, #tpu.memory_space<vmem>>) offsets(%dma_start3A_1169 : memref<128xi32, #tpu.memory_space<vmem>>) semaphore(%arg17 : memref<!tpu.dma_semaphore, #tpu.memory_space<semaphore_mem>>)
        %dma_start3A_1172 = arith.constant 5 : i32
        %dma_start3A_1173 = arith.constant 1 : i32
        %dma_start3A_1174 = arith.constant 4 : i32
        %dma_start3A_1175 = arith.constant 640 : i32
        %dma_start3A_1176 = tpu.memref_slice %arg12[%dma_start3A_1173, %dma_start3A_1174, %dma_start3A_1175] : memref<2x6x1024xf32, #tpu.memory_space<vmem>> -> memref<1x1x128xf32, #tpu.memory_space<vmem>>
        %dma_start3A_1177 = tpu.memref_squeeze %dma_start3A_1176 : memref<1x1x128xf32, #tpu.memory_space<vmem>> -> memref<128xf32, #tpu.memory_space<vmem>>
        %dma_start3A_1178 = arith.constant 0 : i32
        %dma_start3A_1179 = tpu.memref_slice %arg11[%select_n3A_748, %select_n3A_764, %dma_start3A_1172, %dma_start3A_1178] : memref<3x16x8x128xi32, #tpu.memory_space<vmem>> -> memref<1x1x1x128xi32, #tpu.memory_space<vmem>>
        %dma_start3A_1180 = tpu.memref_squeeze %dma_start3A_1179 : memref<1x1x1x128xi32, #tpu.memory_space<vmem>> -> memref<128xi32, #tpu.memory_space<vmem>>
        %dma_start3A_1181 = arith.constant 0 : i32
        %dma_start3A_1182 = tpu.memref_slice %arg6[%dma_start3A_1181] : memref<1048576xf32, #tpu.memory_space<hbm>> -> memref<1048576xf32, #tpu.memory_space<hbm>>
        tpu.enqueue_indirect_dma source(%dma_start3A_1182 : memref<1048576xf32, #tpu.memory_space<hbm>>) target(%dma_start3A_1177 : memref<128xf32, #tpu.memory_space<vmem>>) offsets(%dma_start3A_1180 : memref<128xi32, #tpu.memory_space<vmem>>) semaphore(%arg17 : memref<!tpu.dma_semaphore, #tpu.memory_space<semaphore_mem>>)
        %dma_start3A_1183 = arith.constant 6 : i32
        %dma_start3A_1184 = arith.constant 1 : i32
        %dma_start3A_1185 = arith.constant 4 : i32
        %dma_start3A_1186 = arith.constant 768 : i32
        %dma_start3A_1187 = tpu.memref_slice %arg12[%dma_start3A_1184, %dma_start3A_1185, %dma_start3A_1186] : memref<2x6x1024xf32, #tpu.memory_space<vmem>> -> memref<1x1x128xf32, #tpu.memory_space<vmem>>
        %dma_start3A_1188 = tpu.memref_squeeze %dma_start3A_1187 : memref<1x1x128xf32, #tpu.memory_space<vmem>> -> memref<128xf32, #tpu.memory_space<vmem>>
        %dma_start3A_1189 = arith.constant 0 : i32
        %dma_start3A_1190 = tpu.memref_slice %arg11[%select_n3A_748, %select_n3A_764, %dma_start3A_1183, %dma_start3A_1189] : memref<3x16x8x128xi32, #tpu.memory_space<vmem>> -> memref<1x1x1x128xi32, #tpu.memory_space<vmem>>
        %dma_start3A_1191 = tpu.memref_squeeze %dma_start3A_1190 : memref<1x1x1x128xi32, #tpu.memory_space<vmem>> -> memref<128xi32, #tpu.memory_space<vmem>>
        %dma_start3A_1192 = arith.constant 0 : i32
        %dma_start3A_1193 = tpu.memref_slice %arg6[%dma_start3A_1192] : memref<1048576xf32, #tpu.memory_space<hbm>> -> memref<1048576xf32, #tpu.memory_space<hbm>>
        tpu.enqueue_indirect_dma source(%dma_start3A_1193 : memref<1048576xf32, #tpu.memory_space<hbm>>) target(%dma_start3A_1188 : memref<128xf32, #tpu.memory_space<vmem>>) offsets(%dma_start3A_1191 : memref<128xi32, #tpu.memory_space<vmem>>) semaphore(%arg17 : memref<!tpu.dma_semaphore, #tpu.memory_space<semaphore_mem>>)
        %dma_start3A_1194 = arith.constant 7 : i32
        %dma_start3A_1195 = arith.constant 1 : i32
        %dma_start3A_1196 = arith.constant 4 : i32
        %dma_start3A_1197 = arith.constant 896 : i32
        %dma_start3A_1198 = tpu.memref_slice %arg12[%dma_start3A_1195, %dma_start3A_1196, %dma_start3A_1197] : memref<2x6x1024xf32, #tpu.memory_space<vmem>> -> memref<1x1x128xf32, #tpu.memory_space<vmem>>
        %dma_start3A_1199 = tpu.memref_squeeze %dma_start3A_1198 : memref<1x1x128xf32, #tpu.memory_space<vmem>> -> memref<128xf32, #tpu.memory_space<vmem>>
        %dma_start3A_1200 = arith.constant 0 : i32
        %dma_start3A_1201 = tpu.memref_slice %arg11[%select_n3A_748, %select_n3A_764, %dma_start3A_1194, %dma_start3A_1200] : memref<3x16x8x128xi32, #tpu.memory_space<vmem>> -> memref<1x1x1x128xi32, #tpu.memory_space<vmem>>
        %dma_start3A_1202 = tpu.memref_squeeze %dma_start3A_1201 : memref<1x1x1x128xi32, #tpu.memory_space<vmem>> -> memref<128xi32, #tpu.memory_space<vmem>>
        %dma_start3A_1203 = arith.constant 0 : i32
        %dma_start3A_1204 = tpu.memref_slice %arg6[%dma_start3A_1203] : memref<1048576xf32, #tpu.memory_space<hbm>> -> memref<1048576xf32, #tpu.memory_space<hbm>>
        tpu.enqueue_indirect_dma source(%dma_start3A_1204 : memref<1048576xf32, #tpu.memory_space<hbm>>) target(%dma_start3A_1199 : memref<128xf32, #tpu.memory_space<vmem>>) offsets(%dma_start3A_1202 : memref<128xi32, #tpu.memory_space<vmem>>) semaphore(%arg17 : memref<!tpu.dma_semaphore, #tpu.memory_space<semaphore_mem>>)
        %dma_start3A_1205 = arith.constant 0 : i32
        %dma_start3A_1206 = arith.constant 1 : i32
        %dma_start3A_1207 = arith.constant 5 : i32
        %dma_start3A_1208 = arith.constant 0 : i32
        %dma_start3A_1209 = tpu.memref_slice %arg12[%dma_start3A_1206, %dma_start3A_1207, %dma_start3A_1208] : memref<2x6x1024xf32, #tpu.memory_space<vmem>> -> memref<1x1x128xf32, #tpu.memory_space<vmem>>
        %dma_start3A_1210 = tpu.memref_squeeze %dma_start3A_1209 : memref<1x1x128xf32, #tpu.memory_space<vmem>> -> memref<128xf32, #tpu.memory_space<vmem>>
        %dma_start3A_1211 = arith.constant 0 : i32
        %dma_start3A_1212 = tpu.memref_slice %arg11[%select_n3A_748, %select_n3A_764, %dma_start3A_1205, %dma_start3A_1211] : memref<3x16x8x128xi32, #tpu.memory_space<vmem>> -> memref<1x1x1x128xi32, #tpu.memory_space<vmem>>
        %dma_start3A_1213 = tpu.memref_squeeze %dma_start3A_1212 : memref<1x1x1x128xi32, #tpu.memory_space<vmem>> -> memref<128xi32, #tpu.memory_space<vmem>>
        %dma_start3A_1214 = arith.constant 0 : i32
        %dma_start3A_1215 = tpu.memref_slice %arg7[%dma_start3A_1214] : memref<1048576xf32, #tpu.memory_space<hbm>> -> memref<1048576xf32, #tpu.memory_space<hbm>>
        tpu.enqueue_indirect_dma source(%dma_start3A_1215 : memref<1048576xf32, #tpu.memory_space<hbm>>) target(%dma_start3A_1210 : memref<128xf32, #tpu.memory_space<vmem>>) offsets(%dma_start3A_1213 : memref<128xi32, #tpu.memory_space<vmem>>) semaphore(%arg17 : memref<!tpu.dma_semaphore, #tpu.memory_space<semaphore_mem>>)
        %dma_start3A_1216 = arith.constant 1 : i32
        %dma_start3A_1217 = arith.constant 1 : i32
        %dma_start3A_1218 = arith.constant 5 : i32
        %dma_start3A_1219 = arith.constant 128 : i32
        %dma_start3A_1220 = tpu.memref_slice %arg12[%dma_start3A_1217, %dma_start3A_1218, %dma_start3A_1219] : memref<2x6x1024xf32, #tpu.memory_space<vmem>> -> memref<1x1x128xf32, #tpu.memory_space<vmem>>
        %dma_start3A_1221 = tpu.memref_squeeze %dma_start3A_1220 : memref<1x1x128xf32, #tpu.memory_space<vmem>> -> memref<128xf32, #tpu.memory_space<vmem>>
        %dma_start3A_1222 = arith.constant 0 : i32
        %dma_start3A_1223 = tpu.memref_slice %arg11[%select_n3A_748, %select_n3A_764, %dma_start3A_1216, %dma_start3A_1222] : memref<3x16x8x128xi32, #tpu.memory_space<vmem>> -> memref<1x1x1x128xi32, #tpu.memory_space<vmem>>
        %dma_start3A_1224 = tpu.memref_squeeze %dma_start3A_1223 : memref<1x1x1x128xi32, #tpu.memory_space<vmem>> -> memref<128xi32, #tpu.memory_space<vmem>>
        %dma_start3A_1225 = arith.constant 0 : i32
        %dma_start3A_1226 = tpu.memref_slice %arg7[%dma_start3A_1225] : memref<1048576xf32, #tpu.memory_space<hbm>> -> memref<1048576xf32, #tpu.memory_space<hbm>>
        tpu.enqueue_indirect_dma source(%dma_start3A_1226 : memref<1048576xf32, #tpu.memory_space<hbm>>) target(%dma_start3A_1221 : memref<128xf32, #tpu.memory_space<vmem>>) offsets(%dma_start3A_1224 : memref<128xi32, #tpu.memory_space<vmem>>) semaphore(%arg17 : memref<!tpu.dma_semaphore, #tpu.memory_space<semaphore_mem>>)
        %dma_start3A_1227 = arith.constant 2 : i32
        %dma_start3A_1228 = arith.constant 1 : i32
        %dma_start3A_1229 = arith.constant 5 : i32
        %dma_start3A_1230 = arith.constant 256 : i32
        %dma_start3A_1231 = tpu.memref_slice %arg12[%dma_start3A_1228, %dma_start3A_1229, %dma_start3A_1230] : memref<2x6x1024xf32, #tpu.memory_space<vmem>> -> memref<1x1x128xf32, #tpu.memory_space<vmem>>
        %dma_start3A_1232 = tpu.memref_squeeze %dma_start3A_1231 : memref<1x1x128xf32, #tpu.memory_space<vmem>> -> memref<128xf32, #tpu.memory_space<vmem>>
        %dma_start3A_1233 = arith.constant 0 : i32
        %dma_start3A_1234 = tpu.memref_slice %arg11[%select_n3A_748, %select_n3A_764, %dma_start3A_1227, %dma_start3A_1233] : memref<3x16x8x128xi32, #tpu.memory_space<vmem>> -> memref<1x1x1x128xi32, #tpu.memory_space<vmem>>
        %dma_start3A_1235 = tpu.memref_squeeze %dma_start3A_1234 : memref<1x1x1x128xi32, #tpu.memory_space<vmem>> -> memref<128xi32, #tpu.memory_space<vmem>>
        %dma_start3A_1236 = arith.constant 0 : i32
        %dma_start3A_1237 = tpu.memref_slice %arg7[%dma_start3A_1236] : memref<1048576xf32, #tpu.memory_space<hbm>> -> memref<1048576xf32, #tpu.memory_space<hbm>>
        tpu.enqueue_indirect_dma source(%dma_start3A_1237 : memref<1048576xf32, #tpu.memory_space<hbm>>) target(%dma_start3A_1232 : memref<128xf32, #tpu.memory_space<vmem>>) offsets(%dma_start3A_1235 : memref<128xi32, #tpu.memory_space<vmem>>) semaphore(%arg17 : memref<!tpu.dma_semaphore, #tpu.memory_space<semaphore_mem>>)
        %dma_start3A_1238 = arith.constant 3 : i32
        %dma_start3A_1239 = arith.constant 1 : i32
        %dma_start3A_1240 = arith.constant 5 : i32
        %dma_start3A_1241 = arith.constant 384 : i32
        %dma_start3A_1242 = tpu.memref_slice %arg12[%dma_start3A_1239, %dma_start3A_1240, %dma_start3A_1241] : memref<2x6x1024xf32, #tpu.memory_space<vmem>> -> memref<1x1x128xf32, #tpu.memory_space<vmem>>
        %dma_start3A_1243 = tpu.memref_squeeze %dma_start3A_1242 : memref<1x1x128xf32, #tpu.memory_space<vmem>> -> memref<128xf32, #tpu.memory_space<vmem>>
        %dma_start3A_1244 = arith.constant 0 : i32
        %dma_start3A_1245 = tpu.memref_slice %arg11[%select_n3A_748, %select_n3A_764, %dma_start3A_1238, %dma_start3A_1244] : memref<3x16x8x128xi32, #tpu.memory_space<vmem>> -> memref<1x1x1x128xi32, #tpu.memory_space<vmem>>
        %dma_start3A_1246 = tpu.memref_squeeze %dma_start3A_1245 : memref<1x1x1x128xi32, #tpu.memory_space<vmem>> -> memref<128xi32, #tpu.memory_space<vmem>>
        %dma_start3A_1247 = arith.constant 0 : i32
        %dma_start3A_1248 = tpu.memref_slice %arg7[%dma_start3A_1247] : memref<1048576xf32, #tpu.memory_space<hbm>> -> memref<1048576xf32, #tpu.memory_space<hbm>>
        tpu.enqueue_indirect_dma source(%dma_start3A_1248 : memref<1048576xf32, #tpu.memory_space<hbm>>) target(%dma_start3A_1243 : memref<128xf32, #tpu.memory_space<vmem>>) offsets(%dma_start3A_1246 : memref<128xi32, #tpu.memory_space<vmem>>) semaphore(%arg17 : memref<!tpu.dma_semaphore, #tpu.memory_space<semaphore_mem>>)
        %dma_start3A_1249 = arith.constant 4 : i32
        %dma_start3A_1250 = arith.constant 1 : i32
        %dma_start3A_1251 = arith.constant 5 : i32
        %dma_start3A_1252 = arith.constant 512 : i32
        %dma_start3A_1253 = tpu.memref_slice %arg12[%dma_start3A_1250, %dma_start3A_1251, %dma_start3A_1252] : memref<2x6x1024xf32, #tpu.memory_space<vmem>> -> memref<1x1x128xf32, #tpu.memory_space<vmem>>
        %dma_start3A_1254 = tpu.memref_squeeze %dma_start3A_1253 : memref<1x1x128xf32, #tpu.memory_space<vmem>> -> memref<128xf32, #tpu.memory_space<vmem>>
        %dma_start3A_1255 = arith.constant 0 : i32
        %dma_start3A_1256 = tpu.memref_slice %arg11[%select_n3A_748, %select_n3A_764, %dma_start3A_1249, %dma_start3A_1255] : memref<3x16x8x128xi32, #tpu.memory_space<vmem>> -> memref<1x1x1x128xi32, #tpu.memory_space<vmem>>
        %dma_start3A_1257 = tpu.memref_squeeze %dma_start3A_1256 : memref<1x1x1x128xi32, #tpu.memory_space<vmem>> -> memref<128xi32, #tpu.memory_space<vmem>>
        %dma_start3A_1258 = arith.constant 0 : i32
        %dma_start3A_1259 = tpu.memref_slice %arg7[%dma_start3A_1258] : memref<1048576xf32, #tpu.memory_space<hbm>> -> memref<1048576xf32, #tpu.memory_space<hbm>>
        tpu.enqueue_indirect_dma source(%dma_start3A_1259 : memref<1048576xf32, #tpu.memory_space<hbm>>) target(%dma_start3A_1254 : memref<128xf32, #tpu.memory_space<vmem>>) offsets(%dma_start3A_1257 : memref<128xi32, #tpu.memory_space<vmem>>) semaphore(%arg17 : memref<!tpu.dma_semaphore, #tpu.memory_space<semaphore_mem>>)
        %dma_start3A_1260 = arith.constant 5 : i32
        %dma_start3A_1261 = arith.constant 1 : i32
        %dma_start3A_1262 = arith.constant 5 : i32
        %dma_start3A_1263 = arith.constant 640 : i32
        %dma_start3A_1264 = tpu.memref_slice %arg12[%dma_start3A_1261, %dma_start3A_1262, %dma_start3A_1263] : memref<2x6x1024xf32, #tpu.memory_space<vmem>> -> memref<1x1x128xf32, #tpu.memory_space<vmem>>
        %dma_start3A_1265 = tpu.memref_squeeze %dma_start3A_1264 : memref<1x1x128xf32, #tpu.memory_space<vmem>> -> memref<128xf32, #tpu.memory_space<vmem>>
        %dma_start3A_1266 = arith.constant 0 : i32
        %dma_start3A_1267 = tpu.memref_slice %arg11[%select_n3A_748, %select_n3A_764, %dma_start3A_1260, %dma_start3A_1266] : memref<3x16x8x128xi32, #tpu.memory_space<vmem>> -> memref<1x1x1x128xi32, #tpu.memory_space<vmem>>
        %dma_start3A_1268 = tpu.memref_squeeze %dma_start3A_1267 : memref<1x1x1x128xi32, #tpu.memory_space<vmem>> -> memref<128xi32, #tpu.memory_space<vmem>>
        %dma_start3A_1269 = arith.constant 0 : i32
        %dma_start3A_1270 = tpu.memref_slice %arg7[%dma_start3A_1269] : memref<1048576xf32, #tpu.memory_space<hbm>> -> memref<1048576xf32, #tpu.memory_space<hbm>>
        tpu.enqueue_indirect_dma source(%dma_start3A_1270 : memref<1048576xf32, #tpu.memory_space<hbm>>) target(%dma_start3A_1265 : memref<128xf32, #tpu.memory_space<vmem>>) offsets(%dma_start3A_1268 : memref<128xi32, #tpu.memory_space<vmem>>) semaphore(%arg17 : memref<!tpu.dma_semaphore, #tpu.memory_space<semaphore_mem>>)
        %dma_start3A_1271 = arith.constant 6 : i32
        %dma_start3A_1272 = arith.constant 1 : i32
        %dma_start3A_1273 = arith.constant 5 : i32
        %dma_start3A_1274 = arith.constant 768 : i32
        %dma_start3A_1275 = tpu.memref_slice %arg12[%dma_start3A_1272, %dma_start3A_1273, %dma_start3A_1274] : memref<2x6x1024xf32, #tpu.memory_space<vmem>> -> memref<1x1x128xf32, #tpu.memory_space<vmem>>
        %dma_start3A_1276 = tpu.memref_squeeze %dma_start3A_1275 : memref<1x1x128xf32, #tpu.memory_space<vmem>> -> memref<128xf32, #tpu.memory_space<vmem>>
        %dma_start3A_1277 = arith.constant 0 : i32
        %dma_start3A_1278 = tpu.memref_slice %arg11[%select_n3A_748, %select_n3A_764, %dma_start3A_1271, %dma_start3A_1277] : memref<3x16x8x128xi32, #tpu.memory_space<vmem>> -> memref<1x1x1x128xi32, #tpu.memory_space<vmem>>
        %dma_start3A_1279 = tpu.memref_squeeze %dma_start3A_1278 : memref<1x1x1x128xi32, #tpu.memory_space<vmem>> -> memref<128xi32, #tpu.memory_space<vmem>>
        %dma_start3A_1280 = arith.constant 0 : i32
        %dma_start3A_1281 = tpu.memref_slice %arg7[%dma_start3A_1280] : memref<1048576xf32, #tpu.memory_space<hbm>> -> memref<1048576xf32, #tpu.memory_space<hbm>>
        tpu.enqueue_indirect_dma source(%dma_start3A_1281 : memref<1048576xf32, #tpu.memory_space<hbm>>) target(%dma_start3A_1276 : memref<128xf32, #tpu.memory_space<vmem>>) offsets(%dma_start3A_1279 : memref<128xi32, #tpu.memory_space<vmem>>) semaphore(%arg17 : memref<!tpu.dma_semaphore, #tpu.memory_space<semaphore_mem>>)
        %dma_start3A_1282 = arith.constant 7 : i32
        %dma_start3A_1283 = arith.constant 1 : i32
        %dma_start3A_1284 = arith.constant 5 : i32
        %dma_start3A_1285 = arith.constant 896 : i32
        %dma_start3A_1286 = tpu.memref_slice %arg12[%dma_start3A_1283, %dma_start3A_1284, %dma_start3A_1285] : memref<2x6x1024xf32, #tpu.memory_space<vmem>> -> memref<1x1x128xf32, #tpu.memory_space<vmem>>
        %dma_start3A_1287 = tpu.memref_squeeze %dma_start3A_1286 : memref<1x1x128xf32, #tpu.memory_space<vmem>> -> memref<128xf32, #tpu.memory_space<vmem>>
        %dma_start3A_1288 = arith.constant 0 : i32
        %dma_start3A_1289 = tpu.memref_slice %arg11[%select_n3A_748, %select_n3A_764, %dma_start3A_1282, %dma_start3A_1288] : memref<3x16x8x128xi32, #tpu.memory_space<vmem>> -> memref<1x1x1x128xi32, #tpu.memory_space<vmem>>
        %dma_start3A_1290 = tpu.memref_squeeze %dma_start3A_1289 : memref<1x1x1x128xi32, #tpu.memory_space<vmem>> -> memref<128xi32, #tpu.memory_space<vmem>>
        %dma_start3A_1291 = arith.constant 0 : i32
        %dma_start3A_1292 = tpu.memref_slice %arg7[%dma_start3A_1291] : memref<1048576xf32, #tpu.memory_space<hbm>> -> memref<1048576xf32, #tpu.memory_space<hbm>>
        tpu.enqueue_indirect_dma source(%dma_start3A_1292 : memref<1048576xf32, #tpu.memory_space<hbm>>) target(%dma_start3A_1287 : memref<128xf32, #tpu.memory_space<vmem>>) offsets(%dma_start3A_1290 : memref<128xi32, #tpu.memory_space<vmem>>) semaphore(%arg17 : memref<!tpu.dma_semaphore, #tpu.memory_space<semaphore_mem>>)
        %dma_wait3A = arith.constant 0 : i32
        %dma_wait3A_1293 = arith.constant 0 : i32
        %dma_wait3A_1294 = arith.constant 0 : i32
        %dma_wait3A_1295 = tpu.memref_slice %arg12[%dma_wait3A, %dma_wait3A_1293, %dma_wait3A_1294] : memref<2x6x1024xf32, #tpu.memory_space<vmem>> -> memref<1x1x1024xf32, #tpu.memory_space<vmem>>
        %dma_wait3A_1296 = tpu.memref_squeeze %dma_wait3A_1295 : memref<1x1x1024xf32, #tpu.memory_space<vmem>> -> memref<1024xf32, #tpu.memory_space<vmem>>
        %dma_wait3A_1297 = arith.constant 0 : i32
        %dma_wait3A_1298 = tpu.memref_slice %arg2[%dma_wait3A_1297] : memref<1048576xf32, #tpu.memory_space<hbm>> -> memref<1024xf32, #tpu.memory_space<hbm>>
        %dma_wait3A_1299 = arith.constant 0 : i32
        %dma_wait3A_1300 = tpu.memref_slice %arg12[%dma_wait3A, %dma_wait3A_1293, %dma_wait3A_1299] : memref<2x6x1024xf32, #tpu.memory_space<vmem>> -> memref<1x1x1024xf32, #tpu.memory_space<vmem>>
        %dma_wait3A_1301 = tpu.memref_squeeze %dma_wait3A_1300 : memref<1x1x1024xf32, #tpu.memory_space<vmem>> -> memref<1024xf32, #tpu.memory_space<vmem>>
        %dma_wait3A_1302 = arith.constant 0 : i32
        %dma_wait3A_1303 = tpu.memref_slice %arg2[%dma_wait3A_1302] : memref<1048576xf32, #tpu.memory_space<hbm>> -> memref<1024xf32, #tpu.memory_space<hbm>>
        tpu.wait_dma2 semaphore(%arg16 : memref<!tpu.dma_semaphore, #tpu.memory_space<semaphore_mem>>) src(%dma_wait3A_1303 : memref<1024xf32, #tpu.memory_space<hbm>>) dst(%dma_wait3A_1301 : memref<1024xf32, #tpu.memory_space<vmem>>)
        %dma_wait3A_1304 = arith.constant 0 : i32
        %dma_wait3A_1305 = arith.constant 1 : i32
        %dma_wait3A_1306 = arith.constant 0 : i32
        %dma_wait3A_1307 = tpu.memref_slice %arg12[%dma_wait3A_1304, %dma_wait3A_1305, %dma_wait3A_1306] : memref<2x6x1024xf32, #tpu.memory_space<vmem>> -> memref<1x1x1024xf32, #tpu.memory_space<vmem>>
        %dma_wait3A_1308 = tpu.memref_squeeze %dma_wait3A_1307 : memref<1x1x1024xf32, #tpu.memory_space<vmem>> -> memref<1024xf32, #tpu.memory_space<vmem>>
        %dma_wait3A_1309 = arith.constant 0 : i32
        %dma_wait3A_1310 = tpu.memref_slice %arg3[%dma_wait3A_1309] : memref<1048576xf32, #tpu.memory_space<hbm>> -> memref<1024xf32, #tpu.memory_space<hbm>>
        %dma_wait3A_1311 = arith.constant 0 : i32
        %dma_wait3A_1312 = tpu.memref_slice %arg12[%dma_wait3A_1304, %dma_wait3A_1305, %dma_wait3A_1311] : memref<2x6x1024xf32, #tpu.memory_space<vmem>> -> memref<1x1x1024xf32, #tpu.memory_space<vmem>>
        %dma_wait3A_1313 = tpu.memref_squeeze %dma_wait3A_1312 : memref<1x1x1024xf32, #tpu.memory_space<vmem>> -> memref<1024xf32, #tpu.memory_space<vmem>>
        %dma_wait3A_1314 = arith.constant 0 : i32
        %dma_wait3A_1315 = tpu.memref_slice %arg3[%dma_wait3A_1314] : memref<1048576xf32, #tpu.memory_space<hbm>> -> memref<1024xf32, #tpu.memory_space<hbm>>
        tpu.wait_dma2 semaphore(%arg16 : memref<!tpu.dma_semaphore, #tpu.memory_space<semaphore_mem>>) src(%dma_wait3A_1315 : memref<1024xf32, #tpu.memory_space<hbm>>) dst(%dma_wait3A_1313 : memref<1024xf32, #tpu.memory_space<vmem>>)
        %dma_wait3A_1316 = arith.constant 0 : i32
        %dma_wait3A_1317 = arith.constant 2 : i32
        %dma_wait3A_1318 = arith.constant 0 : i32
        %dma_wait3A_1319 = tpu.memref_slice %arg12[%dma_wait3A_1316, %dma_wait3A_1317, %dma_wait3A_1318] : memref<2x6x1024xf32, #tpu.memory_space<vmem>> -> memref<1x1x1024xf32, #tpu.memory_space<vmem>>
        %dma_wait3A_1320 = tpu.memref_squeeze %dma_wait3A_1319 : memref<1x1x1024xf32, #tpu.memory_space<vmem>> -> memref<1024xf32, #tpu.memory_space<vmem>>
        %dma_wait3A_1321 = arith.constant 0 : i32
        %dma_wait3A_1322 = tpu.memref_slice %arg4[%dma_wait3A_1321] : memref<1048576xf32, #tpu.memory_space<hbm>> -> memref<1024xf32, #tpu.memory_space<hbm>>
        %dma_wait3A_1323 = arith.constant 0 : i32
        %dma_wait3A_1324 = tpu.memref_slice %arg12[%dma_wait3A_1316, %dma_wait3A_1317, %dma_wait3A_1323] : memref<2x6x1024xf32, #tpu.memory_space<vmem>> -> memref<1x1x1024xf32, #tpu.memory_space<vmem>>
        %dma_wait3A_1325 = tpu.memref_squeeze %dma_wait3A_1324 : memref<1x1x1024xf32, #tpu.memory_space<vmem>> -> memref<1024xf32, #tpu.memory_space<vmem>>
        %dma_wait3A_1326 = arith.constant 0 : i32
        %dma_wait3A_1327 = tpu.memref_slice %arg4[%dma_wait3A_1326] : memref<1048576xf32, #tpu.memory_space<hbm>> -> memref<1024xf32, #tpu.memory_space<hbm>>
        tpu.wait_dma2 semaphore(%arg16 : memref<!tpu.dma_semaphore, #tpu.memory_space<semaphore_mem>>) src(%dma_wait3A_1327 : memref<1024xf32, #tpu.memory_space<hbm>>) dst(%dma_wait3A_1325 : memref<1024xf32, #tpu.memory_space<vmem>>)
        %dma_wait3A_1328 = arith.constant 0 : i32
        %dma_wait3A_1329 = arith.constant 3 : i32
        %dma_wait3A_1330 = arith.constant 0 : i32
        %dma_wait3A_1331 = tpu.memref_slice %arg12[%dma_wait3A_1328, %dma_wait3A_1329, %dma_wait3A_1330] : memref<2x6x1024xf32, #tpu.memory_space<vmem>> -> memref<1x1x1024xf32, #tpu.memory_space<vmem>>
        %dma_wait3A_1332 = tpu.memref_squeeze %dma_wait3A_1331 : memref<1x1x1024xf32, #tpu.memory_space<vmem>> -> memref<1024xf32, #tpu.memory_space<vmem>>
        %dma_wait3A_1333 = arith.constant 0 : i32
        %dma_wait3A_1334 = tpu.memref_slice %arg5[%dma_wait3A_1333] : memref<1048576xf32, #tpu.memory_space<hbm>> -> memref<1024xf32, #tpu.memory_space<hbm>>
        %dma_wait3A_1335 = arith.constant 0 : i32
        %dma_wait3A_1336 = tpu.memref_slice %arg12[%dma_wait3A_1328, %dma_wait3A_1329, %dma_wait3A_1335] : memref<2x6x1024xf32, #tpu.memory_space<vmem>> -> memref<1x1x1024xf32, #tpu.memory_space<vmem>>
        %dma_wait3A_1337 = tpu.memref_squeeze %dma_wait3A_1336 : memref<1x1x1024xf32, #tpu.memory_space<vmem>> -> memref<1024xf32, #tpu.memory_space<vmem>>
        %dma_wait3A_1338 = arith.constant 0 : i32
        %dma_wait3A_1339 = tpu.memref_slice %arg5[%dma_wait3A_1338] : memref<1048576xf32, #tpu.memory_space<hbm>> -> memref<1024xf32, #tpu.memory_space<hbm>>
        tpu.wait_dma2 semaphore(%arg16 : memref<!tpu.dma_semaphore, #tpu.memory_space<semaphore_mem>>) src(%dma_wait3A_1339 : memref<1024xf32, #tpu.memory_space<hbm>>) dst(%dma_wait3A_1337 : memref<1024xf32, #tpu.memory_space<vmem>>)
        %dma_wait3A_1340 = arith.constant 0 : i32
        %dma_wait3A_1341 = arith.constant 4 : i32
        %dma_wait3A_1342 = arith.constant 0 : i32
        %dma_wait3A_1343 = tpu.memref_slice %arg12[%dma_wait3A_1340, %dma_wait3A_1341, %dma_wait3A_1342] : memref<2x6x1024xf32, #tpu.memory_space<vmem>> -> memref<1x1x1024xf32, #tpu.memory_space<vmem>>
        %dma_wait3A_1344 = tpu.memref_squeeze %dma_wait3A_1343 : memref<1x1x1024xf32, #tpu.memory_space<vmem>> -> memref<1024xf32, #tpu.memory_space<vmem>>
        %dma_wait3A_1345 = arith.constant 0 : i32
        %dma_wait3A_1346 = tpu.memref_slice %arg6[%dma_wait3A_1345] : memref<1048576xf32, #tpu.memory_space<hbm>> -> memref<1024xf32, #tpu.memory_space<hbm>>
        %dma_wait3A_1347 = arith.constant 0 : i32
        %dma_wait3A_1348 = tpu.memref_slice %arg12[%dma_wait3A_1340, %dma_wait3A_1341, %dma_wait3A_1347] : memref<2x6x1024xf32, #tpu.memory_space<vmem>> -> memref<1x1x1024xf32, #tpu.memory_space<vmem>>
        %dma_wait3A_1349 = tpu.memref_squeeze %dma_wait3A_1348 : memref<1x1x1024xf32, #tpu.memory_space<vmem>> -> memref<1024xf32, #tpu.memory_space<vmem>>
        %dma_wait3A_1350 = arith.constant 0 : i32
        %dma_wait3A_1351 = tpu.memref_slice %arg6[%dma_wait3A_1350] : memref<1048576xf32, #tpu.memory_space<hbm>> -> memref<1024xf32, #tpu.memory_space<hbm>>
        tpu.wait_dma2 semaphore(%arg16 : memref<!tpu.dma_semaphore, #tpu.memory_space<semaphore_mem>>) src(%dma_wait3A_1351 : memref<1024xf32, #tpu.memory_space<hbm>>) dst(%dma_wait3A_1349 : memref<1024xf32, #tpu.memory_space<vmem>>)
        %dma_wait3A_1352 = arith.constant 0 : i32
        %dma_wait3A_1353 = arith.constant 5 : i32
        %dma_wait3A_1354 = arith.constant 0 : i32
        %dma_wait3A_1355 = tpu.memref_slice %arg12[%dma_wait3A_1352, %dma_wait3A_1353, %dma_wait3A_1354] : memref<2x6x1024xf32, #tpu.memory_space<vmem>> -> memref<1x1x1024xf32, #tpu.memory_space<vmem>>
        %dma_wait3A_1356 = tpu.memref_squeeze %dma_wait3A_1355 : memref<1x1x1024xf32, #tpu.memory_space<vmem>> -> memref<1024xf32, #tpu.memory_space<vmem>>
        %dma_wait3A_1357 = arith.constant 0 : i32
        %dma_wait3A_1358 = tpu.memref_slice %arg7[%dma_wait3A_1357] : memref<1048576xf32, #tpu.memory_space<hbm>> -> memref<1024xf32, #tpu.memory_space<hbm>>
        %dma_wait3A_1359 = arith.constant 0 : i32
        %dma_wait3A_1360 = tpu.memref_slice %arg12[%dma_wait3A_1352, %dma_wait3A_1353, %dma_wait3A_1359] : memref<2x6x1024xf32, #tpu.memory_space<vmem>> -> memref<1x1x1024xf32, #tpu.memory_space<vmem>>
        %dma_wait3A_1361 = tpu.memref_squeeze %dma_wait3A_1360 : memref<1x1x1024xf32, #tpu.memory_space<vmem>> -> memref<1024xf32, #tpu.memory_space<vmem>>
        %dma_wait3A_1362 = arith.constant 0 : i32
        %dma_wait3A_1363 = tpu.memref_slice %arg7[%dma_wait3A_1362] : memref<1048576xf32, #tpu.memory_space<hbm>> -> memref<1024xf32, #tpu.memory_space<hbm>>
        tpu.wait_dma2 semaphore(%arg16 : memref<!tpu.dma_semaphore, #tpu.memory_space<semaphore_mem>>) src(%dma_wait3A_1363 : memref<1024xf32, #tpu.memory_space<hbm>>) dst(%dma_wait3A_1361 : memref<1024xf32, #tpu.memory_space<vmem>>)
        %get3A_1364 = arith.constant 0 : i32
        %get3A_1365 = arith.constant 0 : i32
        %get3A_1366 = arith.index_cast %get3A_1364 : i32 to index
        %get3A_1367 = arith.index_cast %get3A_1365 : i32 to index
        %get3A_1368 = arith.constant 0 : index
        %get3A_1369 = tpu.vector_load %arg12[%get3A_1366, %get3A_1367, %get3A_1368] {strides = array<i32>} : memref<2x6x1024xf32, #tpu.memory_space<vmem>>, vector<1x1x16xf32>,
        %get3A_1370 = vector.shape_cast %get3A_1369 : vector<1x1x16xf32> to vector<16xf32>
        %lt3A_1371 = arith.constant 0 : i32
        %lt3A_1372 = vector.broadcast %lt3A_1371 : i32 to vector<16xi32>
        %lt3A_1373 = arith.cmpi slt, %broadcast_in_dim3A_3, %lt3A_1372 : vector<16xi32>
        %add3A_1374 = arith.constant 16 : i32
        %add3A_1375 = vector.broadcast %add3A_1374 : i32 to vector<16xi32>
        %add3A_1376 = arith.addi %broadcast_in_dim3A_3, %add3A_1375 : vector<16xi32>
        %select_n3A_1377 = arith.select %lt3A_1373, %add3A_1376, %broadcast_in_dim3A_3 : vector<16xi1>, vector<16xi32>
        %broadcast_in_dim3A_1378 = vector.shape_cast %select_n3A_1377 : vector<16xi32> to vector<16x1xi32>
        %gather3A = vector.shape_cast %broadcast_in_dim3A_1378 : vector<16x1xi32> to vector<16xi32>
        %gather3A_1379 = tpu.dynamic_gather %get3A_1370[%gather3A] in [0] : vector<16xf32>, vector<16xi32> -> vector<16xf32>
        %get3A_1380 = arith.constant 0 : i32
        %get3A_1381 = arith.constant 1 : i32
        %get3A_1382 = arith.index_cast %get3A_1380 : i32 to index
        %get3A_1383 = arith.index_cast %get3A_1381 : i32 to index
        %get3A_1384 = arith.constant 0 : index
        %get3A_1385 = tpu.vector_load %arg12[%get3A_1382, %get3A_1383, %get3A_1384] {strides = array<i32>} : memref<2x6x1024xf32, #tpu.memory_space<vmem>>, vector<1x1x16xf32>,
        %get3A_1386 = vector.shape_cast %get3A_1385 : vector<1x1x16xf32> to vector<16xf32>
        %lt3A_1387 = arith.constant 0 : i32
        %lt3A_1388 = vector.broadcast %lt3A_1387 : i32 to vector<16xi32>
        %lt3A_1389 = arith.cmpi slt, %broadcast_in_dim3A_3, %lt3A_1388 : vector<16xi32>
        %add3A_1390 = arith.constant 16 : i32
        %add3A_1391 = vector.broadcast %add3A_1390 : i32 to vector<16xi32>
        %add3A_1392 = arith.addi %broadcast_in_dim3A_3, %add3A_1391 : vector<16xi32>
        %select_n3A_1393 = arith.select %lt3A_1389, %add3A_1392, %broadcast_in_dim3A_3 : vector<16xi1>, vector<16xi32>
        %broadcast_in_dim3A_1394 = vector.shape_cast %select_n3A_1393 : vector<16xi32> to vector<16x1xi32>
        %gather3A_1395 = vector.shape_cast %broadcast_in_dim3A_1394 : vector<16x1xi32> to vector<16xi32>
        %gather3A_1396 = tpu.dynamic_gather %get3A_1386[%gather3A_1395] in [0] : vector<16xf32>, vector<16xi32> -> vector<16xf32>
        %get3A_1397 = arith.constant 0 : i32
        %get3A_1398 = arith.constant 2 : i32
        %get3A_1399 = arith.index_cast %get3A_1397 : i32 to index
        %get3A_1400 = arith.index_cast %get3A_1398 : i32 to index
        %get3A_1401 = arith.constant 0 : index
        %get3A_1402 = tpu.vector_load %arg12[%get3A_1399, %get3A_1400, %get3A_1401] {strides = array<i32>} : memref<2x6x1024xf32, #tpu.memory_space<vmem>>, vector<1x1x16xf32>,
        %get3A_1403 = vector.shape_cast %get3A_1402 : vector<1x1x16xf32> to vector<16xf32>
        %lt3A_1404 = arith.constant 0 : i32
        %lt3A_1405 = vector.broadcast %lt3A_1404 : i32 to vector<16xi32>
        %lt3A_1406 = arith.cmpi slt, %broadcast_in_dim3A_3, %lt3A_1405 : vector<16xi32>
        %add3A_1407 = arith.constant 16 : i32
        %add3A_1408 = vector.broadcast %add3A_1407 : i32 to vector<16xi32>
        %add3A_1409 = arith.addi %broadcast_in_dim3A_3, %add3A_1408 : vector<16xi32>
        %select_n3A_1410 = arith.select %lt3A_1406, %add3A_1409, %broadcast_in_dim3A_3 : vector<16xi1>, vector<16xi32>
        %broadcast_in_dim3A_1411 = vector.shape_cast %select_n3A_1410 : vector<16xi32> to vector<16x1xi32>
        %gather3A_1412 = vector.shape_cast %broadcast_in_dim3A_1411 : vector<16x1xi32> to vector<16xi32>
        %gather3A_1413 = tpu.dynamic_gather %get3A_1403[%gather3A_1412] in [0] : vector<16xf32>, vector<16xi32> -> vector<16xf32>
        %get3A_1414 = arith.constant 0 : i32
        %get3A_1415 = arith.constant 3 : i32
        %get3A_1416 = arith.index_cast %get3A_1414 : i32 to index
        %get3A_1417 = arith.index_cast %get3A_1415 : i32 to index
        %get3A_1418 = arith.constant 0 : index
        %get3A_1419 = tpu.vector_load %arg12[%get3A_1416, %get3A_1417, %get3A_1418] {strides = array<i32>} : memref<2x6x1024xf32, #tpu.memory_space<vmem>>, vector<1x1x16xf32>,
        %get3A_1420 = vector.shape_cast %get3A_1419 : vector<1x1x16xf32> to vector<16xf32>
        %lt3A_1421 = arith.constant 0 : i32
        %lt3A_1422 = vector.broadcast %lt3A_1421 : i32 to vector<16xi32>
        %lt3A_1423 = arith.cmpi slt, %broadcast_in_dim3A_3, %lt3A_1422 : vector<16xi32>
        %add3A_1424 = arith.constant 16 : i32
        %add3A_1425 = vector.broadcast %add3A_1424 : i32 to vector<16xi32>
        %add3A_1426 = arith.addi %broadcast_in_dim3A_3, %add3A_1425 : vector<16xi32>
        %select_n3A_1427 = arith.select %lt3A_1423, %add3A_1426, %broadcast_in_dim3A_3 : vector<16xi1>, vector<16xi32>
        %broadcast_in_dim3A_1428 = vector.shape_cast %select_n3A_1427 : vector<16xi32> to vector<16x1xi32>
        %gather3A_1429 = vector.shape_cast %broadcast_in_dim3A_1428 : vector<16x1xi32> to vector<16xi32>
        %gather3A_1430 = tpu.dynamic_gather %get3A_1420[%gather3A_1429] in [0] : vector<16xf32>, vector<16xi32> -> vector<16xf32>
        %get3A_1431 = arith.constant 0 : i32
        %get3A_1432 = arith.constant 4 : i32
        %get3A_1433 = arith.index_cast %get3A_1431 : i32 to index
        %get3A_1434 = arith.index_cast %get3A_1432 : i32 to index
        %get3A_1435 = arith.constant 0 : index
        %get3A_1436 = tpu.vector_load %arg12[%get3A_1433, %get3A_1434, %get3A_1435] {strides = array<i32>} : memref<2x6x1024xf32, #tpu.memory_space<vmem>>, vector<1x1x16xf32>,
        %get3A_1437 = vector.shape_cast %get3A_1436 : vector<1x1x16xf32> to vector<16xf32>
        %lt3A_1438 = arith.constant 0 : i32
        %lt3A_1439 = vector.broadcast %lt3A_1438 : i32 to vector<16xi32>
        %lt3A_1440 = arith.cmpi slt, %broadcast_in_dim3A_3, %lt3A_1439 : vector<16xi32>
        %add3A_1441 = arith.constant 16 : i32
        %add3A_1442 = vector.broadcast %add3A_1441 : i32 to vector<16xi32>
        %add3A_1443 = arith.addi %broadcast_in_dim3A_3, %add3A_1442 : vector<16xi32>
        %select_n3A_1444 = arith.select %lt3A_1440, %add3A_1443, %broadcast_in_dim3A_3 : vector<16xi1>, vector<16xi32>
        %broadcast_in_dim3A_1445 = vector.shape_cast %select_n3A_1444 : vector<16xi32> to vector<16x1xi32>
        %gather3A_1446 = vector.shape_cast %broadcast_in_dim3A_1445 : vector<16x1xi32> to vector<16xi32>
        %gather3A_1447 = tpu.dynamic_gather %get3A_1437[%gather3A_1446] in [0] : vector<16xf32>, vector<16xi32> -> vector<16xf32>
        %get3A_1448 = arith.constant 0 : i32
        %get3A_1449 = arith.constant 5 : i32
        %get3A_1450 = arith.index_cast %get3A_1448 : i32 to index
        %get3A_1451 = arith.index_cast %get3A_1449 : i32 to index
        %get3A_1452 = arith.constant 0 : index
        %get3A_1453 = tpu.vector_load %arg12[%get3A_1450, %get3A_1451, %get3A_1452] {strides = array<i32>} : memref<2x6x1024xf32, #tpu.memory_space<vmem>>, vector<1x1x16xf32>,
        %get3A_1454 = vector.shape_cast %get3A_1453 : vector<1x1x16xf32> to vector<16xf32>
        %lt3A_1455 = arith.constant 0 : i32
        %lt3A_1456 = vector.broadcast %lt3A_1455 : i32 to vector<16xi32>
        %lt3A_1457 = arith.cmpi slt, %broadcast_in_dim3A_3, %lt3A_1456 : vector<16xi32>
        %add3A_1458 = arith.constant 16 : i32
        %add3A_1459 = vector.broadcast %add3A_1458 : i32 to vector<16xi32>
        %add3A_1460 = arith.addi %broadcast_in_dim3A_3, %add3A_1459 : vector<16xi32>
        %select_n3A_1461 = arith.select %lt3A_1457, %add3A_1460, %broadcast_in_dim3A_3 : vector<16xi1>, vector<16xi32>
        %broadcast_in_dim3A_1462 = vector.shape_cast %select_n3A_1461 : vector<16xi32> to vector<16x1xi32>
        %gather3A_1463 = vector.shape_cast %broadcast_in_dim3A_1462 : vector<16x1xi32> to vector<16xi32>
        %gather3A_1464 = tpu.dynamic_gather %get3A_1454[%gather3A_1463] in [0] : vector<16xf32>, vector<16xi32> -> vector<16xf32>
        %scan3A_1465 = arith.constant 0 : i32
        %scan3A_1466 = arith.constant 64 : i32
        %scan3A_1467 = arith.addi %scan3A_1465, %scan3A_1466 : i32
        %scan3A_1468 = arith.constant 1 : i32
        %scan3A_1469 = scf.for %scan3A_2237 = %scan3A_1465 to %scan3A_1467 step %scan3A_1468 iter_args(%scan3A_2238 = %broadcast_in_dim3A_1) -> (vector<16xf32>)  : i32 {
          %mul3A_2239 = arith.constant 16 : i32
          %mul3A_2240 = arith.muli %scan3A_2237, %mul3A_2239 : i32
          %get3A_2241 = arith.constant 0 : i32
          %get3A_2242 = arith.constant 0 : i32
          %get3A_2243 = arith.index_cast %get3A_2241 : i32 to index
          %get3A_2244 = arith.index_cast %get3A_2242 : i32 to index
          %get3A_2245 = arith.index_cast %mul3A_2240 : i32 to index
          %get3A_2246 = tpu.vector_load %arg12[%get3A_2243, %get3A_2244, %get3A_2245] {strides = array<i32>} : memref<2x6x1024xf32, #tpu.memory_space<vmem>>, vector<1x1x16xf32>,
          %get3A_2247 = vector.shape_cast %get3A_2246 : vector<1x1x16xf32> to vector<16xf32>
          %sub3A_2248 = arith.subf %get3A_2247, %gather3A_1379 : vector<16xf32>
          %get3A_2249 = arith.constant 0 : i32
          %get3A_2250 = arith.constant 1 : i32
          %get3A_2251 = arith.index_cast %get3A_2249 : i32 to index
          %get3A_2252 = arith.index_cast %get3A_2250 : i32 to index
          %get3A_2253 = arith.index_cast %mul3A_2240 : i32 to index
          %get3A_2254 = tpu.vector_load %arg12[%get3A_2251, %get3A_2252, %get3A_2253] {strides = array<i32>} : memref<2x6x1024xf32, #tpu.memory_space<vmem>>, vector<1x1x16xf32>,
          %get3A_2255 = vector.shape_cast %get3A_2254 : vector<1x1x16xf32> to vector<16xf32>
          %sub3A_2256 = arith.subf %get3A_2255, %gather3A_1396 : vector<16xf32>
          %get3A_2257 = arith.constant 0 : i32
          %get3A_2258 = arith.constant 2 : i32
          %get3A_2259 = arith.index_cast %get3A_2257 : i32 to index
          %get3A_2260 = arith.index_cast %get3A_2258 : i32 to index
          %get3A_2261 = arith.index_cast %mul3A_2240 : i32 to index
          %get3A_2262 = tpu.vector_load %arg12[%get3A_2259, %get3A_2260, %get3A_2261] {strides = array<i32>} : memref<2x6x1024xf32, #tpu.memory_space<vmem>>, vector<1x1x16xf32>,
          %get3A_2263 = vector.shape_cast %get3A_2262 : vector<1x1x16xf32> to vector<16xf32>
          %sub3A_2264 = arith.subf %get3A_2263, %gather3A_1413 : vector<16xf32>
          %get3A_2265 = arith.constant 0 : i32
          %get3A_2266 = arith.constant 3 : i32
          %get3A_2267 = arith.index_cast %get3A_2265 : i32 to index
          %get3A_2268 = arith.index_cast %get3A_2266 : i32 to index
          %get3A_2269 = arith.index_cast %mul3A_2240 : i32 to index
          %get3A_2270 = tpu.vector_load %arg12[%get3A_2267, %get3A_2268, %get3A_2269] {strides = array<i32>} : memref<2x6x1024xf32, #tpu.memory_space<vmem>>, vector<1x1x16xf32>,
          %get3A_2271 = vector.shape_cast %get3A_2270 : vector<1x1x16xf32> to vector<16xf32>
          %sub3A_2272 = arith.subf %get3A_2271, %gather3A_1430 : vector<16xf32>
          %get3A_2273 = arith.constant 0 : i32
          %get3A_2274 = arith.constant 4 : i32
          %get3A_2275 = arith.index_cast %get3A_2273 : i32 to index
          %get3A_2276 = arith.index_cast %get3A_2274 : i32 to index
          %get3A_2277 = arith.index_cast %mul3A_2240 : i32 to index
          %get3A_2278 = tpu.vector_load %arg12[%get3A_2275, %get3A_2276, %get3A_2277] {strides = array<i32>} : memref<2x6x1024xf32, #tpu.memory_space<vmem>>, vector<1x1x16xf32>,
          %get3A_2279 = vector.shape_cast %get3A_2278 : vector<1x1x16xf32> to vector<16xf32>
          %sub3A_2280 = arith.subf %get3A_2279, %gather3A_1447 : vector<16xf32>
          %get3A_2281 = arith.constant 0 : i32
          %get3A_2282 = arith.constant 5 : i32
          %get3A_2283 = arith.index_cast %get3A_2281 : i32 to index
          %get3A_2284 = arith.index_cast %get3A_2282 : i32 to index
          %get3A_2285 = arith.index_cast %mul3A_2240 : i32 to index
          %get3A_2286 = tpu.vector_load %arg12[%get3A_2283, %get3A_2284, %get3A_2285] {strides = array<i32>} : memref<2x6x1024xf32, #tpu.memory_space<vmem>>, vector<1x1x16xf32>,
          %get3A_2287 = vector.shape_cast %get3A_2286 : vector<1x1x16xf32> to vector<16xf32>
          %sub3A_2288 = arith.subf %get3A_2287, %gather3A_1464 : vector<16xf32>
          %mul3A_2289 = arith.mulf %sub3A_2248, %sub3A_2248 : vector<16xf32>
          %mul3A_2290 = arith.mulf %sub3A_2256, %sub3A_2256 : vector<16xf32>
          %add3A_2291 = arith.addf %mul3A_2289, %mul3A_2290 : vector<16xf32>
          %mul3A_2292 = arith.mulf %sub3A_2264, %sub3A_2264 : vector<16xf32>
          %add3A_2293 = arith.addf %add3A_2291, %mul3A_2292 : vector<16xf32>
          %add3A_2294 = arith.constant 9.99999996E-13 : f32
          %add3A_2295 = vector.broadcast %add3A_2294 : f32 to vector<16xf32>
          %add3A_2296 = arith.addf %add3A_2293, %add3A_2295 : vector<16xf32>
          %mul3A_2297 = arith.mulf %sub3A_2272, %sub3A_2272 : vector<16xf32>
          %mul3A_2298 = arith.mulf %sub3A_2280, %sub3A_2280 : vector<16xf32>
          %add3A_2299 = arith.addf %mul3A_2297, %mul3A_2298 : vector<16xf32>
          %mul3A_2300 = arith.mulf %sub3A_2288, %sub3A_2288 : vector<16xf32>
          %add3A_2301 = arith.addf %add3A_2299, %mul3A_2300 : vector<16xf32>
          %add3A_2302 = arith.constant 9.99999996E-13 : f32
          %add3A_2303 = vector.broadcast %add3A_2302 : f32 to vector<16xf32>
          %add3A_2304 = arith.addf %add3A_2301, %add3A_2303 : vector<16xf32>
          %bitcast_convert_type3A_2305 = tpu.bitcast %add3A_2296 : vector<16xf32> -> vector<16xi32>
          %shift_right_arithmetic3A_2306 = arith.constant 1 : i32
          %shift_right_arithmetic3A_2307 = vector.broadcast %shift_right_arithmetic3A_2306 : i32 to vector<16xi32>
          %shift_right_arithmetic3A_2308 = arith.shrsi %bitcast_convert_type3A_2305, %shift_right_arithmetic3A_2307 : vector<16xi32>
          %sub3A_2309 = arith.constant 1597463007 : i32
          %sub3A_2310 = vector.broadcast %sub3A_2309 : i32 to vector<16xi32>
          %sub3A_2311 = arith.subi %sub3A_2310, %shift_right_arithmetic3A_2308 : vector<16xi32>
          %bitcast_convert_type3A_2312 = tpu.bitcast %sub3A_2311 : vector<16xi32> -> vector<16xf32>
          %mul3A_2313 = arith.constant 5.000000e-01 : f32
          %mul3A_2314 = vector.broadcast %mul3A_2313 : f32 to vector<16xf32>
          %mul3A_2315 = arith.mulf %add3A_2296, %mul3A_2314 : vector<16xf32>
          %mul3A_2316 = arith.mulf %mul3A_2315, %bitcast_convert_type3A_2312 : vector<16xf32>
          %mul3A_2317 = arith.mulf %mul3A_2316, %bitcast_convert_type3A_2312 : vector<16xf32>
          %sub3A_2318 = arith.constant 1.500000e+00 : f32
          %sub3A_2319 = vector.broadcast %sub3A_2318 : f32 to vector<16xf32>
          %sub3A_2320 = arith.subf %sub3A_2319, %mul3A_2317 : vector<16xf32>
          %mul3A_2321 = arith.mulf %bitcast_convert_type3A_2312, %sub3A_2320 : vector<16xf32>
          %mul3A_2322 = arith.mulf %mul3A_2315, %mul3A_2321 : vector<16xf32>
          %mul3A_2323 = arith.mulf %mul3A_2322, %mul3A_2321 : vector<16xf32>
          %sub3A_2324 = arith.constant 1.500000e+00 : f32
          %sub3A_2325 = vector.broadcast %sub3A_2324 : f32 to vector<16xf32>
          %sub3A_2326 = arith.subf %sub3A_2325, %mul3A_2323 : vector<16xf32>
          %mul3A_2327 = arith.mulf %mul3A_2321, %sub3A_2326 : vector<16xf32>
          %mul3A_2328 = arith.mulf %mul3A_2315, %mul3A_2327 : vector<16xf32>
          %mul3A_2329 = arith.mulf %mul3A_2328, %mul3A_2327 : vector<16xf32>
          %sub3A_2330 = arith.constant 1.500000e+00 : f32
          %sub3A_2331 = vector.broadcast %sub3A_2330 : f32 to vector<16xf32>
          %sub3A_2332 = arith.subf %sub3A_2331, %mul3A_2329 : vector<16xf32>
          %mul3A_2333 = arith.mulf %mul3A_2327, %sub3A_2332 : vector<16xf32>
          %mul3A_2334 = arith.mulf %add3A_2296, %mul3A_2333 : vector<16xf32>
          %bitcast_convert_type3A_2335 = tpu.bitcast %add3A_2304 : vector<16xf32> -> vector<16xi32>
          %shift_right_arithmetic3A_2336 = arith.constant 1 : i32
          %shift_right_arithmetic3A_2337 = vector.broadcast %shift_right_arithmetic3A_2336 : i32 to vector<16xi32>
          %shift_right_arithmetic3A_2338 = arith.shrsi %bitcast_convert_type3A_2335, %shift_right_arithmetic3A_2337 : vector<16xi32>
          %sub3A_2339 = arith.constant 1597463007 : i32
          %sub3A_2340 = vector.broadcast %sub3A_2339 : i32 to vector<16xi32>
          %sub3A_2341 = arith.subi %sub3A_2340, %shift_right_arithmetic3A_2338 : vector<16xi32>
          %bitcast_convert_type3A_2342 = tpu.bitcast %sub3A_2341 : vector<16xi32> -> vector<16xf32>
          %mul3A_2343 = arith.constant 5.000000e-01 : f32
          %mul3A_2344 = vector.broadcast %mul3A_2343 : f32 to vector<16xf32>
          %mul3A_2345 = arith.mulf %add3A_2304, %mul3A_2344 : vector<16xf32>
          %mul3A_2346 = arith.mulf %mul3A_2345, %bitcast_convert_type3A_2342 : vector<16xf32>
          %mul3A_2347 = arith.mulf %mul3A_2346, %bitcast_convert_type3A_2342 : vector<16xf32>
          %sub3A_2348 = arith.constant 1.500000e+00 : f32
          %sub3A_2349 = vector.broadcast %sub3A_2348 : f32 to vector<16xf32>
          %sub3A_2350 = arith.subf %sub3A_2349, %mul3A_2347 : vector<16xf32>
          %mul3A_2351 = arith.mulf %bitcast_convert_type3A_2342, %sub3A_2350 : vector<16xf32>
          %mul3A_2352 = arith.mulf %mul3A_2345, %mul3A_2351 : vector<16xf32>
          %mul3A_2353 = arith.mulf %mul3A_2352, %mul3A_2351 : vector<16xf32>
          %sub3A_2354 = arith.constant 1.500000e+00 : f32
          %sub3A_2355 = vector.broadcast %sub3A_2354 : f32 to vector<16xf32>
          %sub3A_2356 = arith.subf %sub3A_2355, %mul3A_2353 : vector<16xf32>
          %mul3A_2357 = arith.mulf %mul3A_2351, %sub3A_2356 : vector<16xf32>
          %mul3A_2358 = arith.mulf %mul3A_2345, %mul3A_2357 : vector<16xf32>
          %mul3A_2359 = arith.mulf %mul3A_2358, %mul3A_2357 : vector<16xf32>
          %sub3A_2360 = arith.constant 1.500000e+00 : f32
          %sub3A_2361 = vector.broadcast %sub3A_2360 : f32 to vector<16xf32>
          %sub3A_2362 = arith.subf %sub3A_2361, %mul3A_2359 : vector<16xf32>
          %mul3A_2363 = arith.mulf %mul3A_2357, %sub3A_2362 : vector<16xf32>
          %mul3A_2364 = arith.mulf %add3A_2304, %mul3A_2363 : vector<16xf32>
          %sub3A_2365 = arith.subf %mul3A_2334, %mul3A_2364 : vector<16xf32>
          %mul3A_2366 = arith.mulf %sub3A_2365, %sub3A_2365 : vector<16xf32>
          %add3A_2367 = arith.addf %scan3A_2238, %mul3A_2366 : vector<16xf32>
          scf.yield %add3A_2367 : vector<16xf32>
        }
        %scan3A_1470 = arith.constant 64 : i32
        %xor3A = arith.constant 1 : i32
        %xor3A_1471 = vector.broadcast %xor3A : i32 to vector<16xi32>
        %xor3A_1472 = arith.xori %iota3A, %xor3A_1471 : vector<16xi32>
        %lt3A_1473 = arith.constant 0 : i32
        %lt3A_1474 = vector.broadcast %lt3A_1473 : i32 to vector<16xi32>
        %lt3A_1475 = arith.cmpi slt, %xor3A_1472, %lt3A_1474 : vector<16xi32>
        %add3A_1476 = arith.constant 16 : i32
        %add3A_1477 = vector.broadcast %add3A_1476 : i32 to vector<16xi32>
        %add3A_1478 = arith.addi %xor3A_1472, %add3A_1477 : vector<16xi32>
        %select_n3A_1479 = arith.select %lt3A_1475, %add3A_1478, %xor3A_1472 : vector<16xi1>, vector<16xi32>
        %broadcast_in_dim3A_1480 = vector.shape_cast %select_n3A_1479 : vector<16xi32> to vector<16x1xi32>
        %gather3A_1481 = vector.shape_cast %broadcast_in_dim3A_1480 : vector<16x1xi32> to vector<16xi32>
        %gather3A_1482 = tpu.dynamic_gather %scan3A_1469[%gather3A_1481] in [0] : vector<16xf32>, vector<16xi32> -> vector<16xf32>
        %add3A_1483 = arith.addf %scan3A_1469, %gather3A_1482 : vector<16xf32>
        %xor3A_1484 = arith.constant 2 : i32
        %xor3A_1485 = vector.broadcast %xor3A_1484 : i32 to vector<16xi32>
        %xor3A_1486 = arith.xori %iota3A, %xor3A_1485 : vector<16xi32>
        %lt3A_1487 = arith.constant 0 : i32
        %lt3A_1488 = vector.broadcast %lt3A_1487 : i32 to vector<16xi32>
        %lt3A_1489 = arith.cmpi slt, %xor3A_1486, %lt3A_1488 : vector<16xi32>
        %add3A_1490 = arith.constant 16 : i32
        %add3A_1491 = vector.broadcast %add3A_1490 : i32 to vector<16xi32>
        %add3A_1492 = arith.addi %xor3A_1486, %add3A_1491 : vector<16xi32>
        %select_n3A_1493 = arith.select %lt3A_1489, %add3A_1492, %xor3A_1486 : vector<16xi1>, vector<16xi32>
        %broadcast_in_dim3A_1494 = vector.shape_cast %select_n3A_1493 : vector<16xi32> to vector<16x1xi32>
        %gather3A_1495 = vector.shape_cast %broadcast_in_dim3A_1494 : vector<16x1xi32> to vector<16xi32>
        %gather3A_1496 = tpu.dynamic_gather %add3A_1483[%gather3A_1495] in [0] : vector<16xf32>, vector<16xi32> -> vector<16xf32>
        %add3A_1497 = arith.addf %add3A_1483, %gather3A_1496 : vector<16xf32>
        %xor3A_1498 = arith.constant 4 : i32
        %xor3A_1499 = vector.broadcast %xor3A_1498 : i32 to vector<16xi32>
        %xor3A_1500 = arith.xori %iota3A, %xor3A_1499 : vector<16xi32>
        %lt3A_1501 = arith.constant 0 : i32
        %lt3A_1502 = vector.broadcast %lt3A_1501 : i32 to vector<16xi32>
        %lt3A_1503 = arith.cmpi slt, %xor3A_1500, %lt3A_1502 : vector<16xi32>
        %add3A_1504 = arith.constant 16 : i32
        %add3A_1505 = vector.broadcast %add3A_1504 : i32 to vector<16xi32>
        %add3A_1506 = arith.addi %xor3A_1500, %add3A_1505 : vector<16xi32>
        %select_n3A_1507 = arith.select %lt3A_1503, %add3A_1506, %xor3A_1500 : vector<16xi1>, vector<16xi32>
        %broadcast_in_dim3A_1508 = vector.shape_cast %select_n3A_1507 : vector<16xi32> to vector<16x1xi32>
        %gather3A_1509 = vector.shape_cast %broadcast_in_dim3A_1508 : vector<16x1xi32> to vector<16xi32>
        %gather3A_1510 = tpu.dynamic_gather %add3A_1497[%gather3A_1509] in [0] : vector<16xf32>, vector<16xi32> -> vector<16xf32>
        %add3A_1511 = arith.addf %add3A_1497, %gather3A_1510 : vector<16xf32>
        %xor3A_1512 = arith.constant 8 : i32
        %xor3A_1513 = vector.broadcast %xor3A_1512 : i32 to vector<16xi32>
        %xor3A_1514 = arith.xori %iota3A, %xor3A_1513 : vector<16xi32>
        %lt3A_1515 = arith.constant 0 : i32
        %lt3A_1516 = vector.broadcast %lt3A_1515 : i32 to vector<16xi32>
        %lt3A_1517 = arith.cmpi slt, %xor3A_1514, %lt3A_1516 : vector<16xi32>
        %add3A_1518 = arith.constant 16 : i32
        %add3A_1519 = vector.broadcast %add3A_1518 : i32 to vector<16xi32>
        %add3A_1520 = arith.addi %xor3A_1514, %add3A_1519 : vector<16xi32>
        %select_n3A_1521 = arith.select %lt3A_1517, %add3A_1520, %xor3A_1514 : vector<16xi1>, vector<16xi32>
        %broadcast_in_dim3A_1522 = vector.shape_cast %select_n3A_1521 : vector<16xi32> to vector<16x1xi32>
        %gather3A_1523 = vector.shape_cast %broadcast_in_dim3A_1522 : vector<16x1xi32> to vector<16xi32>
        %gather3A_1524 = tpu.dynamic_gather %add3A_1511[%gather3A_1523] in [0] : vector<16xf32>, vector<16xi32> -> vector<16xf32>
        %add3A_1525 = arith.addf %add3A_1511, %gather3A_1524 : vector<16xf32>
        %mul3A_1526 = arith.constant 2 : i32
        %mul3A_1527 = arith.muli %mul3A_1526, %scan3A_708 : i32
        %eq3A_1528 = vector.broadcast %mul3A_1527 : i32 to vector<16xi32>
        %eq3A_1529 = arith.cmpi eq, %iota3A, %eq3A_1528 : vector<16xi32>
        %select_n3A_1530 = arith.select %eq3A_1529, %add3A_1525, %scan3A_709 : vector<16xi1>, vector<16xf32>
        %add3A_1531 = arith.constant 2 : i32
        %add3A_1532 = arith.addi %add3A_714, %add3A_1531 : i32
        %lt3A_1533 = arith.constant 336 : i32
        %lt3A_1534 = arith.cmpi slt, %add3A_1532, %lt3A_1533 : i32
        %convert_element_type3A_1535 = arith.extui %lt3A_1534 : i1 to i32
        %cond3A_1536 = arith.constant 0 : i32
        %cond3A_1537 = arith.cmpi ne, %convert_element_type3A_1535, %cond3A_1536 : i32
        scf.if %cond3A_1537 {
          %add3A_2237 = arith.constant 2 : i32
          %add3A_2238 = arith.addi %add3A_714, %add3A_2237 : i32
          %jit3A_2239 = arith.constant 16 : i32
          %div3A_2240 = arith.divsi %add3A_2238, %jit3A_2239 : i32
          %sign3A_2241 = arith.constant 0 : i32
          %sign3A_2242 = arith.cmpi sgt, %add3A_2238, %sign3A_2241 : i32
          %sign3A_2243 = arith.extui %sign3A_2242 : i1 to i32
          %sign3A_2244 = arith.constant 0 : i32
          %sign3A_2245 = arith.cmpi slt, %add3A_2238, %sign3A_2244 : i32
          %sign3A_2246 = arith.extui %sign3A_2245 : i1 to i32
          %sign3A_2247 = arith.subi %sign3A_2243, %sign3A_2246 : i32
          %sign3A_2248 = arith.constant 0 : i32
          %sign3A_2249 = arith.cmpi sgt, %jit3A_2239, %sign3A_2248 : i32
          %sign3A_2250 = arith.extui %sign3A_2249 : i1 to i32
          %sign3A_2251 = arith.constant 0 : i32
          %sign3A_2252 = arith.cmpi slt, %jit3A_2239, %sign3A_2251 : i32
          %sign3A_2253 = arith.extui %sign3A_2252 : i1 to i32
          %sign3A_2254 = arith.subi %sign3A_2250, %sign3A_2253 : i32
          %ne3A_2255 = arith.cmpi ne, %sign3A_2247, %sign3A_2254 : i32
          %rem3A_2256 = arith.remsi %add3A_2238, %jit3A_2239 : i32
          %ne3A_2257 = arith.constant 0 : i32
          %ne3A_2258 = arith.cmpi ne, %rem3A_2256, %ne3A_2257 : i32
          %and3A_2259 = arith.andi %ne3A_2255, %ne3A_2258 : i1
          %sub3A_2260 = arith.constant 1 : i32
          %sub3A_2261 = arith.subi %div3A_2240, %sub3A_2260 : i32
          %select_n3A_2262 = arith.select %and3A_2259, %sub3A_2261, %div3A_2240 : i32
          %jit3A_2263 = arith.constant 3 : i32
          %eq3A_2264 = arith.constant 0 : i32
          %eq3A_2265 = arith.cmpi eq, %jit3A_2263, %eq3A_2264 : i32
          %jit3A_2266 = arith.constant 1 : i32
          %select_n3A_2267 = arith.select %eq3A_2265, %jit3A_2266, %jit3A_2263 : i32
          %rem3A_2268 = arith.remsi %select_n3A_2262, %select_n3A_2267 : i32
          %ne3A_2269 = arith.constant 0 : i32
          %ne3A_2270 = arith.cmpi ne, %rem3A_2268, %ne3A_2269 : i32
          %lt3A_2271 = arith.constant 0 : i32
          %lt3A_2272 = arith.cmpi slt, %rem3A_2268, %lt3A_2271 : i32
          %lt3A_2273 = arith.constant 0 : i32
          %lt3A_2274 = arith.cmpi slt, %select_n3A_2267, %lt3A_2273 : i32
          %ne3A_2275 = arith.xori %lt3A_2272, %lt3A_2274 : i1
          %and3A_2276 = arith.andi %ne3A_2275, %ne3A_2270 : i1
          %add3A_2277 = arith.addi %rem3A_2268, %select_n3A_2267 : i32
          %select_n3A_2278 = arith.select %and3A_2276, %add3A_2277, %rem3A_2268 : i32
          %jit3A_2279 = arith.constant 16 : i32
          %eq3A_2280 = arith.constant 0 : i32
          %eq3A_2281 = arith.cmpi eq, %jit3A_2279, %eq3A_2280 : i32
          %jit3A_2282 = arith.constant 1 : i32
          %select_n3A_2283 = arith.select %eq3A_2281, %jit3A_2282, %jit3A_2279 : i32
          %rem3A_2284 = arith.remsi %add3A_2238, %select_n3A_2283 : i32
          %ne3A_2285 = arith.constant 0 : i32
          %ne3A_2286 = arith.cmpi ne, %rem3A_2284, %ne3A_2285 : i32
          %lt3A_2287 = arith.constant 0 : i32
          %lt3A_2288 = arith.cmpi slt, %rem3A_2284, %lt3A_2287 : i32
          %lt3A_2289 = arith.constant 0 : i32
          %lt3A_2290 = arith.cmpi slt, %select_n3A_2283, %lt3A_2289 : i32
          %ne3A_2291 = arith.xori %lt3A_2288, %lt3A_2290 : i1
          %and3A_2292 = arith.andi %ne3A_2291, %ne3A_2286 : i1
          %add3A_2293 = arith.addi %rem3A_2284, %select_n3A_2283 : i32
          %select_n3A_2294 = arith.select %and3A_2292, %add3A_2293, %rem3A_2284 : i32
          %dma_start3A_2295 = arith.constant 0 : i32
          %dma_start3A_2296 = arith.constant 0 : i32
          %dma_start3A_2297 = arith.constant 0 : i32
          %dma_start3A_2298 = arith.constant 0 : i32
          %dma_start3A_2299 = tpu.memref_slice %arg12[%dma_start3A_2296, %dma_start3A_2297, %dma_start3A_2298] : memref<2x6x1024xf32, #tpu.memory_space<vmem>> -> memref<1x1x128xf32, #tpu.memory_space<vmem>>
          %dma_start3A_2300 = tpu.memref_squeeze %dma_start3A_2299 : memref<1x1x128xf32, #tpu.memory_space<vmem>> -> memref<128xf32, #tpu.memory_space<vmem>>
          %dma_start3A_2301 = arith.constant 0 : i32
          %dma_start3A_2302 = tpu.memref_slice %arg11[%select_n3A_2278, %select_n3A_2294, %dma_start3A_2295, %dma_start3A_2301] : memref<3x16x8x128xi32, #tpu.memory_space<vmem>> -> memref<1x1x1x128xi32, #tpu.memory_space<vmem>>
          %dma_start3A_2303 = tpu.memref_squeeze %dma_start3A_2302 : memref<1x1x1x128xi32, #tpu.memory_space<vmem>> -> memref<128xi32, #tpu.memory_space<vmem>>
          %dma_start3A_2304 = arith.constant 0 : i32
          %dma_start3A_2305 = tpu.memref_slice %arg2[%dma_start3A_2304] : memref<1048576xf32, #tpu.memory_space<hbm>> -> memref<1048576xf32, #tpu.memory_space<hbm>>
          tpu.enqueue_indirect_dma source(%dma_start3A_2305 : memref<1048576xf32, #tpu.memory_space<hbm>>) target(%dma_start3A_2300 : memref<128xf32, #tpu.memory_space<vmem>>) offsets(%dma_start3A_2303 : memref<128xi32, #tpu.memory_space<vmem>>) semaphore(%arg16 : memref<!tpu.dma_semaphore, #tpu.memory_space<semaphore_mem>>)
          %dma_start3A_2306 = arith.constant 1 : i32
          %dma_start3A_2307 = arith.constant 0 : i32
          %dma_start3A_2308 = arith.constant 0 : i32
          %dma_start3A_2309 = arith.constant 128 : i32
          %dma_start3A_2310 = tpu.memref_slice %arg12[%dma_start3A_2307, %dma_start3A_2308, %dma_start3A_2309] : memref<2x6x1024xf32, #tpu.memory_space<vmem>> -> memref<1x1x128xf32, #tpu.memory_space<vmem>>
          %dma_start3A_2311 = tpu.memref_squeeze %dma_start3A_2310 : memref<1x1x128xf32, #tpu.memory_space<vmem>> -> memref<128xf32, #tpu.memory_space<vmem>>
          %dma_start3A_2312 = arith.constant 0 : i32
          %dma_start3A_2313 = tpu.memref_slice %arg11[%select_n3A_2278, %select_n3A_2294, %dma_start3A_2306, %dma_start3A_2312] : memref<3x16x8x128xi32, #tpu.memory_space<vmem>> -> memref<1x1x1x128xi32, #tpu.memory_space<vmem>>
          %dma_start3A_2314 = tpu.memref_squeeze %dma_start3A_2313 : memref<1x1x1x128xi32, #tpu.memory_space<vmem>> -> memref<128xi32, #tpu.memory_space<vmem>>
          %dma_start3A_2315 = arith.constant 0 : i32
          %dma_start3A_2316 = tpu.memref_slice %arg2[%dma_start3A_2315] : memref<1048576xf32, #tpu.memory_space<hbm>> -> memref<1048576xf32, #tpu.memory_space<hbm>>
          tpu.enqueue_indirect_dma source(%dma_start3A_2316 : memref<1048576xf32, #tpu.memory_space<hbm>>) target(%dma_start3A_2311 : memref<128xf32, #tpu.memory_space<vmem>>) offsets(%dma_start3A_2314 : memref<128xi32, #tpu.memory_space<vmem>>) semaphore(%arg16 : memref<!tpu.dma_semaphore, #tpu.memory_space<semaphore_mem>>)
          %dma_start3A_2317 = arith.constant 2 : i32
          %dma_start3A_2318 = arith.constant 0 : i32
          %dma_start3A_2319 = arith.constant 0 : i32
          %dma_start3A_2320 = arith.constant 256 : i32
          %dma_start3A_2321 = tpu.memref_slice %arg12[%dma_start3A_2318, %dma_start3A_2319, %dma_start3A_2320] : memref<2x6x1024xf32, #tpu.memory_space<vmem>> -> memref<1x1x128xf32, #tpu.memory_space<vmem>>
          %dma_start3A_2322 = tpu.memref_squeeze %dma_start3A_2321 : memref<1x1x128xf32, #tpu.memory_space<vmem>> -> memref<128xf32, #tpu.memory_space<vmem>>
          %dma_start3A_2323 = arith.constant 0 : i32
          %dma_start3A_2324 = tpu.memref_slice %arg11[%select_n3A_2278, %select_n3A_2294, %dma_start3A_2317, %dma_start3A_2323] : memref<3x16x8x128xi32, #tpu.memory_space<vmem>> -> memref<1x1x1x128xi32, #tpu.memory_space<vmem>>
          %dma_start3A_2325 = tpu.memref_squeeze %dma_start3A_2324 : memref<1x1x1x128xi32, #tpu.memory_space<vmem>> -> memref<128xi32, #tpu.memory_space<vmem>>
          %dma_start3A_2326 = arith.constant 0 : i32
          %dma_start3A_2327 = tpu.memref_slice %arg2[%dma_start3A_2326] : memref<1048576xf32, #tpu.memory_space<hbm>> -> memref<1048576xf32, #tpu.memory_space<hbm>>
          tpu.enqueue_indirect_dma source(%dma_start3A_2327 : memref<1048576xf32, #tpu.memory_space<hbm>>) target(%dma_start3A_2322 : memref<128xf32, #tpu.memory_space<vmem>>) offsets(%dma_start3A_2325 : memref<128xi32, #tpu.memory_space<vmem>>) semaphore(%arg16 : memref<!tpu.dma_semaphore, #tpu.memory_space<semaphore_mem>>)
          %dma_start3A_2328 = arith.constant 3 : i32
          %dma_start3A_2329 = arith.constant 0 : i32
          %dma_start3A_2330 = arith.constant 0 : i32
          %dma_start3A_2331 = arith.constant 384 : i32
          %dma_start3A_2332 = tpu.memref_slice %arg12[%dma_start3A_2329, %dma_start3A_2330, %dma_start3A_2331] : memref<2x6x1024xf32, #tpu.memory_space<vmem>> -> memref<1x1x128xf32, #tpu.memory_space<vmem>>
          %dma_start3A_2333 = tpu.memref_squeeze %dma_start3A_2332 : memref<1x1x128xf32, #tpu.memory_space<vmem>> -> memref<128xf32, #tpu.memory_space<vmem>>
          %dma_start3A_2334 = arith.constant 0 : i32
          %dma_start3A_2335 = tpu.memref_slice %arg11[%select_n3A_2278, %select_n3A_2294, %dma_start3A_2328, %dma_start3A_2334] : memref<3x16x8x128xi32, #tpu.memory_space<vmem>> -> memref<1x1x1x128xi32, #tpu.memory_space<vmem>>
          %dma_start3A_2336 = tpu.memref_squeeze %dma_start3A_2335 : memref<1x1x1x128xi32, #tpu.memory_space<vmem>> -> memref<128xi32, #tpu.memory_space<vmem>>
          %dma_start3A_2337 = arith.constant 0 : i32
          %dma_start3A_2338 = tpu.memref_slice %arg2[%dma_start3A_2337] : memref<1048576xf32, #tpu.memory_space<hbm>> -> memref<1048576xf32, #tpu.memory_space<hbm>>
          tpu.enqueue_indirect_dma source(%dma_start3A_2338 : memref<1048576xf32, #tpu.memory_space<hbm>>) target(%dma_start3A_2333 : memref<128xf32, #tpu.memory_space<vmem>>) offsets(%dma_start3A_2336 : memref<128xi32, #tpu.memory_space<vmem>>) semaphore(%arg16 : memref<!tpu.dma_semaphore, #tpu.memory_space<semaphore_mem>>)
          %dma_start3A_2339 = arith.constant 4 : i32
          %dma_start3A_2340 = arith.constant 0 : i32
          %dma_start3A_2341 = arith.constant 0 : i32
          %dma_start3A_2342 = arith.constant 512 : i32
          %dma_start3A_2343 = tpu.memref_slice %arg12[%dma_start3A_2340, %dma_start3A_2341, %dma_start3A_2342] : memref<2x6x1024xf32, #tpu.memory_space<vmem>> -> memref<1x1x128xf32, #tpu.memory_space<vmem>>
          %dma_start3A_2344 = tpu.memref_squeeze %dma_start3A_2343 : memref<1x1x128xf32, #tpu.memory_space<vmem>> -> memref<128xf32, #tpu.memory_space<vmem>>
          %dma_start3A_2345 = arith.constant 0 : i32
          %dma_start3A_2346 = tpu.memref_slice %arg11[%select_n3A_2278, %select_n3A_2294, %dma_start3A_2339, %dma_start3A_2345] : memref<3x16x8x128xi32, #tpu.memory_space<vmem>> -> memref<1x1x1x128xi32, #tpu.memory_space<vmem>>
          %dma_start3A_2347 = tpu.memref_squeeze %dma_start3A_2346 : memref<1x1x1x128xi32, #tpu.memory_space<vmem>> -> memref<128xi32, #tpu.memory_space<vmem>>
          %dma_start3A_2348 = arith.constant 0 : i32
          %dma_start3A_2349 = tpu.memref_slice %arg2[%dma_start3A_2348] : memref<1048576xf32, #tpu.memory_space<hbm>> -> memref<1048576xf32, #tpu.memory_space<hbm>>
          tpu.enqueue_indirect_dma source(%dma_start3A_2349 : memref<1048576xf32, #tpu.memory_space<hbm>>) target(%dma_start3A_2344 : memref<128xf32, #tpu.memory_space<vmem>>) offsets(%dma_start3A_2347 : memref<128xi32, #tpu.memory_space<vmem>>) semaphore(%arg16 : memref<!tpu.dma_semaphore, #tpu.memory_space<semaphore_mem>>)
          %dma_start3A_2350 = arith.constant 5 : i32
          %dma_start3A_2351 = arith.constant 0 : i32
          %dma_start3A_2352 = arith.constant 0 : i32
          %dma_start3A_2353 = arith.constant 640 : i32
          %dma_start3A_2354 = tpu.memref_slice %arg12[%dma_start3A_2351, %dma_start3A_2352, %dma_start3A_2353] : memref<2x6x1024xf32, #tpu.memory_space<vmem>> -> memref<1x1x128xf32, #tpu.memory_space<vmem>>
          %dma_start3A_2355 = tpu.memref_squeeze %dma_start3A_2354 : memref<1x1x128xf32, #tpu.memory_space<vmem>> -> memref<128xf32, #tpu.memory_space<vmem>>
          %dma_start3A_2356 = arith.constant 0 : i32
          %dma_start3A_2357 = tpu.memref_slice %arg11[%select_n3A_2278, %select_n3A_2294, %dma_start3A_2350, %dma_start3A_2356] : memref<3x16x8x128xi32, #tpu.memory_space<vmem>> -> memref<1x1x1x128xi32, #tpu.memory_space<vmem>>
          %dma_start3A_2358 = tpu.memref_squeeze %dma_start3A_2357 : memref<1x1x1x128xi32, #tpu.memory_space<vmem>> -> memref<128xi32, #tpu.memory_space<vmem>>
          %dma_start3A_2359 = arith.constant 0 : i32
          %dma_start3A_2360 = tpu.memref_slice %arg2[%dma_start3A_2359] : memref<1048576xf32, #tpu.memory_space<hbm>> -> memref<1048576xf32, #tpu.memory_space<hbm>>
          tpu.enqueue_indirect_dma source(%dma_start3A_2360 : memref<1048576xf32, #tpu.memory_space<hbm>>) target(%dma_start3A_2355 : memref<128xf32, #tpu.memory_space<vmem>>) offsets(%dma_start3A_2358 : memref<128xi32, #tpu.memory_space<vmem>>) semaphore(%arg16 : memref<!tpu.dma_semaphore, #tpu.memory_space<semaphore_mem>>)
          %dma_start3A_2361 = arith.constant 6 : i32
          %dma_start3A_2362 = arith.constant 0 : i32
          %dma_start3A_2363 = arith.constant 0 : i32
          %dma_start3A_2364 = arith.constant 768 : i32
          %dma_start3A_2365 = tpu.memref_slice %arg12[%dma_start3A_2362, %dma_start3A_2363, %dma_start3A_2364] : memref<2x6x1024xf32, #tpu.memory_space<vmem>> -> memref<1x1x128xf32, #tpu.memory_space<vmem>>
          %dma_start3A_2366 = tpu.memref_squeeze %dma_start3A_2365 : memref<1x1x128xf32, #tpu.memory_space<vmem>> -> memref<128xf32, #tpu.memory_space<vmem>>
          %dma_start3A_2367 = arith.constant 0 : i32
          %dma_start3A_2368 = tpu.memref_slice %arg11[%select_n3A_2278, %select_n3A_2294, %dma_start3A_2361, %dma_start3A_2367] : memref<3x16x8x128xi32, #tpu.memory_space<vmem>> -> memref<1x1x1x128xi32, #tpu.memory_space<vmem>>
          %dma_start3A_2369 = tpu.memref_squeeze %dma_start3A_2368 : memref<1x1x1x128xi32, #tpu.memory_space<vmem>> -> memref<128xi32, #tpu.memory_space<vmem>>
          %dma_start3A_2370 = arith.constant 0 : i32
          %dma_start3A_2371 = tpu.memref_slice %arg2[%dma_start3A_2370] : memref<1048576xf32, #tpu.memory_space<hbm>> -> memref<1048576xf32, #tpu.memory_space<hbm>>
          tpu.enqueue_indirect_dma source(%dma_start3A_2371 : memref<1048576xf32, #tpu.memory_space<hbm>>) target(%dma_start3A_2366 : memref<128xf32, #tpu.memory_space<vmem>>) offsets(%dma_start3A_2369 : memref<128xi32, #tpu.memory_space<vmem>>) semaphore(%arg16 : memref<!tpu.dma_semaphore, #tpu.memory_space<semaphore_mem>>)
          %dma_start3A_2372 = arith.constant 7 : i32
          %dma_start3A_2373 = arith.constant 0 : i32
          %dma_start3A_2374 = arith.constant 0 : i32
          %dma_start3A_2375 = arith.constant 896 : i32
          %dma_start3A_2376 = tpu.memref_slice %arg12[%dma_start3A_2373, %dma_start3A_2374, %dma_start3A_2375] : memref<2x6x1024xf32, #tpu.memory_space<vmem>> -> memref<1x1x128xf32, #tpu.memory_space<vmem>>
          %dma_start3A_2377 = tpu.memref_squeeze %dma_start3A_2376 : memref<1x1x128xf32, #tpu.memory_space<vmem>> -> memref<128xf32, #tpu.memory_space<vmem>>
          %dma_start3A_2378 = arith.constant 0 : i32
          %dma_start3A_2379 = tpu.memref_slice %arg11[%select_n3A_2278, %select_n3A_2294, %dma_start3A_2372, %dma_start3A_2378] : memref<3x16x8x128xi32, #tpu.memory_space<vmem>> -> memref<1x1x1x128xi32, #tpu.memory_space<vmem>>
          %dma_start3A_2380 = tpu.memref_squeeze %dma_start3A_2379 : memref<1x1x1x128xi32, #tpu.memory_space<vmem>> -> memref<128xi32, #tpu.memory_space<vmem>>
          %dma_start3A_2381 = arith.constant 0 : i32
          %dma_start3A_2382 = tpu.memref_slice %arg2[%dma_start3A_2381] : memref<1048576xf32, #tpu.memory_space<hbm>> -> memref<1048576xf32, #tpu.memory_space<hbm>>
          tpu.enqueue_indirect_dma source(%dma_start3A_2382 : memref<1048576xf32, #tpu.memory_space<hbm>>) target(%dma_start3A_2377 : memref<128xf32, #tpu.memory_space<vmem>>) offsets(%dma_start3A_2380 : memref<128xi32, #tpu.memory_space<vmem>>) semaphore(%arg16 : memref<!tpu.dma_semaphore, #tpu.memory_space<semaphore_mem>>)
          %dma_start3A_2383 = arith.constant 0 : i32
          %dma_start3A_2384 = arith.constant 0 : i32
          %dma_start3A_2385 = arith.constant 1 : i32
          %dma_start3A_2386 = arith.constant 0 : i32
          %dma_start3A_2387 = tpu.memref_slice %arg12[%dma_start3A_2384, %dma_start3A_2385, %dma_start3A_2386] : memref<2x6x1024xf32, #tpu.memory_space<vmem>> -> memref<1x1x128xf32, #tpu.memory_space<vmem>>
          %dma_start3A_2388 = tpu.memref_squeeze %dma_start3A_2387 : memref<1x1x128xf32, #tpu.memory_space<vmem>> -> memref<128xf32, #tpu.memory_space<vmem>>
          %dma_start3A_2389 = arith.constant 0 : i32
          %dma_start3A_2390 = tpu.memref_slice %arg11[%select_n3A_2278, %select_n3A_2294, %dma_start3A_2383, %dma_start3A_2389] : memref<3x16x8x128xi32, #tpu.memory_space<vmem>> -> memref<1x1x1x128xi32, #tpu.memory_space<vmem>>
          %dma_start3A_2391 = tpu.memref_squeeze %dma_start3A_2390 : memref<1x1x1x128xi32, #tpu.memory_space<vmem>> -> memref<128xi32, #tpu.memory_space<vmem>>
          %dma_start3A_2392 = arith.constant 0 : i32
          %dma_start3A_2393 = tpu.memref_slice %arg3[%dma_start3A_2392] : memref<1048576xf32, #tpu.memory_space<hbm>> -> memref<1048576xf32, #tpu.memory_space<hbm>>
          tpu.enqueue_indirect_dma source(%dma_start3A_2393 : memref<1048576xf32, #tpu.memory_space<hbm>>) target(%dma_start3A_2388 : memref<128xf32, #tpu.memory_space<vmem>>) offsets(%dma_start3A_2391 : memref<128xi32, #tpu.memory_space<vmem>>) semaphore(%arg16 : memref<!tpu.dma_semaphore, #tpu.memory_space<semaphore_mem>>)
          %dma_start3A_2394 = arith.constant 1 : i32
          %dma_start3A_2395 = arith.constant 0 : i32
          %dma_start3A_2396 = arith.constant 1 : i32
          %dma_start3A_2397 = arith.constant 128 : i32
          %dma_start3A_2398 = tpu.memref_slice %arg12[%dma_start3A_2395, %dma_start3A_2396, %dma_start3A_2397] : memref<2x6x1024xf32, #tpu.memory_space<vmem>> -> memref<1x1x128xf32, #tpu.memory_space<vmem>>
          %dma_start3A_2399 = tpu.memref_squeeze %dma_start3A_2398 : memref<1x1x128xf32, #tpu.memory_space<vmem>> -> memref<128xf32, #tpu.memory_space<vmem>>
          %dma_start3A_2400 = arith.constant 0 : i32
          %dma_start3A_2401 = tpu.memref_slice %arg11[%select_n3A_2278, %select_n3A_2294, %dma_start3A_2394, %dma_start3A_2400] : memref<3x16x8x128xi32, #tpu.memory_space<vmem>> -> memref<1x1x1x128xi32, #tpu.memory_space<vmem>>
          %dma_start3A_2402 = tpu.memref_squeeze %dma_start3A_2401 : memref<1x1x1x128xi32, #tpu.memory_space<vmem>> -> memref<128xi32, #tpu.memory_space<vmem>>
          %dma_start3A_2403 = arith.constant 0 : i32
          %dma_start3A_2404 = tpu.memref_slice %arg3[%dma_start3A_2403] : memref<1048576xf32, #tpu.memory_space<hbm>> -> memref<1048576xf32, #tpu.memory_space<hbm>>
          tpu.enqueue_indirect_dma source(%dma_start3A_2404 : memref<1048576xf32, #tpu.memory_space<hbm>>) target(%dma_start3A_2399 : memref<128xf32, #tpu.memory_space<vmem>>) offsets(%dma_start3A_2402 : memref<128xi32, #tpu.memory_space<vmem>>) semaphore(%arg16 : memref<!tpu.dma_semaphore, #tpu.memory_space<semaphore_mem>>)
          %dma_start3A_2405 = arith.constant 2 : i32
          %dma_start3A_2406 = arith.constant 0 : i32
          %dma_start3A_2407 = arith.constant 1 : i32
          %dma_start3A_2408 = arith.constant 256 : i32
          %dma_start3A_2409 = tpu.memref_slice %arg12[%dma_start3A_2406, %dma_start3A_2407, %dma_start3A_2408] : memref<2x6x1024xf32, #tpu.memory_space<vmem>> -> memref<1x1x128xf32, #tpu.memory_space<vmem>>
          %dma_start3A_2410 = tpu.memref_squeeze %dma_start3A_2409 : memref<1x1x128xf32, #tpu.memory_space<vmem>> -> memref<128xf32, #tpu.memory_space<vmem>>
          %dma_start3A_2411 = arith.constant 0 : i32
          %dma_start3A_2412 = tpu.memref_slice %arg11[%select_n3A_2278, %select_n3A_2294, %dma_start3A_2405, %dma_start3A_2411] : memref<3x16x8x128xi32, #tpu.memory_space<vmem>> -> memref<1x1x1x128xi32, #tpu.memory_space<vmem>>
          %dma_start3A_2413 = tpu.memref_squeeze %dma_start3A_2412 : memref<1x1x1x128xi32, #tpu.memory_space<vmem>> -> memref<128xi32, #tpu.memory_space<vmem>>
          %dma_start3A_2414 = arith.constant 0 : i32
          %dma_start3A_2415 = tpu.memref_slice %arg3[%dma_start3A_2414] : memref<1048576xf32, #tpu.memory_space<hbm>> -> memref<1048576xf32, #tpu.memory_space<hbm>>
          tpu.enqueue_indirect_dma source(%dma_start3A_2415 : memref<1048576xf32, #tpu.memory_space<hbm>>) target(%dma_start3A_2410 : memref<128xf32, #tpu.memory_space<vmem>>) offsets(%dma_start3A_2413 : memref<128xi32, #tpu.memory_space<vmem>>) semaphore(%arg16 : memref<!tpu.dma_semaphore, #tpu.memory_space<semaphore_mem>>)
          %dma_start3A_2416 = arith.constant 3 : i32
          %dma_start3A_2417 = arith.constant 0 : i32
          %dma_start3A_2418 = arith.constant 1 : i32
          %dma_start3A_2419 = arith.constant 384 : i32
          %dma_start3A_2420 = tpu.memref_slice %arg12[%dma_start3A_2417, %dma_start3A_2418, %dma_start3A_2419] : memref<2x6x1024xf32, #tpu.memory_space<vmem>> -> memref<1x1x128xf32, #tpu.memory_space<vmem>>
          %dma_start3A_2421 = tpu.memref_squeeze %dma_start3A_2420 : memref<1x1x128xf32, #tpu.memory_space<vmem>> -> memref<128xf32, #tpu.memory_space<vmem>>
          %dma_start3A_2422 = arith.constant 0 : i32
          %dma_start3A_2423 = tpu.memref_slice %arg11[%select_n3A_2278, %select_n3A_2294, %dma_start3A_2416, %dma_start3A_2422] : memref<3x16x8x128xi32, #tpu.memory_space<vmem>> -> memref<1x1x1x128xi32, #tpu.memory_space<vmem>>
          %dma_start3A_2424 = tpu.memref_squeeze %dma_start3A_2423 : memref<1x1x1x128xi32, #tpu.memory_space<vmem>> -> memref<128xi32, #tpu.memory_space<vmem>>
          %dma_start3A_2425 = arith.constant 0 : i32
          %dma_start3A_2426 = tpu.memref_slice %arg3[%dma_start3A_2425] : memref<1048576xf32, #tpu.memory_space<hbm>> -> memref<1048576xf32, #tpu.memory_space<hbm>>
          tpu.enqueue_indirect_dma source(%dma_start3A_2426 : memref<1048576xf32, #tpu.memory_space<hbm>>) target(%dma_start3A_2421 : memref<128xf32, #tpu.memory_space<vmem>>) offsets(%dma_start3A_2424 : memref<128xi32, #tpu.memory_space<vmem>>) semaphore(%arg16 : memref<!tpu.dma_semaphore, #tpu.memory_space<semaphore_mem>>)
          %dma_start3A_2427 = arith.constant 4 : i32
          %dma_start3A_2428 = arith.constant 0 : i32
          %dma_start3A_2429 = arith.constant 1 : i32
          %dma_start3A_2430 = arith.constant 512 : i32
          %dma_start3A_2431 = tpu.memref_slice %arg12[%dma_start3A_2428, %dma_start3A_2429, %dma_start3A_2430] : memref<2x6x1024xf32, #tpu.memory_space<vmem>> -> memref<1x1x128xf32, #tpu.memory_space<vmem>>
          %dma_start3A_2432 = tpu.memref_squeeze %dma_start3A_2431 : memref<1x1x128xf32, #tpu.memory_space<vmem>> -> memref<128xf32, #tpu.memory_space<vmem>>
          %dma_start3A_2433 = arith.constant 0 : i32
          %dma_start3A_2434 = tpu.memref_slice %arg11[%select_n3A_2278, %select_n3A_2294, %dma_start3A_2427, %dma_start3A_2433] : memref<3x16x8x128xi32, #tpu.memory_space<vmem>> -> memref<1x1x1x128xi32, #tpu.memory_space<vmem>>
          %dma_start3A_2435 = tpu.memref_squeeze %dma_start3A_2434 : memref<1x1x1x128xi32, #tpu.memory_space<vmem>> -> memref<128xi32, #tpu.memory_space<vmem>>
          %dma_start3A_2436 = arith.constant 0 : i32
          %dma_start3A_2437 = tpu.memref_slice %arg3[%dma_start3A_2436] : memref<1048576xf32, #tpu.memory_space<hbm>> -> memref<1048576xf32, #tpu.memory_space<hbm>>
          tpu.enqueue_indirect_dma source(%dma_start3A_2437 : memref<1048576xf32, #tpu.memory_space<hbm>>) target(%dma_start3A_2432 : memref<128xf32, #tpu.memory_space<vmem>>) offsets(%dma_start3A_2435 : memref<128xi32, #tpu.memory_space<vmem>>) semaphore(%arg16 : memref<!tpu.dma_semaphore, #tpu.memory_space<semaphore_mem>>)
          %dma_start3A_2438 = arith.constant 5 : i32
          %dma_start3A_2439 = arith.constant 0 : i32
          %dma_start3A_2440 = arith.constant 1 : i32
          %dma_start3A_2441 = arith.constant 640 : i32
          %dma_start3A_2442 = tpu.memref_slice %arg12[%dma_start3A_2439, %dma_start3A_2440, %dma_start3A_2441] : memref<2x6x1024xf32, #tpu.memory_space<vmem>> -> memref<1x1x128xf32, #tpu.memory_space<vmem>>
          %dma_start3A_2443 = tpu.memref_squeeze %dma_start3A_2442 : memref<1x1x128xf32, #tpu.memory_space<vmem>> -> memref<128xf32, #tpu.memory_space<vmem>>
          %dma_start3A_2444 = arith.constant 0 : i32
          %dma_start3A_2445 = tpu.memref_slice %arg11[%select_n3A_2278, %select_n3A_2294, %dma_start3A_2438, %dma_start3A_2444] : memref<3x16x8x128xi32, #tpu.memory_space<vmem>> -> memref<1x1x1x128xi32, #tpu.memory_space<vmem>>
          %dma_start3A_2446 = tpu.memref_squeeze %dma_start3A_2445 : memref<1x1x1x128xi32, #tpu.memory_space<vmem>> -> memref<128xi32, #tpu.memory_space<vmem>>
          %dma_start3A_2447 = arith.constant 0 : i32
          %dma_start3A_2448 = tpu.memref_slice %arg3[%dma_start3A_2447] : memref<1048576xf32, #tpu.memory_space<hbm>> -> memref<1048576xf32, #tpu.memory_space<hbm>>
          tpu.enqueue_indirect_dma source(%dma_start3A_2448 : memref<1048576xf32, #tpu.memory_space<hbm>>) target(%dma_start3A_2443 : memref<128xf32, #tpu.memory_space<vmem>>) offsets(%dma_start3A_2446 : memref<128xi32, #tpu.memory_space<vmem>>) semaphore(%arg16 : memref<!tpu.dma_semaphore, #tpu.memory_space<semaphore_mem>>)
          %dma_start3A_2449 = arith.constant 6 : i32
          %dma_start3A_2450 = arith.constant 0 : i32
          %dma_start3A_2451 = arith.constant 1 : i32
          %dma_start3A_2452 = arith.constant 768 : i32
          %dma_start3A_2453 = tpu.memref_slice %arg12[%dma_start3A_2450, %dma_start3A_2451, %dma_start3A_2452] : memref<2x6x1024xf32, #tpu.memory_space<vmem>> -> memref<1x1x128xf32, #tpu.memory_space<vmem>>
          %dma_start3A_2454 = tpu.memref_squeeze %dma_start3A_2453 : memref<1x1x128xf32, #tpu.memory_space<vmem>> -> memref<128xf32, #tpu.memory_space<vmem>>
          %dma_start3A_2455 = arith.constant 0 : i32
          %dma_start3A_2456 = tpu.memref_slice %arg11[%select_n3A_2278, %select_n3A_2294, %dma_start3A_2449, %dma_start3A_2455] : memref<3x16x8x128xi32, #tpu.memory_space<vmem>> -> memref<1x1x1x128xi32, #tpu.memory_space<vmem>>
          %dma_start3A_2457 = tpu.memref_squeeze %dma_start3A_2456 : memref<1x1x1x128xi32, #tpu.memory_space<vmem>> -> memref<128xi32, #tpu.memory_space<vmem>>
          %dma_start3A_2458 = arith.constant 0 : i32
          %dma_start3A_2459 = tpu.memref_slice %arg3[%dma_start3A_2458] : memref<1048576xf32, #tpu.memory_space<hbm>> -> memref<1048576xf32, #tpu.memory_space<hbm>>
          tpu.enqueue_indirect_dma source(%dma_start3A_2459 : memref<1048576xf32, #tpu.memory_space<hbm>>) target(%dma_start3A_2454 : memref<128xf32, #tpu.memory_space<vmem>>) offsets(%dma_start3A_2457 : memref<128xi32, #tpu.memory_space<vmem>>) semaphore(%arg16 : memref<!tpu.dma_semaphore, #tpu.memory_space<semaphore_mem>>)
          %dma_start3A_2460 = arith.constant 7 : i32
          %dma_start3A_2461 = arith.constant 0 : i32
          %dma_start3A_2462 = arith.constant 1 : i32
          %dma_start3A_2463 = arith.constant 896 : i32
          %dma_start3A_2464 = tpu.memref_slice %arg12[%dma_start3A_2461, %dma_start3A_2462, %dma_start3A_2463] : memref<2x6x1024xf32, #tpu.memory_space<vmem>> -> memref<1x1x128xf32, #tpu.memory_space<vmem>>
          %dma_start3A_2465 = tpu.memref_squeeze %dma_start3A_2464 : memref<1x1x128xf32, #tpu.memory_space<vmem>> -> memref<128xf32, #tpu.memory_space<vmem>>
          %dma_start3A_2466 = arith.constant 0 : i32
          %dma_start3A_2467 = tpu.memref_slice %arg11[%select_n3A_2278, %select_n3A_2294, %dma_start3A_2460, %dma_start3A_2466] : memref<3x16x8x128xi32, #tpu.memory_space<vmem>> -> memref<1x1x1x128xi32, #tpu.memory_space<vmem>>
          %dma_start3A_2468 = tpu.memref_squeeze %dma_start3A_2467 : memref<1x1x1x128xi32, #tpu.memory_space<vmem>> -> memref<128xi32, #tpu.memory_space<vmem>>
          %dma_start3A_2469 = arith.constant 0 : i32
          %dma_start3A_2470 = tpu.memref_slice %arg3[%dma_start3A_2469] : memref<1048576xf32, #tpu.memory_space<hbm>> -> memref<1048576xf32, #tpu.memory_space<hbm>>
          tpu.enqueue_indirect_dma source(%dma_start3A_2470 : memref<1048576xf32, #tpu.memory_space<hbm>>) target(%dma_start3A_2465 : memref<128xf32, #tpu.memory_space<vmem>>) offsets(%dma_start3A_2468 : memref<128xi32, #tpu.memory_space<vmem>>) semaphore(%arg16 : memref<!tpu.dma_semaphore, #tpu.memory_space<semaphore_mem>>)
          %dma_start3A_2471 = arith.constant 0 : i32
          %dma_start3A_2472 = arith.constant 0 : i32
          %dma_start3A_2473 = arith.constant 2 : i32
          %dma_start3A_2474 = arith.constant 0 : i32
          %dma_start3A_2475 = tpu.memref_slice %arg12[%dma_start3A_2472, %dma_start3A_2473, %dma_start3A_2474] : memref<2x6x1024xf32, #tpu.memory_space<vmem>> -> memref<1x1x128xf32, #tpu.memory_space<vmem>>
          %dma_start3A_2476 = tpu.memref_squeeze %dma_start3A_2475 : memref<1x1x128xf32, #tpu.memory_space<vmem>> -> memref<128xf32, #tpu.memory_space<vmem>>
          %dma_start3A_2477 = arith.constant 0 : i32
          %dma_start3A_2478 = tpu.memref_slice %arg11[%select_n3A_2278, %select_n3A_2294, %dma_start3A_2471, %dma_start3A_2477] : memref<3x16x8x128xi32, #tpu.memory_space<vmem>> -> memref<1x1x1x128xi32, #tpu.memory_space<vmem>>
          %dma_start3A_2479 = tpu.memref_squeeze %dma_start3A_2478 : memref<1x1x1x128xi32, #tpu.memory_space<vmem>> -> memref<128xi32, #tpu.memory_space<vmem>>
          %dma_start3A_2480 = arith.constant 0 : i32
          %dma_start3A_2481 = tpu.memref_slice %arg4[%dma_start3A_2480] : memref<1048576xf32, #tpu.memory_space<hbm>> -> memref<1048576xf32, #tpu.memory_space<hbm>>
          tpu.enqueue_indirect_dma source(%dma_start3A_2481 : memref<1048576xf32, #tpu.memory_space<hbm>>) target(%dma_start3A_2476 : memref<128xf32, #tpu.memory_space<vmem>>) offsets(%dma_start3A_2479 : memref<128xi32, #tpu.memory_space<vmem>>) semaphore(%arg16 : memref<!tpu.dma_semaphore, #tpu.memory_space<semaphore_mem>>)
          %dma_start3A_2482 = arith.constant 1 : i32
          %dma_start3A_2483 = arith.constant 0 : i32
          %dma_start3A_2484 = arith.constant 2 : i32
          %dma_start3A_2485 = arith.constant 128 : i32
          %dma_start3A_2486 = tpu.memref_slice %arg12[%dma_start3A_2483, %dma_start3A_2484, %dma_start3A_2485] : memref<2x6x1024xf32, #tpu.memory_space<vmem>> -> memref<1x1x128xf32, #tpu.memory_space<vmem>>
          %dma_start3A_2487 = tpu.memref_squeeze %dma_start3A_2486 : memref<1x1x128xf32, #tpu.memory_space<vmem>> -> memref<128xf32, #tpu.memory_space<vmem>>
          %dma_start3A_2488 = arith.constant 0 : i32
          %dma_start3A_2489 = tpu.memref_slice %arg11[%select_n3A_2278, %select_n3A_2294, %dma_start3A_2482, %dma_start3A_2488] : memref<3x16x8x128xi32, #tpu.memory_space<vmem>> -> memref<1x1x1x128xi32, #tpu.memory_space<vmem>>
          %dma_start3A_2490 = tpu.memref_squeeze %dma_start3A_2489 : memref<1x1x1x128xi32, #tpu.memory_space<vmem>> -> memref<128xi32, #tpu.memory_space<vmem>>
          %dma_start3A_2491 = arith.constant 0 : i32
          %dma_start3A_2492 = tpu.memref_slice %arg4[%dma_start3A_2491] : memref<1048576xf32, #tpu.memory_space<hbm>> -> memref<1048576xf32, #tpu.memory_space<hbm>>
          tpu.enqueue_indirect_dma source(%dma_start3A_2492 : memref<1048576xf32, #tpu.memory_space<hbm>>) target(%dma_start3A_2487 : memref<128xf32, #tpu.memory_space<vmem>>) offsets(%dma_start3A_2490 : memref<128xi32, #tpu.memory_space<vmem>>) semaphore(%arg16 : memref<!tpu.dma_semaphore, #tpu.memory_space<semaphore_mem>>)
          %dma_start3A_2493 = arith.constant 2 : i32
          %dma_start3A_2494 = arith.constant 0 : i32
          %dma_start3A_2495 = arith.constant 2 : i32
          %dma_start3A_2496 = arith.constant 256 : i32
          %dma_start3A_2497 = tpu.memref_slice %arg12[%dma_start3A_2494, %dma_start3A_2495, %dma_start3A_2496] : memref<2x6x1024xf32, #tpu.memory_space<vmem>> -> memref<1x1x128xf32, #tpu.memory_space<vmem>>
          %dma_start3A_2498 = tpu.memref_squeeze %dma_start3A_2497 : memref<1x1x128xf32, #tpu.memory_space<vmem>> -> memref<128xf32, #tpu.memory_space<vmem>>
          %dma_start3A_2499 = arith.constant 0 : i32
          %dma_start3A_2500 = tpu.memref_slice %arg11[%select_n3A_2278, %select_n3A_2294, %dma_start3A_2493, %dma_start3A_2499] : memref<3x16x8x128xi32, #tpu.memory_space<vmem>> -> memref<1x1x1x128xi32, #tpu.memory_space<vmem>>
          %dma_start3A_2501 = tpu.memref_squeeze %dma_start3A_2500 : memref<1x1x1x128xi32, #tpu.memory_space<vmem>> -> memref<128xi32, #tpu.memory_space<vmem>>
          %dma_start3A_2502 = arith.constant 0 : i32
          %dma_start3A_2503 = tpu.memref_slice %arg4[%dma_start3A_2502] : memref<1048576xf32, #tpu.memory_space<hbm>> -> memref<1048576xf32, #tpu.memory_space<hbm>>
          tpu.enqueue_indirect_dma source(%dma_start3A_2503 : memref<1048576xf32, #tpu.memory_space<hbm>>) target(%dma_start3A_2498 : memref<128xf32, #tpu.memory_space<vmem>>) offsets(%dma_start3A_2501 : memref<128xi32, #tpu.memory_space<vmem>>) semaphore(%arg16 : memref<!tpu.dma_semaphore, #tpu.memory_space<semaphore_mem>>)
          %dma_start3A_2504 = arith.constant 3 : i32
          %dma_start3A_2505 = arith.constant 0 : i32
          %dma_start3A_2506 = arith.constant 2 : i32
          %dma_start3A_2507 = arith.constant 384 : i32
          %dma_start3A_2508 = tpu.memref_slice %arg12[%dma_start3A_2505, %dma_start3A_2506, %dma_start3A_2507] : memref<2x6x1024xf32, #tpu.memory_space<vmem>> -> memref<1x1x128xf32, #tpu.memory_space<vmem>>
          %dma_start3A_2509 = tpu.memref_squeeze %dma_start3A_2508 : memref<1x1x128xf32, #tpu.memory_space<vmem>> -> memref<128xf32, #tpu.memory_space<vmem>>
          %dma_start3A_2510 = arith.constant 0 : i32
          %dma_start3A_2511 = tpu.memref_slice %arg11[%select_n3A_2278, %select_n3A_2294, %dma_start3A_2504, %dma_start3A_2510] : memref<3x16x8x128xi32, #tpu.memory_space<vmem>> -> memref<1x1x1x128xi32, #tpu.memory_space<vmem>>
          %dma_start3A_2512 = tpu.memref_squeeze %dma_start3A_2511 : memref<1x1x1x128xi32, #tpu.memory_space<vmem>> -> memref<128xi32, #tpu.memory_space<vmem>>
          %dma_start3A_2513 = arith.constant 0 : i32
          %dma_start3A_2514 = tpu.memref_slice %arg4[%dma_start3A_2513] : memref<1048576xf32, #tpu.memory_space<hbm>> -> memref<1048576xf32, #tpu.memory_space<hbm>>
          tpu.enqueue_indirect_dma source(%dma_start3A_2514 : memref<1048576xf32, #tpu.memory_space<hbm>>) target(%dma_start3A_2509 : memref<128xf32, #tpu.memory_space<vmem>>) offsets(%dma_start3A_2512 : memref<128xi32, #tpu.memory_space<vmem>>) semaphore(%arg16 : memref<!tpu.dma_semaphore, #tpu.memory_space<semaphore_mem>>)
          %dma_start3A_2515 = arith.constant 4 : i32
          %dma_start3A_2516 = arith.constant 0 : i32
          %dma_start3A_2517 = arith.constant 2 : i32
          %dma_start3A_2518 = arith.constant 512 : i32
          %dma_start3A_2519 = tpu.memref_slice %arg12[%dma_start3A_2516, %dma_start3A_2517, %dma_start3A_2518] : memref<2x6x1024xf32, #tpu.memory_space<vmem>> -> memref<1x1x128xf32, #tpu.memory_space<vmem>>
          %dma_start3A_2520 = tpu.memref_squeeze %dma_start3A_2519 : memref<1x1x128xf32, #tpu.memory_space<vmem>> -> memref<128xf32, #tpu.memory_space<vmem>>
          %dma_start3A_2521 = arith.constant 0 : i32
          %dma_start3A_2522 = tpu.memref_slice %arg11[%select_n3A_2278, %select_n3A_2294, %dma_start3A_2515, %dma_start3A_2521] : memref<3x16x8x128xi32, #tpu.memory_space<vmem>> -> memref<1x1x1x128xi32, #tpu.memory_space<vmem>>
          %dma_start3A_2523 = tpu.memref_squeeze %dma_start3A_2522 : memref<1x1x1x128xi32, #tpu.memory_space<vmem>> -> memref<128xi32, #tpu.memory_space<vmem>>
          %dma_start3A_2524 = arith.constant 0 : i32
          %dma_start3A_2525 = tpu.memref_slice %arg4[%dma_start3A_2524] : memref<1048576xf32, #tpu.memory_space<hbm>> -> memref<1048576xf32, #tpu.memory_space<hbm>>
          tpu.enqueue_indirect_dma source(%dma_start3A_2525 : memref<1048576xf32, #tpu.memory_space<hbm>>) target(%dma_start3A_2520 : memref<128xf32, #tpu.memory_space<vmem>>) offsets(%dma_start3A_2523 : memref<128xi32, #tpu.memory_space<vmem>>) semaphore(%arg16 : memref<!tpu.dma_semaphore, #tpu.memory_space<semaphore_mem>>)
          %dma_start3A_2526 = arith.constant 5 : i32
          %dma_start3A_2527 = arith.constant 0 : i32
          %dma_start3A_2528 = arith.constant 2 : i32
          %dma_start3A_2529 = arith.constant 640 : i32
          %dma_start3A_2530 = tpu.memref_slice %arg12[%dma_start3A_2527, %dma_start3A_2528, %dma_start3A_2529] : memref<2x6x1024xf32, #tpu.memory_space<vmem>> -> memref<1x1x128xf32, #tpu.memory_space<vmem>>
          %dma_start3A_2531 = tpu.memref_squeeze %dma_start3A_2530 : memref<1x1x128xf32, #tpu.memory_space<vmem>> -> memref<128xf32, #tpu.memory_space<vmem>>
          %dma_start3A_2532 = arith.constant 0 : i32
          %dma_start3A_2533 = tpu.memref_slice %arg11[%select_n3A_2278, %select_n3A_2294, %dma_start3A_2526, %dma_start3A_2532] : memref<3x16x8x128xi32, #tpu.memory_space<vmem>> -> memref<1x1x1x128xi32, #tpu.memory_space<vmem>>
          %dma_start3A_2534 = tpu.memref_squeeze %dma_start3A_2533 : memref<1x1x1x128xi32, #tpu.memory_space<vmem>> -> memref<128xi32, #tpu.memory_space<vmem>>
          %dma_start3A_2535 = arith.constant 0 : i32
          %dma_start3A_2536 = tpu.memref_slice %arg4[%dma_start3A_2535] : memref<1048576xf32, #tpu.memory_space<hbm>> -> memref<1048576xf32, #tpu.memory_space<hbm>>
          tpu.enqueue_indirect_dma source(%dma_start3A_2536 : memref<1048576xf32, #tpu.memory_space<hbm>>) target(%dma_start3A_2531 : memref<128xf32, #tpu.memory_space<vmem>>) offsets(%dma_start3A_2534 : memref<128xi32, #tpu.memory_space<vmem>>) semaphore(%arg16 : memref<!tpu.dma_semaphore, #tpu.memory_space<semaphore_mem>>)
          %dma_start3A_2537 = arith.constant 6 : i32
          %dma_start3A_2538 = arith.constant 0 : i32
          %dma_start3A_2539 = arith.constant 2 : i32
          %dma_start3A_2540 = arith.constant 768 : i32
          %dma_start3A_2541 = tpu.memref_slice %arg12[%dma_start3A_2538, %dma_start3A_2539, %dma_start3A_2540] : memref<2x6x1024xf32, #tpu.memory_space<vmem>> -> memref<1x1x128xf32, #tpu.memory_space<vmem>>
          %dma_start3A_2542 = tpu.memref_squeeze %dma_start3A_2541 : memref<1x1x128xf32, #tpu.memory_space<vmem>> -> memref<128xf32, #tpu.memory_space<vmem>>
          %dma_start3A_2543 = arith.constant 0 : i32
          %dma_start3A_2544 = tpu.memref_slice %arg11[%select_n3A_2278, %select_n3A_2294, %dma_start3A_2537, %dma_start3A_2543] : memref<3x16x8x128xi32, #tpu.memory_space<vmem>> -> memref<1x1x1x128xi32, #tpu.memory_space<vmem>>
          %dma_start3A_2545 = tpu.memref_squeeze %dma_start3A_2544 : memref<1x1x1x128xi32, #tpu.memory_space<vmem>> -> memref<128xi32, #tpu.memory_space<vmem>>
          %dma_start3A_2546 = arith.constant 0 : i32
          %dma_start3A_2547 = tpu.memref_slice %arg4[%dma_start3A_2546] : memref<1048576xf32, #tpu.memory_space<hbm>> -> memref<1048576xf32, #tpu.memory_space<hbm>>
          tpu.enqueue_indirect_dma source(%dma_start3A_2547 : memref<1048576xf32, #tpu.memory_space<hbm>>) target(%dma_start3A_2542 : memref<128xf32, #tpu.memory_space<vmem>>) offsets(%dma_start3A_2545 : memref<128xi32, #tpu.memory_space<vmem>>) semaphore(%arg16 : memref<!tpu.dma_semaphore, #tpu.memory_space<semaphore_mem>>)
          %dma_start3A_2548 = arith.constant 7 : i32
          %dma_start3A_2549 = arith.constant 0 : i32
          %dma_start3A_2550 = arith.constant 2 : i32
          %dma_start3A_2551 = arith.constant 896 : i32
          %dma_start3A_2552 = tpu.memref_slice %arg12[%dma_start3A_2549, %dma_start3A_2550, %dma_start3A_2551] : memref<2x6x1024xf32, #tpu.memory_space<vmem>> -> memref<1x1x128xf32, #tpu.memory_space<vmem>>
          %dma_start3A_2553 = tpu.memref_squeeze %dma_start3A_2552 : memref<1x1x128xf32, #tpu.memory_space<vmem>> -> memref<128xf32, #tpu.memory_space<vmem>>
          %dma_start3A_2554 = arith.constant 0 : i32
          %dma_start3A_2555 = tpu.memref_slice %arg11[%select_n3A_2278, %select_n3A_2294, %dma_start3A_2548, %dma_start3A_2554] : memref<3x16x8x128xi32, #tpu.memory_space<vmem>> -> memref<1x1x1x128xi32, #tpu.memory_space<vmem>>
          %dma_start3A_2556 = tpu.memref_squeeze %dma_start3A_2555 : memref<1x1x1x128xi32, #tpu.memory_space<vmem>> -> memref<128xi32, #tpu.memory_space<vmem>>
          %dma_start3A_2557 = arith.constant 0 : i32
          %dma_start3A_2558 = tpu.memref_slice %arg4[%dma_start3A_2557] : memref<1048576xf32, #tpu.memory_space<hbm>> -> memref<1048576xf32, #tpu.memory_space<hbm>>
          tpu.enqueue_indirect_dma source(%dma_start3A_2558 : memref<1048576xf32, #tpu.memory_space<hbm>>) target(%dma_start3A_2553 : memref<128xf32, #tpu.memory_space<vmem>>) offsets(%dma_start3A_2556 : memref<128xi32, #tpu.memory_space<vmem>>) semaphore(%arg16 : memref<!tpu.dma_semaphore, #tpu.memory_space<semaphore_mem>>)
          %dma_start3A_2559 = arith.constant 0 : i32
          %dma_start3A_2560 = arith.constant 0 : i32
          %dma_start3A_2561 = arith.constant 3 : i32
          %dma_start3A_2562 = arith.constant 0 : i32
          %dma_start3A_2563 = tpu.memref_slice %arg12[%dma_start3A_2560, %dma_start3A_2561, %dma_start3A_2562] : memref<2x6x1024xf32, #tpu.memory_space<vmem>> -> memref<1x1x128xf32, #tpu.memory_space<vmem>>
          %dma_start3A_2564 = tpu.memref_squeeze %dma_start3A_2563 : memref<1x1x128xf32, #tpu.memory_space<vmem>> -> memref<128xf32, #tpu.memory_space<vmem>>
          %dma_start3A_2565 = arith.constant 0 : i32
          %dma_start3A_2566 = tpu.memref_slice %arg11[%select_n3A_2278, %select_n3A_2294, %dma_start3A_2559, %dma_start3A_2565] : memref<3x16x8x128xi32, #tpu.memory_space<vmem>> -> memref<1x1x1x128xi32, #tpu.memory_space<vmem>>
          %dma_start3A_2567 = tpu.memref_squeeze %dma_start3A_2566 : memref<1x1x1x128xi32, #tpu.memory_space<vmem>> -> memref<128xi32, #tpu.memory_space<vmem>>
          %dma_start3A_2568 = arith.constant 0 : i32
          %dma_start3A_2569 = tpu.memref_slice %arg5[%dma_start3A_2568] : memref<1048576xf32, #tpu.memory_space<hbm>> -> memref<1048576xf32, #tpu.memory_space<hbm>>
          tpu.enqueue_indirect_dma source(%dma_start3A_2569 : memref<1048576xf32, #tpu.memory_space<hbm>>) target(%dma_start3A_2564 : memref<128xf32, #tpu.memory_space<vmem>>) offsets(%dma_start3A_2567 : memref<128xi32, #tpu.memory_space<vmem>>) semaphore(%arg16 : memref<!tpu.dma_semaphore, #tpu.memory_space<semaphore_mem>>)
          %dma_start3A_2570 = arith.constant 1 : i32
          %dma_start3A_2571 = arith.constant 0 : i32
          %dma_start3A_2572 = arith.constant 3 : i32
          %dma_start3A_2573 = arith.constant 128 : i32
          %dma_start3A_2574 = tpu.memref_slice %arg12[%dma_start3A_2571, %dma_start3A_2572, %dma_start3A_2573] : memref<2x6x1024xf32, #tpu.memory_space<vmem>> -> memref<1x1x128xf32, #tpu.memory_space<vmem>>
          %dma_start3A_2575 = tpu.memref_squeeze %dma_start3A_2574 : memref<1x1x128xf32, #tpu.memory_space<vmem>> -> memref<128xf32, #tpu.memory_space<vmem>>
          %dma_start3A_2576 = arith.constant 0 : i32
          %dma_start3A_2577 = tpu.memref_slice %arg11[%select_n3A_2278, %select_n3A_2294, %dma_start3A_2570, %dma_start3A_2576] : memref<3x16x8x128xi32, #tpu.memory_space<vmem>> -> memref<1x1x1x128xi32, #tpu.memory_space<vmem>>
          %dma_start3A_2578 = tpu.memref_squeeze %dma_start3A_2577 : memref<1x1x1x128xi32, #tpu.memory_space<vmem>> -> memref<128xi32, #tpu.memory_space<vmem>>
          %dma_start3A_2579 = arith.constant 0 : i32
          %dma_start3A_2580 = tpu.memref_slice %arg5[%dma_start3A_2579] : memref<1048576xf32, #tpu.memory_space<hbm>> -> memref<1048576xf32, #tpu.memory_space<hbm>>
          tpu.enqueue_indirect_dma source(%dma_start3A_2580 : memref<1048576xf32, #tpu.memory_space<hbm>>) target(%dma_start3A_2575 : memref<128xf32, #tpu.memory_space<vmem>>) offsets(%dma_start3A_2578 : memref<128xi32, #tpu.memory_space<vmem>>) semaphore(%arg16 : memref<!tpu.dma_semaphore, #tpu.memory_space<semaphore_mem>>)
          %dma_start3A_2581 = arith.constant 2 : i32
          %dma_start3A_2582 = arith.constant 0 : i32
          %dma_start3A_2583 = arith.constant 3 : i32
          %dma_start3A_2584 = arith.constant 256 : i32
          %dma_start3A_2585 = tpu.memref_slice %arg12[%dma_start3A_2582, %dma_start3A_2583, %dma_start3A_2584] : memref<2x6x1024xf32, #tpu.memory_space<vmem>> -> memref<1x1x128xf32, #tpu.memory_space<vmem>>
          %dma_start3A_2586 = tpu.memref_squeeze %dma_start3A_2585 : memref<1x1x128xf32, #tpu.memory_space<vmem>> -> memref<128xf32, #tpu.memory_space<vmem>>
          %dma_start3A_2587 = arith.constant 0 : i32
          %dma_start3A_2588 = tpu.memref_slice %arg11[%select_n3A_2278, %select_n3A_2294, %dma_start3A_2581, %dma_start3A_2587] : memref<3x16x8x128xi32, #tpu.memory_space<vmem>> -> memref<1x1x1x128xi32, #tpu.memory_space<vmem>>
          %dma_start3A_2589 = tpu.memref_squeeze %dma_start3A_2588 : memref<1x1x1x128xi32, #tpu.memory_space<vmem>> -> memref<128xi32, #tpu.memory_space<vmem>>
          %dma_start3A_2590 = arith.constant 0 : i32
          %dma_start3A_2591 = tpu.memref_slice %arg5[%dma_start3A_2590] : memref<1048576xf32, #tpu.memory_space<hbm>> -> memref<1048576xf32, #tpu.memory_space<hbm>>
          tpu.enqueue_indirect_dma source(%dma_start3A_2591 : memref<1048576xf32, #tpu.memory_space<hbm>>) target(%dma_start3A_2586 : memref<128xf32, #tpu.memory_space<vmem>>) offsets(%dma_start3A_2589 : memref<128xi32, #tpu.memory_space<vmem>>) semaphore(%arg16 : memref<!tpu.dma_semaphore, #tpu.memory_space<semaphore_mem>>)
          %dma_start3A_2592 = arith.constant 3 : i32
          %dma_start3A_2593 = arith.constant 0 : i32
          %dma_start3A_2594 = arith.constant 3 : i32
          %dma_start3A_2595 = arith.constant 384 : i32
          %dma_start3A_2596 = tpu.memref_slice %arg12[%dma_start3A_2593, %dma_start3A_2594, %dma_start3A_2595] : memref<2x6x1024xf32, #tpu.memory_space<vmem>> -> memref<1x1x128xf32, #tpu.memory_space<vmem>>
          %dma_start3A_2597 = tpu.memref_squeeze %dma_start3A_2596 : memref<1x1x128xf32, #tpu.memory_space<vmem>> -> memref<128xf32, #tpu.memory_space<vmem>>
          %dma_start3A_2598 = arith.constant 0 : i32
          %dma_start3A_2599 = tpu.memref_slice %arg11[%select_n3A_2278, %select_n3A_2294, %dma_start3A_2592, %dma_start3A_2598] : memref<3x16x8x128xi32, #tpu.memory_space<vmem>> -> memref<1x1x1x128xi32, #tpu.memory_space<vmem>>
          %dma_start3A_2600 = tpu.memref_squeeze %dma_start3A_2599 : memref<1x1x1x128xi32, #tpu.memory_space<vmem>> -> memref<128xi32, #tpu.memory_space<vmem>>
          %dma_start3A_2601 = arith.constant 0 : i32
          %dma_start3A_2602 = tpu.memref_slice %arg5[%dma_start3A_2601] : memref<1048576xf32, #tpu.memory_space<hbm>> -> memref<1048576xf32, #tpu.memory_space<hbm>>
          tpu.enqueue_indirect_dma source(%dma_start3A_2602 : memref<1048576xf32, #tpu.memory_space<hbm>>) target(%dma_start3A_2597 : memref<128xf32, #tpu.memory_space<vmem>>) offsets(%dma_start3A_2600 : memref<128xi32, #tpu.memory_space<vmem>>) semaphore(%arg16 : memref<!tpu.dma_semaphore, #tpu.memory_space<semaphore_mem>>)
          %dma_start3A_2603 = arith.constant 4 : i32
          %dma_start3A_2604 = arith.constant 0 : i32
          %dma_start3A_2605 = arith.constant 3 : i32
          %dma_start3A_2606 = arith.constant 512 : i32
          %dma_start3A_2607 = tpu.memref_slice %arg12[%dma_start3A_2604, %dma_start3A_2605, %dma_start3A_2606] : memref<2x6x1024xf32, #tpu.memory_space<vmem>> -> memref<1x1x128xf32, #tpu.memory_space<vmem>>
          %dma_start3A_2608 = tpu.memref_squeeze %dma_start3A_2607 : memref<1x1x128xf32, #tpu.memory_space<vmem>> -> memref<128xf32, #tpu.memory_space<vmem>>
          %dma_start3A_2609 = arith.constant 0 : i32
          %dma_start3A_2610 = tpu.memref_slice %arg11[%select_n3A_2278, %select_n3A_2294, %dma_start3A_2603, %dma_start3A_2609] : memref<3x16x8x128xi32, #tpu.memory_space<vmem>> -> memref<1x1x1x128xi32, #tpu.memory_space<vmem>>
          %dma_start3A_2611 = tpu.memref_squeeze %dma_start3A_2610 : memref<1x1x1x128xi32, #tpu.memory_space<vmem>> -> memref<128xi32, #tpu.memory_space<vmem>>
          %dma_start3A_2612 = arith.constant 0 : i32
          %dma_start3A_2613 = tpu.memref_slice %arg5[%dma_start3A_2612] : memref<1048576xf32, #tpu.memory_space<hbm>> -> memref<1048576xf32, #tpu.memory_space<hbm>>
          tpu.enqueue_indirect_dma source(%dma_start3A_2613 : memref<1048576xf32, #tpu.memory_space<hbm>>) target(%dma_start3A_2608 : memref<128xf32, #tpu.memory_space<vmem>>) offsets(%dma_start3A_2611 : memref<128xi32, #tpu.memory_space<vmem>>) semaphore(%arg16 : memref<!tpu.dma_semaphore, #tpu.memory_space<semaphore_mem>>)
          %dma_start3A_2614 = arith.constant 5 : i32
          %dma_start3A_2615 = arith.constant 0 : i32
          %dma_start3A_2616 = arith.constant 3 : i32
          %dma_start3A_2617 = arith.constant 640 : i32
          %dma_start3A_2618 = tpu.memref_slice %arg12[%dma_start3A_2615, %dma_start3A_2616, %dma_start3A_2617] : memref<2x6x1024xf32, #tpu.memory_space<vmem>> -> memref<1x1x128xf32, #tpu.memory_space<vmem>>
          %dma_start3A_2619 = tpu.memref_squeeze %dma_start3A_2618 : memref<1x1x128xf32, #tpu.memory_space<vmem>> -> memref<128xf32, #tpu.memory_space<vmem>>
          %dma_start3A_2620 = arith.constant 0 : i32
          %dma_start3A_2621 = tpu.memref_slice %arg11[%select_n3A_2278, %select_n3A_2294, %dma_start3A_2614, %dma_start3A_2620] : memref<3x16x8x128xi32, #tpu.memory_space<vmem>> -> memref<1x1x1x128xi32, #tpu.memory_space<vmem>>
          %dma_start3A_2622 = tpu.memref_squeeze %dma_start3A_2621 : memref<1x1x1x128xi32, #tpu.memory_space<vmem>> -> memref<128xi32, #tpu.memory_space<vmem>>
          %dma_start3A_2623 = arith.constant 0 : i32
          %dma_start3A_2624 = tpu.memref_slice %arg5[%dma_start3A_2623] : memref<1048576xf32, #tpu.memory_space<hbm>> -> memref<1048576xf32, #tpu.memory_space<hbm>>
          tpu.enqueue_indirect_dma source(%dma_start3A_2624 : memref<1048576xf32, #tpu.memory_space<hbm>>) target(%dma_start3A_2619 : memref<128xf32, #tpu.memory_space<vmem>>) offsets(%dma_start3A_2622 : memref<128xi32, #tpu.memory_space<vmem>>) semaphore(%arg16 : memref<!tpu.dma_semaphore, #tpu.memory_space<semaphore_mem>>)
          %dma_start3A_2625 = arith.constant 6 : i32
          %dma_start3A_2626 = arith.constant 0 : i32
          %dma_start3A_2627 = arith.constant 3 : i32
          %dma_start3A_2628 = arith.constant 768 : i32
          %dma_start3A_2629 = tpu.memref_slice %arg12[%dma_start3A_2626, %dma_start3A_2627, %dma_start3A_2628] : memref<2x6x1024xf32, #tpu.memory_space<vmem>> -> memref<1x1x128xf32, #tpu.memory_space<vmem>>
          %dma_start3A_2630 = tpu.memref_squeeze %dma_start3A_2629 : memref<1x1x128xf32, #tpu.memory_space<vmem>> -> memref<128xf32, #tpu.memory_space<vmem>>
          %dma_start3A_2631 = arith.constant 0 : i32
          %dma_start3A_2632 = tpu.memref_slice %arg11[%select_n3A_2278, %select_n3A_2294, %dma_start3A_2625, %dma_start3A_2631] : memref<3x16x8x128xi32, #tpu.memory_space<vmem>> -> memref<1x1x1x128xi32, #tpu.memory_space<vmem>>
          %dma_start3A_2633 = tpu.memref_squeeze %dma_start3A_2632 : memref<1x1x1x128xi32, #tpu.memory_space<vmem>> -> memref<128xi32, #tpu.memory_space<vmem>>
          %dma_start3A_2634 = arith.constant 0 : i32
          %dma_start3A_2635 = tpu.memref_slice %arg5[%dma_start3A_2634] : memref<1048576xf32, #tpu.memory_space<hbm>> -> memref<1048576xf32, #tpu.memory_space<hbm>>
          tpu.enqueue_indirect_dma source(%dma_start3A_2635 : memref<1048576xf32, #tpu.memory_space<hbm>>) target(%dma_start3A_2630 : memref<128xf32, #tpu.memory_space<vmem>>) offsets(%dma_start3A_2633 : memref<128xi32, #tpu.memory_space<vmem>>) semaphore(%arg16 : memref<!tpu.dma_semaphore, #tpu.memory_space<semaphore_mem>>)
          %dma_start3A_2636 = arith.constant 7 : i32
          %dma_start3A_2637 = arith.constant 0 : i32
          %dma_start3A_2638 = arith.constant 3 : i32
          %dma_start3A_2639 = arith.constant 896 : i32
          %dma_start3A_2640 = tpu.memref_slice %arg12[%dma_start3A_2637, %dma_start3A_2638, %dma_start3A_2639] : memref<2x6x1024xf32, #tpu.memory_space<vmem>> -> memref<1x1x128xf32, #tpu.memory_space<vmem>>
          %dma_start3A_2641 = tpu.memref_squeeze %dma_start3A_2640 : memref<1x1x128xf32, #tpu.memory_space<vmem>> -> memref<128xf32, #tpu.memory_space<vmem>>
          %dma_start3A_2642 = arith.constant 0 : i32
          %dma_start3A_2643 = tpu.memref_slice %arg11[%select_n3A_2278, %select_n3A_2294, %dma_start3A_2636, %dma_start3A_2642] : memref<3x16x8x128xi32, #tpu.memory_space<vmem>> -> memref<1x1x1x128xi32, #tpu.memory_space<vmem>>
          %dma_start3A_2644 = tpu.memref_squeeze %dma_start3A_2643 : memref<1x1x1x128xi32, #tpu.memory_space<vmem>> -> memref<128xi32, #tpu.memory_space<vmem>>
          %dma_start3A_2645 = arith.constant 0 : i32
          %dma_start3A_2646 = tpu.memref_slice %arg5[%dma_start3A_2645] : memref<1048576xf32, #tpu.memory_space<hbm>> -> memref<1048576xf32, #tpu.memory_space<hbm>>
          tpu.enqueue_indirect_dma source(%dma_start3A_2646 : memref<1048576xf32, #tpu.memory_space<hbm>>) target(%dma_start3A_2641 : memref<128xf32, #tpu.memory_space<vmem>>) offsets(%dma_start3A_2644 : memref<128xi32, #tpu.memory_space<vmem>>) semaphore(%arg16 : memref<!tpu.dma_semaphore, #tpu.memory_space<semaphore_mem>>)
          %dma_start3A_2647 = arith.constant 0 : i32
          %dma_start3A_2648 = arith.constant 0 : i32
          %dma_start3A_2649 = arith.constant 4 : i32
          %dma_start3A_2650 = arith.constant 0 : i32
          %dma_start3A_2651 = tpu.memref_slice %arg12[%dma_start3A_2648, %dma_start3A_2649, %dma_start3A_2650] : memref<2x6x1024xf32, #tpu.memory_space<vmem>> -> memref<1x1x128xf32, #tpu.memory_space<vmem>>
          %dma_start3A_2652 = tpu.memref_squeeze %dma_start3A_2651 : memref<1x1x128xf32, #tpu.memory_space<vmem>> -> memref<128xf32, #tpu.memory_space<vmem>>
          %dma_start3A_2653 = arith.constant 0 : i32
          %dma_start3A_2654 = tpu.memref_slice %arg11[%select_n3A_2278, %select_n3A_2294, %dma_start3A_2647, %dma_start3A_2653] : memref<3x16x8x128xi32, #tpu.memory_space<vmem>> -> memref<1x1x1x128xi32, #tpu.memory_space<vmem>>
          %dma_start3A_2655 = tpu.memref_squeeze %dma_start3A_2654 : memref<1x1x1x128xi32, #tpu.memory_space<vmem>> -> memref<128xi32, #tpu.memory_space<vmem>>
          %dma_start3A_2656 = arith.constant 0 : i32
          %dma_start3A_2657 = tpu.memref_slice %arg6[%dma_start3A_2656] : memref<1048576xf32, #tpu.memory_space<hbm>> -> memref<1048576xf32, #tpu.memory_space<hbm>>
          tpu.enqueue_indirect_dma source(%dma_start3A_2657 : memref<1048576xf32, #tpu.memory_space<hbm>>) target(%dma_start3A_2652 : memref<128xf32, #tpu.memory_space<vmem>>) offsets(%dma_start3A_2655 : memref<128xi32, #tpu.memory_space<vmem>>) semaphore(%arg16 : memref<!tpu.dma_semaphore, #tpu.memory_space<semaphore_mem>>)
          %dma_start3A_2658 = arith.constant 1 : i32
          %dma_start3A_2659 = arith.constant 0 : i32
          %dma_start3A_2660 = arith.constant 4 : i32
          %dma_start3A_2661 = arith.constant 128 : i32
          %dma_start3A_2662 = tpu.memref_slice %arg12[%dma_start3A_2659, %dma_start3A_2660, %dma_start3A_2661] : memref<2x6x1024xf32, #tpu.memory_space<vmem>> -> memref<1x1x128xf32, #tpu.memory_space<vmem>>
          %dma_start3A_2663 = tpu.memref_squeeze %dma_start3A_2662 : memref<1x1x128xf32, #tpu.memory_space<vmem>> -> memref<128xf32, #tpu.memory_space<vmem>>
          %dma_start3A_2664 = arith.constant 0 : i32
          %dma_start3A_2665 = tpu.memref_slice %arg11[%select_n3A_2278, %select_n3A_2294, %dma_start3A_2658, %dma_start3A_2664] : memref<3x16x8x128xi32, #tpu.memory_space<vmem>> -> memref<1x1x1x128xi32, #tpu.memory_space<vmem>>
          %dma_start3A_2666 = tpu.memref_squeeze %dma_start3A_2665 : memref<1x1x1x128xi32, #tpu.memory_space<vmem>> -> memref<128xi32, #tpu.memory_space<vmem>>
          %dma_start3A_2667 = arith.constant 0 : i32
          %dma_start3A_2668 = tpu.memref_slice %arg6[%dma_start3A_2667] : memref<1048576xf32, #tpu.memory_space<hbm>> -> memref<1048576xf32, #tpu.memory_space<hbm>>
          tpu.enqueue_indirect_dma source(%dma_start3A_2668 : memref<1048576xf32, #tpu.memory_space<hbm>>) target(%dma_start3A_2663 : memref<128xf32, #tpu.memory_space<vmem>>) offsets(%dma_start3A_2666 : memref<128xi32, #tpu.memory_space<vmem>>) semaphore(%arg16 : memref<!tpu.dma_semaphore, #tpu.memory_space<semaphore_mem>>)
          %dma_start3A_2669 = arith.constant 2 : i32
          %dma_start3A_2670 = arith.constant 0 : i32
          %dma_start3A_2671 = arith.constant 4 : i32
          %dma_start3A_2672 = arith.constant 256 : i32
          %dma_start3A_2673 = tpu.memref_slice %arg12[%dma_start3A_2670, %dma_start3A_2671, %dma_start3A_2672] : memref<2x6x1024xf32, #tpu.memory_space<vmem>> -> memref<1x1x128xf32, #tpu.memory_space<vmem>>
          %dma_start3A_2674 = tpu.memref_squeeze %dma_start3A_2673 : memref<1x1x128xf32, #tpu.memory_space<vmem>> -> memref<128xf32, #tpu.memory_space<vmem>>
          %dma_start3A_2675 = arith.constant 0 : i32
          %dma_start3A_2676 = tpu.memref_slice %arg11[%select_n3A_2278, %select_n3A_2294, %dma_start3A_2669, %dma_start3A_2675] : memref<3x16x8x128xi32, #tpu.memory_space<vmem>> -> memref<1x1x1x128xi32, #tpu.memory_space<vmem>>
          %dma_start3A_2677 = tpu.memref_squeeze %dma_start3A_2676 : memref<1x1x1x128xi32, #tpu.memory_space<vmem>> -> memref<128xi32, #tpu.memory_space<vmem>>
          %dma_start3A_2678 = arith.constant 0 : i32
          %dma_start3A_2679 = tpu.memref_slice %arg6[%dma_start3A_2678] : memref<1048576xf32, #tpu.memory_space<hbm>> -> memref<1048576xf32, #tpu.memory_space<hbm>>
          tpu.enqueue_indirect_dma source(%dma_start3A_2679 : memref<1048576xf32, #tpu.memory_space<hbm>>) target(%dma_start3A_2674 : memref<128xf32, #tpu.memory_space<vmem>>) offsets(%dma_start3A_2677 : memref<128xi32, #tpu.memory_space<vmem>>) semaphore(%arg16 : memref<!tpu.dma_semaphore, #tpu.memory_space<semaphore_mem>>)
          %dma_start3A_2680 = arith.constant 3 : i32
          %dma_start3A_2681 = arith.constant 0 : i32
          %dma_start3A_2682 = arith.constant 4 : i32
          %dma_start3A_2683 = arith.constant 384 : i32
          %dma_start3A_2684 = tpu.memref_slice %arg12[%dma_start3A_2681, %dma_start3A_2682, %dma_start3A_2683] : memref<2x6x1024xf32, #tpu.memory_space<vmem>> -> memref<1x1x128xf32, #tpu.memory_space<vmem>>
          %dma_start3A_2685 = tpu.memref_squeeze %dma_start3A_2684 : memref<1x1x128xf32, #tpu.memory_space<vmem>> -> memref<128xf32, #tpu.memory_space<vmem>>
          %dma_start3A_2686 = arith.constant 0 : i32
          %dma_start3A_2687 = tpu.memref_slice %arg11[%select_n3A_2278, %select_n3A_2294, %dma_start3A_2680, %dma_start3A_2686] : memref<3x16x8x128xi32, #tpu.memory_space<vmem>> -> memref<1x1x1x128xi32, #tpu.memory_space<vmem>>
          %dma_start3A_2688 = tpu.memref_squeeze %dma_start3A_2687 : memref<1x1x1x128xi32, #tpu.memory_space<vmem>> -> memref<128xi32, #tpu.memory_space<vmem>>
          %dma_start3A_2689 = arith.constant 0 : i32
          %dma_start3A_2690 = tpu.memref_slice %arg6[%dma_start3A_2689] : memref<1048576xf32, #tpu.memory_space<hbm>> -> memref<1048576xf32, #tpu.memory_space<hbm>>
          tpu.enqueue_indirect_dma source(%dma_start3A_2690 : memref<1048576xf32, #tpu.memory_space<hbm>>) target(%dma_start3A_2685 : memref<128xf32, #tpu.memory_space<vmem>>) offsets(%dma_start3A_2688 : memref<128xi32, #tpu.memory_space<vmem>>) semaphore(%arg16 : memref<!tpu.dma_semaphore, #tpu.memory_space<semaphore_mem>>)
          %dma_start3A_2691 = arith.constant 4 : i32
          %dma_start3A_2692 = arith.constant 0 : i32
          %dma_start3A_2693 = arith.constant 4 : i32
          %dma_start3A_2694 = arith.constant 512 : i32
          %dma_start3A_2695 = tpu.memref_slice %arg12[%dma_start3A_2692, %dma_start3A_2693, %dma_start3A_2694] : memref<2x6x1024xf32, #tpu.memory_space<vmem>> -> memref<1x1x128xf32, #tpu.memory_space<vmem>>
          %dma_start3A_2696 = tpu.memref_squeeze %dma_start3A_2695 : memref<1x1x128xf32, #tpu.memory_space<vmem>> -> memref<128xf32, #tpu.memory_space<vmem>>
          %dma_start3A_2697 = arith.constant 0 : i32
          %dma_start3A_2698 = tpu.memref_slice %arg11[%select_n3A_2278, %select_n3A_2294, %dma_start3A_2691, %dma_start3A_2697] : memref<3x16x8x128xi32, #tpu.memory_space<vmem>> -> memref<1x1x1x128xi32, #tpu.memory_space<vmem>>
          %dma_start3A_2699 = tpu.memref_squeeze %dma_start3A_2698 : memref<1x1x1x128xi32, #tpu.memory_space<vmem>> -> memref<128xi32, #tpu.memory_space<vmem>>
          %dma_start3A_2700 = arith.constant 0 : i32
          %dma_start3A_2701 = tpu.memref_slice %arg6[%dma_start3A_2700] : memref<1048576xf32, #tpu.memory_space<hbm>> -> memref<1048576xf32, #tpu.memory_space<hbm>>
          tpu.enqueue_indirect_dma source(%dma_start3A_2701 : memref<1048576xf32, #tpu.memory_space<hbm>>) target(%dma_start3A_2696 : memref<128xf32, #tpu.memory_space<vmem>>) offsets(%dma_start3A_2699 : memref<128xi32, #tpu.memory_space<vmem>>) semaphore(%arg16 : memref<!tpu.dma_semaphore, #tpu.memory_space<semaphore_mem>>)
          %dma_start3A_2702 = arith.constant 5 : i32
          %dma_start3A_2703 = arith.constant 0 : i32
          %dma_start3A_2704 = arith.constant 4 : i32
          %dma_start3A_2705 = arith.constant 640 : i32
          %dma_start3A_2706 = tpu.memref_slice %arg12[%dma_start3A_2703, %dma_start3A_2704, %dma_start3A_2705] : memref<2x6x1024xf32, #tpu.memory_space<vmem>> -> memref<1x1x128xf32, #tpu.memory_space<vmem>>
          %dma_start3A_2707 = tpu.memref_squeeze %dma_start3A_2706 : memref<1x1x128xf32, #tpu.memory_space<vmem>> -> memref<128xf32, #tpu.memory_space<vmem>>
          %dma_start3A_2708 = arith.constant 0 : i32
          %dma_start3A_2709 = tpu.memref_slice %arg11[%select_n3A_2278, %select_n3A_2294, %dma_start3A_2702, %dma_start3A_2708] : memref<3x16x8x128xi32, #tpu.memory_space<vmem>> -> memref<1x1x1x128xi32, #tpu.memory_space<vmem>>
          %dma_start3A_2710 = tpu.memref_squeeze %dma_start3A_2709 : memref<1x1x1x128xi32, #tpu.memory_space<vmem>> -> memref<128xi32, #tpu.memory_space<vmem>>
          %dma_start3A_2711 = arith.constant 0 : i32
          %dma_start3A_2712 = tpu.memref_slice %arg6[%dma_start3A_2711] : memref<1048576xf32, #tpu.memory_space<hbm>> -> memref<1048576xf32, #tpu.memory_space<hbm>>
          tpu.enqueue_indirect_dma source(%dma_start3A_2712 : memref<1048576xf32, #tpu.memory_space<hbm>>) target(%dma_start3A_2707 : memref<128xf32, #tpu.memory_space<vmem>>) offsets(%dma_start3A_2710 : memref<128xi32, #tpu.memory_space<vmem>>) semaphore(%arg16 : memref<!tpu.dma_semaphore, #tpu.memory_space<semaphore_mem>>)
          %dma_start3A_2713 = arith.constant 6 : i32
          %dma_start3A_2714 = arith.constant 0 : i32
          %dma_start3A_2715 = arith.constant 4 : i32
          %dma_start3A_2716 = arith.constant 768 : i32
          %dma_start3A_2717 = tpu.memref_slice %arg12[%dma_start3A_2714, %dma_start3A_2715, %dma_start3A_2716] : memref<2x6x1024xf32, #tpu.memory_space<vmem>> -> memref<1x1x128xf32, #tpu.memory_space<vmem>>
          %dma_start3A_2718 = tpu.memref_squeeze %dma_start3A_2717 : memref<1x1x128xf32, #tpu.memory_space<vmem>> -> memref<128xf32, #tpu.memory_space<vmem>>
          %dma_start3A_2719 = arith.constant 0 : i32
          %dma_start3A_2720 = tpu.memref_slice %arg11[%select_n3A_2278, %select_n3A_2294, %dma_start3A_2713, %dma_start3A_2719] : memref<3x16x8x128xi32, #tpu.memory_space<vmem>> -> memref<1x1x1x128xi32, #tpu.memory_space<vmem>>
          %dma_start3A_2721 = tpu.memref_squeeze %dma_start3A_2720 : memref<1x1x1x128xi32, #tpu.memory_space<vmem>> -> memref<128xi32, #tpu.memory_space<vmem>>
          %dma_start3A_2722 = arith.constant 0 : i32
          %dma_start3A_2723 = tpu.memref_slice %arg6[%dma_start3A_2722] : memref<1048576xf32, #tpu.memory_space<hbm>> -> memref<1048576xf32, #tpu.memory_space<hbm>>
          tpu.enqueue_indirect_dma source(%dma_start3A_2723 : memref<1048576xf32, #tpu.memory_space<hbm>>) target(%dma_start3A_2718 : memref<128xf32, #tpu.memory_space<vmem>>) offsets(%dma_start3A_2721 : memref<128xi32, #tpu.memory_space<vmem>>) semaphore(%arg16 : memref<!tpu.dma_semaphore, #tpu.memory_space<semaphore_mem>>)
          %dma_start3A_2724 = arith.constant 7 : i32
          %dma_start3A_2725 = arith.constant 0 : i32
          %dma_start3A_2726 = arith.constant 4 : i32
          %dma_start3A_2727 = arith.constant 896 : i32
          %dma_start3A_2728 = tpu.memref_slice %arg12[%dma_start3A_2725, %dma_start3A_2726, %dma_start3A_2727] : memref<2x6x1024xf32, #tpu.memory_space<vmem>> -> memref<1x1x128xf32, #tpu.memory_space<vmem>>
          %dma_start3A_2729 = tpu.memref_squeeze %dma_start3A_2728 : memref<1x1x128xf32, #tpu.memory_space<vmem>> -> memref<128xf32, #tpu.memory_space<vmem>>
          %dma_start3A_2730 = arith.constant 0 : i32
          %dma_start3A_2731 = tpu.memref_slice %arg11[%select_n3A_2278, %select_n3A_2294, %dma_start3A_2724, %dma_start3A_2730] : memref<3x16x8x128xi32, #tpu.memory_space<vmem>> -> memref<1x1x1x128xi32, #tpu.memory_space<vmem>>
          %dma_start3A_2732 = tpu.memref_squeeze %dma_start3A_2731 : memref<1x1x1x128xi32, #tpu.memory_space<vmem>> -> memref<128xi32, #tpu.memory_space<vmem>>
          %dma_start3A_2733 = arith.constant 0 : i32
          %dma_start3A_2734 = tpu.memref_slice %arg6[%dma_start3A_2733] : memref<1048576xf32, #tpu.memory_space<hbm>> -> memref<1048576xf32, #tpu.memory_space<hbm>>
          tpu.enqueue_indirect_dma source(%dma_start3A_2734 : memref<1048576xf32, #tpu.memory_space<hbm>>) target(%dma_start3A_2729 : memref<128xf32, #tpu.memory_space<vmem>>) offsets(%dma_start3A_2732 : memref<128xi32, #tpu.memory_space<vmem>>) semaphore(%arg16 : memref<!tpu.dma_semaphore, #tpu.memory_space<semaphore_mem>>)
          %dma_start3A_2735 = arith.constant 0 : i32
          %dma_start3A_2736 = arith.constant 0 : i32
          %dma_start3A_2737 = arith.constant 5 : i32
          %dma_start3A_2738 = arith.constant 0 : i32
          %dma_start3A_2739 = tpu.memref_slice %arg12[%dma_start3A_2736, %dma_start3A_2737, %dma_start3A_2738] : memref<2x6x1024xf32, #tpu.memory_space<vmem>> -> memref<1x1x128xf32, #tpu.memory_space<vmem>>
          %dma_start3A_2740 = tpu.memref_squeeze %dma_start3A_2739 : memref<1x1x128xf32, #tpu.memory_space<vmem>> -> memref<128xf32, #tpu.memory_space<vmem>>
          %dma_start3A_2741 = arith.constant 0 : i32
          %dma_start3A_2742 = tpu.memref_slice %arg11[%select_n3A_2278, %select_n3A_2294, %dma_start3A_2735, %dma_start3A_2741] : memref<3x16x8x128xi32, #tpu.memory_space<vmem>> -> memref<1x1x1x128xi32, #tpu.memory_space<vmem>>
          %dma_start3A_2743 = tpu.memref_squeeze %dma_start3A_2742 : memref<1x1x1x128xi32, #tpu.memory_space<vmem>> -> memref<128xi32, #tpu.memory_space<vmem>>
          %dma_start3A_2744 = arith.constant 0 : i32
          %dma_start3A_2745 = tpu.memref_slice %arg7[%dma_start3A_2744] : memref<1048576xf32, #tpu.memory_space<hbm>> -> memref<1048576xf32, #tpu.memory_space<hbm>>
          tpu.enqueue_indirect_dma source(%dma_start3A_2745 : memref<1048576xf32, #tpu.memory_space<hbm>>) target(%dma_start3A_2740 : memref<128xf32, #tpu.memory_space<vmem>>) offsets(%dma_start3A_2743 : memref<128xi32, #tpu.memory_space<vmem>>) semaphore(%arg16 : memref<!tpu.dma_semaphore, #tpu.memory_space<semaphore_mem>>)
          %dma_start3A_2746 = arith.constant 1 : i32
          %dma_start3A_2747 = arith.constant 0 : i32
          %dma_start3A_2748 = arith.constant 5 : i32
          %dma_start3A_2749 = arith.constant 128 : i32
          %dma_start3A_2750 = tpu.memref_slice %arg12[%dma_start3A_2747, %dma_start3A_2748, %dma_start3A_2749] : memref<2x6x1024xf32, #tpu.memory_space<vmem>> -> memref<1x1x128xf32, #tpu.memory_space<vmem>>
          %dma_start3A_2751 = tpu.memref_squeeze %dma_start3A_2750 : memref<1x1x128xf32, #tpu.memory_space<vmem>> -> memref<128xf32, #tpu.memory_space<vmem>>
          %dma_start3A_2752 = arith.constant 0 : i32
          %dma_start3A_2753 = tpu.memref_slice %arg11[%select_n3A_2278, %select_n3A_2294, %dma_start3A_2746, %dma_start3A_2752] : memref<3x16x8x128xi32, #tpu.memory_space<vmem>> -> memref<1x1x1x128xi32, #tpu.memory_space<vmem>>
          %dma_start3A_2754 = tpu.memref_squeeze %dma_start3A_2753 : memref<1x1x1x128xi32, #tpu.memory_space<vmem>> -> memref<128xi32, #tpu.memory_space<vmem>>
          %dma_start3A_2755 = arith.constant 0 : i32
          %dma_start3A_2756 = tpu.memref_slice %arg7[%dma_start3A_2755] : memref<1048576xf32, #tpu.memory_space<hbm>> -> memref<1048576xf32, #tpu.memory_space<hbm>>
          tpu.enqueue_indirect_dma source(%dma_start3A_2756 : memref<1048576xf32, #tpu.memory_space<hbm>>) target(%dma_start3A_2751 : memref<128xf32, #tpu.memory_space<vmem>>) offsets(%dma_start3A_2754 : memref<128xi32, #tpu.memory_space<vmem>>) semaphore(%arg16 : memref<!tpu.dma_semaphore, #tpu.memory_space<semaphore_mem>>)
          %dma_start3A_2757 = arith.constant 2 : i32
          %dma_start3A_2758 = arith.constant 0 : i32
          %dma_start3A_2759 = arith.constant 5 : i32
          %dma_start3A_2760 = arith.constant 256 : i32
          %dma_start3A_2761 = tpu.memref_slice %arg12[%dma_start3A_2758, %dma_start3A_2759, %dma_start3A_2760] : memref<2x6x1024xf32, #tpu.memory_space<vmem>> -> memref<1x1x128xf32, #tpu.memory_space<vmem>>
          %dma_start3A_2762 = tpu.memref_squeeze %dma_start3A_2761 : memref<1x1x128xf32, #tpu.memory_space<vmem>> -> memref<128xf32, #tpu.memory_space<vmem>>
          %dma_start3A_2763 = arith.constant 0 : i32
          %dma_start3A_2764 = tpu.memref_slice %arg11[%select_n3A_2278, %select_n3A_2294, %dma_start3A_2757, %dma_start3A_2763] : memref<3x16x8x128xi32, #tpu.memory_space<vmem>> -> memref<1x1x1x128xi32, #tpu.memory_space<vmem>>
          %dma_start3A_2765 = tpu.memref_squeeze %dma_start3A_2764 : memref<1x1x1x128xi32, #tpu.memory_space<vmem>> -> memref<128xi32, #tpu.memory_space<vmem>>
          %dma_start3A_2766 = arith.constant 0 : i32
          %dma_start3A_2767 = tpu.memref_slice %arg7[%dma_start3A_2766] : memref<1048576xf32, #tpu.memory_space<hbm>> -> memref<1048576xf32, #tpu.memory_space<hbm>>
          tpu.enqueue_indirect_dma source(%dma_start3A_2767 : memref<1048576xf32, #tpu.memory_space<hbm>>) target(%dma_start3A_2762 : memref<128xf32, #tpu.memory_space<vmem>>) offsets(%dma_start3A_2765 : memref<128xi32, #tpu.memory_space<vmem>>) semaphore(%arg16 : memref<!tpu.dma_semaphore, #tpu.memory_space<semaphore_mem>>)
          %dma_start3A_2768 = arith.constant 3 : i32
          %dma_start3A_2769 = arith.constant 0 : i32
          %dma_start3A_2770 = arith.constant 5 : i32
          %dma_start3A_2771 = arith.constant 384 : i32
          %dma_start3A_2772 = tpu.memref_slice %arg12[%dma_start3A_2769, %dma_start3A_2770, %dma_start3A_2771] : memref<2x6x1024xf32, #tpu.memory_space<vmem>> -> memref<1x1x128xf32, #tpu.memory_space<vmem>>
          %dma_start3A_2773 = tpu.memref_squeeze %dma_start3A_2772 : memref<1x1x128xf32, #tpu.memory_space<vmem>> -> memref<128xf32, #tpu.memory_space<vmem>>
          %dma_start3A_2774 = arith.constant 0 : i32
          %dma_start3A_2775 = tpu.memref_slice %arg11[%select_n3A_2278, %select_n3A_2294, %dma_start3A_2768, %dma_start3A_2774] : memref<3x16x8x128xi32, #tpu.memory_space<vmem>> -> memref<1x1x1x128xi32, #tpu.memory_space<vmem>>
          %dma_start3A_2776 = tpu.memref_squeeze %dma_start3A_2775 : memref<1x1x1x128xi32, #tpu.memory_space<vmem>> -> memref<128xi32, #tpu.memory_space<vmem>>
          %dma_start3A_2777 = arith.constant 0 : i32
          %dma_start3A_2778 = tpu.memref_slice %arg7[%dma_start3A_2777] : memref<1048576xf32, #tpu.memory_space<hbm>> -> memref<1048576xf32, #tpu.memory_space<hbm>>
          tpu.enqueue_indirect_dma source(%dma_start3A_2778 : memref<1048576xf32, #tpu.memory_space<hbm>>) target(%dma_start3A_2773 : memref<128xf32, #tpu.memory_space<vmem>>) offsets(%dma_start3A_2776 : memref<128xi32, #tpu.memory_space<vmem>>) semaphore(%arg16 : memref<!tpu.dma_semaphore, #tpu.memory_space<semaphore_mem>>)
          %dma_start3A_2779 = arith.constant 4 : i32
          %dma_start3A_2780 = arith.constant 0 : i32
          %dma_start3A_2781 = arith.constant 5 : i32
          %dma_start3A_2782 = arith.constant 512 : i32
          %dma_start3A_2783 = tpu.memref_slice %arg12[%dma_start3A_2780, %dma_start3A_2781, %dma_start3A_2782] : memref<2x6x1024xf32, #tpu.memory_space<vmem>> -> memref<1x1x128xf32, #tpu.memory_space<vmem>>
          %dma_start3A_2784 = tpu.memref_squeeze %dma_start3A_2783 : memref<1x1x128xf32, #tpu.memory_space<vmem>> -> memref<128xf32, #tpu.memory_space<vmem>>
          %dma_start3A_2785 = arith.constant 0 : i32
          %dma_start3A_2786 = tpu.memref_slice %arg11[%select_n3A_2278, %select_n3A_2294, %dma_start3A_2779, %dma_start3A_2785] : memref<3x16x8x128xi32, #tpu.memory_space<vmem>> -> memref<1x1x1x128xi32, #tpu.memory_space<vmem>>
          %dma_start3A_2787 = tpu.memref_squeeze %dma_start3A_2786 : memref<1x1x1x128xi32, #tpu.memory_space<vmem>> -> memref<128xi32, #tpu.memory_space<vmem>>
          %dma_start3A_2788 = arith.constant 0 : i32
          %dma_start3A_2789 = tpu.memref_slice %arg7[%dma_start3A_2788] : memref<1048576xf32, #tpu.memory_space<hbm>> -> memref<1048576xf32, #tpu.memory_space<hbm>>
          tpu.enqueue_indirect_dma source(%dma_start3A_2789 : memref<1048576xf32, #tpu.memory_space<hbm>>) target(%dma_start3A_2784 : memref<128xf32, #tpu.memory_space<vmem>>) offsets(%dma_start3A_2787 : memref<128xi32, #tpu.memory_space<vmem>>) semaphore(%arg16 : memref<!tpu.dma_semaphore, #tpu.memory_space<semaphore_mem>>)
          %dma_start3A_2790 = arith.constant 5 : i32
          %dma_start3A_2791 = arith.constant 0 : i32
          %dma_start3A_2792 = arith.constant 5 : i32
          %dma_start3A_2793 = arith.constant 640 : i32
          %dma_start3A_2794 = tpu.memref_slice %arg12[%dma_start3A_2791, %dma_start3A_2792, %dma_start3A_2793] : memref<2x6x1024xf32, #tpu.memory_space<vmem>> -> memref<1x1x128xf32, #tpu.memory_space<vmem>>
          %dma_start3A_2795 = tpu.memref_squeeze %dma_start3A_2794 : memref<1x1x128xf32, #tpu.memory_space<vmem>> -> memref<128xf32, #tpu.memory_space<vmem>>
          %dma_start3A_2796 = arith.constant 0 : i32
          %dma_start3A_2797 = tpu.memref_slice %arg11[%select_n3A_2278, %select_n3A_2294, %dma_start3A_2790, %dma_start3A_2796] : memref<3x16x8x128xi32, #tpu.memory_space<vmem>> -> memref<1x1x1x128xi32, #tpu.memory_space<vmem>>
          %dma_start3A_2798 = tpu.memref_squeeze %dma_start3A_2797 : memref<1x1x1x128xi32, #tpu.memory_space<vmem>> -> memref<128xi32, #tpu.memory_space<vmem>>
          %dma_start3A_2799 = arith.constant 0 : i32
          %dma_start3A_2800 = tpu.memref_slice %arg7[%dma_start3A_2799] : memref<1048576xf32, #tpu.memory_space<hbm>> -> memref<1048576xf32, #tpu.memory_space<hbm>>
          tpu.enqueue_indirect_dma source(%dma_start3A_2800 : memref<1048576xf32, #tpu.memory_space<hbm>>) target(%dma_start3A_2795 : memref<128xf32, #tpu.memory_space<vmem>>) offsets(%dma_start3A_2798 : memref<128xi32, #tpu.memory_space<vmem>>) semaphore(%arg16 : memref<!tpu.dma_semaphore, #tpu.memory_space<semaphore_mem>>)
          %dma_start3A_2801 = arith.constant 6 : i32
          %dma_start3A_2802 = arith.constant 0 : i32
          %dma_start3A_2803 = arith.constant 5 : i32
          %dma_start3A_2804 = arith.constant 768 : i32
          %dma_start3A_2805 = tpu.memref_slice %arg12[%dma_start3A_2802, %dma_start3A_2803, %dma_start3A_2804] : memref<2x6x1024xf32, #tpu.memory_space<vmem>> -> memref<1x1x128xf32, #tpu.memory_space<vmem>>
          %dma_start3A_2806 = tpu.memref_squeeze %dma_start3A_2805 : memref<1x1x128xf32, #tpu.memory_space<vmem>> -> memref<128xf32, #tpu.memory_space<vmem>>
          %dma_start3A_2807 = arith.constant 0 : i32
          %dma_start3A_2808 = tpu.memref_slice %arg11[%select_n3A_2278, %select_n3A_2294, %dma_start3A_2801, %dma_start3A_2807] : memref<3x16x8x128xi32, #tpu.memory_space<vmem>> -> memref<1x1x1x128xi32, #tpu.memory_space<vmem>>
          %dma_start3A_2809 = tpu.memref_squeeze %dma_start3A_2808 : memref<1x1x1x128xi32, #tpu.memory_space<vmem>> -> memref<128xi32, #tpu.memory_space<vmem>>
          %dma_start3A_2810 = arith.constant 0 : i32
          %dma_start3A_2811 = tpu.memref_slice %arg7[%dma_start3A_2810] : memref<1048576xf32, #tpu.memory_space<hbm>> -> memref<1048576xf32, #tpu.memory_space<hbm>>
          tpu.enqueue_indirect_dma source(%dma_start3A_2811 : memref<1048576xf32, #tpu.memory_space<hbm>>) target(%dma_start3A_2806 : memref<128xf32, #tpu.memory_space<vmem>>) offsets(%dma_start3A_2809 : memref<128xi32, #tpu.memory_space<vmem>>) semaphore(%arg16 : memref<!tpu.dma_semaphore, #tpu.memory_space<semaphore_mem>>)
          %dma_start3A_2812 = arith.constant 7 : i32
          %dma_start3A_2813 = arith.constant 0 : i32
          %dma_start3A_2814 = arith.constant 5 : i32
          %dma_start3A_2815 = arith.constant 896 : i32
          %dma_start3A_2816 = tpu.memref_slice %arg12[%dma_start3A_2813, %dma_start3A_2814, %dma_start3A_2815] : memref<2x6x1024xf32, #tpu.memory_space<vmem>> -> memref<1x1x128xf32, #tpu.memory_space<vmem>>
          %dma_start3A_2817 = tpu.memref_squeeze %dma_start3A_2816 : memref<1x1x128xf32, #tpu.memory_space<vmem>> -> memref<128xf32, #tpu.memory_space<vmem>>
          %dma_start3A_2818 = arith.constant 0 : i32
          %dma_start3A_2819 = tpu.memref_slice %arg11[%select_n3A_2278, %select_n3A_2294, %dma_start3A_2812, %dma_start3A_2818] : memref<3x16x8x128xi32, #tpu.memory_space<vmem>> -> memref<1x1x1x128xi32, #tpu.memory_space<vmem>>
          %dma_start3A_2820 = tpu.memref_squeeze %dma_start3A_2819 : memref<1x1x1x128xi32, #tpu.memory_space<vmem>> -> memref<128xi32, #tpu.memory_space<vmem>>
          %dma_start3A_2821 = arith.constant 0 : i32
          %dma_start3A_2822 = tpu.memref_slice %arg7[%dma_start3A_2821] : memref<1048576xf32, #tpu.memory_space<hbm>> -> memref<1048576xf32, #tpu.memory_space<hbm>>
          tpu.enqueue_indirect_dma source(%dma_start3A_2822 : memref<1048576xf32, #tpu.memory_space<hbm>>) target(%dma_start3A_2817 : memref<128xf32, #tpu.memory_space<vmem>>) offsets(%dma_start3A_2820 : memref<128xi32, #tpu.memory_space<vmem>>) semaphore(%arg16 : memref<!tpu.dma_semaphore, #tpu.memory_space<semaphore_mem>>)
        } else {
        }
        %dma_wait3A_1538 = arith.constant 0 : i32
        %dma_wait3A_1539 = arith.constant 1 : i32
        %dma_wait3A_1540 = arith.constant 0 : i32
        %dma_wait3A_1541 = arith.constant 0 : i32
        %dma_wait3A_1542 = tpu.memref_slice %arg12[%dma_wait3A_1539, %dma_wait3A_1540, %dma_wait3A_1541] : memref<2x6x1024xf32, #tpu.memory_space<vmem>> -> memref<1x1x128xf32, #tpu.memory_space<vmem>>
        %dma_wait3A_1543 = tpu.memref_squeeze %dma_wait3A_1542 : memref<1x1x128xf32, #tpu.memory_space<vmem>> -> memref<128xf32, #tpu.memory_space<vmem>>
        %dma_wait3A_1544 = arith.constant 0 : i32
        %dma_wait3A_1545 = tpu.memref_slice %arg11[%select_n3A_748, %select_n3A_764, %dma_wait3A_1538, %dma_wait3A_1544] : memref<3x16x8x128xi32, #tpu.memory_space<vmem>> -> memref<1x1x1x128xi32, #tpu.memory_space<vmem>>
        %dma_wait3A_1546 = tpu.memref_squeeze %dma_wait3A_1545 : memref<1x1x1x128xi32, #tpu.memory_space<vmem>> -> memref<128xi32, #tpu.memory_space<vmem>>
        %dma_wait3A_1547 = arith.constant 0 : i32
        %dma_wait3A_1548 = tpu.memref_slice %arg2[%dma_wait3A_1547] : memref<1048576xf32, #tpu.memory_space<hbm>> -> memref<1048576xf32, #tpu.memory_space<hbm>>
        tpu.wait_indirect_dma semaphore(%arg17 : memref<!tpu.dma_semaphore, #tpu.memory_space<semaphore_mem>>) src(%dma_wait3A_1548 : memref<1048576xf32, #tpu.memory_space<hbm>>) dst(%dma_wait3A_1543 : memref<128xf32, #tpu.memory_space<vmem>>)
        %dma_wait3A_1549 = arith.constant 1 : i32
        %dma_wait3A_1550 = arith.constant 1 : i32
        %dma_wait3A_1551 = arith.constant 0 : i32
        %dma_wait3A_1552 = arith.constant 128 : i32
        %dma_wait3A_1553 = tpu.memref_slice %arg12[%dma_wait3A_1550, %dma_wait3A_1551, %dma_wait3A_1552] : memref<2x6x1024xf32, #tpu.memory_space<vmem>> -> memref<1x1x128xf32, #tpu.memory_space<vmem>>
        %dma_wait3A_1554 = tpu.memref_squeeze %dma_wait3A_1553 : memref<1x1x128xf32, #tpu.memory_space<vmem>> -> memref<128xf32, #tpu.memory_space<vmem>>
        %dma_wait3A_1555 = arith.constant 0 : i32
        %dma_wait3A_1556 = tpu.memref_slice %arg11[%select_n3A_748, %select_n3A_764, %dma_wait3A_1549, %dma_wait3A_1555] : memref<3x16x8x128xi32, #tpu.memory_space<vmem>> -> memref<1x1x1x128xi32, #tpu.memory_space<vmem>>
        %dma_wait3A_1557 = tpu.memref_squeeze %dma_wait3A_1556 : memref<1x1x1x128xi32, #tpu.memory_space<vmem>> -> memref<128xi32, #tpu.memory_space<vmem>>
        %dma_wait3A_1558 = arith.constant 0 : i32
        %dma_wait3A_1559 = tpu.memref_slice %arg2[%dma_wait3A_1558] : memref<1048576xf32, #tpu.memory_space<hbm>> -> memref<1048576xf32, #tpu.memory_space<hbm>>
        tpu.wait_indirect_dma semaphore(%arg17 : memref<!tpu.dma_semaphore, #tpu.memory_space<semaphore_mem>>) src(%dma_wait3A_1559 : memref<1048576xf32, #tpu.memory_space<hbm>>) dst(%dma_wait3A_1554 : memref<128xf32, #tpu.memory_space<vmem>>)
        %dma_wait3A_1560 = arith.constant 2 : i32
        %dma_wait3A_1561 = arith.constant 1 : i32
        %dma_wait3A_1562 = arith.constant 0 : i32
        %dma_wait3A_1563 = arith.constant 256 : i32
        %dma_wait3A_1564 = tpu.memref_slice %arg12[%dma_wait3A_1561, %dma_wait3A_1562, %dma_wait3A_1563] : memref<2x6x1024xf32, #tpu.memory_space<vmem>> -> memref<1x1x128xf32, #tpu.memory_space<vmem>>
        %dma_wait3A_1565 = tpu.memref_squeeze %dma_wait3A_1564 : memref<1x1x128xf32, #tpu.memory_space<vmem>> -> memref<128xf32, #tpu.memory_space<vmem>>
        %dma_wait3A_1566 = arith.constant 0 : i32
        %dma_wait3A_1567 = tpu.memref_slice %arg11[%select_n3A_748, %select_n3A_764, %dma_wait3A_1560, %dma_wait3A_1566] : memref<3x16x8x128xi32, #tpu.memory_space<vmem>> -> memref<1x1x1x128xi32, #tpu.memory_space<vmem>>
        %dma_wait3A_1568 = tpu.memref_squeeze %dma_wait3A_1567 : memref<1x1x1x128xi32, #tpu.memory_space<vmem>> -> memref<128xi32, #tpu.memory_space<vmem>>
        %dma_wait3A_1569 = arith.constant 0 : i32
        %dma_wait3A_1570 = tpu.memref_slice %arg2[%dma_wait3A_1569] : memref<1048576xf32, #tpu.memory_space<hbm>> -> memref<1048576xf32, #tpu.memory_space<hbm>>
        tpu.wait_indirect_dma semaphore(%arg17 : memref<!tpu.dma_semaphore, #tpu.memory_space<semaphore_mem>>) src(%dma_wait3A_1570 : memref<1048576xf32, #tpu.memory_space<hbm>>) dst(%dma_wait3A_1565 : memref<128xf32, #tpu.memory_space<vmem>>)
        %dma_wait3A_1571 = arith.constant 3 : i32
        %dma_wait3A_1572 = arith.constant 1 : i32
        %dma_wait3A_1573 = arith.constant 0 : i32
        %dma_wait3A_1574 = arith.constant 384 : i32
        %dma_wait3A_1575 = tpu.memref_slice %arg12[%dma_wait3A_1572, %dma_wait3A_1573, %dma_wait3A_1574] : memref<2x6x1024xf32, #tpu.memory_space<vmem>> -> memref<1x1x128xf32, #tpu.memory_space<vmem>>
        %dma_wait3A_1576 = tpu.memref_squeeze %dma_wait3A_1575 : memref<1x1x128xf32, #tpu.memory_space<vmem>> -> memref<128xf32, #tpu.memory_space<vmem>>
        %dma_wait3A_1577 = arith.constant 0 : i32
        %dma_wait3A_1578 = tpu.memref_slice %arg11[%select_n3A_748, %select_n3A_764, %dma_wait3A_1571, %dma_wait3A_1577] : memref<3x16x8x128xi32, #tpu.memory_space<vmem>> -> memref<1x1x1x128xi32, #tpu.memory_space<vmem>>
        %dma_wait3A_1579 = tpu.memref_squeeze %dma_wait3A_1578 : memref<1x1x1x128xi32, #tpu.memory_space<vmem>> -> memref<128xi32, #tpu.memory_space<vmem>>
        %dma_wait3A_1580 = arith.constant 0 : i32
        %dma_wait3A_1581 = tpu.memref_slice %arg2[%dma_wait3A_1580] : memref<1048576xf32, #tpu.memory_space<hbm>> -> memref<1048576xf32, #tpu.memory_space<hbm>>
        tpu.wait_indirect_dma semaphore(%arg17 : memref<!tpu.dma_semaphore, #tpu.memory_space<semaphore_mem>>) src(%dma_wait3A_1581 : memref<1048576xf32, #tpu.memory_space<hbm>>) dst(%dma_wait3A_1576 : memref<128xf32, #tpu.memory_space<vmem>>)
        %dma_wait3A_1582 = arith.constant 4 : i32
        %dma_wait3A_1583 = arith.constant 1 : i32
        %dma_wait3A_1584 = arith.constant 0 : i32
        %dma_wait3A_1585 = arith.constant 512 : i32
        %dma_wait3A_1586 = tpu.memref_slice %arg12[%dma_wait3A_1583, %dma_wait3A_1584, %dma_wait3A_1585] : memref<2x6x1024xf32, #tpu.memory_space<vmem>> -> memref<1x1x128xf32, #tpu.memory_space<vmem>>
        %dma_wait3A_1587 = tpu.memref_squeeze %dma_wait3A_1586 : memref<1x1x128xf32, #tpu.memory_space<vmem>> -> memref<128xf32, #tpu.memory_space<vmem>>
        %dma_wait3A_1588 = arith.constant 0 : i32
        %dma_wait3A_1589 = tpu.memref_slice %arg11[%select_n3A_748, %select_n3A_764, %dma_wait3A_1582, %dma_wait3A_1588] : memref<3x16x8x128xi32, #tpu.memory_space<vmem>> -> memref<1x1x1x128xi32, #tpu.memory_space<vmem>>
        %dma_wait3A_1590 = tpu.memref_squeeze %dma_wait3A_1589 : memref<1x1x1x128xi32, #tpu.memory_space<vmem>> -> memref<128xi32, #tpu.memory_space<vmem>>
        %dma_wait3A_1591 = arith.constant 0 : i32
        %dma_wait3A_1592 = tpu.memref_slice %arg2[%dma_wait3A_1591] : memref<1048576xf32, #tpu.memory_space<hbm>> -> memref<1048576xf32, #tpu.memory_space<hbm>>
        tpu.wait_indirect_dma semaphore(%arg17 : memref<!tpu.dma_semaphore, #tpu.memory_space<semaphore_mem>>) src(%dma_wait3A_1592 : memref<1048576xf32, #tpu.memory_space<hbm>>) dst(%dma_wait3A_1587 : memref<128xf32, #tpu.memory_space<vmem>>)
        %dma_wait3A_1593 = arith.constant 5 : i32
        %dma_wait3A_1594 = arith.constant 1 : i32
        %dma_wait3A_1595 = arith.constant 0 : i32
        %dma_wait3A_1596 = arith.constant 640 : i32
        %dma_wait3A_1597 = tpu.memref_slice %arg12[%dma_wait3A_1594, %dma_wait3A_1595, %dma_wait3A_1596] : memref<2x6x1024xf32, #tpu.memory_space<vmem>> -> memref<1x1x128xf32, #tpu.memory_space<vmem>>
        %dma_wait3A_1598 = tpu.memref_squeeze %dma_wait3A_1597 : memref<1x1x128xf32, #tpu.memory_space<vmem>> -> memref<128xf32, #tpu.memory_space<vmem>>
        %dma_wait3A_1599 = arith.constant 0 : i32
        %dma_wait3A_1600 = tpu.memref_slice %arg11[%select_n3A_748, %select_n3A_764, %dma_wait3A_1593, %dma_wait3A_1599] : memref<3x16x8x128xi32, #tpu.memory_space<vmem>> -> memref<1x1x1x128xi32, #tpu.memory_space<vmem>>
        %dma_wait3A_1601 = tpu.memref_squeeze %dma_wait3A_1600 : memref<1x1x1x128xi32, #tpu.memory_space<vmem>> -> memref<128xi32, #tpu.memory_space<vmem>>
        %dma_wait3A_1602 = arith.constant 0 : i32
        %dma_wait3A_1603 = tpu.memref_slice %arg2[%dma_wait3A_1602] : memref<1048576xf32, #tpu.memory_space<hbm>> -> memref<1048576xf32, #tpu.memory_space<hbm>>
        tpu.wait_indirect_dma semaphore(%arg17 : memref<!tpu.dma_semaphore, #tpu.memory_space<semaphore_mem>>) src(%dma_wait3A_1603 : memref<1048576xf32, #tpu.memory_space<hbm>>) dst(%dma_wait3A_1598 : memref<128xf32, #tpu.memory_space<vmem>>)
        %dma_wait3A_1604 = arith.constant 6 : i32
        %dma_wait3A_1605 = arith.constant 1 : i32
        %dma_wait3A_1606 = arith.constant 0 : i32
        %dma_wait3A_1607 = arith.constant 768 : i32
        %dma_wait3A_1608 = tpu.memref_slice %arg12[%dma_wait3A_1605, %dma_wait3A_1606, %dma_wait3A_1607] : memref<2x6x1024xf32, #tpu.memory_space<vmem>> -> memref<1x1x128xf32, #tpu.memory_space<vmem>>
        %dma_wait3A_1609 = tpu.memref_squeeze %dma_wait3A_1608 : memref<1x1x128xf32, #tpu.memory_space<vmem>> -> memref<128xf32, #tpu.memory_space<vmem>>
        %dma_wait3A_1610 = arith.constant 0 : i32
        %dma_wait3A_1611 = tpu.memref_slice %arg11[%select_n3A_748, %select_n3A_764, %dma_wait3A_1604, %dma_wait3A_1610] : memref<3x16x8x128xi32, #tpu.memory_space<vmem>> -> memref<1x1x1x128xi32, #tpu.memory_space<vmem>>
        %dma_wait3A_1612 = tpu.memref_squeeze %dma_wait3A_1611 : memref<1x1x1x128xi32, #tpu.memory_space<vmem>> -> memref<128xi32, #tpu.memory_space<vmem>>
        %dma_wait3A_1613 = arith.constant 0 : i32
        %dma_wait3A_1614 = tpu.memref_slice %arg2[%dma_wait3A_1613] : memref<1048576xf32, #tpu.memory_space<hbm>> -> memref<1048576xf32, #tpu.memory_space<hbm>>
        tpu.wait_indirect_dma semaphore(%arg17 : memref<!tpu.dma_semaphore, #tpu.memory_space<semaphore_mem>>) src(%dma_wait3A_1614 : memref<1048576xf32, #tpu.memory_space<hbm>>) dst(%dma_wait3A_1609 : memref<128xf32, #tpu.memory_space<vmem>>)
        %dma_wait3A_1615 = arith.constant 7 : i32
        %dma_wait3A_1616 = arith.constant 1 : i32
        %dma_wait3A_1617 = arith.constant 0 : i32
        %dma_wait3A_1618 = arith.constant 896 : i32
        %dma_wait3A_1619 = tpu.memref_slice %arg12[%dma_wait3A_1616, %dma_wait3A_1617, %dma_wait3A_1618] : memref<2x6x1024xf32, #tpu.memory_space<vmem>> -> memref<1x1x128xf32, #tpu.memory_space<vmem>>
        %dma_wait3A_1620 = tpu.memref_squeeze %dma_wait3A_1619 : memref<1x1x128xf32, #tpu.memory_space<vmem>> -> memref<128xf32, #tpu.memory_space<vmem>>
        %dma_wait3A_1621 = arith.constant 0 : i32
        %dma_wait3A_1622 = tpu.memref_slice %arg11[%select_n3A_748, %select_n3A_764, %dma_wait3A_1615, %dma_wait3A_1621] : memref<3x16x8x128xi32, #tpu.memory_space<vmem>> -> memref<1x1x1x128xi32, #tpu.memory_space<vmem>>
        %dma_wait3A_1623 = tpu.memref_squeeze %dma_wait3A_1622 : memref<1x1x1x128xi32, #tpu.memory_space<vmem>> -> memref<128xi32, #tpu.memory_space<vmem>>
        %dma_wait3A_1624 = arith.constant 0 : i32
        %dma_wait3A_1625 = tpu.memref_slice %arg2[%dma_wait3A_1624] : memref<1048576xf32, #tpu.memory_space<hbm>> -> memref<1048576xf32, #tpu.memory_space<hbm>>
        tpu.wait_indirect_dma semaphore(%arg17 : memref<!tpu.dma_semaphore, #tpu.memory_space<semaphore_mem>>) src(%dma_wait3A_1625 : memref<1048576xf32, #tpu.memory_space<hbm>>) dst(%dma_wait3A_1620 : memref<128xf32, #tpu.memory_space<vmem>>)
        %dma_wait3A_1626 = arith.constant 0 : i32
        %dma_wait3A_1627 = arith.constant 1 : i32
        %dma_wait3A_1628 = arith.constant 1 : i32
        %dma_wait3A_1629 = arith.constant 0 : i32
        %dma_wait3A_1630 = tpu.memref_slice %arg12[%dma_wait3A_1627, %dma_wait3A_1628, %dma_wait3A_1629] : memref<2x6x1024xf32, #tpu.memory_space<vmem>> -> memref<1x1x128xf32, #tpu.memory_space<vmem>>
        %dma_wait3A_1631 = tpu.memref_squeeze %dma_wait3A_1630 : memref<1x1x128xf32, #tpu.memory_space<vmem>> -> memref<128xf32, #tpu.memory_space<vmem>>
        %dma_wait3A_1632 = arith.constant 0 : i32
        %dma_wait3A_1633 = tpu.memref_slice %arg11[%select_n3A_748, %select_n3A_764, %dma_wait3A_1626, %dma_wait3A_1632] : memref<3x16x8x128xi32, #tpu.memory_space<vmem>> -> memref<1x1x1x128xi32, #tpu.memory_space<vmem>>
        %dma_wait3A_1634 = tpu.memref_squeeze %dma_wait3A_1633 : memref<1x1x1x128xi32, #tpu.memory_space<vmem>> -> memref<128xi32, #tpu.memory_space<vmem>>
        %dma_wait3A_1635 = arith.constant 0 : i32
        %dma_wait3A_1636 = tpu.memref_slice %arg3[%dma_wait3A_1635] : memref<1048576xf32, #tpu.memory_space<hbm>> -> memref<1048576xf32, #tpu.memory_space<hbm>>
        tpu.wait_indirect_dma semaphore(%arg17 : memref<!tpu.dma_semaphore, #tpu.memory_space<semaphore_mem>>) src(%dma_wait3A_1636 : memref<1048576xf32, #tpu.memory_space<hbm>>) dst(%dma_wait3A_1631 : memref<128xf32, #tpu.memory_space<vmem>>)
        %dma_wait3A_1637 = arith.constant 1 : i32
        %dma_wait3A_1638 = arith.constant 1 : i32
        %dma_wait3A_1639 = arith.constant 1 : i32
        %dma_wait3A_1640 = arith.constant 128 : i32
        %dma_wait3A_1641 = tpu.memref_slice %arg12[%dma_wait3A_1638, %dma_wait3A_1639, %dma_wait3A_1640] : memref<2x6x1024xf32, #tpu.memory_space<vmem>> -> memref<1x1x128xf32, #tpu.memory_space<vmem>>
        %dma_wait3A_1642 = tpu.memref_squeeze %dma_wait3A_1641 : memref<1x1x128xf32, #tpu.memory_space<vmem>> -> memref<128xf32, #tpu.memory_space<vmem>>
        %dma_wait3A_1643 = arith.constant 0 : i32
        %dma_wait3A_1644 = tpu.memref_slice %arg11[%select_n3A_748, %select_n3A_764, %dma_wait3A_1637, %dma_wait3A_1643] : memref<3x16x8x128xi32, #tpu.memory_space<vmem>> -> memref<1x1x1x128xi32, #tpu.memory_space<vmem>>
        %dma_wait3A_1645 = tpu.memref_squeeze %dma_wait3A_1644 : memref<1x1x1x128xi32, #tpu.memory_space<vmem>> -> memref<128xi32, #tpu.memory_space<vmem>>
        %dma_wait3A_1646 = arith.constant 0 : i32
        %dma_wait3A_1647 = tpu.memref_slice %arg3[%dma_wait3A_1646] : memref<1048576xf32, #tpu.memory_space<hbm>> -> memref<1048576xf32, #tpu.memory_space<hbm>>
        tpu.wait_indirect_dma semaphore(%arg17 : memref<!tpu.dma_semaphore, #tpu.memory_space<semaphore_mem>>) src(%dma_wait3A_1647 : memref<1048576xf32, #tpu.memory_space<hbm>>) dst(%dma_wait3A_1642 : memref<128xf32, #tpu.memory_space<vmem>>)
        %dma_wait3A_1648 = arith.constant 2 : i32
        %dma_wait3A_1649 = arith.constant 1 : i32
        %dma_wait3A_1650 = arith.constant 1 : i32
        %dma_wait3A_1651 = arith.constant 256 : i32
        %dma_wait3A_1652 = tpu.memref_slice %arg12[%dma_wait3A_1649, %dma_wait3A_1650, %dma_wait3A_1651] : memref<2x6x1024xf32, #tpu.memory_space<vmem>> -> memref<1x1x128xf32, #tpu.memory_space<vmem>>
        %dma_wait3A_1653 = tpu.memref_squeeze %dma_wait3A_1652 : memref<1x1x128xf32, #tpu.memory_space<vmem>> -> memref<128xf32, #tpu.memory_space<vmem>>
        %dma_wait3A_1654 = arith.constant 0 : i32
        %dma_wait3A_1655 = tpu.memref_slice %arg11[%select_n3A_748, %select_n3A_764, %dma_wait3A_1648, %dma_wait3A_1654] : memref<3x16x8x128xi32, #tpu.memory_space<vmem>> -> memref<1x1x1x128xi32, #tpu.memory_space<vmem>>
        %dma_wait3A_1656 = tpu.memref_squeeze %dma_wait3A_1655 : memref<1x1x1x128xi32, #tpu.memory_space<vmem>> -> memref<128xi32, #tpu.memory_space<vmem>>
        %dma_wait3A_1657 = arith.constant 0 : i32
        %dma_wait3A_1658 = tpu.memref_slice %arg3[%dma_wait3A_1657] : memref<1048576xf32, #tpu.memory_space<hbm>> -> memref<1048576xf32, #tpu.memory_space<hbm>>
        tpu.wait_indirect_dma semaphore(%arg17 : memref<!tpu.dma_semaphore, #tpu.memory_space<semaphore_mem>>) src(%dma_wait3A_1658 : memref<1048576xf32, #tpu.memory_space<hbm>>) dst(%dma_wait3A_1653 : memref<128xf32, #tpu.memory_space<vmem>>)
        %dma_wait3A_1659 = arith.constant 3 : i32
        %dma_wait3A_1660 = arith.constant 1 : i32
        %dma_wait3A_1661 = arith.constant 1 : i32
        %dma_wait3A_1662 = arith.constant 384 : i32
        %dma_wait3A_1663 = tpu.memref_slice %arg12[%dma_wait3A_1660, %dma_wait3A_1661, %dma_wait3A_1662] : memref<2x6x1024xf32, #tpu.memory_space<vmem>> -> memref<1x1x128xf32, #tpu.memory_space<vmem>>
        %dma_wait3A_1664 = tpu.memref_squeeze %dma_wait3A_1663 : memref<1x1x128xf32, #tpu.memory_space<vmem>> -> memref<128xf32, #tpu.memory_space<vmem>>
        %dma_wait3A_1665 = arith.constant 0 : i32
        %dma_wait3A_1666 = tpu.memref_slice %arg11[%select_n3A_748, %select_n3A_764, %dma_wait3A_1659, %dma_wait3A_1665] : memref<3x16x8x128xi32, #tpu.memory_space<vmem>> -> memref<1x1x1x128xi32, #tpu.memory_space<vmem>>
        %dma_wait3A_1667 = tpu.memref_squeeze %dma_wait3A_1666 : memref<1x1x1x128xi32, #tpu.memory_space<vmem>> -> memref<128xi32, #tpu.memory_space<vmem>>
        %dma_wait3A_1668 = arith.constant 0 : i32
        %dma_wait3A_1669 = tpu.memref_slice %arg3[%dma_wait3A_1668] : memref<1048576xf32, #tpu.memory_space<hbm>> -> memref<1048576xf32, #tpu.memory_space<hbm>>
        tpu.wait_indirect_dma semaphore(%arg17 : memref<!tpu.dma_semaphore, #tpu.memory_space<semaphore_mem>>) src(%dma_wait3A_1669 : memref<1048576xf32, #tpu.memory_space<hbm>>) dst(%dma_wait3A_1664 : memref<128xf32, #tpu.memory_space<vmem>>)
        %dma_wait3A_1670 = arith.constant 4 : i32
        %dma_wait3A_1671 = arith.constant 1 : i32
        %dma_wait3A_1672 = arith.constant 1 : i32
        %dma_wait3A_1673 = arith.constant 512 : i32
        %dma_wait3A_1674 = tpu.memref_slice %arg12[%dma_wait3A_1671, %dma_wait3A_1672, %dma_wait3A_1673] : memref<2x6x1024xf32, #tpu.memory_space<vmem>> -> memref<1x1x128xf32, #tpu.memory_space<vmem>>
        %dma_wait3A_1675 = tpu.memref_squeeze %dma_wait3A_1674 : memref<1x1x128xf32, #tpu.memory_space<vmem>> -> memref<128xf32, #tpu.memory_space<vmem>>
        %dma_wait3A_1676 = arith.constant 0 : i32
        %dma_wait3A_1677 = tpu.memref_slice %arg11[%select_n3A_748, %select_n3A_764, %dma_wait3A_1670, %dma_wait3A_1676] : memref<3x16x8x128xi32, #tpu.memory_space<vmem>> -> memref<1x1x1x128xi32, #tpu.memory_space<vmem>>
        %dma_wait3A_1678 = tpu.memref_squeeze %dma_wait3A_1677 : memref<1x1x1x128xi32, #tpu.memory_space<vmem>> -> memref<128xi32, #tpu.memory_space<vmem>>
        %dma_wait3A_1679 = arith.constant 0 : i32
        %dma_wait3A_1680 = tpu.memref_slice %arg3[%dma_wait3A_1679] : memref<1048576xf32, #tpu.memory_space<hbm>> -> memref<1048576xf32, #tpu.memory_space<hbm>>
        tpu.wait_indirect_dma semaphore(%arg17 : memref<!tpu.dma_semaphore, #tpu.memory_space<semaphore_mem>>) src(%dma_wait3A_1680 : memref<1048576xf32, #tpu.memory_space<hbm>>) dst(%dma_wait3A_1675 : memref<128xf32, #tpu.memory_space<vmem>>)
        %dma_wait3A_1681 = arith.constant 5 : i32
        %dma_wait3A_1682 = arith.constant 1 : i32
        %dma_wait3A_1683 = arith.constant 1 : i32
        %dma_wait3A_1684 = arith.constant 640 : i32
        %dma_wait3A_1685 = tpu.memref_slice %arg12[%dma_wait3A_1682, %dma_wait3A_1683, %dma_wait3A_1684] : memref<2x6x1024xf32, #tpu.memory_space<vmem>> -> memref<1x1x128xf32, #tpu.memory_space<vmem>>
        %dma_wait3A_1686 = tpu.memref_squeeze %dma_wait3A_1685 : memref<1x1x128xf32, #tpu.memory_space<vmem>> -> memref<128xf32, #tpu.memory_space<vmem>>
        %dma_wait3A_1687 = arith.constant 0 : i32
        %dma_wait3A_1688 = tpu.memref_slice %arg11[%select_n3A_748, %select_n3A_764, %dma_wait3A_1681, %dma_wait3A_1687] : memref<3x16x8x128xi32, #tpu.memory_space<vmem>> -> memref<1x1x1x128xi32, #tpu.memory_space<vmem>>
        %dma_wait3A_1689 = tpu.memref_squeeze %dma_wait3A_1688 : memref<1x1x1x128xi32, #tpu.memory_space<vmem>> -> memref<128xi32, #tpu.memory_space<vmem>>
        %dma_wait3A_1690 = arith.constant 0 : i32
        %dma_wait3A_1691 = tpu.memref_slice %arg3[%dma_wait3A_1690] : memref<1048576xf32, #tpu.memory_space<hbm>> -> memref<1048576xf32, #tpu.memory_space<hbm>>
        tpu.wait_indirect_dma semaphore(%arg17 : memref<!tpu.dma_semaphore, #tpu.memory_space<semaphore_mem>>) src(%dma_wait3A_1691 : memref<1048576xf32, #tpu.memory_space<hbm>>) dst(%dma_wait3A_1686 : memref<128xf32, #tpu.memory_space<vmem>>)
        %dma_wait3A_1692 = arith.constant 6 : i32
        %dma_wait3A_1693 = arith.constant 1 : i32
        %dma_wait3A_1694 = arith.constant 1 : i32
        %dma_wait3A_1695 = arith.constant 768 : i32
        %dma_wait3A_1696 = tpu.memref_slice %arg12[%dma_wait3A_1693, %dma_wait3A_1694, %dma_wait3A_1695] : memref<2x6x1024xf32, #tpu.memory_space<vmem>> -> memref<1x1x128xf32, #tpu.memory_space<vmem>>
        %dma_wait3A_1697 = tpu.memref_squeeze %dma_wait3A_1696 : memref<1x1x128xf32, #tpu.memory_space<vmem>> -> memref<128xf32, #tpu.memory_space<vmem>>
        %dma_wait3A_1698 = arith.constant 0 : i32
        %dma_wait3A_1699 = tpu.memref_slice %arg11[%select_n3A_748, %select_n3A_764, %dma_wait3A_1692, %dma_wait3A_1698] : memref<3x16x8x128xi32, #tpu.memory_space<vmem>> -> memref<1x1x1x128xi32, #tpu.memory_space<vmem>>
        %dma_wait3A_1700 = tpu.memref_squeeze %dma_wait3A_1699 : memref<1x1x1x128xi32, #tpu.memory_space<vmem>> -> memref<128xi32, #tpu.memory_space<vmem>>
        %dma_wait3A_1701 = arith.constant 0 : i32
        %dma_wait3A_1702 = tpu.memref_slice %arg3[%dma_wait3A_1701] : memref<1048576xf32, #tpu.memory_space<hbm>> -> memref<1048576xf32, #tpu.memory_space<hbm>>
        tpu.wait_indirect_dma semaphore(%arg17 : memref<!tpu.dma_semaphore, #tpu.memory_space<semaphore_mem>>) src(%dma_wait3A_1702 : memref<1048576xf32, #tpu.memory_space<hbm>>) dst(%dma_wait3A_1697 : memref<128xf32, #tpu.memory_space<vmem>>)
        %dma_wait3A_1703 = arith.constant 7 : i32
        %dma_wait3A_1704 = arith.constant 1 : i32
        %dma_wait3A_1705 = arith.constant 1 : i32
        %dma_wait3A_1706 = arith.constant 896 : i32
        %dma_wait3A_1707 = tpu.memref_slice %arg12[%dma_wait3A_1704, %dma_wait3A_1705, %dma_wait3A_1706] : memref<2x6x1024xf32, #tpu.memory_space<vmem>> -> memref<1x1x128xf32, #tpu.memory_space<vmem>>
        %dma_wait3A_1708 = tpu.memref_squeeze %dma_wait3A_1707 : memref<1x1x128xf32, #tpu.memory_space<vmem>> -> memref<128xf32, #tpu.memory_space<vmem>>
        %dma_wait3A_1709 = arith.constant 0 : i32
        %dma_wait3A_1710 = tpu.memref_slice %arg11[%select_n3A_748, %select_n3A_764, %dma_wait3A_1703, %dma_wait3A_1709] : memref<3x16x8x128xi32, #tpu.memory_space<vmem>> -> memref<1x1x1x128xi32, #tpu.memory_space<vmem>>
        %dma_wait3A_1711 = tpu.memref_squeeze %dma_wait3A_1710 : memref<1x1x1x128xi32, #tpu.memory_space<vmem>> -> memref<128xi32, #tpu.memory_space<vmem>>
        %dma_wait3A_1712 = arith.constant 0 : i32
        %dma_wait3A_1713 = tpu.memref_slice %arg3[%dma_wait3A_1712] : memref<1048576xf32, #tpu.memory_space<hbm>> -> memref<1048576xf32, #tpu.memory_space<hbm>>
        tpu.wait_indirect_dma semaphore(%arg17 : memref<!tpu.dma_semaphore, #tpu.memory_space<semaphore_mem>>) src(%dma_wait3A_1713 : memref<1048576xf32, #tpu.memory_space<hbm>>) dst(%dma_wait3A_1708 : memref<128xf32, #tpu.memory_space<vmem>>)
        %dma_wait3A_1714 = arith.constant 0 : i32
        %dma_wait3A_1715 = arith.constant 1 : i32
        %dma_wait3A_1716 = arith.constant 2 : i32
        %dma_wait3A_1717 = arith.constant 0 : i32
        %dma_wait3A_1718 = tpu.memref_slice %arg12[%dma_wait3A_1715, %dma_wait3A_1716, %dma_wait3A_1717] : memref<2x6x1024xf32, #tpu.memory_space<vmem>> -> memref<1x1x128xf32, #tpu.memory_space<vmem>>
        %dma_wait3A_1719 = tpu.memref_squeeze %dma_wait3A_1718 : memref<1x1x128xf32, #tpu.memory_space<vmem>> -> memref<128xf32, #tpu.memory_space<vmem>>
        %dma_wait3A_1720 = arith.constant 0 : i32
        %dma_wait3A_1721 = tpu.memref_slice %arg11[%select_n3A_748, %select_n3A_764, %dma_wait3A_1714, %dma_wait3A_1720] : memref<3x16x8x128xi32, #tpu.memory_space<vmem>> -> memref<1x1x1x128xi32, #tpu.memory_space<vmem>>
        %dma_wait3A_1722 = tpu.memref_squeeze %dma_wait3A_1721 : memref<1x1x1x128xi32, #tpu.memory_space<vmem>> -> memref<128xi32, #tpu.memory_space<vmem>>
        %dma_wait3A_1723 = arith.constant 0 : i32
        %dma_wait3A_1724 = tpu.memref_slice %arg4[%dma_wait3A_1723] : memref<1048576xf32, #tpu.memory_space<hbm>> -> memref<1048576xf32, #tpu.memory_space<hbm>>
        tpu.wait_indirect_dma semaphore(%arg17 : memref<!tpu.dma_semaphore, #tpu.memory_space<semaphore_mem>>) src(%dma_wait3A_1724 : memref<1048576xf32, #tpu.memory_space<hbm>>) dst(%dma_wait3A_1719 : memref<128xf32, #tpu.memory_space<vmem>>)
        %dma_wait3A_1725 = arith.constant 1 : i32
        %dma_wait3A_1726 = arith.constant 1 : i32
        %dma_wait3A_1727 = arith.constant 2 : i32
        %dma_wait3A_1728 = arith.constant 128 : i32
        %dma_wait3A_1729 = tpu.memref_slice %arg12[%dma_wait3A_1726, %dma_wait3A_1727, %dma_wait3A_1728] : memref<2x6x1024xf32, #tpu.memory_space<vmem>> -> memref<1x1x128xf32, #tpu.memory_space<vmem>>
        %dma_wait3A_1730 = tpu.memref_squeeze %dma_wait3A_1729 : memref<1x1x128xf32, #tpu.memory_space<vmem>> -> memref<128xf32, #tpu.memory_space<vmem>>
        %dma_wait3A_1731 = arith.constant 0 : i32
        %dma_wait3A_1732 = tpu.memref_slice %arg11[%select_n3A_748, %select_n3A_764, %dma_wait3A_1725, %dma_wait3A_1731] : memref<3x16x8x128xi32, #tpu.memory_space<vmem>> -> memref<1x1x1x128xi32, #tpu.memory_space<vmem>>
        %dma_wait3A_1733 = tpu.memref_squeeze %dma_wait3A_1732 : memref<1x1x1x128xi32, #tpu.memory_space<vmem>> -> memref<128xi32, #tpu.memory_space<vmem>>
        %dma_wait3A_1734 = arith.constant 0 : i32
        %dma_wait3A_1735 = tpu.memref_slice %arg4[%dma_wait3A_1734] : memref<1048576xf32, #tpu.memory_space<hbm>> -> memref<1048576xf32, #tpu.memory_space<hbm>>
        tpu.wait_indirect_dma semaphore(%arg17 : memref<!tpu.dma_semaphore, #tpu.memory_space<semaphore_mem>>) src(%dma_wait3A_1735 : memref<1048576xf32, #tpu.memory_space<hbm>>) dst(%dma_wait3A_1730 : memref<128xf32, #tpu.memory_space<vmem>>)
        %dma_wait3A_1736 = arith.constant 2 : i32
        %dma_wait3A_1737 = arith.constant 1 : i32
        %dma_wait3A_1738 = arith.constant 2 : i32
        %dma_wait3A_1739 = arith.constant 256 : i32
        %dma_wait3A_1740 = tpu.memref_slice %arg12[%dma_wait3A_1737, %dma_wait3A_1738, %dma_wait3A_1739] : memref<2x6x1024xf32, #tpu.memory_space<vmem>> -> memref<1x1x128xf32, #tpu.memory_space<vmem>>
        %dma_wait3A_1741 = tpu.memref_squeeze %dma_wait3A_1740 : memref<1x1x128xf32, #tpu.memory_space<vmem>> -> memref<128xf32, #tpu.memory_space<vmem>>
        %dma_wait3A_1742 = arith.constant 0 : i32
        %dma_wait3A_1743 = tpu.memref_slice %arg11[%select_n3A_748, %select_n3A_764, %dma_wait3A_1736, %dma_wait3A_1742] : memref<3x16x8x128xi32, #tpu.memory_space<vmem>> -> memref<1x1x1x128xi32, #tpu.memory_space<vmem>>
        %dma_wait3A_1744 = tpu.memref_squeeze %dma_wait3A_1743 : memref<1x1x1x128xi32, #tpu.memory_space<vmem>> -> memref<128xi32, #tpu.memory_space<vmem>>
        %dma_wait3A_1745 = arith.constant 0 : i32
        %dma_wait3A_1746 = tpu.memref_slice %arg4[%dma_wait3A_1745] : memref<1048576xf32, #tpu.memory_space<hbm>> -> memref<1048576xf32, #tpu.memory_space<hbm>>
        tpu.wait_indirect_dma semaphore(%arg17 : memref<!tpu.dma_semaphore, #tpu.memory_space<semaphore_mem>>) src(%dma_wait3A_1746 : memref<1048576xf32, #tpu.memory_space<hbm>>) dst(%dma_wait3A_1741 : memref<128xf32, #tpu.memory_space<vmem>>)
        %dma_wait3A_1747 = arith.constant 3 : i32
        %dma_wait3A_1748 = arith.constant 1 : i32
        %dma_wait3A_1749 = arith.constant 2 : i32
        %dma_wait3A_1750 = arith.constant 384 : i32
        %dma_wait3A_1751 = tpu.memref_slice %arg12[%dma_wait3A_1748, %dma_wait3A_1749, %dma_wait3A_1750] : memref<2x6x1024xf32, #tpu.memory_space<vmem>> -> memref<1x1x128xf32, #tpu.memory_space<vmem>>
        %dma_wait3A_1752 = tpu.memref_squeeze %dma_wait3A_1751 : memref<1x1x128xf32, #tpu.memory_space<vmem>> -> memref<128xf32, #tpu.memory_space<vmem>>
        %dma_wait3A_1753 = arith.constant 0 : i32
        %dma_wait3A_1754 = tpu.memref_slice %arg11[%select_n3A_748, %select_n3A_764, %dma_wait3A_1747, %dma_wait3A_1753] : memref<3x16x8x128xi32, #tpu.memory_space<vmem>> -> memref<1x1x1x128xi32, #tpu.memory_space<vmem>>
        %dma_wait3A_1755 = tpu.memref_squeeze %dma_wait3A_1754 : memref<1x1x1x128xi32, #tpu.memory_space<vmem>> -> memref<128xi32, #tpu.memory_space<vmem>>
        %dma_wait3A_1756 = arith.constant 0 : i32
        %dma_wait3A_1757 = tpu.memref_slice %arg4[%dma_wait3A_1756] : memref<1048576xf32, #tpu.memory_space<hbm>> -> memref<1048576xf32, #tpu.memory_space<hbm>>
        tpu.wait_indirect_dma semaphore(%arg17 : memref<!tpu.dma_semaphore, #tpu.memory_space<semaphore_mem>>) src(%dma_wait3A_1757 : memref<1048576xf32, #tpu.memory_space<hbm>>) dst(%dma_wait3A_1752 : memref<128xf32, #tpu.memory_space<vmem>>)
        %dma_wait3A_1758 = arith.constant 4 : i32
        %dma_wait3A_1759 = arith.constant 1 : i32
        %dma_wait3A_1760 = arith.constant 2 : i32
        %dma_wait3A_1761 = arith.constant 512 : i32
        %dma_wait3A_1762 = tpu.memref_slice %arg12[%dma_wait3A_1759, %dma_wait3A_1760, %dma_wait3A_1761] : memref<2x6x1024xf32, #tpu.memory_space<vmem>> -> memref<1x1x128xf32, #tpu.memory_space<vmem>>
        %dma_wait3A_1763 = tpu.memref_squeeze %dma_wait3A_1762 : memref<1x1x128xf32, #tpu.memory_space<vmem>> -> memref<128xf32, #tpu.memory_space<vmem>>
        %dma_wait3A_1764 = arith.constant 0 : i32
        %dma_wait3A_1765 = tpu.memref_slice %arg11[%select_n3A_748, %select_n3A_764, %dma_wait3A_1758, %dma_wait3A_1764] : memref<3x16x8x128xi32, #tpu.memory_space<vmem>> -> memref<1x1x1x128xi32, #tpu.memory_space<vmem>>
        %dma_wait3A_1766 = tpu.memref_squeeze %dma_wait3A_1765 : memref<1x1x1x128xi32, #tpu.memory_space<vmem>> -> memref<128xi32, #tpu.memory_space<vmem>>
        %dma_wait3A_1767 = arith.constant 0 : i32
        %dma_wait3A_1768 = tpu.memref_slice %arg4[%dma_wait3A_1767] : memref<1048576xf32, #tpu.memory_space<hbm>> -> memref<1048576xf32, #tpu.memory_space<hbm>>
        tpu.wait_indirect_dma semaphore(%arg17 : memref<!tpu.dma_semaphore, #tpu.memory_space<semaphore_mem>>) src(%dma_wait3A_1768 : memref<1048576xf32, #tpu.memory_space<hbm>>) dst(%dma_wait3A_1763 : memref<128xf32, #tpu.memory_space<vmem>>)
        %dma_wait3A_1769 = arith.constant 5 : i32
        %dma_wait3A_1770 = arith.constant 1 : i32
        %dma_wait3A_1771 = arith.constant 2 : i32
        %dma_wait3A_1772 = arith.constant 640 : i32
        %dma_wait3A_1773 = tpu.memref_slice %arg12[%dma_wait3A_1770, %dma_wait3A_1771, %dma_wait3A_1772] : memref<2x6x1024xf32, #tpu.memory_space<vmem>> -> memref<1x1x128xf32, #tpu.memory_space<vmem>>
        %dma_wait3A_1774 = tpu.memref_squeeze %dma_wait3A_1773 : memref<1x1x128xf32, #tpu.memory_space<vmem>> -> memref<128xf32, #tpu.memory_space<vmem>>
        %dma_wait3A_1775 = arith.constant 0 : i32
        %dma_wait3A_1776 = tpu.memref_slice %arg11[%select_n3A_748, %select_n3A_764, %dma_wait3A_1769, %dma_wait3A_1775] : memref<3x16x8x128xi32, #tpu.memory_space<vmem>> -> memref<1x1x1x128xi32, #tpu.memory_space<vmem>>
        %dma_wait3A_1777 = tpu.memref_squeeze %dma_wait3A_1776 : memref<1x1x1x128xi32, #tpu.memory_space<vmem>> -> memref<128xi32, #tpu.memory_space<vmem>>
        %dma_wait3A_1778 = arith.constant 0 : i32
        %dma_wait3A_1779 = tpu.memref_slice %arg4[%dma_wait3A_1778] : memref<1048576xf32, #tpu.memory_space<hbm>> -> memref<1048576xf32, #tpu.memory_space<hbm>>
        tpu.wait_indirect_dma semaphore(%arg17 : memref<!tpu.dma_semaphore, #tpu.memory_space<semaphore_mem>>) src(%dma_wait3A_1779 : memref<1048576xf32, #tpu.memory_space<hbm>>) dst(%dma_wait3A_1774 : memref<128xf32, #tpu.memory_space<vmem>>)
        %dma_wait3A_1780 = arith.constant 6 : i32
        %dma_wait3A_1781 = arith.constant 1 : i32
        %dma_wait3A_1782 = arith.constant 2 : i32
        %dma_wait3A_1783 = arith.constant 768 : i32
        %dma_wait3A_1784 = tpu.memref_slice %arg12[%dma_wait3A_1781, %dma_wait3A_1782, %dma_wait3A_1783] : memref<2x6x1024xf32, #tpu.memory_space<vmem>> -> memref<1x1x128xf32, #tpu.memory_space<vmem>>
        %dma_wait3A_1785 = tpu.memref_squeeze %dma_wait3A_1784 : memref<1x1x128xf32, #tpu.memory_space<vmem>> -> memref<128xf32, #tpu.memory_space<vmem>>
        %dma_wait3A_1786 = arith.constant 0 : i32
        %dma_wait3A_1787 = tpu.memref_slice %arg11[%select_n3A_748, %select_n3A_764, %dma_wait3A_1780, %dma_wait3A_1786] : memref<3x16x8x128xi32, #tpu.memory_space<vmem>> -> memref<1x1x1x128xi32, #tpu.memory_space<vmem>>
        %dma_wait3A_1788 = tpu.memref_squeeze %dma_wait3A_1787 : memref<1x1x1x128xi32, #tpu.memory_space<vmem>> -> memref<128xi32, #tpu.memory_space<vmem>>
        %dma_wait3A_1789 = arith.constant 0 : i32
        %dma_wait3A_1790 = tpu.memref_slice %arg4[%dma_wait3A_1789] : memref<1048576xf32, #tpu.memory_space<hbm>> -> memref<1048576xf32, #tpu.memory_space<hbm>>
        tpu.wait_indirect_dma semaphore(%arg17 : memref<!tpu.dma_semaphore, #tpu.memory_space<semaphore_mem>>) src(%dma_wait3A_1790 : memref<1048576xf32, #tpu.memory_space<hbm>>) dst(%dma_wait3A_1785 : memref<128xf32, #tpu.memory_space<vmem>>)
        %dma_wait3A_1791 = arith.constant 7 : i32
        %dma_wait3A_1792 = arith.constant 1 : i32
        %dma_wait3A_1793 = arith.constant 2 : i32
        %dma_wait3A_1794 = arith.constant 896 : i32
        %dma_wait3A_1795 = tpu.memref_slice %arg12[%dma_wait3A_1792, %dma_wait3A_1793, %dma_wait3A_1794] : memref<2x6x1024xf32, #tpu.memory_space<vmem>> -> memref<1x1x128xf32, #tpu.memory_space<vmem>>
        %dma_wait3A_1796 = tpu.memref_squeeze %dma_wait3A_1795 : memref<1x1x128xf32, #tpu.memory_space<vmem>> -> memref<128xf32, #tpu.memory_space<vmem>>
        %dma_wait3A_1797 = arith.constant 0 : i32
        %dma_wait3A_1798 = tpu.memref_slice %arg11[%select_n3A_748, %select_n3A_764, %dma_wait3A_1791, %dma_wait3A_1797] : memref<3x16x8x128xi32, #tpu.memory_space<vmem>> -> memref<1x1x1x128xi32, #tpu.memory_space<vmem>>
        %dma_wait3A_1799 = tpu.memref_squeeze %dma_wait3A_1798 : memref<1x1x1x128xi32, #tpu.memory_space<vmem>> -> memref<128xi32, #tpu.memory_space<vmem>>
        %dma_wait3A_1800 = arith.constant 0 : i32
        %dma_wait3A_1801 = tpu.memref_slice %arg4[%dma_wait3A_1800] : memref<1048576xf32, #tpu.memory_space<hbm>> -> memref<1048576xf32, #tpu.memory_space<hbm>>
        tpu.wait_indirect_dma semaphore(%arg17 : memref<!tpu.dma_semaphore, #tpu.memory_space<semaphore_mem>>) src(%dma_wait3A_1801 : memref<1048576xf32, #tpu.memory_space<hbm>>) dst(%dma_wait3A_1796 : memref<128xf32, #tpu.memory_space<vmem>>)
        %dma_wait3A_1802 = arith.constant 0 : i32
        %dma_wait3A_1803 = arith.constant 1 : i32
        %dma_wait3A_1804 = arith.constant 3 : i32
        %dma_wait3A_1805 = arith.constant 0 : i32
        %dma_wait3A_1806 = tpu.memref_slice %arg12[%dma_wait3A_1803, %dma_wait3A_1804, %dma_wait3A_1805] : memref<2x6x1024xf32, #tpu.memory_space<vmem>> -> memref<1x1x128xf32, #tpu.memory_space<vmem>>
        %dma_wait3A_1807 = tpu.memref_squeeze %dma_wait3A_1806 : memref<1x1x128xf32, #tpu.memory_space<vmem>> -> memref<128xf32, #tpu.memory_space<vmem>>
        %dma_wait3A_1808 = arith.constant 0 : i32
        %dma_wait3A_1809 = tpu.memref_slice %arg11[%select_n3A_748, %select_n3A_764, %dma_wait3A_1802, %dma_wait3A_1808] : memref<3x16x8x128xi32, #tpu.memory_space<vmem>> -> memref<1x1x1x128xi32, #tpu.memory_space<vmem>>
        %dma_wait3A_1810 = tpu.memref_squeeze %dma_wait3A_1809 : memref<1x1x1x128xi32, #tpu.memory_space<vmem>> -> memref<128xi32, #tpu.memory_space<vmem>>
        %dma_wait3A_1811 = arith.constant 0 : i32
        %dma_wait3A_1812 = tpu.memref_slice %arg5[%dma_wait3A_1811] : memref<1048576xf32, #tpu.memory_space<hbm>> -> memref<1048576xf32, #tpu.memory_space<hbm>>
        tpu.wait_indirect_dma semaphore(%arg17 : memref<!tpu.dma_semaphore, #tpu.memory_space<semaphore_mem>>) src(%dma_wait3A_1812 : memref<1048576xf32, #tpu.memory_space<hbm>>) dst(%dma_wait3A_1807 : memref<128xf32, #tpu.memory_space<vmem>>)
        %dma_wait3A_1813 = arith.constant 1 : i32
        %dma_wait3A_1814 = arith.constant 1 : i32
        %dma_wait3A_1815 = arith.constant 3 : i32
        %dma_wait3A_1816 = arith.constant 128 : i32
        %dma_wait3A_1817 = tpu.memref_slice %arg12[%dma_wait3A_1814, %dma_wait3A_1815, %dma_wait3A_1816] : memref<2x6x1024xf32, #tpu.memory_space<vmem>> -> memref<1x1x128xf32, #tpu.memory_space<vmem>>
        %dma_wait3A_1818 = tpu.memref_squeeze %dma_wait3A_1817 : memref<1x1x128xf32, #tpu.memory_space<vmem>> -> memref<128xf32, #tpu.memory_space<vmem>>
        %dma_wait3A_1819 = arith.constant 0 : i32
        %dma_wait3A_1820 = tpu.memref_slice %arg11[%select_n3A_748, %select_n3A_764, %dma_wait3A_1813, %dma_wait3A_1819] : memref<3x16x8x128xi32, #tpu.memory_space<vmem>> -> memref<1x1x1x128xi32, #tpu.memory_space<vmem>>
        %dma_wait3A_1821 = tpu.memref_squeeze %dma_wait3A_1820 : memref<1x1x1x128xi32, #tpu.memory_space<vmem>> -> memref<128xi32, #tpu.memory_space<vmem>>
        %dma_wait3A_1822 = arith.constant 0 : i32
        %dma_wait3A_1823 = tpu.memref_slice %arg5[%dma_wait3A_1822] : memref<1048576xf32, #tpu.memory_space<hbm>> -> memref<1048576xf32, #tpu.memory_space<hbm>>
        tpu.wait_indirect_dma semaphore(%arg17 : memref<!tpu.dma_semaphore, #tpu.memory_space<semaphore_mem>>) src(%dma_wait3A_1823 : memref<1048576xf32, #tpu.memory_space<hbm>>) dst(%dma_wait3A_1818 : memref<128xf32, #tpu.memory_space<vmem>>)
        %dma_wait3A_1824 = arith.constant 2 : i32
        %dma_wait3A_1825 = arith.constant 1 : i32
        %dma_wait3A_1826 = arith.constant 3 : i32
        %dma_wait3A_1827 = arith.constant 256 : i32
        %dma_wait3A_1828 = tpu.memref_slice %arg12[%dma_wait3A_1825, %dma_wait3A_1826, %dma_wait3A_1827] : memref<2x6x1024xf32, #tpu.memory_space<vmem>> -> memref<1x1x128xf32, #tpu.memory_space<vmem>>
        %dma_wait3A_1829 = tpu.memref_squeeze %dma_wait3A_1828 : memref<1x1x128xf32, #tpu.memory_space<vmem>> -> memref<128xf32, #tpu.memory_space<vmem>>
        %dma_wait3A_1830 = arith.constant 0 : i32
        %dma_wait3A_1831 = tpu.memref_slice %arg11[%select_n3A_748, %select_n3A_764, %dma_wait3A_1824, %dma_wait3A_1830] : memref<3x16x8x128xi32, #tpu.memory_space<vmem>> -> memref<1x1x1x128xi32, #tpu.memory_space<vmem>>
        %dma_wait3A_1832 = tpu.memref_squeeze %dma_wait3A_1831 : memref<1x1x1x128xi32, #tpu.memory_space<vmem>> -> memref<128xi32, #tpu.memory_space<vmem>>
        %dma_wait3A_1833 = arith.constant 0 : i32
        %dma_wait3A_1834 = tpu.memref_slice %arg5[%dma_wait3A_1833] : memref<1048576xf32, #tpu.memory_space<hbm>> -> memref<1048576xf32, #tpu.memory_space<hbm>>
        tpu.wait_indirect_dma semaphore(%arg17 : memref<!tpu.dma_semaphore, #tpu.memory_space<semaphore_mem>>) src(%dma_wait3A_1834 : memref<1048576xf32, #tpu.memory_space<hbm>>) dst(%dma_wait3A_1829 : memref<128xf32, #tpu.memory_space<vmem>>)
        %dma_wait3A_1835 = arith.constant 3 : i32
        %dma_wait3A_1836 = arith.constant 1 : i32
        %dma_wait3A_1837 = arith.constant 3 : i32
        %dma_wait3A_1838 = arith.constant 384 : i32
        %dma_wait3A_1839 = tpu.memref_slice %arg12[%dma_wait3A_1836, %dma_wait3A_1837, %dma_wait3A_1838] : memref<2x6x1024xf32, #tpu.memory_space<vmem>> -> memref<1x1x128xf32, #tpu.memory_space<vmem>>
        %dma_wait3A_1840 = tpu.memref_squeeze %dma_wait3A_1839 : memref<1x1x128xf32, #tpu.memory_space<vmem>> -> memref<128xf32, #tpu.memory_space<vmem>>
        %dma_wait3A_1841 = arith.constant 0 : i32
        %dma_wait3A_1842 = tpu.memref_slice %arg11[%select_n3A_748, %select_n3A_764, %dma_wait3A_1835, %dma_wait3A_1841] : memref<3x16x8x128xi32, #tpu.memory_space<vmem>> -> memref<1x1x1x128xi32, #tpu.memory_space<vmem>>
        %dma_wait3A_1843 = tpu.memref_squeeze %dma_wait3A_1842 : memref<1x1x1x128xi32, #tpu.memory_space<vmem>> -> memref<128xi32, #tpu.memory_space<vmem>>
        %dma_wait3A_1844 = arith.constant 0 : i32
        %dma_wait3A_1845 = tpu.memref_slice %arg5[%dma_wait3A_1844] : memref<1048576xf32, #tpu.memory_space<hbm>> -> memref<1048576xf32, #tpu.memory_space<hbm>>
        tpu.wait_indirect_dma semaphore(%arg17 : memref<!tpu.dma_semaphore, #tpu.memory_space<semaphore_mem>>) src(%dma_wait3A_1845 : memref<1048576xf32, #tpu.memory_space<hbm>>) dst(%dma_wait3A_1840 : memref<128xf32, #tpu.memory_space<vmem>>)
        %dma_wait3A_1846 = arith.constant 4 : i32
        %dma_wait3A_1847 = arith.constant 1 : i32
        %dma_wait3A_1848 = arith.constant 3 : i32
        %dma_wait3A_1849 = arith.constant 512 : i32
        %dma_wait3A_1850 = tpu.memref_slice %arg12[%dma_wait3A_1847, %dma_wait3A_1848, %dma_wait3A_1849] : memref<2x6x1024xf32, #tpu.memory_space<vmem>> -> memref<1x1x128xf32, #tpu.memory_space<vmem>>
        %dma_wait3A_1851 = tpu.memref_squeeze %dma_wait3A_1850 : memref<1x1x128xf32, #tpu.memory_space<vmem>> -> memref<128xf32, #tpu.memory_space<vmem>>
        %dma_wait3A_1852 = arith.constant 0 : i32
        %dma_wait3A_1853 = tpu.memref_slice %arg11[%select_n3A_748, %select_n3A_764, %dma_wait3A_1846, %dma_wait3A_1852] : memref<3x16x8x128xi32, #tpu.memory_space<vmem>> -> memref<1x1x1x128xi32, #tpu.memory_space<vmem>>
        %dma_wait3A_1854 = tpu.memref_squeeze %dma_wait3A_1853 : memref<1x1x1x128xi32, #tpu.memory_space<vmem>> -> memref<128xi32, #tpu.memory_space<vmem>>
        %dma_wait3A_1855 = arith.constant 0 : i32
        %dma_wait3A_1856 = tpu.memref_slice %arg5[%dma_wait3A_1855] : memref<1048576xf32, #tpu.memory_space<hbm>> -> memref<1048576xf32, #tpu.memory_space<hbm>>
        tpu.wait_indirect_dma semaphore(%arg17 : memref<!tpu.dma_semaphore, #tpu.memory_space<semaphore_mem>>) src(%dma_wait3A_1856 : memref<1048576xf32, #tpu.memory_space<hbm>>) dst(%dma_wait3A_1851 : memref<128xf32, #tpu.memory_space<vmem>>)
        %dma_wait3A_1857 = arith.constant 5 : i32
        %dma_wait3A_1858 = arith.constant 1 : i32
        %dma_wait3A_1859 = arith.constant 3 : i32
        %dma_wait3A_1860 = arith.constant 640 : i32
        %dma_wait3A_1861 = tpu.memref_slice %arg12[%dma_wait3A_1858, %dma_wait3A_1859, %dma_wait3A_1860] : memref<2x6x1024xf32, #tpu.memory_space<vmem>> -> memref<1x1x128xf32, #tpu.memory_space<vmem>>
        %dma_wait3A_1862 = tpu.memref_squeeze %dma_wait3A_1861 : memref<1x1x128xf32, #tpu.memory_space<vmem>> -> memref<128xf32, #tpu.memory_space<vmem>>
        %dma_wait3A_1863 = arith.constant 0 : i32
        %dma_wait3A_1864 = tpu.memref_slice %arg11[%select_n3A_748, %select_n3A_764, %dma_wait3A_1857, %dma_wait3A_1863] : memref<3x16x8x128xi32, #tpu.memory_space<vmem>> -> memref<1x1x1x128xi32, #tpu.memory_space<vmem>>
        %dma_wait3A_1865 = tpu.memref_squeeze %dma_wait3A_1864 : memref<1x1x1x128xi32, #tpu.memory_space<vmem>> -> memref<128xi32, #tpu.memory_space<vmem>>
        %dma_wait3A_1866 = arith.constant 0 : i32
        %dma_wait3A_1867 = tpu.memref_slice %arg5[%dma_wait3A_1866] : memref<1048576xf32, #tpu.memory_space<hbm>> -> memref<1048576xf32, #tpu.memory_space<hbm>>
        tpu.wait_indirect_dma semaphore(%arg17 : memref<!tpu.dma_semaphore, #tpu.memory_space<semaphore_mem>>) src(%dma_wait3A_1867 : memref<1048576xf32, #tpu.memory_space<hbm>>) dst(%dma_wait3A_1862 : memref<128xf32, #tpu.memory_space<vmem>>)
        %dma_wait3A_1868 = arith.constant 6 : i32
        %dma_wait3A_1869 = arith.constant 1 : i32
        %dma_wait3A_1870 = arith.constant 3 : i32
        %dma_wait3A_1871 = arith.constant 768 : i32
        %dma_wait3A_1872 = tpu.memref_slice %arg12[%dma_wait3A_1869, %dma_wait3A_1870, %dma_wait3A_1871] : memref<2x6x1024xf32, #tpu.memory_space<vmem>> -> memref<1x1x128xf32, #tpu.memory_space<vmem>>
        %dma_wait3A_1873 = tpu.memref_squeeze %dma_wait3A_1872 : memref<1x1x128xf32, #tpu.memory_space<vmem>> -> memref<128xf32, #tpu.memory_space<vmem>>
        %dma_wait3A_1874 = arith.constant 0 : i32
        %dma_wait3A_1875 = tpu.memref_slice %arg11[%select_n3A_748, %select_n3A_764, %dma_wait3A_1868, %dma_wait3A_1874] : memref<3x16x8x128xi32, #tpu.memory_space<vmem>> -> memref<1x1x1x128xi32, #tpu.memory_space<vmem>>
        %dma_wait3A_1876 = tpu.memref_squeeze %dma_wait3A_1875 : memref<1x1x1x128xi32, #tpu.memory_space<vmem>> -> memref<128xi32, #tpu.memory_space<vmem>>
        %dma_wait3A_1877 = arith.constant 0 : i32
        %dma_wait3A_1878 = tpu.memref_slice %arg5[%dma_wait3A_1877] : memref<1048576xf32, #tpu.memory_space<hbm>> -> memref<1048576xf32, #tpu.memory_space<hbm>>
        tpu.wait_indirect_dma semaphore(%arg17 : memref<!tpu.dma_semaphore, #tpu.memory_space<semaphore_mem>>) src(%dma_wait3A_1878 : memref<1048576xf32, #tpu.memory_space<hbm>>) dst(%dma_wait3A_1873 : memref<128xf32, #tpu.memory_space<vmem>>)
        %dma_wait3A_1879 = arith.constant 7 : i32
        %dma_wait3A_1880 = arith.constant 1 : i32
        %dma_wait3A_1881 = arith.constant 3 : i32
        %dma_wait3A_1882 = arith.constant 896 : i32
        %dma_wait3A_1883 = tpu.memref_slice %arg12[%dma_wait3A_1880, %dma_wait3A_1881, %dma_wait3A_1882] : memref<2x6x1024xf32, #tpu.memory_space<vmem>> -> memref<1x1x128xf32, #tpu.memory_space<vmem>>
        %dma_wait3A_1884 = tpu.memref_squeeze %dma_wait3A_1883 : memref<1x1x128xf32, #tpu.memory_space<vmem>> -> memref<128xf32, #tpu.memory_space<vmem>>
        %dma_wait3A_1885 = arith.constant 0 : i32
        %dma_wait3A_1886 = tpu.memref_slice %arg11[%select_n3A_748, %select_n3A_764, %dma_wait3A_1879, %dma_wait3A_1885] : memref<3x16x8x128xi32, #tpu.memory_space<vmem>> -> memref<1x1x1x128xi32, #tpu.memory_space<vmem>>
        %dma_wait3A_1887 = tpu.memref_squeeze %dma_wait3A_1886 : memref<1x1x1x128xi32, #tpu.memory_space<vmem>> -> memref<128xi32, #tpu.memory_space<vmem>>
        %dma_wait3A_1888 = arith.constant 0 : i32
        %dma_wait3A_1889 = tpu.memref_slice %arg5[%dma_wait3A_1888] : memref<1048576xf32, #tpu.memory_space<hbm>> -> memref<1048576xf32, #tpu.memory_space<hbm>>
        tpu.wait_indirect_dma semaphore(%arg17 : memref<!tpu.dma_semaphore, #tpu.memory_space<semaphore_mem>>) src(%dma_wait3A_1889 : memref<1048576xf32, #tpu.memory_space<hbm>>) dst(%dma_wait3A_1884 : memref<128xf32, #tpu.memory_space<vmem>>)
        %dma_wait3A_1890 = arith.constant 0 : i32
        %dma_wait3A_1891 = arith.constant 1 : i32
        %dma_wait3A_1892 = arith.constant 4 : i32
        %dma_wait3A_1893 = arith.constant 0 : i32
        %dma_wait3A_1894 = tpu.memref_slice %arg12[%dma_wait3A_1891, %dma_wait3A_1892, %dma_wait3A_1893] : memref<2x6x1024xf32, #tpu.memory_space<vmem>> -> memref<1x1x128xf32, #tpu.memory_space<vmem>>
        %dma_wait3A_1895 = tpu.memref_squeeze %dma_wait3A_1894 : memref<1x1x128xf32, #tpu.memory_space<vmem>> -> memref<128xf32, #tpu.memory_space<vmem>>
        %dma_wait3A_1896 = arith.constant 0 : i32
        %dma_wait3A_1897 = tpu.memref_slice %arg11[%select_n3A_748, %select_n3A_764, %dma_wait3A_1890, %dma_wait3A_1896] : memref<3x16x8x128xi32, #tpu.memory_space<vmem>> -> memref<1x1x1x128xi32, #tpu.memory_space<vmem>>
        %dma_wait3A_1898 = tpu.memref_squeeze %dma_wait3A_1897 : memref<1x1x1x128xi32, #tpu.memory_space<vmem>> -> memref<128xi32, #tpu.memory_space<vmem>>
        %dma_wait3A_1899 = arith.constant 0 : i32
        %dma_wait3A_1900 = tpu.memref_slice %arg6[%dma_wait3A_1899] : memref<1048576xf32, #tpu.memory_space<hbm>> -> memref<1048576xf32, #tpu.memory_space<hbm>>
        tpu.wait_indirect_dma semaphore(%arg17 : memref<!tpu.dma_semaphore, #tpu.memory_space<semaphore_mem>>) src(%dma_wait3A_1900 : memref<1048576xf32, #tpu.memory_space<hbm>>) dst(%dma_wait3A_1895 : memref<128xf32, #tpu.memory_space<vmem>>)
        %dma_wait3A_1901 = arith.constant 1 : i32
        %dma_wait3A_1902 = arith.constant 1 : i32
        %dma_wait3A_1903 = arith.constant 4 : i32
        %dma_wait3A_1904 = arith.constant 128 : i32
        %dma_wait3A_1905 = tpu.memref_slice %arg12[%dma_wait3A_1902, %dma_wait3A_1903, %dma_wait3A_1904] : memref<2x6x1024xf32, #tpu.memory_space<vmem>> -> memref<1x1x128xf32, #tpu.memory_space<vmem>>
        %dma_wait3A_1906 = tpu.memref_squeeze %dma_wait3A_1905 : memref<1x1x128xf32, #tpu.memory_space<vmem>> -> memref<128xf32, #tpu.memory_space<vmem>>
        %dma_wait3A_1907 = arith.constant 0 : i32
        %dma_wait3A_1908 = tpu.memref_slice %arg11[%select_n3A_748, %select_n3A_764, %dma_wait3A_1901, %dma_wait3A_1907] : memref<3x16x8x128xi32, #tpu.memory_space<vmem>> -> memref<1x1x1x128xi32, #tpu.memory_space<vmem>>
        %dma_wait3A_1909 = tpu.memref_squeeze %dma_wait3A_1908 : memref<1x1x1x128xi32, #tpu.memory_space<vmem>> -> memref<128xi32, #tpu.memory_space<vmem>>
        %dma_wait3A_1910 = arith.constant 0 : i32
        %dma_wait3A_1911 = tpu.memref_slice %arg6[%dma_wait3A_1910] : memref<1048576xf32, #tpu.memory_space<hbm>> -> memref<1048576xf32, #tpu.memory_space<hbm>>
        tpu.wait_indirect_dma semaphore(%arg17 : memref<!tpu.dma_semaphore, #tpu.memory_space<semaphore_mem>>) src(%dma_wait3A_1911 : memref<1048576xf32, #tpu.memory_space<hbm>>) dst(%dma_wait3A_1906 : memref<128xf32, #tpu.memory_space<vmem>>)
        %dma_wait3A_1912 = arith.constant 2 : i32
        %dma_wait3A_1913 = arith.constant 1 : i32
        %dma_wait3A_1914 = arith.constant 4 : i32
        %dma_wait3A_1915 = arith.constant 256 : i32
        %dma_wait3A_1916 = tpu.memref_slice %arg12[%dma_wait3A_1913, %dma_wait3A_1914, %dma_wait3A_1915] : memref<2x6x1024xf32, #tpu.memory_space<vmem>> -> memref<1x1x128xf32, #tpu.memory_space<vmem>>
        %dma_wait3A_1917 = tpu.memref_squeeze %dma_wait3A_1916 : memref<1x1x128xf32, #tpu.memory_space<vmem>> -> memref<128xf32, #tpu.memory_space<vmem>>
        %dma_wait3A_1918 = arith.constant 0 : i32
        %dma_wait3A_1919 = tpu.memref_slice %arg11[%select_n3A_748, %select_n3A_764, %dma_wait3A_1912, %dma_wait3A_1918] : memref<3x16x8x128xi32, #tpu.memory_space<vmem>> -> memref<1x1x1x128xi32, #tpu.memory_space<vmem>>
        %dma_wait3A_1920 = tpu.memref_squeeze %dma_wait3A_1919 : memref<1x1x1x128xi32, #tpu.memory_space<vmem>> -> memref<128xi32, #tpu.memory_space<vmem>>
        %dma_wait3A_1921 = arith.constant 0 : i32
        %dma_wait3A_1922 = tpu.memref_slice %arg6[%dma_wait3A_1921] : memref<1048576xf32, #tpu.memory_space<hbm>> -> memref<1048576xf32, #tpu.memory_space<hbm>>
        tpu.wait_indirect_dma semaphore(%arg17 : memref<!tpu.dma_semaphore, #tpu.memory_space<semaphore_mem>>) src(%dma_wait3A_1922 : memref<1048576xf32, #tpu.memory_space<hbm>>) dst(%dma_wait3A_1917 : memref<128xf32, #tpu.memory_space<vmem>>)
        %dma_wait3A_1923 = arith.constant 3 : i32
        %dma_wait3A_1924 = arith.constant 1 : i32
        %dma_wait3A_1925 = arith.constant 4 : i32
        %dma_wait3A_1926 = arith.constant 384 : i32
        %dma_wait3A_1927 = tpu.memref_slice %arg12[%dma_wait3A_1924, %dma_wait3A_1925, %dma_wait3A_1926] : memref<2x6x1024xf32, #tpu.memory_space<vmem>> -> memref<1x1x128xf32, #tpu.memory_space<vmem>>
        %dma_wait3A_1928 = tpu.memref_squeeze %dma_wait3A_1927 : memref<1x1x128xf32, #tpu.memory_space<vmem>> -> memref<128xf32, #tpu.memory_space<vmem>>
        %dma_wait3A_1929 = arith.constant 0 : i32
        %dma_wait3A_1930 = tpu.memref_slice %arg11[%select_n3A_748, %select_n3A_764, %dma_wait3A_1923, %dma_wait3A_1929] : memref<3x16x8x128xi32, #tpu.memory_space<vmem>> -> memref<1x1x1x128xi32, #tpu.memory_space<vmem>>
        %dma_wait3A_1931 = tpu.memref_squeeze %dma_wait3A_1930 : memref<1x1x1x128xi32, #tpu.memory_space<vmem>> -> memref<128xi32, #tpu.memory_space<vmem>>
        %dma_wait3A_1932 = arith.constant 0 : i32
        %dma_wait3A_1933 = tpu.memref_slice %arg6[%dma_wait3A_1932] : memref<1048576xf32, #tpu.memory_space<hbm>> -> memref<1048576xf32, #tpu.memory_space<hbm>>
        tpu.wait_indirect_dma semaphore(%arg17 : memref<!tpu.dma_semaphore, #tpu.memory_space<semaphore_mem>>) src(%dma_wait3A_1933 : memref<1048576xf32, #tpu.memory_space<hbm>>) dst(%dma_wait3A_1928 : memref<128xf32, #tpu.memory_space<vmem>>)
        %dma_wait3A_1934 = arith.constant 4 : i32
        %dma_wait3A_1935 = arith.constant 1 : i32
        %dma_wait3A_1936 = arith.constant 4 : i32
        %dma_wait3A_1937 = arith.constant 512 : i32
        %dma_wait3A_1938 = tpu.memref_slice %arg12[%dma_wait3A_1935, %dma_wait3A_1936, %dma_wait3A_1937] : memref<2x6x1024xf32, #tpu.memory_space<vmem>> -> memref<1x1x128xf32, #tpu.memory_space<vmem>>
        %dma_wait3A_1939 = tpu.memref_squeeze %dma_wait3A_1938 : memref<1x1x128xf32, #tpu.memory_space<vmem>> -> memref<128xf32, #tpu.memory_space<vmem>>
        %dma_wait3A_1940 = arith.constant 0 : i32
        %dma_wait3A_1941 = tpu.memref_slice %arg11[%select_n3A_748, %select_n3A_764, %dma_wait3A_1934, %dma_wait3A_1940] : memref<3x16x8x128xi32, #tpu.memory_space<vmem>> -> memref<1x1x1x128xi32, #tpu.memory_space<vmem>>
        %dma_wait3A_1942 = tpu.memref_squeeze %dma_wait3A_1941 : memref<1x1x1x128xi32, #tpu.memory_space<vmem>> -> memref<128xi32, #tpu.memory_space<vmem>>
        %dma_wait3A_1943 = arith.constant 0 : i32
        %dma_wait3A_1944 = tpu.memref_slice %arg6[%dma_wait3A_1943] : memref<1048576xf32, #tpu.memory_space<hbm>> -> memref<1048576xf32, #tpu.memory_space<hbm>>
        tpu.wait_indirect_dma semaphore(%arg17 : memref<!tpu.dma_semaphore, #tpu.memory_space<semaphore_mem>>) src(%dma_wait3A_1944 : memref<1048576xf32, #tpu.memory_space<hbm>>) dst(%dma_wait3A_1939 : memref<128xf32, #tpu.memory_space<vmem>>)
        %dma_wait3A_1945 = arith.constant 5 : i32
        %dma_wait3A_1946 = arith.constant 1 : i32
        %dma_wait3A_1947 = arith.constant 4 : i32
        %dma_wait3A_1948 = arith.constant 640 : i32
        %dma_wait3A_1949 = tpu.memref_slice %arg12[%dma_wait3A_1946, %dma_wait3A_1947, %dma_wait3A_1948] : memref<2x6x1024xf32, #tpu.memory_space<vmem>> -> memref<1x1x128xf32, #tpu.memory_space<vmem>>
        %dma_wait3A_1950 = tpu.memref_squeeze %dma_wait3A_1949 : memref<1x1x128xf32, #tpu.memory_space<vmem>> -> memref<128xf32, #tpu.memory_space<vmem>>
        %dma_wait3A_1951 = arith.constant 0 : i32
        %dma_wait3A_1952 = tpu.memref_slice %arg11[%select_n3A_748, %select_n3A_764, %dma_wait3A_1945, %dma_wait3A_1951] : memref<3x16x8x128xi32, #tpu.memory_space<vmem>> -> memref<1x1x1x128xi32, #tpu.memory_space<vmem>>
        %dma_wait3A_1953 = tpu.memref_squeeze %dma_wait3A_1952 : memref<1x1x1x128xi32, #tpu.memory_space<vmem>> -> memref<128xi32, #tpu.memory_space<vmem>>
        %dma_wait3A_1954 = arith.constant 0 : i32
        %dma_wait3A_1955 = tpu.memref_slice %arg6[%dma_wait3A_1954] : memref<1048576xf32, #tpu.memory_space<hbm>> -> memref<1048576xf32, #tpu.memory_space<hbm>>
        tpu.wait_indirect_dma semaphore(%arg17 : memref<!tpu.dma_semaphore, #tpu.memory_space<semaphore_mem>>) src(%dma_wait3A_1955 : memref<1048576xf32, #tpu.memory_space<hbm>>) dst(%dma_wait3A_1950 : memref<128xf32, #tpu.memory_space<vmem>>)
        %dma_wait3A_1956 = arith.constant 6 : i32
        %dma_wait3A_1957 = arith.constant 1 : i32
        %dma_wait3A_1958 = arith.constant 4 : i32
        %dma_wait3A_1959 = arith.constant 768 : i32
        %dma_wait3A_1960 = tpu.memref_slice %arg12[%dma_wait3A_1957, %dma_wait3A_1958, %dma_wait3A_1959] : memref<2x6x1024xf32, #tpu.memory_space<vmem>> -> memref<1x1x128xf32, #tpu.memory_space<vmem>>
        %dma_wait3A_1961 = tpu.memref_squeeze %dma_wait3A_1960 : memref<1x1x128xf32, #tpu.memory_space<vmem>> -> memref<128xf32, #tpu.memory_space<vmem>>
        %dma_wait3A_1962 = arith.constant 0 : i32
        %dma_wait3A_1963 = tpu.memref_slice %arg11[%select_n3A_748, %select_n3A_764, %dma_wait3A_1956, %dma_wait3A_1962] : memref<3x16x8x128xi32, #tpu.memory_space<vmem>> -> memref<1x1x1x128xi32, #tpu.memory_space<vmem>>
        %dma_wait3A_1964 = tpu.memref_squeeze %dma_wait3A_1963 : memref<1x1x1x128xi32, #tpu.memory_space<vmem>> -> memref<128xi32, #tpu.memory_space<vmem>>
        %dma_wait3A_1965 = arith.constant 0 : i32
        %dma_wait3A_1966 = tpu.memref_slice %arg6[%dma_wait3A_1965] : memref<1048576xf32, #tpu.memory_space<hbm>> -> memref<1048576xf32, #tpu.memory_space<hbm>>
        tpu.wait_indirect_dma semaphore(%arg17 : memref<!tpu.dma_semaphore, #tpu.memory_space<semaphore_mem>>) src(%dma_wait3A_1966 : memref<1048576xf32, #tpu.memory_space<hbm>>) dst(%dma_wait3A_1961 : memref<128xf32, #tpu.memory_space<vmem>>)
        %dma_wait3A_1967 = arith.constant 7 : i32
        %dma_wait3A_1968 = arith.constant 1 : i32
        %dma_wait3A_1969 = arith.constant 4 : i32
        %dma_wait3A_1970 = arith.constant 896 : i32
        %dma_wait3A_1971 = tpu.memref_slice %arg12[%dma_wait3A_1968, %dma_wait3A_1969, %dma_wait3A_1970] : memref<2x6x1024xf32, #tpu.memory_space<vmem>> -> memref<1x1x128xf32, #tpu.memory_space<vmem>>
        %dma_wait3A_1972 = tpu.memref_squeeze %dma_wait3A_1971 : memref<1x1x128xf32, #tpu.memory_space<vmem>> -> memref<128xf32, #tpu.memory_space<vmem>>
        %dma_wait3A_1973 = arith.constant 0 : i32
        %dma_wait3A_1974 = tpu.memref_slice %arg11[%select_n3A_748, %select_n3A_764, %dma_wait3A_1967, %dma_wait3A_1973] : memref<3x16x8x128xi32, #tpu.memory_space<vmem>> -> memref<1x1x1x128xi32, #tpu.memory_space<vmem>>
        %dma_wait3A_1975 = tpu.memref_squeeze %dma_wait3A_1974 : memref<1x1x1x128xi32, #tpu.memory_space<vmem>> -> memref<128xi32, #tpu.memory_space<vmem>>
        %dma_wait3A_1976 = arith.constant 0 : i32
        %dma_wait3A_1977 = tpu.memref_slice %arg6[%dma_wait3A_1976] : memref<1048576xf32, #tpu.memory_space<hbm>> -> memref<1048576xf32, #tpu.memory_space<hbm>>
        tpu.wait_indirect_dma semaphore(%arg17 : memref<!tpu.dma_semaphore, #tpu.memory_space<semaphore_mem>>) src(%dma_wait3A_1977 : memref<1048576xf32, #tpu.memory_space<hbm>>) dst(%dma_wait3A_1972 : memref<128xf32, #tpu.memory_space<vmem>>)
        %dma_wait3A_1978 = arith.constant 0 : i32
        %dma_wait3A_1979 = arith.constant 1 : i32
        %dma_wait3A_1980 = arith.constant 5 : i32
        %dma_wait3A_1981 = arith.constant 0 : i32
        %dma_wait3A_1982 = tpu.memref_slice %arg12[%dma_wait3A_1979, %dma_wait3A_1980, %dma_wait3A_1981] : memref<2x6x1024xf32, #tpu.memory_space<vmem>> -> memref<1x1x128xf32, #tpu.memory_space<vmem>>
        %dma_wait3A_1983 = tpu.memref_squeeze %dma_wait3A_1982 : memref<1x1x128xf32, #tpu.memory_space<vmem>> -> memref<128xf32, #tpu.memory_space<vmem>>
        %dma_wait3A_1984 = arith.constant 0 : i32
        %dma_wait3A_1985 = tpu.memref_slice %arg11[%select_n3A_748, %select_n3A_764, %dma_wait3A_1978, %dma_wait3A_1984] : memref<3x16x8x128xi32, #tpu.memory_space<vmem>> -> memref<1x1x1x128xi32, #tpu.memory_space<vmem>>
        %dma_wait3A_1986 = tpu.memref_squeeze %dma_wait3A_1985 : memref<1x1x1x128xi32, #tpu.memory_space<vmem>> -> memref<128xi32, #tpu.memory_space<vmem>>
        %dma_wait3A_1987 = arith.constant 0 : i32
        %dma_wait3A_1988 = tpu.memref_slice %arg7[%dma_wait3A_1987] : memref<1048576xf32, #tpu.memory_space<hbm>> -> memref<1048576xf32, #tpu.memory_space<hbm>>
        tpu.wait_indirect_dma semaphore(%arg17 : memref<!tpu.dma_semaphore, #tpu.memory_space<semaphore_mem>>) src(%dma_wait3A_1988 : memref<1048576xf32, #tpu.memory_space<hbm>>) dst(%dma_wait3A_1983 : memref<128xf32, #tpu.memory_space<vmem>>)
        %dma_wait3A_1989 = arith.constant 1 : i32
        %dma_wait3A_1990 = arith.constant 1 : i32
        %dma_wait3A_1991 = arith.constant 5 : i32
        %dma_wait3A_1992 = arith.constant 128 : i32
        %dma_wait3A_1993 = tpu.memref_slice %arg12[%dma_wait3A_1990, %dma_wait3A_1991, %dma_wait3A_1992] : memref<2x6x1024xf32, #tpu.memory_space<vmem>> -> memref<1x1x128xf32, #tpu.memory_space<vmem>>
        %dma_wait3A_1994 = tpu.memref_squeeze %dma_wait3A_1993 : memref<1x1x128xf32, #tpu.memory_space<vmem>> -> memref<128xf32, #tpu.memory_space<vmem>>
        %dma_wait3A_1995 = arith.constant 0 : i32
        %dma_wait3A_1996 = tpu.memref_slice %arg11[%select_n3A_748, %select_n3A_764, %dma_wait3A_1989, %dma_wait3A_1995] : memref<3x16x8x128xi32, #tpu.memory_space<vmem>> -> memref<1x1x1x128xi32, #tpu.memory_space<vmem>>
        %dma_wait3A_1997 = tpu.memref_squeeze %dma_wait3A_1996 : memref<1x1x1x128xi32, #tpu.memory_space<vmem>> -> memref<128xi32, #tpu.memory_space<vmem>>
        %dma_wait3A_1998 = arith.constant 0 : i32
        %dma_wait3A_1999 = tpu.memref_slice %arg7[%dma_wait3A_1998] : memref<1048576xf32, #tpu.memory_space<hbm>> -> memref<1048576xf32, #tpu.memory_space<hbm>>
        tpu.wait_indirect_dma semaphore(%arg17 : memref<!tpu.dma_semaphore, #tpu.memory_space<semaphore_mem>>) src(%dma_wait3A_1999 : memref<1048576xf32, #tpu.memory_space<hbm>>) dst(%dma_wait3A_1994 : memref<128xf32, #tpu.memory_space<vmem>>)
        %dma_wait3A_2000 = arith.constant 2 : i32
        %dma_wait3A_2001 = arith.constant 1 : i32
        %dma_wait3A_2002 = arith.constant 5 : i32
        %dma_wait3A_2003 = arith.constant 256 : i32
        %dma_wait3A_2004 = tpu.memref_slice %arg12[%dma_wait3A_2001, %dma_wait3A_2002, %dma_wait3A_2003] : memref<2x6x1024xf32, #tpu.memory_space<vmem>> -> memref<1x1x128xf32, #tpu.memory_space<vmem>>
        %dma_wait3A_2005 = tpu.memref_squeeze %dma_wait3A_2004 : memref<1x1x128xf32, #tpu.memory_space<vmem>> -> memref<128xf32, #tpu.memory_space<vmem>>
        %dma_wait3A_2006 = arith.constant 0 : i32
        %dma_wait3A_2007 = tpu.memref_slice %arg11[%select_n3A_748, %select_n3A_764, %dma_wait3A_2000, %dma_wait3A_2006] : memref<3x16x8x128xi32, #tpu.memory_space<vmem>> -> memref<1x1x1x128xi32, #tpu.memory_space<vmem>>
        %dma_wait3A_2008 = tpu.memref_squeeze %dma_wait3A_2007 : memref<1x1x1x128xi32, #tpu.memory_space<vmem>> -> memref<128xi32, #tpu.memory_space<vmem>>
        %dma_wait3A_2009 = arith.constant 0 : i32
        %dma_wait3A_2010 = tpu.memref_slice %arg7[%dma_wait3A_2009] : memref<1048576xf32, #tpu.memory_space<hbm>> -> memref<1048576xf32, #tpu.memory_space<hbm>>
        tpu.wait_indirect_dma semaphore(%arg17 : memref<!tpu.dma_semaphore, #tpu.memory_space<semaphore_mem>>) src(%dma_wait3A_2010 : memref<1048576xf32, #tpu.memory_space<hbm>>) dst(%dma_wait3A_2005 : memref<128xf32, #tpu.memory_space<vmem>>)
        %dma_wait3A_2011 = arith.constant 3 : i32
        %dma_wait3A_2012 = arith.constant 1 : i32
        %dma_wait3A_2013 = arith.constant 5 : i32
        %dma_wait3A_2014 = arith.constant 384 : i32
        %dma_wait3A_2015 = tpu.memref_slice %arg12[%dma_wait3A_2012, %dma_wait3A_2013, %dma_wait3A_2014] : memref<2x6x1024xf32, #tpu.memory_space<vmem>> -> memref<1x1x128xf32, #tpu.memory_space<vmem>>
        %dma_wait3A_2016 = tpu.memref_squeeze %dma_wait3A_2015 : memref<1x1x128xf32, #tpu.memory_space<vmem>> -> memref<128xf32, #tpu.memory_space<vmem>>
        %dma_wait3A_2017 = arith.constant 0 : i32
        %dma_wait3A_2018 = tpu.memref_slice %arg11[%select_n3A_748, %select_n3A_764, %dma_wait3A_2011, %dma_wait3A_2017] : memref<3x16x8x128xi32, #tpu.memory_space<vmem>> -> memref<1x1x1x128xi32, #tpu.memory_space<vmem>>
        %dma_wait3A_2019 = tpu.memref_squeeze %dma_wait3A_2018 : memref<1x1x1x128xi32, #tpu.memory_space<vmem>> -> memref<128xi32, #tpu.memory_space<vmem>>
        %dma_wait3A_2020 = arith.constant 0 : i32
        %dma_wait3A_2021 = tpu.memref_slice %arg7[%dma_wait3A_2020] : memref<1048576xf32, #tpu.memory_space<hbm>> -> memref<1048576xf32, #tpu.memory_space<hbm>>
        tpu.wait_indirect_dma semaphore(%arg17 : memref<!tpu.dma_semaphore, #tpu.memory_space<semaphore_mem>>) src(%dma_wait3A_2021 : memref<1048576xf32, #tpu.memory_space<hbm>>) dst(%dma_wait3A_2016 : memref<128xf32, #tpu.memory_space<vmem>>)
        %dma_wait3A_2022 = arith.constant 4 : i32
        %dma_wait3A_2023 = arith.constant 1 : i32
        %dma_wait3A_2024 = arith.constant 5 : i32
        %dma_wait3A_2025 = arith.constant 512 : i32
        %dma_wait3A_2026 = tpu.memref_slice %arg12[%dma_wait3A_2023, %dma_wait3A_2024, %dma_wait3A_2025] : memref<2x6x1024xf32, #tpu.memory_space<vmem>> -> memref<1x1x128xf32, #tpu.memory_space<vmem>>
        %dma_wait3A_2027 = tpu.memref_squeeze %dma_wait3A_2026 : memref<1x1x128xf32, #tpu.memory_space<vmem>> -> memref<128xf32, #tpu.memory_space<vmem>>
        %dma_wait3A_2028 = arith.constant 0 : i32
        %dma_wait3A_2029 = tpu.memref_slice %arg11[%select_n3A_748, %select_n3A_764, %dma_wait3A_2022, %dma_wait3A_2028] : memref<3x16x8x128xi32, #tpu.memory_space<vmem>> -> memref<1x1x1x128xi32, #tpu.memory_space<vmem>>
        %dma_wait3A_2030 = tpu.memref_squeeze %dma_wait3A_2029 : memref<1x1x1x128xi32, #tpu.memory_space<vmem>> -> memref<128xi32, #tpu.memory_space<vmem>>
        %dma_wait3A_2031 = arith.constant 0 : i32
        %dma_wait3A_2032 = tpu.memref_slice %arg7[%dma_wait3A_2031] : memref<1048576xf32, #tpu.memory_space<hbm>> -> memref<1048576xf32, #tpu.memory_space<hbm>>
        tpu.wait_indirect_dma semaphore(%arg17 : memref<!tpu.dma_semaphore, #tpu.memory_space<semaphore_mem>>) src(%dma_wait3A_2032 : memref<1048576xf32, #tpu.memory_space<hbm>>) dst(%dma_wait3A_2027 : memref<128xf32, #tpu.memory_space<vmem>>)
        %dma_wait3A_2033 = arith.constant 5 : i32
        %dma_wait3A_2034 = arith.constant 1 : i32
        %dma_wait3A_2035 = arith.constant 5 : i32
        %dma_wait3A_2036 = arith.constant 640 : i32
        %dma_wait3A_2037 = tpu.memref_slice %arg12[%dma_wait3A_2034, %dma_wait3A_2035, %dma_wait3A_2036] : memref<2x6x1024xf32, #tpu.memory_space<vmem>> -> memref<1x1x128xf32, #tpu.memory_space<vmem>>
        %dma_wait3A_2038 = tpu.memref_squeeze %dma_wait3A_2037 : memref<1x1x128xf32, #tpu.memory_space<vmem>> -> memref<128xf32, #tpu.memory_space<vmem>>
        %dma_wait3A_2039 = arith.constant 0 : i32
        %dma_wait3A_2040 = tpu.memref_slice %arg11[%select_n3A_748, %select_n3A_764, %dma_wait3A_2033, %dma_wait3A_2039] : memref<3x16x8x128xi32, #tpu.memory_space<vmem>> -> memref<1x1x1x128xi32, #tpu.memory_space<vmem>>
        %dma_wait3A_2041 = tpu.memref_squeeze %dma_wait3A_2040 : memref<1x1x1x128xi32, #tpu.memory_space<vmem>> -> memref<128xi32, #tpu.memory_space<vmem>>
        %dma_wait3A_2042 = arith.constant 0 : i32
        %dma_wait3A_2043 = tpu.memref_slice %arg7[%dma_wait3A_2042] : memref<1048576xf32, #tpu.memory_space<hbm>> -> memref<1048576xf32, #tpu.memory_space<hbm>>
        tpu.wait_indirect_dma semaphore(%arg17 : memref<!tpu.dma_semaphore, #tpu.memory_space<semaphore_mem>>) src(%dma_wait3A_2043 : memref<1048576xf32, #tpu.memory_space<hbm>>) dst(%dma_wait3A_2038 : memref<128xf32, #tpu.memory_space<vmem>>)
        %dma_wait3A_2044 = arith.constant 6 : i32
        %dma_wait3A_2045 = arith.constant 1 : i32
        %dma_wait3A_2046 = arith.constant 5 : i32
        %dma_wait3A_2047 = arith.constant 768 : i32
        %dma_wait3A_2048 = tpu.memref_slice %arg12[%dma_wait3A_2045, %dma_wait3A_2046, %dma_wait3A_2047] : memref<2x6x1024xf32, #tpu.memory_space<vmem>> -> memref<1x1x128xf32, #tpu.memory_space<vmem>>
        %dma_wait3A_2049 = tpu.memref_squeeze %dma_wait3A_2048 : memref<1x1x128xf32, #tpu.memory_space<vmem>> -> memref<128xf32, #tpu.memory_space<vmem>>
        %dma_wait3A_2050 = arith.constant 0 : i32
        %dma_wait3A_2051 = tpu.memref_slice %arg11[%select_n3A_748, %select_n3A_764, %dma_wait3A_2044, %dma_wait3A_2050] : memref<3x16x8x128xi32, #tpu.memory_space<vmem>> -> memref<1x1x1x128xi32, #tpu.memory_space<vmem>>
        %dma_wait3A_2052 = tpu.memref_squeeze %dma_wait3A_2051 : memref<1x1x1x128xi32, #tpu.memory_space<vmem>> -> memref<128xi32, #tpu.memory_space<vmem>>
        %dma_wait3A_2053 = arith.constant 0 : i32
        %dma_wait3A_2054 = tpu.memref_slice %arg7[%dma_wait3A_2053] : memref<1048576xf32, #tpu.memory_space<hbm>> -> memref<1048576xf32, #tpu.memory_space<hbm>>
        tpu.wait_indirect_dma semaphore(%arg17 : memref<!tpu.dma_semaphore, #tpu.memory_space<semaphore_mem>>) src(%dma_wait3A_2054 : memref<1048576xf32, #tpu.memory_space<hbm>>) dst(%dma_wait3A_2049 : memref<128xf32, #tpu.memory_space<vmem>>)
        %dma_wait3A_2055 = arith.constant 7 : i32
        %dma_wait3A_2056 = arith.constant 1 : i32
        %dma_wait3A_2057 = arith.constant 5 : i32
        %dma_wait3A_2058 = arith.constant 896 : i32
        %dma_wait3A_2059 = tpu.memref_slice %arg12[%dma_wait3A_2056, %dma_wait3A_2057, %dma_wait3A_2058] : memref<2x6x1024xf32, #tpu.memory_space<vmem>> -> memref<1x1x128xf32, #tpu.memory_space<vmem>>
        %dma_wait3A_2060 = tpu.memref_squeeze %dma_wait3A_2059 : memref<1x1x128xf32, #tpu.memory_space<vmem>> -> memref<128xf32, #tpu.memory_space<vmem>>
        %dma_wait3A_2061 = arith.constant 0 : i32
        %dma_wait3A_2062 = tpu.memref_slice %arg11[%select_n3A_748, %select_n3A_764, %dma_wait3A_2055, %dma_wait3A_2061] : memref<3x16x8x128xi32, #tpu.memory_space<vmem>> -> memref<1x1x1x128xi32, #tpu.memory_space<vmem>>
        %dma_wait3A_2063 = tpu.memref_squeeze %dma_wait3A_2062 : memref<1x1x1x128xi32, #tpu.memory_space<vmem>> -> memref<128xi32, #tpu.memory_space<vmem>>
        %dma_wait3A_2064 = arith.constant 0 : i32
        %dma_wait3A_2065 = tpu.memref_slice %arg7[%dma_wait3A_2064] : memref<1048576xf32, #tpu.memory_space<hbm>> -> memref<1048576xf32, #tpu.memory_space<hbm>>
        tpu.wait_indirect_dma semaphore(%arg17 : memref<!tpu.dma_semaphore, #tpu.memory_space<semaphore_mem>>) src(%dma_wait3A_2065 : memref<1048576xf32, #tpu.memory_space<hbm>>) dst(%dma_wait3A_2060 : memref<128xf32, #tpu.memory_space<vmem>>)
        %get3A_2066 = arith.constant 1 : i32
        %get3A_2067 = arith.constant 0 : i32
        %get3A_2068 = arith.index_cast %get3A_2066 : i32 to index
        %get3A_2069 = arith.index_cast %get3A_2067 : i32 to index
        %get3A_2070 = arith.constant 0 : index
        %get3A_2071 = tpu.vector_load %arg12[%get3A_2068, %get3A_2069, %get3A_2070] {strides = array<i32>} : memref<2x6x1024xf32, #tpu.memory_space<vmem>>, vector<1x1x16xf32>,
        %get3A_2072 = vector.shape_cast %get3A_2071 : vector<1x1x16xf32> to vector<16xf32>
        %lt3A_2073 = arith.constant 0 : i32
        %lt3A_2074 = vector.broadcast %lt3A_2073 : i32 to vector<16xi32>
        %lt3A_2075 = arith.cmpi slt, %broadcast_in_dim3A_3, %lt3A_2074 : vector<16xi32>
        %add3A_2076 = arith.constant 16 : i32
        %add3A_2077 = vector.broadcast %add3A_2076 : i32 to vector<16xi32>
        %add3A_2078 = arith.addi %broadcast_in_dim3A_3, %add3A_2077 : vector<16xi32>
        %select_n3A_2079 = arith.select %lt3A_2075, %add3A_2078, %broadcast_in_dim3A_3 : vector<16xi1>, vector<16xi32>
        %broadcast_in_dim3A_2080 = vector.shape_cast %select_n3A_2079 : vector<16xi32> to vector<16x1xi32>
        %gather3A_2081 = vector.shape_cast %broadcast_in_dim3A_2080 : vector<16x1xi32> to vector<16xi32>
        %gather3A_2082 = tpu.dynamic_gather %get3A_2072[%gather3A_2081] in [0] : vector<16xf32>, vector<16xi32> -> vector<16xf32>
        %get3A_2083 = arith.constant 1 : i32
        %get3A_2084 = arith.constant 1 : i32
        %get3A_2085 = arith.index_cast %get3A_2083 : i32 to index
        %get3A_2086 = arith.index_cast %get3A_2084 : i32 to index
        %get3A_2087 = arith.constant 0 : index
        %get3A_2088 = tpu.vector_load %arg12[%get3A_2085, %get3A_2086, %get3A_2087] {strides = array<i32>} : memref<2x6x1024xf32, #tpu.memory_space<vmem>>, vector<1x1x16xf32>,
        %get3A_2089 = vector.shape_cast %get3A_2088 : vector<1x1x16xf32> to vector<16xf32>
        %lt3A_2090 = arith.constant 0 : i32
        %lt3A_2091 = vector.broadcast %lt3A_2090 : i32 to vector<16xi32>
        %lt3A_2092 = arith.cmpi slt, %broadcast_in_dim3A_3, %lt3A_2091 : vector<16xi32>
        %add3A_2093 = arith.constant 16 : i32
        %add3A_2094 = vector.broadcast %add3A_2093 : i32 to vector<16xi32>
        %add3A_2095 = arith.addi %broadcast_in_dim3A_3, %add3A_2094 : vector<16xi32>
        %select_n3A_2096 = arith.select %lt3A_2092, %add3A_2095, %broadcast_in_dim3A_3 : vector<16xi1>, vector<16xi32>
        %broadcast_in_dim3A_2097 = vector.shape_cast %select_n3A_2096 : vector<16xi32> to vector<16x1xi32>
        %gather3A_2098 = vector.shape_cast %broadcast_in_dim3A_2097 : vector<16x1xi32> to vector<16xi32>
        %gather3A_2099 = tpu.dynamic_gather %get3A_2089[%gather3A_2098] in [0] : vector<16xf32>, vector<16xi32> -> vector<16xf32>
        %get3A_2100 = arith.constant 1 : i32
        %get3A_2101 = arith.constant 2 : i32
        %get3A_2102 = arith.index_cast %get3A_2100 : i32 to index
        %get3A_2103 = arith.index_cast %get3A_2101 : i32 to index
        %get3A_2104 = arith.constant 0 : index
        %get3A_2105 = tpu.vector_load %arg12[%get3A_2102, %get3A_2103, %get3A_2104] {strides = array<i32>} : memref<2x6x1024xf32, #tpu.memory_space<vmem>>, vector<1x1x16xf32>,
        %get3A_2106 = vector.shape_cast %get3A_2105 : vector<1x1x16xf32> to vector<16xf32>
        %lt3A_2107 = arith.constant 0 : i32
        %lt3A_2108 = vector.broadcast %lt3A_2107 : i32 to vector<16xi32>
        %lt3A_2109 = arith.cmpi slt, %broadcast_in_dim3A_3, %lt3A_2108 : vector<16xi32>
        %add3A_2110 = arith.constant 16 : i32
        %add3A_2111 = vector.broadcast %add3A_2110 : i32 to vector<16xi32>
        %add3A_2112 = arith.addi %broadcast_in_dim3A_3, %add3A_2111 : vector<16xi32>
        %select_n3A_2113 = arith.select %lt3A_2109, %add3A_2112, %broadcast_in_dim3A_3 : vector<16xi1>, vector<16xi32>
        %broadcast_in_dim3A_2114 = vector.shape_cast %select_n3A_2113 : vector<16xi32> to vector<16x1xi32>
        %gather3A_2115 = vector.shape_cast %broadcast_in_dim3A_2114 : vector<16x1xi32> to vector<16xi32>
        %gather3A_2116 = tpu.dynamic_gather %get3A_2106[%gather3A_2115] in [0] : vector<16xf32>, vector<16xi32> -> vector<16xf32>
        %get3A_2117 = arith.constant 1 : i32
        %get3A_2118 = arith.constant 3 : i32
        %get3A_2119 = arith.index_cast %get3A_2117 : i32 to index
        %get3A_2120 = arith.index_cast %get3A_2118 : i32 to index
        %get3A_2121 = arith.constant 0 : index
        %get3A_2122 = tpu.vector_load %arg12[%get3A_2119, %get3A_2120, %get3A_2121] {strides = array<i32>} : memref<2x6x1024xf32, #tpu.memory_space<vmem>>, vector<1x1x16xf32>,
        %get3A_2123 = vector.shape_cast %get3A_2122 : vector<1x1x16xf32> to vector<16xf32>
        %lt3A_2124 = arith.constant 0 : i32
        %lt3A_2125 = vector.broadcast %lt3A_2124 : i32 to vector<16xi32>
        %lt3A_2126 = arith.cmpi slt, %broadcast_in_dim3A_3, %lt3A_2125 : vector<16xi32>
        %add3A_2127 = arith.constant 16 : i32
        %add3A_2128 = vector.broadcast %add3A_2127 : i32 to vector<16xi32>
        %add3A_2129 = arith.addi %broadcast_in_dim3A_3, %add3A_2128 : vector<16xi32>
        %select_n3A_2130 = arith.select %lt3A_2126, %add3A_2129, %broadcast_in_dim3A_3 : vector<16xi1>, vector<16xi32>
        %broadcast_in_dim3A_2131 = vector.shape_cast %select_n3A_2130 : vector<16xi32> to vector<16x1xi32>
        %gather3A_2132 = vector.shape_cast %broadcast_in_dim3A_2131 : vector<16x1xi32> to vector<16xi32>
        %gather3A_2133 = tpu.dynamic_gather %get3A_2123[%gather3A_2132] in [0] : vector<16xf32>, vector<16xi32> -> vector<16xf32>
        %get3A_2134 = arith.constant 1 : i32
        %get3A_2135 = arith.constant 4 : i32
        %get3A_2136 = arith.index_cast %get3A_2134 : i32 to index
        %get3A_2137 = arith.index_cast %get3A_2135 : i32 to index
        %get3A_2138 = arith.constant 0 : index
        %get3A_2139 = tpu.vector_load %arg12[%get3A_2136, %get3A_2137, %get3A_2138] {strides = array<i32>} : memref<2x6x1024xf32, #tpu.memory_space<vmem>>, vector<1x1x16xf32>,
        %get3A_2140 = vector.shape_cast %get3A_2139 : vector<1x1x16xf32> to vector<16xf32>
        %lt3A_2141 = arith.constant 0 : i32
        %lt3A_2142 = vector.broadcast %lt3A_2141 : i32 to vector<16xi32>
        %lt3A_2143 = arith.cmpi slt, %broadcast_in_dim3A_3, %lt3A_2142 : vector<16xi32>
        %add3A_2144 = arith.constant 16 : i32
        %add3A_2145 = vector.broadcast %add3A_2144 : i32 to vector<16xi32>
        %add3A_2146 = arith.addi %broadcast_in_dim3A_3, %add3A_2145 : vector<16xi32>
        %select_n3A_2147 = arith.select %lt3A_2143, %add3A_2146, %broadcast_in_dim3A_3 : vector<16xi1>, vector<16xi32>
        %broadcast_in_dim3A_2148 = vector.shape_cast %select_n3A_2147 : vector<16xi32> to vector<16x1xi32>
        %gather3A_2149 = vector.shape_cast %broadcast_in_dim3A_2148 : vector<16x1xi32> to vector<16xi32>
        %gather3A_2150 = tpu.dynamic_gather %get3A_2140[%gather3A_2149] in [0] : vector<16xf32>, vector<16xi32> -> vector<16xf32>
        %get3A_2151 = arith.constant 1 : i32
        %get3A_2152 = arith.constant 5 : i32
        %get3A_2153 = arith.index_cast %get3A_2151 : i32 to index
        %get3A_2154 = arith.index_cast %get3A_2152 : i32 to index
        %get3A_2155 = arith.constant 0 : index
        %get3A_2156 = tpu.vector_load %arg12[%get3A_2153, %get3A_2154, %get3A_2155] {strides = array<i32>} : memref<2x6x1024xf32, #tpu.memory_space<vmem>>, vector<1x1x16xf32>,
        %get3A_2157 = vector.shape_cast %get3A_2156 : vector<1x1x16xf32> to vector<16xf32>
        %lt3A_2158 = arith.constant 0 : i32
        %lt3A_2159 = vector.broadcast %lt3A_2158 : i32 to vector<16xi32>
        %lt3A_2160 = arith.cmpi slt, %broadcast_in_dim3A_3, %lt3A_2159 : vector<16xi32>
        %add3A_2161 = arith.constant 16 : i32
        %add3A_2162 = vector.broadcast %add3A_2161 : i32 to vector<16xi32>
        %add3A_2163 = arith.addi %broadcast_in_dim3A_3, %add3A_2162 : vector<16xi32>
        %select_n3A_2164 = arith.select %lt3A_2160, %add3A_2163, %broadcast_in_dim3A_3 : vector<16xi1>, vector<16xi32>
        %broadcast_in_dim3A_2165 = vector.shape_cast %select_n3A_2164 : vector<16xi32> to vector<16x1xi32>
        %gather3A_2166 = vector.shape_cast %broadcast_in_dim3A_2165 : vector<16x1xi32> to vector<16xi32>
        %gather3A_2167 = tpu.dynamic_gather %get3A_2157[%gather3A_2166] in [0] : vector<16xf32>, vector<16xi32> -> vector<16xf32>
        %scan3A_2168 = arith.constant 0 : i32
        %scan3A_2169 = arith.constant 64 : i32
        %scan3A_2170 = arith.addi %scan3A_2168, %scan3A_2169 : i32
        %scan3A_2171 = arith.constant 1 : i32
        %scan3A_2172 = scf.for %scan3A_2237 = %scan3A_2168 to %scan3A_2170 step %scan3A_2171 iter_args(%scan3A_2238 = %broadcast_in_dim3A_1) -> (vector<16xf32>)  : i32 {
          %mul3A_2239 = arith.constant 16 : i32
          %mul3A_2240 = arith.muli %scan3A_2237, %mul3A_2239 : i32
          %get3A_2241 = arith.constant 1 : i32
          %get3A_2242 = arith.constant 0 : i32
          %get3A_2243 = arith.index_cast %get3A_2241 : i32 to index
          %get3A_2244 = arith.index_cast %get3A_2242 : i32 to index
          %get3A_2245 = arith.index_cast %mul3A_2240 : i32 to index
          %get3A_2246 = tpu.vector_load %arg12[%get3A_2243, %get3A_2244, %get3A_2245] {strides = array<i32>} : memref<2x6x1024xf32, #tpu.memory_space<vmem>>, vector<1x1x16xf32>,
          %get3A_2247 = vector.shape_cast %get3A_2246 : vector<1x1x16xf32> to vector<16xf32>
          %sub3A_2248 = arith.subf %get3A_2247, %gather3A_2082 : vector<16xf32>
          %get3A_2249 = arith.constant 1 : i32
          %get3A_2250 = arith.constant 1 : i32
          %get3A_2251 = arith.index_cast %get3A_2249 : i32 to index
          %get3A_2252 = arith.index_cast %get3A_2250 : i32 to index
          %get3A_2253 = arith.index_cast %mul3A_2240 : i32 to index
          %get3A_2254 = tpu.vector_load %arg12[%get3A_2251, %get3A_2252, %get3A_2253] {strides = array<i32>} : memref<2x6x1024xf32, #tpu.memory_space<vmem>>, vector<1x1x16xf32>,
          %get3A_2255 = vector.shape_cast %get3A_2254 : vector<1x1x16xf32> to vector<16xf32>
          %sub3A_2256 = arith.subf %get3A_2255, %gather3A_2099 : vector<16xf32>
          %get3A_2257 = arith.constant 1 : i32
          %get3A_2258 = arith.constant 2 : i32
          %get3A_2259 = arith.index_cast %get3A_2257 : i32 to index
          %get3A_2260 = arith.index_cast %get3A_2258 : i32 to index
          %get3A_2261 = arith.index_cast %mul3A_2240 : i32 to index
          %get3A_2262 = tpu.vector_load %arg12[%get3A_2259, %get3A_2260, %get3A_2261] {strides = array<i32>} : memref<2x6x1024xf32, #tpu.memory_space<vmem>>, vector<1x1x16xf32>,
          %get3A_2263 = vector.shape_cast %get3A_2262 : vector<1x1x16xf32> to vector<16xf32>
          %sub3A_2264 = arith.subf %get3A_2263, %gather3A_2116 : vector<16xf32>
          %get3A_2265 = arith.constant 1 : i32
          %get3A_2266 = arith.constant 3 : i32
          %get3A_2267 = arith.index_cast %get3A_2265 : i32 to index
          %get3A_2268 = arith.index_cast %get3A_2266 : i32 to index
          %get3A_2269 = arith.index_cast %mul3A_2240 : i32 to index
          %get3A_2270 = tpu.vector_load %arg12[%get3A_2267, %get3A_2268, %get3A_2269] {strides = array<i32>} : memref<2x6x1024xf32, #tpu.memory_space<vmem>>, vector<1x1x16xf32>,
          %get3A_2271 = vector.shape_cast %get3A_2270 : vector<1x1x16xf32> to vector<16xf32>
          %sub3A_2272 = arith.subf %get3A_2271, %gather3A_2133 : vector<16xf32>
          %get3A_2273 = arith.constant 1 : i32
          %get3A_2274 = arith.constant 4 : i32
          %get3A_2275 = arith.index_cast %get3A_2273 : i32 to index
          %get3A_2276 = arith.index_cast %get3A_2274 : i32 to index
          %get3A_2277 = arith.index_cast %mul3A_2240 : i32 to index
          %get3A_2278 = tpu.vector_load %arg12[%get3A_2275, %get3A_2276, %get3A_2277] {strides = array<i32>} : memref<2x6x1024xf32, #tpu.memory_space<vmem>>, vector<1x1x16xf32>,
          %get3A_2279 = vector.shape_cast %get3A_2278 : vector<1x1x16xf32> to vector<16xf32>
          %sub3A_2280 = arith.subf %get3A_2279, %gather3A_2150 : vector<16xf32>
          %get3A_2281 = arith.constant 1 : i32
          %get3A_2282 = arith.constant 5 : i32
          %get3A_2283 = arith.index_cast %get3A_2281 : i32 to index
          %get3A_2284 = arith.index_cast %get3A_2282 : i32 to index
          %get3A_2285 = arith.index_cast %mul3A_2240 : i32 to index
          %get3A_2286 = tpu.vector_load %arg12[%get3A_2283, %get3A_2284, %get3A_2285] {strides = array<i32>} : memref<2x6x1024xf32, #tpu.memory_space<vmem>>, vector<1x1x16xf32>,
          %get3A_2287 = vector.shape_cast %get3A_2286 : vector<1x1x16xf32> to vector<16xf32>
          %sub3A_2288 = arith.subf %get3A_2287, %gather3A_2167 : vector<16xf32>
          %mul3A_2289 = arith.mulf %sub3A_2248, %sub3A_2248 : vector<16xf32>
          %mul3A_2290 = arith.mulf %sub3A_2256, %sub3A_2256 : vector<16xf32>
          %add3A_2291 = arith.addf %mul3A_2289, %mul3A_2290 : vector<16xf32>
          %mul3A_2292 = arith.mulf %sub3A_2264, %sub3A_2264 : vector<16xf32>
          %add3A_2293 = arith.addf %add3A_2291, %mul3A_2292 : vector<16xf32>
          %add3A_2294 = arith.constant 9.99999996E-13 : f32
          %add3A_2295 = vector.broadcast %add3A_2294 : f32 to vector<16xf32>
          %add3A_2296 = arith.addf %add3A_2293, %add3A_2295 : vector<16xf32>
          %mul3A_2297 = arith.mulf %sub3A_2272, %sub3A_2272 : vector<16xf32>
          %mul3A_2298 = arith.mulf %sub3A_2280, %sub3A_2280 : vector<16xf32>
          %add3A_2299 = arith.addf %mul3A_2297, %mul3A_2298 : vector<16xf32>
          %mul3A_2300 = arith.mulf %sub3A_2288, %sub3A_2288 : vector<16xf32>
          %add3A_2301 = arith.addf %add3A_2299, %mul3A_2300 : vector<16xf32>
          %add3A_2302 = arith.constant 9.99999996E-13 : f32
          %add3A_2303 = vector.broadcast %add3A_2302 : f32 to vector<16xf32>
          %add3A_2304 = arith.addf %add3A_2301, %add3A_2303 : vector<16xf32>
          %bitcast_convert_type3A_2305 = tpu.bitcast %add3A_2296 : vector<16xf32> -> vector<16xi32>
          %shift_right_arithmetic3A_2306 = arith.constant 1 : i32
          %shift_right_arithmetic3A_2307 = vector.broadcast %shift_right_arithmetic3A_2306 : i32 to vector<16xi32>
          %shift_right_arithmetic3A_2308 = arith.shrsi %bitcast_convert_type3A_2305, %shift_right_arithmetic3A_2307 : vector<16xi32>
          %sub3A_2309 = arith.constant 1597463007 : i32
          %sub3A_2310 = vector.broadcast %sub3A_2309 : i32 to vector<16xi32>
          %sub3A_2311 = arith.subi %sub3A_2310, %shift_right_arithmetic3A_2308 : vector<16xi32>
          %bitcast_convert_type3A_2312 = tpu.bitcast %sub3A_2311 : vector<16xi32> -> vector<16xf32>
          %mul3A_2313 = arith.constant 5.000000e-01 : f32
          %mul3A_2314 = vector.broadcast %mul3A_2313 : f32 to vector<16xf32>
          %mul3A_2315 = arith.mulf %add3A_2296, %mul3A_2314 : vector<16xf32>
          %mul3A_2316 = arith.mulf %mul3A_2315, %bitcast_convert_type3A_2312 : vector<16xf32>
          %mul3A_2317 = arith.mulf %mul3A_2316, %bitcast_convert_type3A_2312 : vector<16xf32>
          %sub3A_2318 = arith.constant 1.500000e+00 : f32
          %sub3A_2319 = vector.broadcast %sub3A_2318 : f32 to vector<16xf32>
          %sub3A_2320 = arith.subf %sub3A_2319, %mul3A_2317 : vector<16xf32>
          %mul3A_2321 = arith.mulf %bitcast_convert_type3A_2312, %sub3A_2320 : vector<16xf32>
          %mul3A_2322 = arith.mulf %mul3A_2315, %mul3A_2321 : vector<16xf32>
          %mul3A_2323 = arith.mulf %mul3A_2322, %mul3A_2321 : vector<16xf32>
          %sub3A_2324 = arith.constant 1.500000e+00 : f32
          %sub3A_2325 = vector.broadcast %sub3A_2324 : f32 to vector<16xf32>
          %sub3A_2326 = arith.subf %sub3A_2325, %mul3A_2323 : vector<16xf32>
          %mul3A_2327 = arith.mulf %mul3A_2321, %sub3A_2326 : vector<16xf32>
          %mul3A_2328 = arith.mulf %mul3A_2315, %mul3A_2327 : vector<16xf32>
          %mul3A_2329 = arith.mulf %mul3A_2328, %mul3A_2327 : vector<16xf32>
          %sub3A_2330 = arith.constant 1.500000e+00 : f32
          %sub3A_2331 = vector.broadcast %sub3A_2330 : f32 to vector<16xf32>
          %sub3A_2332 = arith.subf %sub3A_2331, %mul3A_2329 : vector<16xf32>
          %mul3A_2333 = arith.mulf %mul3A_2327, %sub3A_2332 : vector<16xf32>
          %mul3A_2334 = arith.mulf %add3A_2296, %mul3A_2333 : vector<16xf32>
          %bitcast_convert_type3A_2335 = tpu.bitcast %add3A_2304 : vector<16xf32> -> vector<16xi32>
          %shift_right_arithmetic3A_2336 = arith.constant 1 : i32
          %shift_right_arithmetic3A_2337 = vector.broadcast %shift_right_arithmetic3A_2336 : i32 to vector<16xi32>
          %shift_right_arithmetic3A_2338 = arith.shrsi %bitcast_convert_type3A_2335, %shift_right_arithmetic3A_2337 : vector<16xi32>
          %sub3A_2339 = arith.constant 1597463007 : i32
          %sub3A_2340 = vector.broadcast %sub3A_2339 : i32 to vector<16xi32>
          %sub3A_2341 = arith.subi %sub3A_2340, %shift_right_arithmetic3A_2338 : vector<16xi32>
          %bitcast_convert_type3A_2342 = tpu.bitcast %sub3A_2341 : vector<16xi32> -> vector<16xf32>
          %mul3A_2343 = arith.constant 5.000000e-01 : f32
          %mul3A_2344 = vector.broadcast %mul3A_2343 : f32 to vector<16xf32>
          %mul3A_2345 = arith.mulf %add3A_2304, %mul3A_2344 : vector<16xf32>
          %mul3A_2346 = arith.mulf %mul3A_2345, %bitcast_convert_type3A_2342 : vector<16xf32>
          %mul3A_2347 = arith.mulf %mul3A_2346, %bitcast_convert_type3A_2342 : vector<16xf32>
          %sub3A_2348 = arith.constant 1.500000e+00 : f32
          %sub3A_2349 = vector.broadcast %sub3A_2348 : f32 to vector<16xf32>
          %sub3A_2350 = arith.subf %sub3A_2349, %mul3A_2347 : vector<16xf32>
          %mul3A_2351 = arith.mulf %bitcast_convert_type3A_2342, %sub3A_2350 : vector<16xf32>
          %mul3A_2352 = arith.mulf %mul3A_2345, %mul3A_2351 : vector<16xf32>
          %mul3A_2353 = arith.mulf %mul3A_2352, %mul3A_2351 : vector<16xf32>
          %sub3A_2354 = arith.constant 1.500000e+00 : f32
          %sub3A_2355 = vector.broadcast %sub3A_2354 : f32 to vector<16xf32>
          %sub3A_2356 = arith.subf %sub3A_2355, %mul3A_2353 : vector<16xf32>
          %mul3A_2357 = arith.mulf %mul3A_2351, %sub3A_2356 : vector<16xf32>
          %mul3A_2358 = arith.mulf %mul3A_2345, %mul3A_2357 : vector<16xf32>
          %mul3A_2359 = arith.mulf %mul3A_2358, %mul3A_2357 : vector<16xf32>
          %sub3A_2360 = arith.constant 1.500000e+00 : f32
          %sub3A_2361 = vector.broadcast %sub3A_2360 : f32 to vector<16xf32>
          %sub3A_2362 = arith.subf %sub3A_2361, %mul3A_2359 : vector<16xf32>
          %mul3A_2363 = arith.mulf %mul3A_2357, %sub3A_2362 : vector<16xf32>
          %mul3A_2364 = arith.mulf %add3A_2304, %mul3A_2363 : vector<16xf32>
          %sub3A_2365 = arith.subf %mul3A_2334, %mul3A_2364 : vector<16xf32>
          %mul3A_2366 = arith.mulf %sub3A_2365, %sub3A_2365 : vector<16xf32>
          %add3A_2367 = arith.addf %scan3A_2238, %mul3A_2366 : vector<16xf32>
          scf.yield %add3A_2367 : vector<16xf32>
        }
        %scan3A_2173 = arith.constant 64 : i32
        %xor3A_2174 = arith.constant 1 : i32
        %xor3A_2175 = vector.broadcast %xor3A_2174 : i32 to vector<16xi32>
        %xor3A_2176 = arith.xori %iota3A, %xor3A_2175 : vector<16xi32>
        %lt3A_2177 = arith.constant 0 : i32
        %lt3A_2178 = vector.broadcast %lt3A_2177 : i32 to vector<16xi32>
        %lt3A_2179 = arith.cmpi slt, %xor3A_2176, %lt3A_2178 : vector<16xi32>
        %add3A_2180 = arith.constant 16 : i32
        %add3A_2181 = vector.broadcast %add3A_2180 : i32 to vector<16xi32>
        %add3A_2182 = arith.addi %xor3A_2176, %add3A_2181 : vector<16xi32>
        %select_n3A_2183 = arith.select %lt3A_2179, %add3A_2182, %xor3A_2176 : vector<16xi1>, vector<16xi32>
        %broadcast_in_dim3A_2184 = vector.shape_cast %select_n3A_2183 : vector<16xi32> to vector<16x1xi32>
        %gather3A_2185 = vector.shape_cast %broadcast_in_dim3A_2184 : vector<16x1xi32> to vector<16xi32>
        %gather3A_2186 = tpu.dynamic_gather %scan3A_2172[%gather3A_2185] in [0] : vector<16xf32>, vector<16xi32> -> vector<16xf32>
        %add3A_2187 = arith.addf %scan3A_2172, %gather3A_2186 : vector<16xf32>
        %xor3A_2188 = arith.constant 2 : i32
        %xor3A_2189 = vector.broadcast %xor3A_2188 : i32 to vector<16xi32>
        %xor3A_2190 = arith.xori %iota3A, %xor3A_2189 : vector<16xi32>
        %lt3A_2191 = arith.constant 0 : i32
        %lt3A_2192 = vector.broadcast %lt3A_2191 : i32 to vector<16xi32>
        %lt3A_2193 = arith.cmpi slt, %xor3A_2190, %lt3A_2192 : vector<16xi32>
        %add3A_2194 = arith.constant 16 : i32
        %add3A_2195 = vector.broadcast %add3A_2194 : i32 to vector<16xi32>
        %add3A_2196 = arith.addi %xor3A_2190, %add3A_2195 : vector<16xi32>
        %select_n3A_2197 = arith.select %lt3A_2193, %add3A_2196, %xor3A_2190 : vector<16xi1>, vector<16xi32>
        %broadcast_in_dim3A_2198 = vector.shape_cast %select_n3A_2197 : vector<16xi32> to vector<16x1xi32>
        %gather3A_2199 = vector.shape_cast %broadcast_in_dim3A_2198 : vector<16x1xi32> to vector<16xi32>
        %gather3A_2200 = tpu.dynamic_gather %add3A_2187[%gather3A_2199] in [0] : vector<16xf32>, vector<16xi32> -> vector<16xf32>
        %add3A_2201 = arith.addf %add3A_2187, %gather3A_2200 : vector<16xf32>
        %xor3A_2202 = arith.constant 4 : i32
        %xor3A_2203 = vector.broadcast %xor3A_2202 : i32 to vector<16xi32>
        %xor3A_2204 = arith.xori %iota3A, %xor3A_2203 : vector<16xi32>
        %lt3A_2205 = arith.constant 0 : i32
        %lt3A_2206 = vector.broadcast %lt3A_2205 : i32 to vector<16xi32>
        %lt3A_2207 = arith.cmpi slt, %xor3A_2204, %lt3A_2206 : vector<16xi32>
        %add3A_2208 = arith.constant 16 : i32
        %add3A_2209 = vector.broadcast %add3A_2208 : i32 to vector<16xi32>
        %add3A_2210 = arith.addi %xor3A_2204, %add3A_2209 : vector<16xi32>
        %select_n3A_2211 = arith.select %lt3A_2207, %add3A_2210, %xor3A_2204 : vector<16xi1>, vector<16xi32>
        %broadcast_in_dim3A_2212 = vector.shape_cast %select_n3A_2211 : vector<16xi32> to vector<16x1xi32>
        %gather3A_2213 = vector.shape_cast %broadcast_in_dim3A_2212 : vector<16x1xi32> to vector<16xi32>
        %gather3A_2214 = tpu.dynamic_gather %add3A_2201[%gather3A_2213] in [0] : vector<16xf32>, vector<16xi32> -> vector<16xf32>
        %add3A_2215 = arith.addf %add3A_2201, %gather3A_2214 : vector<16xf32>
        %xor3A_2216 = arith.constant 8 : i32
        %xor3A_2217 = vector.broadcast %xor3A_2216 : i32 to vector<16xi32>
        %xor3A_2218 = arith.xori %iota3A, %xor3A_2217 : vector<16xi32>
        %lt3A_2219 = arith.constant 0 : i32
        %lt3A_2220 = vector.broadcast %lt3A_2219 : i32 to vector<16xi32>
        %lt3A_2221 = arith.cmpi slt, %xor3A_2218, %lt3A_2220 : vector<16xi32>
        %add3A_2222 = arith.constant 16 : i32
        %add3A_2223 = vector.broadcast %add3A_2222 : i32 to vector<16xi32>
        %add3A_2224 = arith.addi %xor3A_2218, %add3A_2223 : vector<16xi32>
        %select_n3A_2225 = arith.select %lt3A_2221, %add3A_2224, %xor3A_2218 : vector<16xi1>, vector<16xi32>
        %broadcast_in_dim3A_2226 = vector.shape_cast %select_n3A_2225 : vector<16xi32> to vector<16x1xi32>
        %gather3A_2227 = vector.shape_cast %broadcast_in_dim3A_2226 : vector<16x1xi32> to vector<16xi32>
        %gather3A_2228 = tpu.dynamic_gather %add3A_2215[%gather3A_2227] in [0] : vector<16xf32>, vector<16xi32> -> vector<16xf32>
        %add3A_2229 = arith.addf %add3A_2215, %gather3A_2228 : vector<16xf32>
        %mul3A_2230 = arith.constant 2 : i32
        %mul3A_2231 = arith.muli %mul3A_2230, %scan3A_708 : i32
        %add3A_2232 = arith.constant 1 : i32
        %add3A_2233 = arith.addi %mul3A_2231, %add3A_2232 : i32
        %eq3A_2234 = vector.broadcast %add3A_2233 : i32 to vector<16xi32>
        %eq3A_2235 = arith.cmpi eq, %iota3A, %eq3A_2234 : vector<16xi32>
        %select_n3A_2236 = arith.select %eq3A_2235, %add3A_2229, %select_n3A_1530 : vector<16xi1>, vector<16xf32>
        scf.yield %select_n3A_2236 : vector<16xf32>
      }
      %scan3A_674 = arith.constant 8 : i32
      %mul3A_675 = arith.constant 16 : i32
      %mul3A_676 = arith.muli %scan3A_656, %mul3A_675 : i32
      %get3A = arith.index_cast %mul3A_676 : i32 to index
      %get3A_677 = tpu.vector_load %arg13[%get3A] {strides = array<i32>} : memref<336xf32, #tpu.memory_space<vmem>>, vector<16xf32>,
      %get3A_678 = vector.shape_cast %get3A_677 : vector<16xf32> to vector<16xf32>
      %mul3A_679 = arith.mulf %scan3A_673, %get3A_678 : vector<16xf32>
      %bitcast_convert_type3A = tpu.bitcast %mul3A_679 : vector<16xf32> -> vector<16xi32>
      %shift_right_arithmetic3A = arith.constant 1 : i32
      %shift_right_arithmetic3A_680 = vector.broadcast %shift_right_arithmetic3A : i32 to vector<16xi32>
      %shift_right_arithmetic3A_681 = arith.shrsi %bitcast_convert_type3A, %shift_right_arithmetic3A_680 : vector<16xi32>
      %sub3A = arith.constant 1597463007 : i32
      %sub3A_682 = vector.broadcast %sub3A : i32 to vector<16xi32>
      %sub3A_683 = arith.subi %sub3A_682, %shift_right_arithmetic3A_681 : vector<16xi32>
      %bitcast_convert_type3A_684 = tpu.bitcast %sub3A_683 : vector<16xi32> -> vector<16xf32>
      %mul3A_685 = arith.constant 5.000000e-01 : f32
      %mul3A_686 = vector.broadcast %mul3A_685 : f32 to vector<16xf32>
      %mul3A_687 = arith.mulf %mul3A_679, %mul3A_686 : vector<16xf32>
      %mul3A_688 = arith.mulf %mul3A_687, %bitcast_convert_type3A_684 : vector<16xf32>
      %mul3A_689 = arith.mulf %mul3A_688, %bitcast_convert_type3A_684 : vector<16xf32>
      %sub3A_690 = arith.constant 1.500000e+00 : f32
      %sub3A_691 = vector.broadcast %sub3A_690 : f32 to vector<16xf32>
      %sub3A_692 = arith.subf %sub3A_691, %mul3A_689 : vector<16xf32>
      %mul3A_693 = arith.mulf %bitcast_convert_type3A_684, %sub3A_692 : vector<16xf32>
      %mul3A_694 = arith.mulf %mul3A_687, %mul3A_693 : vector<16xf32>
      %mul3A_695 = arith.mulf %mul3A_694, %mul3A_693 : vector<16xf32>
      %sub3A_696 = arith.constant 1.500000e+00 : f32
      %sub3A_697 = vector.broadcast %sub3A_696 : f32 to vector<16xf32>
      %sub3A_698 = arith.subf %sub3A_697, %mul3A_695 : vector<16xf32>
      %mul3A_699 = arith.mulf %mul3A_693, %sub3A_698 : vector<16xf32>
      %mul3A_700 = arith.mulf %mul3A_687, %mul3A_699 : vector<16xf32>
      %mul3A_701 = arith.mulf %mul3A_700, %mul3A_699 : vector<16xf32>
      %sub3A_702 = arith.constant 1.500000e+00 : f32
      %sub3A_703 = vector.broadcast %sub3A_702 : f32 to vector<16xf32>
      %sub3A_704 = arith.subf %sub3A_703, %mul3A_701 : vector<16xf32>
      %mul3A_705 = arith.mulf %mul3A_699, %sub3A_704 : vector<16xf32>
      %mul3A_706 = arith.mulf %mul3A_679, %mul3A_705 : vector<16xf32>
      %add3A_707 = arith.addf %scan3A_657, %mul3A_706 : vector<16xf32>
      scf.yield %add3A_707 : vector<16xf32>
    }
    %scan3A_652 = arith.constant 21 : i32
    %swap3A = arith.constant 0 : index
    %swap3A_653 = tpu.vector_load %arg14[%swap3A] {strides = array<i32>} : memref<16xf32, #tpu.memory_space<vmem>>, vector<16xf32>,
    %swap3A_654 = vector.shape_cast %swap3A_653 : vector<16xf32> to vector<16xf32>
    %swap3A_655 = vector.shape_cast %scan3A_651 : vector<16xf32> to vector<16xf32>
    tpu.vector_store %arg14[%swap3A], %swap3A_655 {strides = array<i32>} : memref<16xf32, #tpu.memory_space<vmem>>, vector<16xf32>,
    "tpu.region"() ({
      %run_scoped3A_656 = tpu.sem_alloc : memref<!tpu.dma_semaphore, #tpu.memory_space<semaphore_mem>>
      %dma_start3A_657 = arith.constant 0 : i32
      %dma_start3A_658 = tpu.memref_slice %arg10[%add3A, %dma_start3A_657] : memref<32x16xf32, #tpu.memory_space<hbm>> -> memref<1x16xf32, #tpu.memory_space<hbm>>
      %dma_start3A_659 = tpu.memref_squeeze %dma_start3A_658 : memref<1x16xf32, #tpu.memory_space<hbm>> -> memref<16xf32, #tpu.memory_space<hbm>>
      %dma_start3A_660 = arith.constant 0 : i32
      %dma_start3A_661 = tpu.memref_slice %arg10[%add3A, %dma_start3A_660] : memref<32x16xf32, #tpu.memory_space<hbm>> -> memref<1x16xf32, #tpu.memory_space<hbm>>
      %dma_start3A_662 = tpu.memref_squeeze %dma_start3A_661 : memref<1x16xf32, #tpu.memory_space<hbm>> -> memref<16xf32, #tpu.memory_space<hbm>>
      tpu.enqueue_dma source(%arg14 : memref<16xf32, #tpu.memory_space<vmem>>) target(%dma_start3A_662 : memref<16xf32, #tpu.memory_space<hbm>>) target_semaphore(%run_scoped3A_656 : memref<!tpu.dma_semaphore, #tpu.memory_space<semaphore_mem>>)
      %dma_wait3A = arith.constant 0 : i32
      %dma_wait3A_663 = tpu.memref_slice %arg10[%add3A, %dma_wait3A] : memref<32x16xf32, #tpu.memory_space<hbm>> -> memref<1x16xf32, #tpu.memory_space<hbm>>
      %dma_wait3A_664 = tpu.memref_squeeze %dma_wait3A_663 : memref<1x16xf32, #tpu.memory_space<hbm>> -> memref<16xf32, #tpu.memory_space<hbm>>
      %dma_wait3A_665 = arith.constant 0 : i32
      %dma_wait3A_666 = tpu.memref_slice %arg10[%add3A, %dma_wait3A_665] : memref<32x16xf32, #tpu.memory_space<hbm>> -> memref<1x16xf32, #tpu.memory_space<hbm>>
      %dma_wait3A_667 = tpu.memref_squeeze %dma_wait3A_666 : memref<1x16xf32, #tpu.memory_space<hbm>> -> memref<16xf32, #tpu.memory_space<hbm>>
      tpu.wait_dma2 semaphore(%run_scoped3A_656 : memref<!tpu.dma_semaphore, #tpu.memory_space<semaphore_mem>>) src(%arg14 : memref<16xf32, #tpu.memory_space<vmem>>) dst(%dma_wait3A_667 : memref<16xf32, #tpu.memory_space<hbm>>)
      tpu.yield
    }) : () -> ()
    return
  }
}

module attributes {stable_mosaic.version = 14 : i64} {
  func.func @_lab_tc_body(%arg0: i32, %arg1: memref<1x3x512x512xf32, #tpu.memory_space<vmem>>, %arg2: memref<1x3x512x512xf32, #tpu.memory_space<vmem>>) attributes {dimension_semantics = [#tpu.dimension_semantics<arbitrary>], iteration_bounds = array<i64: 8>, scalar_prefetch = 0 : i64, scratch_operands = 0 : i64, tpu.core_type = #tpu.core_type<tc>, window_params = [{transform_indices = @transform_0, window_bounds = array<i64: 1, 3, 512, 512>}, {transform_indices = @transform_1, window_bounds = array<i64: 1, 3, 512, 512>}]} {
    %get3A = arith.constant 0 : index
    %get3A_0 = arith.constant 0 : index
    %get3A_1 = arith.constant 0 : index
    %get3A_2 = arith.constant 0 : index
    %get3A_3 = vector.load %arg1[%get3A, %get3A_0, %get3A_1, %get3A_2] : memref<1x3x512x512xf32, #tpu.memory_space<vmem>>, vector<1x3x512x512xf32>
    %get3A_4 = vector.shape_cast %get3A_3 : vector<1x3x512x512xf32> to vector<3x512x512xf32>
    %le3A = arith.constant 4.045000e-02 : f32
    %le3A_5 = vector.broadcast %le3A : f32 to vector<3x512x512xf32>
    %le3A_6 = arith.cmpf ole, %get3A_4, %le3A_5 : vector<3x512x512xf32>
    %mul3A = arith.constant 0.0773993805 : f32
    %mul3A_7 = vector.broadcast %mul3A : f32 to vector<3x512x512xf32>
    %mul3A_8 = arith.mulf %get3A_4, %mul3A_7 : vector<3x512x512xf32>
    %add3A = arith.constant 5.500000e-02 : f32
    %add3A_9 = vector.broadcast %add3A : f32 to vector<3x512x512xf32>
    %add3A_10 = arith.addf %get3A_4, %add3A_9 : vector<3x512x512xf32>
    %mul3A_11 = arith.constant 0.947867274 : f32
    %mul3A_12 = vector.broadcast %mul3A_11 : f32 to vector<3x512x512xf32>
    %mul3A_13 = arith.mulf %add3A_10, %mul3A_12 : vector<3x512x512xf32>
    %log3A = math.log %mul3A_13 : vector<3x512x512xf32>
    %mul3A_14 = arith.constant 2.400000e+00 : f32
    %mul3A_15 = vector.broadcast %mul3A_14 : f32 to vector<3x512x512xf32>
    %mul3A_16 = arith.mulf %mul3A_15, %log3A : vector<3x512x512xf32>
    %exp3A = math.exp %mul3A_16 : vector<3x512x512xf32>
    %select_n3A = arith.select %le3A_6, %mul3A_8, %exp3A : vector<3x512x512xi1>, vector<3x512x512xf32>
    %slice3A = vector.extract_strided_slice %select_n3A {offsets = [0, 0, 0], sizes = [1, 512, 512], strides = [1, 1, 1]} : vector<3x512x512xf32> to vector<1x512x512xf32>
    %squeeze3A = vector.shape_cast %slice3A : vector<1x512x512xf32> to vector<512x512xf32>
    %mul3A_17 = arith.constant 0.412456393 : f32
    %mul3A_18 = vector.broadcast %mul3A_17 : f32 to vector<512x512xf32>
    %mul3A_19 = arith.mulf %mul3A_18, %squeeze3A : vector<512x512xf32>
    %slice3A_20 = vector.extract_strided_slice %select_n3A {offsets = [1, 0, 0], sizes = [1, 512, 512], strides = [1, 1, 1]} : vector<3x512x512xf32> to vector<1x512x512xf32>
    %squeeze3A_21 = vector.shape_cast %slice3A_20 : vector<1x512x512xf32> to vector<512x512xf32>
    %mul3A_22 = arith.constant 0.357576102 : f32
    %mul3A_23 = vector.broadcast %mul3A_22 : f32 to vector<512x512xf32>
    %mul3A_24 = arith.mulf %mul3A_23, %squeeze3A_21 : vector<512x512xf32>
    %add3A_25 = arith.addf %mul3A_19, %mul3A_24 : vector<512x512xf32>
    %slice3A_26 = vector.extract_strided_slice %select_n3A {offsets = [2, 0, 0], sizes = [1, 512, 512], strides = [1, 1, 1]} : vector<3x512x512xf32> to vector<1x512x512xf32>
    %squeeze3A_27 = vector.shape_cast %slice3A_26 : vector<1x512x512xf32> to vector<512x512xf32>
    %mul3A_28 = arith.constant 0.180437505 : f32
    %mul3A_29 = vector.broadcast %mul3A_28 : f32 to vector<512x512xf32>
    %mul3A_30 = arith.mulf %mul3A_29, %squeeze3A_27 : vector<512x512xf32>
    %add3A_31 = arith.addf %add3A_25, %mul3A_30 : vector<512x512xf32>
    %mul3A_32 = arith.constant 1.05211103 : f32
    %mul3A_33 = vector.broadcast %mul3A_32 : f32 to vector<512x512xf32>
    %mul3A_34 = arith.mulf %add3A_31, %mul3A_33 : vector<512x512xf32>
    %max3A = arith.constant 1.000000e-30 : f32
    %max3A_35 = vector.broadcast %max3A : f32 to vector<512x512xf32>
    %max3A_36 = arith.maximumf %mul3A_34, %max3A_35 : vector<512x512xf32>
    %log3A_37 = math.log %max3A_36 : vector<512x512xf32>
    %mul3A_38 = arith.constant 0.333333343 : f32
    %mul3A_39 = vector.broadcast %mul3A_38 : f32 to vector<512x512xf32>
    %mul3A_40 = arith.mulf %log3A_37, %mul3A_39 : vector<512x512xf32>
    %exp3A_41 = math.exp %mul3A_40 : vector<512x512xf32>
    %gt3A = arith.constant 0.00885645207 : f32
    %gt3A_42 = vector.broadcast %gt3A : f32 to vector<512x512xf32>
    %gt3A_43 = arith.cmpf ogt, %mul3A_34, %gt3A_42 : vector<512x512xf32>
    %mul3A_44 = arith.constant 7.7870369 : f32
    %mul3A_45 = vector.broadcast %mul3A_44 : f32 to vector<512x512xf32>
    %mul3A_46 = arith.mulf %mul3A_34, %mul3A_45 : vector<512x512xf32>
    %add3A_47 = arith.constant 0.137931034 : f32
    %add3A_48 = vector.broadcast %add3A_47 : f32 to vector<512x512xf32>
    %add3A_49 = arith.addf %mul3A_46, %add3A_48 : vector<512x512xf32>
    %select_n3A_50 = arith.select %gt3A_43, %exp3A_41, %add3A_49 : vector<512x512xi1>, vector<512x512xf32>
    %slice3A_51 = vector.extract_strided_slice %select_n3A {offsets = [0, 0, 0], sizes = [1, 512, 512], strides = [1, 1, 1]} : vector<3x512x512xf32> to vector<1x512x512xf32>
    %squeeze3A_52 = vector.shape_cast %slice3A_51 : vector<1x512x512xf32> to vector<512x512xf32>
    %mul3A_53 = arith.constant 0.212672904 : f32
    %mul3A_54 = vector.broadcast %mul3A_53 : f32 to vector<512x512xf32>
    %mul3A_55 = arith.mulf %mul3A_54, %squeeze3A_52 : vector<512x512xf32>
    %slice3A_56 = vector.extract_strided_slice %select_n3A {offsets = [1, 0, 0], sizes = [1, 512, 512], strides = [1, 1, 1]} : vector<3x512x512xf32> to vector<1x512x512xf32>
    %squeeze3A_57 = vector.shape_cast %slice3A_56 : vector<1x512x512xf32> to vector<512x512xf32>
    %mul3A_58 = arith.constant 0.715152204 : f32
    %mul3A_59 = vector.broadcast %mul3A_58 : f32 to vector<512x512xf32>
    %mul3A_60 = arith.mulf %mul3A_59, %squeeze3A_57 : vector<512x512xf32>
    %add3A_61 = arith.addf %mul3A_55, %mul3A_60 : vector<512x512xf32>
    %slice3A_62 = vector.extract_strided_slice %select_n3A {offsets = [2, 0, 0], sizes = [1, 512, 512], strides = [1, 1, 1]} : vector<3x512x512xf32> to vector<1x512x512xf32>
    %squeeze3A_63 = vector.shape_cast %slice3A_62 : vector<1x512x512xf32> to vector<512x512xf32>
    %mul3A_64 = arith.constant 7.217500e-02 : f32
    %mul3A_65 = vector.broadcast %mul3A_64 : f32 to vector<512x512xf32>
    %mul3A_66 = arith.mulf %mul3A_65, %squeeze3A_63 : vector<512x512xf32>
    %add3A_67 = arith.addf %add3A_61, %mul3A_66 : vector<512x512xf32>
    %mul3A_68 = arith.constant 1.000000e+00 : f32
    %mul3A_69 = vector.broadcast %mul3A_68 : f32 to vector<512x512xf32>
    %mul3A_70 = arith.mulf %add3A_67, %mul3A_69 : vector<512x512xf32>
    %max3A_71 = arith.constant 1.000000e-30 : f32
    %max3A_72 = vector.broadcast %max3A_71 : f32 to vector<512x512xf32>
    %max3A_73 = arith.maximumf %mul3A_70, %max3A_72 : vector<512x512xf32>
    %log3A_74 = math.log %max3A_73 : vector<512x512xf32>
    %mul3A_75 = arith.constant 0.333333343 : f32
    %mul3A_76 = vector.broadcast %mul3A_75 : f32 to vector<512x512xf32>
    %mul3A_77 = arith.mulf %log3A_74, %mul3A_76 : vector<512x512xf32>
    %exp3A_78 = math.exp %mul3A_77 : vector<512x512xf32>
    %gt3A_79 = arith.constant 0.00885645207 : f32
    %gt3A_80 = vector.broadcast %gt3A_79 : f32 to vector<512x512xf32>
    %gt3A_81 = arith.cmpf ogt, %mul3A_70, %gt3A_80 : vector<512x512xf32>
    %mul3A_82 = arith.constant 7.7870369 : f32
    %mul3A_83 = vector.broadcast %mul3A_82 : f32 to vector<512x512xf32>
    %mul3A_84 = arith.mulf %mul3A_70, %mul3A_83 : vector<512x512xf32>
    %add3A_85 = arith.constant 0.137931034 : f32
    %add3A_86 = vector.broadcast %add3A_85 : f32 to vector<512x512xf32>
    %add3A_87 = arith.addf %mul3A_84, %add3A_86 : vector<512x512xf32>
    %select_n3A_88 = arith.select %gt3A_81, %exp3A_78, %add3A_87 : vector<512x512xi1>, vector<512x512xf32>
    %slice3A_89 = vector.extract_strided_slice %select_n3A {offsets = [0, 0, 0], sizes = [1, 512, 512], strides = [1, 1, 1]} : vector<3x512x512xf32> to vector<1x512x512xf32>
    %squeeze3A_90 = vector.shape_cast %slice3A_89 : vector<1x512x512xf32> to vector<512x512xf32>
    %mul3A_91 = arith.constant 1.933390e-02 : f32
    %mul3A_92 = vector.broadcast %mul3A_91 : f32 to vector<512x512xf32>
    %mul3A_93 = arith.mulf %mul3A_92, %squeeze3A_90 : vector<512x512xf32>
    %slice3A_94 = vector.extract_strided_slice %select_n3A {offsets = [1, 0, 0], sizes = [1, 512, 512], strides = [1, 1, 1]} : vector<3x512x512xf32> to vector<1x512x512xf32>
    %squeeze3A_95 = vector.shape_cast %slice3A_94 : vector<1x512x512xf32> to vector<512x512xf32>
    %mul3A_96 = arith.constant 1.191920e-01 : f32
    %mul3A_97 = vector.broadcast %mul3A_96 : f32 to vector<512x512xf32>
    %mul3A_98 = arith.mulf %mul3A_97, %squeeze3A_95 : vector<512x512xf32>
    %add3A_99 = arith.addf %mul3A_93, %mul3A_98 : vector<512x512xf32>
    %slice3A_100 = vector.extract_strided_slice %select_n3A {offsets = [2, 0, 0], sizes = [1, 512, 512], strides = [1, 1, 1]} : vector<3x512x512xf32> to vector<1x512x512xf32>
    %squeeze3A_101 = vector.shape_cast %slice3A_100 : vector<1x512x512xf32> to vector<512x512xf32>
    %mul3A_102 = arith.constant 0.95030409 : f32
    %mul3A_103 = vector.broadcast %mul3A_102 : f32 to vector<512x512xf32>
    %mul3A_104 = arith.mulf %mul3A_103, %squeeze3A_101 : vector<512x512xf32>
    %add3A_105 = arith.addf %add3A_99, %mul3A_104 : vector<512x512xf32>
    %mul3A_106 = arith.constant 0.918417036 : f32
    %mul3A_107 = vector.broadcast %mul3A_106 : f32 to vector<512x512xf32>
    %mul3A_108 = arith.mulf %add3A_105, %mul3A_107 : vector<512x512xf32>
    %max3A_109 = arith.constant 1.000000e-30 : f32
    %max3A_110 = vector.broadcast %max3A_109 : f32 to vector<512x512xf32>
    %max3A_111 = arith.maximumf %mul3A_108, %max3A_110 : vector<512x512xf32>
    %log3A_112 = math.log %max3A_111 : vector<512x512xf32>
    %mul3A_113 = arith.constant 0.333333343 : f32
    %mul3A_114 = vector.broadcast %mul3A_113 : f32 to vector<512x512xf32>
    %mul3A_115 = arith.mulf %log3A_112, %mul3A_114 : vector<512x512xf32>
    %exp3A_116 = math.exp %mul3A_115 : vector<512x512xf32>
    %gt3A_117 = arith.constant 0.00885645207 : f32
    %gt3A_118 = vector.broadcast %gt3A_117 : f32 to vector<512x512xf32>
    %gt3A_119 = arith.cmpf ogt, %mul3A_108, %gt3A_118 : vector<512x512xf32>
    %mul3A_120 = arith.constant 7.7870369 : f32
    %mul3A_121 = vector.broadcast %mul3A_120 : f32 to vector<512x512xf32>
    %mul3A_122 = arith.mulf %mul3A_108, %mul3A_121 : vector<512x512xf32>
    %add3A_123 = arith.constant 0.137931034 : f32
    %add3A_124 = vector.broadcast %add3A_123 : f32 to vector<512x512xf32>
    %add3A_125 = arith.addf %mul3A_122, %add3A_124 : vector<512x512xf32>
    %select_n3A_126 = arith.select %gt3A_119, %exp3A_116, %add3A_125 : vector<512x512xi1>, vector<512x512xf32>
    %mul3A_127 = arith.constant 1.160000e+02 : f32
    %mul3A_128 = vector.broadcast %mul3A_127 : f32 to vector<512x512xf32>
    %mul3A_129 = arith.mulf %mul3A_128, %select_n3A_88 : vector<512x512xf32>
    %sub3A = arith.constant 1.600000e+01 : f32
    %sub3A_130 = vector.broadcast %sub3A : f32 to vector<512x512xf32>
    %sub3A_131 = arith.subf %mul3A_129, %sub3A_130 : vector<512x512xf32>
    %swap3A = arith.constant 0 : index
    %swap3A_132 = arith.constant 0 : index
    %swap3A_133 = arith.constant 0 : index
    %swap3A_134 = arith.constant 0 : index
    %swap3A_135 = vector.load %arg2[%swap3A, %swap3A_132, %swap3A_133, %swap3A_134] : memref<1x3x512x512xf32, #tpu.memory_space<vmem>>, vector<1x1x512x512xf32>
    %swap3A_136 = vector.shape_cast %swap3A_135 : vector<1x1x512x512xf32> to vector<512x512xf32>
    %swap3A_137 = vector.shape_cast %sub3A_131 : vector<512x512xf32> to vector<1x1x512x512xf32>
    tpu.vector_store %arg2[%swap3A, %swap3A_132, %swap3A_133, %swap3A_134], %swap3A_137 {strides = array<i32>} : memref<1x3x512x512xf32, #tpu.memory_space<vmem>>, vector<1x1x512x512xf32>,
    %sub3A_138 = arith.subf %select_n3A_50, %select_n3A_88 : vector<512x512xf32>
    %mul3A_139 = arith.constant 5.000000e+02 : f32
    %mul3A_140 = vector.broadcast %mul3A_139 : f32 to vector<512x512xf32>
    %mul3A_141 = arith.mulf %mul3A_140, %sub3A_138 : vector<512x512xf32>
    %swap3A_142 = arith.constant 0 : index
    %swap3A_143 = arith.constant 1 : index
    %swap3A_144 = arith.constant 0 : index
    %swap3A_145 = arith.constant 0 : index
    %swap3A_146 = vector.load %arg2[%swap3A_142, %swap3A_143, %swap3A_144, %swap3A_145] : memref<1x3x512x512xf32, #tpu.memory_space<vmem>>, vector<1x1x512x512xf32>
    %swap3A_147 = vector.shape_cast %swap3A_146 : vector<1x1x512x512xf32> to vector<512x512xf32>
    %swap3A_148 = vector.shape_cast %mul3A_141 : vector<512x512xf32> to vector<1x1x512x512xf32>
    tpu.vector_store %arg2[%swap3A_142, %swap3A_143, %swap3A_144, %swap3A_145], %swap3A_148 {strides = array<i32>} : memref<1x3x512x512xf32, #tpu.memory_space<vmem>>, vector<1x1x512x512xf32>,
    %sub3A_149 = arith.subf %select_n3A_88, %select_n3A_126 : vector<512x512xf32>
    %mul3A_150 = arith.constant 2.000000e+02 : f32
    %mul3A_151 = vector.broadcast %mul3A_150 : f32 to vector<512x512xf32>
    %mul3A_152 = arith.mulf %mul3A_151, %sub3A_149 : vector<512x512xf32>
    %swap3A_153 = arith.constant 0 : index
    %swap3A_154 = arith.constant 2 : index
    %swap3A_155 = arith.constant 0 : index
    %swap3A_156 = arith.constant 0 : index
    %swap3A_157 = vector.load %arg2[%swap3A_153, %swap3A_154, %swap3A_155, %swap3A_156] : memref<1x3x512x512xf32, #tpu.memory_space<vmem>>, vector<1x1x512x512xf32>
    %swap3A_158 = vector.shape_cast %swap3A_157 : vector<1x1x512x512xf32> to vector<512x512xf32>
    %swap3A_159 = vector.shape_cast %mul3A_152 : vector<512x512xf32> to vector<1x1x512x512xf32>
    tpu.vector_store %arg2[%swap3A_153, %swap3A_154, %swap3A_155, %swap3A_156], %swap3A_159 {strides = array<i32>} : memref<1x3x512x512xf32, #tpu.memory_space<vmem>>, vector<1x1x512x512xf32>,
    return
  }
  func.func @transform_0(%arg0: i32) -> (i32, i32, i32, i32) {
    %c0_i32 = arith.constant 0 : i32
    %c0_i32_0 = arith.constant 0 : i32
    %c0_i32_1 = arith.constant 0 : i32
    %c0_i32_2 = arith.constant 0 : i32
    return %arg0, %c0_i32, %c0_i32_0, %c0_i32_1 : i32, i32, i32, i32
  }
  func.func @transform_1(%arg0: i32) -> (i32, i32, i32, i32) {
    %c0_i32 = arith.constant 0 : i32
    %c0_i32_0 = arith.constant 0 : i32
    %c0_i32_1 = arith.constant 0 : i32
    %c0_i32_2 = arith.constant 0 : i32
    return %arg0, %c0_i32, %c0_i32_0, %c0_i32_1 : i32, i32, i32, i32
  }
}

</mosaic_0001>

<sc_bundles>
// kernel: kernel.4.cloned.1.call-start
scs
__scs_entry_jumppad:
0x0: {  	(pc) =	sbr.rel $0x88, $3  }
0x1: {  	(tag) =	ssettag $0x0;
	lr =	simm.s32 $0x1  }
0x2: {  	[smem:$0x3F9F] =	sst lr;
	_ =	strace $0xD0000000  }
0x3: {  	_ = 	snop  }
0x4: {  	_ = 	snop  }
0x5: {  	_ = 	snop  }
0x6: {  	_ = 	snop  }
0x7: {  	_ = 	snop  }
__scs_overlays_trampoline_lowered:
0x8: {  	[smem:$0x3FAE] =	sst s0  }
0x9: {  	[smem:$0x3FAF] =	sst s1  }
0xa: {  	[smem:$0x3FB0] =	sst s2  }
0xb: {  	[smem:$0x3FB1] =	sst s3  }
0xc: {  	[smem:$0x3FB2] =	sst s4  }
0xd: {  	[smem:$0x3FB3] =	sst s5  }
0xe: {  	[smem:$0x3FB4] =	sst s6  }
0xf: {  	[smem:$0x3FB5] =	sst s7  }
0x10: {  	[smem:$0x3FB6] =	sst s8  }
0x11: {  	[smem:$0x3FB7] =	sst s9;
	s0 =	simm.s32 @!p0 $0x0  }
0x12: {  	s1 =	sld [smem:$0x3F9D];
	s0 =	simm.s32 @p0 $0x1  }
0x13: {  	[smem:$0x3FB8] =	sst s0;
	s0 =	simm.s32 @!p1 $0x0  }
0x14: {  	s2 =	sld [smem:$0x3F9C];
	s0 =	simm.s32 @p1 $0x1  }
0x15: {  	[smem:$0x3FB9] =	sst s0;
	s0 =	simm.s32 @!p2 $0x0  }
0x16: {  	s3 =	sld [smem:$0x3FDB];
	s0 =	simm.s32 @p2 $0x1  }
0x17: {  	s4 =	simm.s32 $0x1BF5;
	[smem:$0x3FBB] =	sst s0  }
0x18: {  	s0 =	sld [smem:$0x3F9E];
	_ =	swait.ge [sflag:s4], $0x0  }
0x19: {  	s7 =	sld [smem:$0x3F9F]  }
0x1a: {  	s8 =	sadd.s32 $0xFFFFE003, lr  }
0x1b: {  	s9 =	sadd.s32 $0xFFFFFEF7, lr;
	s5 =	simm.s32 $0xFFFFFFFF;
	p2 =	slt.u32 s8, $0xFFFFF086  }
0x1c: {  	p1 =	slt.u32 s9, $0xF7A;
	s5 =	simm.s32 @!p2 $0x0  }
0x1d: {  	s5 =	simm.s32 @p1 $0x1;
	p0 =	seq.s32 s7, s2  }
0x1e: {  	s7 =	smul.u32 @!p0 $0xF7A, s2;
	p2 =	seq.s32 @!p0 s5, $0x0  }
0x1f: {  	s9 =	smul.u32 $0xF7A, s1;
	s8 =	simm.s32 @!p0 $0x1BF5;
	p2 =	por !p2, p0  }
0x20: {  	[sflag:s8] =	ssyncset.s32 @!p0 $0xFFFFF086;
	s6 =	sadd.s32 @!p0 s3, s7;
	s7 =	simm.s32 @!p0 $0x108  }
0x21: {  	s3 =	sadd.s32 s3, s9;
	s6 =	sadd.s32 @!p0 $0x88, s6;
	s7 =	simm.s32 @p2 $0x1082  }
0x22: {  	[simem:s7], [sflag:s8] =	dma.local @!p0 [hbm:s6], $0xF7A  }
0x23: {  	s9 =	sor.u32 $0xD0000000, s2;
	s6 =	simm.s32 $0x108;
	_ =	swait.ge @!p0 [sflag:s8], $0x0  }
0x24: {  	s3 =	sadd.s32 $0x88, s3;
	s6 =	simm.s32 @!p1 $0x1082;
	[sflag:s4] =	ssyncset.s32 $0xFFFFF086  }
0x25: {  	[simem:s6], [sflag:s4] =	dma.local [hbm:s3], $0xF7A  }
0x26: {  	[smem:$0x3F9F] =	sst s1;
	(tag) =	ssettag s2;
	_ =	strace s9  }
0x27: {  	s1 =	sld [smem:$0x3FAF]  }
0x28: {  	s2 =	sld [smem:$0x3FB0]  }
0x29: {  	s4 =	sld [smem:$0x3FB2]  }
0x2a: {  	p0 =	seq.s32 s5, $0x0;
	s5 =	sld [smem:$0x3FB3]  }
0x2b: {  	s6 =	sld [smem:$0x3FB4]  }
0x2c: {  	s7 =	sld [smem:$0x3FB5]  }
0x2d: {  	s3 =	simm.s32 $0x108;
	s8 =	sld [smem:$0x3FB6]  }
0x2e: {  	s3 =	simm.s32 @!p0 $0x1082;
	s9 =	sld [smem:$0x3FB7]  }
0x2f: {  	lr =	sadd.s32 s0, s3;
	s0 =	sld [smem:$0x3FAE]  }
0x30: {  	s3 =	sld [smem:$0x3FB1]  }
0x31: {  	[smem:$0x3FBA] =	sst s10  }
0x32: {  	s10 =	sld [smem:$0x3FB8];
	_ =	sdelay $0x3  }
0x33: {  	p0 =	seq.s32 s10, $0x1;
	s10 =	sld [smem:$0x3FBA];
	_ =	sdelay $0x3  }
0x34: {  	[smem:$0x3FBA] =	sst s10  }
0x35: {  	s10 =	sld [smem:$0x3FB9];
	_ =	sdelay $0x3  }
0x36: {  	p1 =	seq.s32 s10, $0x1;
	s10 =	sld [smem:$0x3FBA];
	_ =	sdelay $0x3  }
0x37: {  	[smem:$0x3FBA] =	sst s10  }
0x38: {  	s10 =	sld [smem:$0x3FBB]  }
0x39: {  	_ = 	snop;
	(pc) =	sbr.ind lr, $3  }
0x3a: {  	_ = 	snop  }
0x3b: {  	_ = 	snop  }
0x3c: {  	p2 =	seq.s32 s10, $0x1;
	s10 =	sld [smem:$0x3FBA]  }
0x3d: {  	_ =	shalt  }
0x3e: {  	_ =	shalt  }
0x3f: {  	_ =	shalt  }
0x40: {  	_ =	shalt  }
0x41: {  	_ =	shalt  }
0x42: {  	_ =	shalt  }
0x43: {  	_ =	shalt  }
0x44: {  	_ =	shalt  }
0x45: {  	_ =	shalt  }
0x46: {  	_ =	shalt  }
0x47: {  	_ =	shalt  }
0x48: {  	_ =	shalt  }
0x49: {  	_ =	shalt  }
0x4a: {  	_ =	shalt  }
0x4b: {  	_ =	shalt  }
0x4c: {  	_ =	shalt  }
0x4d: {  	_ =	shalt  }
0x4e: {  	_ =	shalt  }
0x4f: {  	_ =	shalt  }
0x50: {  	_ =	shalt  }
0x51: {  	_ =	shalt  }
0x52: {  	_ =	shalt  }
0x53: {  	_ =	shalt  }
0x54: {  	_ =	shalt  }
0x55: {  	_ =	shalt  }
0x56: {  	_ =	shalt  }
0x57: {  	_ =	shalt  }
0x58: {  	_ =	shalt  }
0x59: {  	_ =	shalt  }
0x5a: {  	_ =	shalt  }
0x5b: {  	_ =	shalt  }
0x5c: {  	_ =	shalt  }
0x5d: {  	_ =	shalt  }
0x5e: {  	_ =	shalt  }
0x5f: {  	_ =	shalt  }
0x60: {  	_ =	shalt  }
0x61: {  	_ =	shalt  }
0x62: {  	_ =	shalt  }
0x63: {  	_ =	shalt  }
0x64: {  	_ =	shalt  }
0x65: {  	_ =	shalt  }
0x66: {  	_ =	shalt  }
0x67: {  	_ =	shalt  }
0x68: {  	_ =	shalt  }
0x69: {  	_ =	shalt  }
0x6a: {  	_ =	shalt  }
0x6b: {  	_ =	shalt  }
0x6c: {  	_ =	shalt  }
0x6d: {  	_ =	shalt  }
0x6e: {  	_ =	shalt  }
0x6f: {  	_ =	shalt  }
0x70: {  	_ =	shalt  }
0x71: {  	_ =	shalt  }
0x72: {  	_ =	shalt  }
0x73: {  	_ =	shalt  }
0x74: {  	_ =	shalt  }
0x75: {  	_ =	shalt  }
0x76: {  	_ =	shalt  }
0x77: {  	_ =	shalt  }
0x78: {  	_ =	shalt  }
0x79: {  	_ =	shalt  }
0x7a: {  	_ =	shalt  }
0x7b: {  	_ =	shalt  }
0x7c: {  	_ =	shalt  }
0x7d: {  	_ =	shalt  }
0x7e: {  	_ =	shalt  }
0x7f: {  	_ =	shalt  }
0x80: {  	_ =	shalt  }
0x81: {  	_ =	shalt  }
0x82: {  	_ =	shalt  }
0x83: {  	_ =	shalt  }
0x84: {  	_ =	shalt  }
0x85: {  	_ =	shalt  }
0x86: {  	_ =	shalt  }
0x87: {  	_ =	shalt  }
.Lfunc_end0:
.L_simem_size_0:
called_computation_lowered:
.L_overlay_start_0:
0x88: {  	s2 =	sld [smem:$0x3FD9]  }
0x89: {  	s3 =	sld [smem:$0x3FFE];
	_ =	sdelay $0x1  }
0x8a: {  	s1 =	srdreg.scid  }
0x8b: {  	s0 =	sand.u32 $0x1, s1  }
0x8c: {  	s16 =	sshll.u32 s0, $0xA;
	s2 =	sadd.s32 s3, s2  }
0x8d: {  	s2 =	sadd.s32 s2, s16  }
0x8e: {  	[smem:$0x3FC6] =	sst s2  }
0x8f: {  	_ = 	snop  }
0x90: {  	(tm) =	ssettm $0x1  }
0x91: {  	s17 =	sld [smem:$0x3FFB];
	_ =	sdelay $0x3  }
0x92: {  	_ =	strace s17  }
0x93: {  	s2 =	sld [smem:$0x3FFC];
	_ =	sdelay $0x3  }
0x94: {  	_ =	strace s2  }
0x95: {  	s2 =	sld [smem:$0x3FFD];
	_ =	sdelay $0x3  }
0x96: {  	_ =	strace s2  }
0x97: {  	_ =	strace $0x8FFFFFFF  }
0x98: {  	s18 =	sld [smem:$0x3FDB];
	_ =	sdelay $0x1  }
0x99: {  	s19 =	simm.s32 $_scs_section_size  }
0x9a: {  	s4 =	simm.s32 $_size__tile_overlayer_lowered;
	s5 =	simm.s32 $_tile_overlayer_lowered  }
0x9b: {  	s22 =	simm.s32 $0x1BFF;
	s21 =	sshll.u32 s5, $0x1;
	s2 =	sadd.s32 s19, s18  }
0x9c: {  	s6 =	simm.s32 $0x0;
	s20 =	sshll.u32 s4, $0x1;
	s4 =	sadd.s32 s21, s2  }
0x9d: {  	[timem:s6], [sflag:s22] =	dma.local [hbm:s4], s20  }
0x9e: {  	_ =	swait.ge [sflag:s22], s20  }
0x9f: {  	s3 =	ssub.s32 $0x0, s20;
	[sflag:s22] =	ssyncset.done $0x0  }
0xa0: {  	[sflag:s22] =	ssyncadd.s32 s3;
	_ =	sdelay $0x1  }
0xa1: {  	s23 =	simm.s32 $0x1B8B  }
0xa2: {  	_ =	swait.ge [sflag:s23], $0x1  }
0xa3: {  	[sflag:s23] =	ssyncset.done $0x0  }
0xa4: {  	s25 =	simm.s32 $0x1B8E;
	s24 =	sld [smem:$0x3FFE];
	[sflag:s23] =	ssyncadd.s32 $0xFFFFFFFF  }
0xa5: {  	s26 =	simm.s32 $execute0_lowered;
	[smem:$0x3FD2] =	sst s25  }
0xa6: {  	s4 =	sshll.u32 s26, $0x1;
	_ =	strace $0x80000046;
	[dreg:$0x1] =	wrdreg $0xFFFFFFFF  }
0xa7: {  	s28 =	simm.s32 $_size_execute0_lowered;
	s2 =	sadd.s32 s2, s4;
	[dreg:$0x0] =	wrdreg $0x0  }
0xa8: {  	s4 =	sshll.u32 s28, $0x1;
	[dreg:$0x2] =	wrdreg s2  }
0xa9: {  	[dreg:$0x3] =	wrdreg s4  }
0xaa: {  	[dreg:$0x4] =	wrdreg $0xC0  }
0xab: {  	_ =	task [dreg:s6], $0x5FFFF  }
0xac: {  	[dreg:$0x1] =	wrdreg $0xFFFFFFFF  }
0xad: {  	[dreg:$0x0] =	wrdreg $0x60  }
0xae: {  	[dreg:$0x2] =	wrdreg s24  }
0xaf: {  	[dreg:$0x3] =	wrdreg $0x9  }
0xb0: {  	_ =	task.clear_ibuf [dreg:s6], $0x4FFFF;
	_ =	strace $0x90000046  }
0xb1: {  	s29 =	simm.s32 $0x9;
	_ =	strace $0x80000048  }
0xb2: {  	_ =	swait.ge [sflag:s29], $0x1  }
0xb3: {  	[sflag:s29] =	ssyncadd.s32 $0xFFFFFFFF  }
0xb4: {  	_ =	strace $0x90000048  }
0xb5: {  	_ =	sfence  }
0xb6: {  	s30 =	sld [smem:$0x0];
	_ =	sdelay $0x2  }
0xb7: {  	s31 =	sshll.u32 s1, $0xD;
	s1 =	sshrl.u32 s1, $0x2  }
0xb8: {  	s3 =	sand.u32 $0x4000, s31;
	s1 =	sadd.s32 s1, s30  }
0xb9: {  	s0 =	sor.u32 s3, s0;
	s1 =	sshll.u32 s1, $0x11  }
0xba: {  	s0 =	sor.u32 s1, s0  }
0xbb: {  	s0 =	sadd.s32 $0x8F2B, s0  }
0xbc: {  	[sflag:s0] =	ssyncadd.remote.s32 $0x1  }
0xbd: {  	_ =	sfence.sel $0xFFFF  }
0xbe: {  	[dreg:$0x0] =	wrdreg $0xFFFFFFFF;
	(pc) =	sbr.abs _section_cstart, $3  }
0xbf: {  	[dreg:$0x1] =	wrdreg $0xFFFFFFFF  }
0xc0: {  	_ =	task.clear_ibuf [dreg:s6], $0x2FFFF;
	_ =	strace $0x9FFFFFFF  }
0xc1: {  	(tm) =	ssettm $0x7FFFFFFF  }
tec
execute0_lowered:
.L_overlay_start_1:
0x0: {  	(tag) =	ssettag $0x1  }
0x1: {  	s2 =	rddreg [dreg:$0x0];
	s11 =	simm.s32 $0x0;
	s0 =	srdreg.scid  }
0x2: {  	s1 =	stileid.u32;
	s13 =	simm.s32 $0x4;
	s19 =	simm.s32 $0x80  }
0x3: {  	s22 =	simm.s32 $0xD800;
	s24 =	simm.s32 $0xEB80;
	s26 =	simm.s32 $0xEC00  }
0x4: {  	s29 =	simm.s32 $0xEC80;
	s31 =	simm.s32 $0xED00;
	s17 =	simm.s32 $0xEE00  }
0x5: {  	v0 =	vimm.s32 $0xEFCDAB89;
	v1 =	vimm.s32 $0x67452301;
	s20 =	simm.s32 $0x2;
	s21 =	simm.s32 $0x3;
	[smem:$0x7FF] =	sst s11  }
0x6: {  	v2 =	vimm.s32 $0xDCFE98BA;
	v3 =	vimm.s32 $0x54761032;
	s0 =	sand.u32 $0x1, s0;
	s1 =	sshll.u32 s1, $0x1;
	s4 =	sadd.s32 $0xA0000, s2  }
0x7: {  	v4 =	vimm.s32 $0xBA98FEDC;
	s5 =	sadd.s32 $0x80000, s2;
	s6 =	sadd.s32 $0x60000, s2;
	s7 =	sadd.s32 $0x40000, s2  }
0x8: {  	v5 =	vimm.s32 $0x32107654;
	v6 =	vimm.s32 $0xFEDCBA98;
	s8 =	sadd.s32 $0x20000, s2;
	s12 =	sadd.s32 $0xC0600, s2;
	s1 =	sor.u32 s0, s1  }
0x9: {  	v7 =	vimm.s32 $0x76543210;
	_ =	strace $0x80000047;
	s0 =	ssub.s32 $0x2, s0;
	s3 =	smul.u32 $0x2A, s1  }
0xa: {  	v0 =	vunpack.c.l.s4.s8 v0;
	v1 =	vunpack.c.l.s4.s8 v1;
	v2 =	vunpack.c.l.s4.s8 v2;
	s10 =	smul.u32 $0x54000, s1;
	s1 =	sshll.u32 s1, $0x1;
	s9 =	sshrl.u32 s0, $0x1  }
0xb: {  	v3 =	vunpack.c.l.s4.s8 v3;
	v4 =	vunpack.c.l.s4.s8 v4;
	v5 =	vunpack.c.l.s4.s8 v5;
	[dreg:$0x3] =	wrdreg s12;
	s1 =	sadd.s32 s1, s2;
	s0 =	ssub.s32 s0, s9  }
0xc: {  	v6 =	vunpack.c.l.s4.s8 v6;
	v7 =	vunpack.c.l.s4.s8 v7;
	v0 =	vunpack.c.0.s8.s32 v0;
	s9 =	simm.s32 $0xEF00;
	[dreg:$0x2] =	wrdreg s10;
	s1 =	sadd.s32 $0x210600, s1  }
0xd: {  	v1 =	vunpack.c.0.s8.s32 v1;
	v2 =	vunpack.c.0.s8.s32 v2;
	v3 =	vunpack.c.0.s8.s32 v3;
	s3 =	sadd.s32 s3, s2;
	s0 =	smax.u32 s0, $0x1;
	[dreg:$0x7] =	wrdreg s1  }
0xe: {  	v4 =	vunpack.c.0.s8.s32 v4;
	v5 =	vunpack.c.0.s8.s32 v5;
	v6 =	vunpack.c.0.s8.s32 v6;
	s10 =	sshrl.u32 s10, $0x3;
	s3 =	sadd.s32 $0xC0000, s3;
	[dreg:$0x8] =	wrdreg s0  }
0xf: {  	v7 =	vunpack.c.0.s8.s32 v7;
	v0 =	vcombine.low v1, v0;
	s28 =	sadd.s32 s12, s10;
	s1 =	simm.s32 $0xED80;
	[dreg:$0x5] =	wrdreg s3  }
0x10: {  	v1 =	vcombine.low v3, v2;
	v2 =	vcombine.low v5, v4;
	v4 =	vand.u32 $0xF, v6;
	s10 =	simm.s32 $0xEF80;
	[dreg:$0x4] =	wrdreg s28;
	s30 =	sadd.s32 $0x800, s28  }
0x11: {  	v3 =	vimm.s32 $0x0;
	v5 =	vlaneseq.u32;
	v4 =	vcombine.low v4, v7;
	s12 =	simm.s32 $0x0;
	s3 =	simm.s32 $0xEE80;
	[dreg:$0x6] =	wrdreg s30  }
.LBB2_1:
0x12: {  	[dreg:$0x9] =	wrdreg s12  }
0x13: {  	s0 =	rddreg [dreg:$0x5];
	s30 =	simm.s32 $0xF000  }
0x14: {  	[tilespmem:s30], [sflag:$0x4] =	stream.linear.gather [hbm4b:s0+s11], $0x150, $0x38;
	[tilespmem:$0xF160] =	vst v63  }
0x15: {  	_ =	swait.ge [sflag:s13], $0x150  }
0x16: {  	[sflag:s13] =	ssyncset.done $0x0  }
0x17: {  	s12 =	rddreg [dreg:$0x4];
	[sflag:s13] =	ssyncadd.s32 $0xFFFFFEB0  }
0x18: {  	[tilespmem:s11], [sflag:$0x4] =	stream.linear.gather [hbm4b:s12+s11], $0x4000, $0x38;
	[tilespmem:$0xF160] =	vst v63  }
0x19: {  	_ =	swait.ge [sflag:s13], $0x4000  }
0x1a: {  	[sflag:s13] =	ssyncset.done $0x0  }
0x1b: {  	s14 =	simm.s32 $0x4000;
	[sflag:s13] =	ssyncadd.s32 $0xFFFFC000;
	s13 =	rddreg [dreg:$0x6]  }
0x1c: {  	[tilespmem:s14], [sflag:$0x1] =	stream.linear.gather [hbm4b:s13+s11], $0x4000, $0x38;
	[tilespmem:$0xF160] =	vst v63  }
0x1d: {  	s15 =	simm.s32 $0xC000  }
0x1e: {  	[tilespmem:s15], [sflag:$0x2] =	stream.indirect.gather [hbm4b:s4+s19], $0x1, s11, s19, $0xb8;
	[tilespmem:$0xF160] =	vst v63  }
0x1f: {  	s16 =	simm.s32 $0xC080  }
0x20: {  	[tilespmem:s16], [sflag:$0x2] =	stream.indirect.gather [hbm4b:s4+s19], $0x1, s19, s19, $0xb8;
	[tilespmem:$0xF160] =	vst v63  }
0x21: {  	s18 =	simm.s32 $0xC100;
	s0 =	simm.s32 $0x100  }
0x22: {  	[tilespmem:s18], [sflag:$0x2] =	stream.indirect.gather [hbm4b:s4+s19], $0x1, s0, s19, $0xb8;
	[tilespmem:$0xF160] =	vst v63  }
0x23: {  	s23 =	simm.s32 $0xC180;
	s12 =	simm.s32 $0x180  }
0x24: {  	[tilespmem:s23], [sflag:$0x2] =	stream.indirect.gather [hbm4b:s4+s19], $0x1, s12, s19, $0xb8;
	[tilespmem:$0xF160] =	vst v63  }
0x25: {  	s13 =	simm.s32 $0x200;
	s14 =	simm.s32 $0xC200  }
0x26: {  	[tilespmem:s14], [sflag:$0x2] =	stream.indirect.gather [hbm4b:s4+s19], $0x1, s13, s19, $0xb8;
	[tilespmem:$0xF160] =	vst v63  }
0x27: {  	s15 =	simm.s32 $0xC280;
	s14 =	simm.s32 $0x280  }
0x28: {  	[tilespmem:s15], [sflag:$0x2] =	stream.indirect.gather [hbm4b:s4+s19], $0x1, s14, s19, $0xb8;
	[tilespmem:$0xF160] =	vst v63  }
0x29: {  	s16 =	simm.s32 $0xC300;
	s15 =	simm.s32 $0x300  }
0x2a: {  	[tilespmem:s16], [sflag:$0x2] =	stream.indirect.gather [hbm4b:s4+s19], $0x1, s15, s19, $0xb8;
	[tilespmem:$0xF160] =	vst v63  }
0x2b: {  	s18 =	simm.s32 $0xC380;
	s16 =	simm.s32 $0x380  }
0x2c: {  	[tilespmem:s18], [sflag:$0x2] =	stream.indirect.gather [hbm4b:s4+s19], $0x1, s16, s19, $0xb8;
	[tilespmem:$0xF160] =	vst v63  }
0x2d: {  	s25 =	simm.s32 $0xC400  }
0x2e: {  	[tilespmem:s25], [sflag:$0x2] =	stream.indirect.gather [hbm4b:s5+s19], $0x1, s11, s19, $0xb8;
	[tilespmem:$0xF160] =	vst v63  }
0x2f: {  	s28 =	simm.s32 $0xC480  }
0x30: {  	[tilespmem:s28], [sflag:$0x2] =	stream.indirect.gather [hbm4b:s5+s19], $0x1, s19, s19, $0xb8;
	[tilespmem:$0xF160] =	vst v63  }
0x31: {  	s30 =	simm.s32 $0xC500  }
0x32: {  	[tilespmem:s30], [sflag:$0x2] =	stream.indirect.gather [hbm4b:s5+s19], $0x1, s0, s19, $0xb8;
	[tilespmem:$0xF160] =	vst v63  }
0x33: {  	s23 =	simm.s32 $0xC580  }
0x34: {  	[tilespmem:s23], [sflag:$0x2] =	stream.indirect.gather [hbm4b:s5+s19], $0x1, s12, s19, $0xb8;
	[tilespmem:$0xF160] =	vst v63  }
0x35: {  	s25 =	simm.s32 $0xC600  }
0x36: {  	[tilespmem:s25], [sflag:$0x2] =	stream.indirect.gather [hbm4b:s5+s19], $0x1, s13, s19, $0xb8;
	[tilespmem:$0xF160] =	vst v63  }
0x37: {  	s28 =	simm.s32 $0xC680  }
0x38: {  	[tilespmem:s28], [sflag:$0x2] =	stream.indirect.gather [hbm4b:s5+s19], $0x1, s14, s19, $0xb8;
	[tilespmem:$0xF160] =	vst v63  }
0x39: {  	s30 =	simm.s32 $0xC700  }
0x3a: {  	[tilespmem:s30], [sflag:$0x2] =	stream.indirect.gather [hbm4b:s5+s19], $0x1, s15, s19, $0xb8;
	[tilespmem:$0xF160] =	vst v63  }
0x3b: {  	s23 =	simm.s32 $0xC780  }
0x3c: {  	[tilespmem:s23], [sflag:$0x2] =	stream.indirect.gather [hbm4b:s5+s19], $0x1, s16, s19, $0xb8;
	[tilespmem:$0xF160] =	vst v63  }
0x3d: {  	s25 =	simm.s32 $0xC800  }
0x3e: {  	[tilespmem:s25], [sflag:$0x2] =	stream.indirect.gather [hbm4b:s6+s19], $0x1, s11, s19, $0xb8;
	[tilespmem:$0xF160] =	vst v63  }
0x3f: {  	s28 =	simm.s32 $0xC880  }
0x40: {  	[tilespmem:s28], [sflag:$0x2] =	stream.indirect.gather [hbm4b:s6+s19], $0x1, s19, s19, $0xb8;
	[tilespmem:$0xF160] =	vst v63  }
0x41: {  	s30 =	simm.s32 $0xC900  }
0x42: {  	[tilespmem:s30], [sflag:$0x2] =	stream.indirect.gather [hbm4b:s6+s19], $0x1, s0, s19, $0xb8;
	[tilespmem:$0xF160] =	vst v63  }
0x43: {  	s23 =	simm.s32 $0xC980  }
0x44: {  	[tilespmem:s23], [sflag:$0x2] =	stream.indirect.gather [hbm4b:s6+s19], $0x1, s12, s19, $0xb8;
	[tilespmem:$0xF160] =	vst v63  }
0x45: {  	s25 =	simm.s32 $0xCA00  }
0x46: {  	[tilespmem:s25], [sflag:$0x2] =	stream.indirect.gather [hbm4b:s6+s19], $0x1, s13, s19, $0xb8;
	[tilespmem:$0xF160] =	vst v63  }
0x47: {  	s28 =	simm.s32 $0xCA80  }
0x48: {  	[tilespmem:s28], [sflag:$0x2] =	stream.indirect.gather [hbm4b:s6+s19], $0x1, s14, s19, $0xb8;
	[tilespmem:$0xF160] =	vst v63  }
0x49: {  	s30 =	simm.s32 $0xCB00  }
0x4a: {  	[tilespmem:s30], [sflag:$0x2] =	stream.indirect.gather [hbm4b:s6+s19], $0x1, s15, s19, $0xb8;
	[tilespmem:$0xF160] =	vst v63  }
0x4b: {  	s23 =	simm.s32 $0xCB80  }
0x4c: {  	[tilespmem:s23], [sflag:$0x2] =	stream.indirect.gather [hbm4b:s6+s19], $0x1, s16, s19, $0xb8;
	[tilespmem:$0xF160] =	vst v63  }
0x4d: {  	s25 =	simm.s32 $0xCC00  }
0x4e: {  	[tilespmem:s25], [sflag:$0x2] =	stream.indirect.gather [hbm4b:s7+s19], $0x1, s11, s19, $0xb8;
	[tilespmem:$0xF160] =	vst v63  }
0x4f: {  	s28 =	simm.s32 $0xCC80  }
0x50: {  	[tilespmem:s28], [sflag:$0x2] =	stream.indirect.gather [hbm4b:s7+s19], $0x1, s19, s19, $0xb8;
	[tilespmem:$0xF160] =	vst v63  }
0x51: {  	s30 =	simm.s32 $0xCD00  }
0x52: {  	[tilespmem:s30], [sflag:$0x2] =	stream.indirect.gather [hbm4b:s7+s19], $0x1, s0, s19, $0xb8;
	[tilespmem:$0xF160] =	vst v63  }
0x53: {  	s23 =	simm.s32 $0xCD80  }
0x54: {  	[tilespmem:s23], [sflag:$0x2] =	stream.indirect.gather [hbm4b:s7+s19], $0x1, s12, s19, $0xb8;
	[tilespmem:$0xF160] =	vst v63  }
0x55: {  	s25 =	simm.s32 $0xCE00  }
0x56: {  	[tilespmem:s25], [sflag:$0x2] =	stream.indirect.gather [hbm4b:s7+s19], $0x1, s13, s19, $0xb8;
	[tilespmem:$0xF160] =	vst v63  }
0x57: {  	s28 =	simm.s32 $0xCE80  }
0x58: {  	[tilespmem:s28], [sflag:$0x2] =	stream.indirect.gather [hbm4b:s7+s19], $0x1, s14, s19, $0xb8;
	[tilespmem:$0xF160] =	vst v63  }
0x59: {  	s30 =	simm.s32 $0xCF00  }
0x5a: {  	[tilespmem:s30], [sflag:$0x2] =	stream.indirect.gather [hbm4b:s7+s19], $0x1, s15, s19, $0xb8;
	[tilespmem:$0xF160] =	vst v63  }
0x5b: {  	s23 =	simm.s32 $0xCF80  }
0x5c: {  	[tilespmem:s23], [sflag:$0x2] =	stream.indirect.gather [hbm4b:s7+s19], $0x1, s16, s19, $0xb8;
	[tilespmem:$0xF160] =	vst v63  }
0x5d: {  	s25 =	simm.s32 $0xD000  }
0x5e: {  	[tilespmem:s25], [sflag:$0x2] =	stream.indirect.gather [hbm4b:s8+s19], $0x1, s11, s19, $0xb8;
	[tilespmem:$0xF160] =	vst v63  }
0x5f: {  	s28 =	simm.s32 $0xD080  }
0x60: {  	[tilespmem:s28], [sflag:$0x2] =	stream.indirect.gather [hbm4b:s8+s19], $0x1, s19, s19, $0xb8;
	[tilespmem:$0xF160] =	vst v63  }
0x61: {  	s30 =	simm.s32 $0xD100  }
0x62: {  	[tilespmem:s30], [sflag:$0x2] =	stream.indirect.gather [hbm4b:s8+s19], $0x1, s0, s19, $0xb8;
	[tilespmem:$0xF160] =	vst v63  }
0x63: {  	s23 =	simm.s32 $0xD180  }
0x64: {  	[tilespmem:s23], [sflag:$0x2] =	stream.indirect.gather [hbm4b:s8+s19], $0x1, s12, s19, $0xb8;
	[tilespmem:$0xF160] =	vst v63  }
0x65: {  	s25 =	simm.s32 $0xD200  }
0x66: {  	[tilespmem:s25], [sflag:$0x2] =	stream.indirect.gather [hbm4b:s8+s19], $0x1, s13, s19, $0xb8;
	[tilespmem:$0xF160] =	vst v63  }
0x67: {  	s28 =	simm.s32 $0xD280  }
0x68: {  	[tilespmem:s28], [sflag:$0x2] =	stream.indirect.gather [hbm4b:s8+s19], $0x1, s14, s19, $0xb8;
	[tilespmem:$0xF160] =	vst v63  }
0x69: {  	s30 =	simm.s32 $0xD300  }
0x6a: {  	[tilespmem:s30], [sflag:$0x2] =	stream.indirect.gather [hbm4b:s8+s19], $0x1, s15, s19, $0xb8;
	[tilespmem:$0xF160] =	vst v63  }
0x6b: {  	s23 =	simm.s32 $0xD380  }
0x6c: {  	[tilespmem:s23], [sflag:$0x2] =	stream.indirect.gather [hbm4b:s8+s19], $0x1, s16, s19, $0xb8;
	[tilespmem:$0xF160] =	vst v63  }
0x6d: {  	s25 =	simm.s32 $0xD400  }
0x6e: {  	[tilespmem:s25], [sflag:$0x2] =	stream.indirect.gather [hbm4b:s2+s19], $0x1, s11, s19, $0xb8;
	[tilespmem:$0xF160] =	vst v63  }
0x6f: {  	s28 =	simm.s32 $0xD480  }
0x70: {  	[tilespmem:s28], [sflag:$0x2] =	stream.indirect.gather [hbm4b:s2+s19], $0x1, s19, s19, $0xb8;
	[tilespmem:$0xF160] =	vst v63  }
0x71: {  	s30 =	simm.s32 $0xD500  }
0x72: {  	[tilespmem:s30], [sflag:$0x2] =	stream.indirect.gather [hbm4b:s2+s19], $0x1, s0, s19, $0xb8;
	[tilespmem:$0xF160] =	vst v63  }
0x73: {  	s18 =	simm.s32 $0xD580  }
0x74: {  	[tilespmem:s18], [sflag:$0x2] =	stream.indirect.gather [hbm4b:s2+s19], $0x1, s12, s19, $0xb8;
	[tilespmem:$0xF160] =	vst v63  }
0x75: {  	s23 =	simm.s32 $0xD600  }
0x76: {  	[tilespmem:s23], [sflag:$0x2] =	stream.indirect.gather [hbm4b:s2+s19], $0x1, s13, s19, $0xb8;
	[tilespmem:$0xF160] =	vst v63  }
0x77: {  	s25 =	simm.s32 $0xD680  }
0x78: {  	[tilespmem:s25], [sflag:$0x2] =	stream.indirect.gather [hbm4b:s2+s19], $0x1, s14, s19, $0xb8;
	[tilespmem:$0xF160] =	vst v63  }
0x79: {  	s28 =	simm.s32 $0xD700  }
0x7a: {  	[tilespmem:s28], [sflag:$0x2] =	stream.indirect.gather [hbm4b:s2+s19], $0x1, s15, s19, $0xb8;
	[tilespmem:$0xF160] =	vst v63  }
0x7b: {  	s30 =	simm.s32 $0xD780;
	s0 =	simm.s32 $0x0  }
0x7c: {  	v6 =	vimm.f32 $0.0e+00;
	[tilespmem:s30], [sflag:$0x2] =	stream.indirect.gather [hbm4b:s2+s19], $0x1, s16, s19, $0xb8;
	[tilespmem:$0xF160] =	vst v63  }
.LBB2_2:
0x7d: {  	p1 =	seq.s32 s0, $0x14  }
0x7e: {  	p0 =	sgt.u32 @!p1 s0, $0x12  }
0x7f: {  	p0 =	por p0, p1  }
0x80: {  	s23 =	sadd.s32 @!p0 $0x2, s0  }
0x81: {  	s25 =	smul.u32 @!p0 $0xAB, s23  }
0x82: {  	s28 =	simm.s32 @!p1 $0x1  }
0x83: {  	_ =	swait.ge @!p1 [sflag:s28], $0x4000;
	s25 =	sshrl.u32 @!p0 s25, $0x9  }
0x84: {  	[sflag:s28] =	ssyncset.done @!p1 $0x0;
	s25 =	sand.u32 @!p0 $0x7F, s25  }
0x85: {  	s11 =	rddreg [dreg:$0x2];
	s30 =	sshll.u32 @!p0 s23, $0xE;
	s25 =	smul.u32 @!p0 $0x3, s25  }
0x86: {  	s18 =	smulhi.u32 $0xAAAAAAAB, s0;
	[sflag:s28] =	ssyncadd.s32 @!p1 $0xFFFFC000;
	s28 =	sadd.s32 @!p0 s11, s30  }
0x87: {  	s11 =	rddreg [dreg:$0x3];
	s30 =	simm.s32 @!p0 $0x0;
	s23 =	ssub.s32 @!p0 s23, s25  }
0x88: {  	s28 =	sshrl.u32 @!p0 s28, $0x3;
	s25 =	sshrl.u32 s18, $0x1;
	s23 =	sand.u32 @!p0 $0xFF, s23  }
0x89: {  	s28 =	sadd.s32 @!p0 s11, s28;
	s25 =	smul.u32 $0x3, s25;
	s23 =	sshll.u32 @!p0 s23, $0xE  }
0x8a: {  	[tilespmem:s23], [sflag:$0x1] =	stream.linear.gather @!p0 [hbm4b:s28+s30], $0x4000, $0x38;
	[tilespmem:$0xF160] =	vst v63  }
0x8b: {  	s30 =	sadd.s32 $0x1, s0;
	s25 =	ssub.s32 s0, s25;
	s23 =	sshll.u32 s0, $0x4  }
0x8c: {  	v7 =	vimm.f32 $0.0e+00;
	s28 =	simm.s32 $0x0;
	[dreg:$0xa] =	wrdreg s30;
	s25 =	sshll.u32 s25, $0xE  }
.LBB2_3:
0x8d: {  	s0 =	sshll.u32 s28, $0xB  }
0x8e: {  	s0 =	sand.u32 $0x3FFFF800, s0  }
0x8f: {  	s0 =	sadd.s32 s0, s25  }
0x90: {  	s30 =	sadd.s32 $0x400, s0  }
0x91: {  	[tilespmem:s22], [sflag:$0x3] =	stream.indirect.gather [hbm4b:s4+s19], $0x1, s30, s19, $0xb8;
	[tilespmem:$0xF160] =	vst v63  }
0x92: {  	s11 =	simm.s32 $0xD880;
	s16 =	sadd.s32 $0x480, s0  }
0x93: {  	[tilespmem:s11], [sflag:$0x3] =	stream.indirect.gather [hbm4b:s4+s19], $0x1, s16, s19, $0xb8;
	[tilespmem:$0xF160] =	vst v63  }
0x94: {  	s12 =	simm.s32 $0xD900;
	s18 =	sadd.s32 $0x500, s0  }
0x95: {  	[tilespmem:s12], [sflag:$0x3] =	stream.indirect.gather [hbm4b:s4+s19], $0x1, s18, s19, $0xb8;
	[tilespmem:$0xF160] =	vst v63  }
0x96: {  	s13 =	simm.s32 $0xD980;
	s12 =	sadd.s32 $0x580, s0  }
0x97: {  	[tilespmem:s13], [sflag:$0x3] =	stream.indirect.gather [hbm4b:s4+s19], $0x1, s12, s19, $0xb8;
	[tilespmem:$0xF160] =	vst v63  }
0x98: {  	s14 =	simm.s32 $0xDA00;
	s13 =	sadd.s32 $0x600, s0  }
0x99: {  	[tilespmem:s14], [sflag:$0x3] =	stream.indirect.gather [hbm4b:s4+s19], $0x1, s13, s19, $0xb8;
	[tilespmem:$0xF160] =	vst v63  }
0x9a: {  	s15 =	simm.s32 $0xDA80;
	s14 =	sadd.s32 $0x680, s0  }
0x9b: {  	[tilespmem:s15], [sflag:$0x3] =	stream.indirect.gather [hbm4b:s4+s19], $0x1, s14, s19, $0xb8;
	[tilespmem:$0xF160] =	vst v63  }
0x9c: {  	s11 =	simm.s32 $0xDB00;
	s15 =	sadd.s32 $0x700, s0  }
0x9d: {  	[tilespmem:s11], [sflag:$0x3] =	stream.indirect.gather [hbm4b:s4+s19], $0x1, s15, s19, $0xb8;
	[tilespmem:$0xF160] =	vst v63  }
0x9e: {  	s0 =	sadd.s32 $0x780, s0;
	s11 =	simm.s32 $0xDB80  }
0x9f: {  	[tilespmem:s11], [sflag:$0x3] =	stream.indirect.gather [hbm4b:s4+s19], $0x1, s0, s19, $0xb8;
	[tilespmem:$0xF160] =	vst v63  }
0xa0: {  	s11 =	simm.s32 $0xDC00  }
0xa1: {  	[tilespmem:s11], [sflag:$0x3] =	stream.indirect.gather [hbm4b:s5+s19], $0x1, s30, s19, $0xb8;
	[tilespmem:$0xF160] =	vst v63  }
0xa2: {  	s11 =	simm.s32 $0xDC80  }
0xa3: {  	[tilespmem:s11], [sflag:$0x3] =	stream.indirect.gather [hbm4b:s5+s19], $0x1, s16, s19, $0xb8;
	[tilespmem:$0xF160] =	vst v63  }
0xa4: {  	s11 =	simm.s32 $0xDD00  }
0xa5: {  	[tilespmem:s11], [sflag:$0x3] =	stream.indirect.gather [hbm4b:s5+s19], $0x1, s18, s19, $0xb8;
	[tilespmem:$0xF160] =	vst v63  }
0xa6: {  	s11 =	simm.s32 $0xDD80  }
0xa7: {  	[tilespmem:s11], [sflag:$0x3] =	stream.indirect.gather [hbm4b:s5+s19], $0x1, s12, s19, $0xb8;
	[tilespmem:$0xF160] =	vst v63  }
0xa8: {  	s11 =	simm.s32 $0xDE00  }
0xa9: {  	[tilespmem:s11], [sflag:$0x3] =	stream.indirect.gather [hbm4b:s5+s19], $0x1, s13, s19, $0xb8;
	[tilespmem:$0xF160] =	vst v63  }
0xaa: {  	s11 =	simm.s32 $0xDE80  }
0xab: {  	[tilespmem:s11], [sflag:$0x3] =	stream.indirect.gather [hbm4b:s5+s19], $0x1, s14, s19, $0xb8;
	[tilespmem:$0xF160] =	vst v63  }
0xac: {  	s11 =	simm.s32 $0xDF00  }
0xad: {  	[tilespmem:s11], [sflag:$0x3] =	stream.indirect.gather [hbm4b:s5+s19], $0x1, s15, s19, $0xb8;
	[tilespmem:$0xF160] =	vst v63  }
0xae: {  	s11 =	simm.s32 $0xDF80  }
0xaf: {  	[tilespmem:s11], [sflag:$0x3] =	stream.indirect.gather [hbm4b:s5+s19], $0x1, s0, s19, $0xb8;
	[tilespmem:$0xF160] =	vst v63  }
0xb0: {  	s11 =	simm.s32 $0xE000  }
0xb1: {  	[tilespmem:s11], [sflag:$0x3] =	stream.indirect.gather [hbm4b:s6+s19], $0x1, s30, s19, $0xb8;
	[tilespmem:$0xF160] =	vst v63  }
0xb2: {  	s11 =	simm.s32 $0xE080  }
0xb3: {  	[tilespmem:s11], [sflag:$0x3] =	stream.indirect.gather [hbm4b:s6+s19], $0x1, s16, s19, $0xb8;
	[tilespmem:$0xF160] =	vst v63  }
0xb4: {  	s11 =	simm.s32 $0xE100  }
0xb5: {  	[tilespmem:s11], [sflag:$0x3] =	stream.indirect.gather [hbm4b:s6+s19], $0x1, s18, s19, $0xb8;
	[tilespmem:$0xF160] =	vst v63  }
0xb6: {  	s11 =	simm.s32 $0xE180  }
0xb7: {  	[tilespmem:s11], [sflag:$0x3] =	stream.indirect.gather [hbm4b:s6+s19], $0x1, s12, s19, $0xb8;
	[tilespmem:$0xF160] =	vst v63  }
0xb8: {  	s11 =	simm.s32 $0xE200  }
0xb9: {  	[tilespmem:s11], [sflag:$0x3] =	stream.indirect.gather [hbm4b:s6+s19], $0x1, s13, s19, $0xb8;
	[tilespmem:$0xF160] =	vst v63  }
0xba: {  	s11 =	simm.s32 $0xE280  }
0xbb: {  	[tilespmem:s11], [sflag:$0x3] =	stream.indirect.gather [hbm4b:s6+s19], $0x1, s14, s19, $0xb8;
	[tilespmem:$0xF160] =	vst v63  }
0xbc: {  	s11 =	simm.s32 $0xE300  }
0xbd: {  	[tilespmem:s11], [sflag:$0x3] =	stream.indirect.gather [hbm4b:s6+s19], $0x1, s15, s19, $0xb8;
	[tilespmem:$0xF160] =	vst v63  }
0xbe: {  	s11 =	simm.s32 $0xE380  }
0xbf: {  	[tilespmem:s11], [sflag:$0x3] =	stream.indirect.gather [hbm4b:s6+s19], $0x1, s0, s19, $0xb8;
	[tilespmem:$0xF160] =	vst v63  }
0xc0: {  	s11 =	simm.s32 $0xE400  }
0xc1: {  	[tilespmem:s11], [sflag:$0x3] =	stream.indirect.gather [hbm4b:s7+s19], $0x1, s30, s19, $0xb8;
	[tilespmem:$0xF160] =	vst v63  }
0xc2: {  	s11 =	simm.s32 $0xE480  }
0xc3: {  	[tilespmem:s11], [sflag:$0x3] =	stream.indirect.gather [hbm4b:s7+s19], $0x1, s16, s19, $0xb8;
	[tilespmem:$0xF160] =	vst v63  }
0xc4: {  	s11 =	simm.s32 $0xE500  }
0xc5: {  	[tilespmem:s11], [sflag:$0x3] =	stream.indirect.gather [hbm4b:s7+s19], $0x1, s18, s19, $0xb8;
	[tilespmem:$0xF160] =	vst v63  }
0xc6: {  	s11 =	simm.s32 $0xE580  }
0xc7: {  	[tilespmem:s11], [sflag:$0x3] =	stream.indirect.gather [hbm4b:s7+s19], $0x1, s12, s19, $0xb8;
	[tilespmem:$0xF160] =	vst v63  }
0xc8: {  	s11 =	simm.s32 $0xE600  }
0xc9: {  	[tilespmem:s11], [sflag:$0x3] =	stream.indirect.gather [hbm4b:s7+s19], $0x1, s13, s19, $0xb8;
	[tilespmem:$0xF160] =	vst v63  }
0xca: {  	s11 =	simm.s32 $0xE680  }
0xcb: {  	[tilespmem:s11], [sflag:$0x3] =	stream.indirect.gather [hbm4b:s7+s19], $0x1, s14, s19, $0xb8;
	[tilespmem:$0xF160] =	vst v63  }
0xcc: {  	s11 =	simm.s32 $0xE700  }
0xcd: {  	[tilespmem:s11], [sflag:$0x3] =	stream.indirect.gather [hbm4b:s7+s19], $0x1, s15, s19, $0xb8;
	[tilespmem:$0xF160] =	vst v63  }
0xce: {  	s11 =	simm.s32 $0xE780  }
0xcf: {  	[tilespmem:s11], [sflag:$0x3] =	stream.indirect.gather [hbm4b:s7+s19], $0x1, s0, s19, $0xb8;
	[tilespmem:$0xF160] =	vst v63  }
0xd0: {  	s11 =	simm.s32 $0xE800  }
0xd1: {  	[tilespmem:s11], [sflag:$0x3] =	stream.indirect.gather [hbm4b:s8+s19], $0x1, s30, s19, $0xb8;
	[tilespmem:$0xF160] =	vst v63  }
0xd2: {  	s11 =	simm.s32 $0xE880  }
0xd3: {  	[tilespmem:s11], [sflag:$0x3] =	stream.indirect.gather [hbm4b:s8+s19], $0x1, s16, s19, $0xb8;
	[tilespmem:$0xF160] =	vst v63  }
0xd4: {  	s11 =	simm.s32 $0xE900  }
0xd5: {  	[tilespmem:s11], [sflag:$0x3] =	stream.indirect.gather [hbm4b:s8+s19], $0x1, s18, s19, $0xb8;
	[tilespmem:$0xF160] =	vst v63  }
0xd6: {  	s11 =	simm.s32 $0xE980  }
0xd7: {  	[tilespmem:s11], [sflag:$0x3] =	stream.indirect.gather [hbm4b:s8+s19], $0x1, s12, s19, $0xb8;
	[tilespmem:$0xF160] =	vst v63  }
0xd8: {  	s11 =	simm.s32 $0xEA00  }
0xd9: {  	[tilespmem:s11], [sflag:$0x3] =	stream.indirect.gather [hbm4b:s8+s19], $0x1, s13, s19, $0xb8;
	[tilespmem:$0xF160] =	vst v63  }
0xda: {  	s11 =	simm.s32 $0xEA80  }
0xdb: {  	[tilespmem:s11], [sflag:$0x3] =	stream.indirect.gather [hbm4b:s8+s19], $0x1, s14, s19, $0xb8;
	[tilespmem:$0xF160] =	vst v63  }
0xdc: {  	s11 =	simm.s32 $0xEB00  }
0xdd: {  	[tilespmem:s11], [sflag:$0x3] =	stream.indirect.gather [hbm4b:s8+s19], $0x1, s15, s19, $0xb8;
	[tilespmem:$0xF160] =	vst v63  }
0xde: {  	_ = 	snop  }
0xdf: {  	[tilespmem:s24], [sflag:$0x3] =	stream.indirect.gather [hbm4b:s8+s19], $0x1, s0, s19, $0xb8;
	[tilespmem:$0xF160] =	vst v63  }
0xe0: {  	_ = 	snop  }
0xe1: {  	[tilespmem:s26], [sflag:$0x3] =	stream.indirect.gather [hbm4b:s2+s19], $0x1, s30, s19, $0xb8;
	[tilespmem:$0xF160] =	vst v63  }
0xe2: {  	_ = 	snop  }
0xe3: {  	[tilespmem:s29], [sflag:$0x3] =	stream.indirect.gather [hbm4b:s2+s19], $0x1, s16, s19, $0xb8;
	[tilespmem:$0xF160] =	vst v63  }
0xe4: {  	_ = 	snop  }
0xe5: {  	[tilespmem:s31], [sflag:$0x3] =	stream.indirect.gather [hbm4b:s2+s19], $0x1, s18, s19, $0xb8;
	[tilespmem:$0xF160] =	vst v63  }
0xe6: {  	_ = 	snop  }
0xe7: {  	[tilespmem:s1], [sflag:$0x3] =	stream.indirect.gather [hbm4b:s2+s19], $0x1, s12, s19, $0xb8;
	[tilespmem:$0xF160] =	vst v63  }
0xe8: {  	_ = 	snop  }
0xe9: {  	[tilespmem:s17], [sflag:$0x3] =	stream.indirect.gather [hbm4b:s2+s19], $0x1, s13, s19, $0xb8;
	[tilespmem:$0xF160] =	vst v63  }
0xea: {  	_ = 	snop  }
0xeb: {  	[tilespmem:s3], [sflag:$0x3] =	stream.indirect.gather [hbm4b:s2+s19], $0x1, s14, s19, $0xb8;
	[tilespmem:$0xF160] =	vst v63  }
0xec: {  	_ = 	snop  }
0xed: {  	[tilespmem:s9], [sflag:$0x3] =	stream.indirect.gather [hbm4b:s2+s19], $0x1, s15, s19, $0xb8;
	[tilespmem:$0xF160] =	vst v63  }
0xee: {  	_ = 	snop  }
0xef: {  	[tilespmem:s10], [sflag:$0x3] =	stream.indirect.gather [hbm4b:s2+s19], $0x1, s0, s19, $0xb8;
	[tilespmem:$0xF160] =	vst v63  }
0xf0: {  	_ =	swait.ge [sflag:s20], $0x400  }
0xf1: {  	[sflag:s20] =	ssyncset.done $0x0  }
0xf2: {  	[sflag:s20] =	ssyncadd.s32 $0xFFFFFC00  }
0xf3: {  	_ =	swait.ge [sflag:s20], $0x400  }
0xf4: {  	[sflag:s20] =	ssyncset.done $0x0  }
0xf5: {  	[sflag:s20] =	ssyncadd.s32 $0xFFFFFC00  }
0xf6: {  	_ =	swait.ge [sflag:s20], $0x400  }
0xf7: {  	[sflag:s20] =	ssyncset.done $0x0  }
0xf8: {  	[sflag:s20] =	ssyncadd.s32 $0xFFFFFC00  }
0xf9: {  	_ =	swait.ge [sflag:s20], $0x400  }
0xfa: {  	[sflag:s20] =	ssyncset.done $0x0  }
0xfb: {  	[sflag:s20] =	ssyncadd.s32 $0xFFFFFC00  }
0xfc: {  	_ =	swait.ge [sflag:s20], $0x400  }
0xfd: {  	[sflag:s20] =	ssyncset.done $0x0  }
0xfe: {  	[sflag:s20] =	ssyncadd.s32 $0xFFFFFC00  }
0xff: {  	_ =	swait.ge [sflag:s20], $0x400  }
0x100: {  	[sflag:s20] =	ssyncset.done $0x0  }
0x101: {  	[sflag:s20] =	ssyncadd.s32 $0xFFFFFC00  }
0x102: {  	v9 =	vld [tilespmem:$0xC000]  }
0x103: {  	v8 =	vld [tilespmem:$0xCC00]  }
0x104: {  	v10 =	vld [tilespmem:$0xD000]  }
0x105: {  	s14 =	simm.s32 $0xFFFFFC00;
	v11 =	vld [tilespmem:$0xD400]  }
0x106: {  	v12 =	vld [tilespmem:s14+$0xD400]  }
0x107: {  	v13 =	vld [tilespmem:s14+$0xD000]  }
0x108: {  	v14 =	vld [tilespmem:$0xC400]  }
0x109: {  	v15 =	vld [tilespmem:s14+$0xD800]  }
0x10a: {  	v16 =	vld [tilespmem:$0xC800];
	v8 =	vperm.xlane v8, v3;
	v10 =	vperm.xlane v10, v3  }
0x10b: {  	v17 =	vld [tilespmem:s14+$0xC400]  }
0x10c: {  	v18 =	vld [tilespmem:s14+$0xC800];
	v11 =	vperm.xlane v11, v3;
	v13 =	vsub.f32 v13, v8;
	v12 =	vsub.f32 v12, v10;
	_ =	sdelay $0x1  }
0x10d: {  	v19 =	vld [tilespmem:s14+$0xCC00];
	v15 =	vsub.f32 v15, v11;
	v20 =	vmul.f32 v13, v13;
	v21 =	vmul.f32 v12, v12  }
0x10e: {  	v12 =	vperm.xlane v9, v3;
	v13 =	vperm.xlane v14, v3  }
0x10f: {  	v9 =	vmul.f32 v15, v15;
	v14 =	vadd.f32 v21, v20  }
0x110: {  	s15 =	simm.s32 $0xFFFFFC10;
	v15 =	vperm.xlane v16, v3;
	v16 =	vsub.f32 v17, v12;
	v17 =	vsub.f32 v18, v13  }
0x111: {  	v23 =	vld [tilespmem:s15+$0xD400];
	v9 =	vadd.f32 v9, v14  }
0x112: {  	v18 =	vld [tilespmem:s15+$0xCC00];
	v14 =	vsub.f32 v19, v15;
	v16 =	vmul.f32 v16, v16;
	v17 =	vmul.f32 v17, v17  }
0x113: {  	v19 =	vld [tilespmem:s15+$0xD800]  }
0x114: {  	v20 =	vadd.f32 $9.999999960e-13, v9;
	v9 =	vadd.f32 v17, v16;
	v14 =	vmul.f32 v14, v14;
	v16 =	vld [tilespmem:s15+$0xC400]  }
0x115: {  	v17 =	vld [tilespmem:s15+$0xC800]  }
0x116: {  	v9 =	vadd.f32 v14, v9  }
0x117: {  	v21 =	vshra.s32 v20, $0x1;
	v22 =	vmul.f32 $5.000000000e-01, v20;
	v14 =	vld [tilespmem:s15+$0xD000]  }
0x118: {  	v23 =	vsub.f32 v23, v10;
	v21 =	vsub.s32 $0x5F3759DF, v21;
	v25 =	vadd.f32 $9.999999960e-13, v9  }
0x119: {  	v24 =	vmul.f32 v21, v22;
	v9 =	vsub.f32 v18, v15;
	v18 =	vsub.f32 v19, v11  }
0x11a: {  	v16 =	vsub.f32 v16, v12;
	v17 =	vsub.f32 v17, v13  }
0x11b: {  	v19 =	vmul.f32 v21, v24;
	v24 =	vshra.s32 v25, $0x1;
	v26 =	vmul.f32 $5.000000000e-01, v25  }
0x11c: {  	v14 =	vsub.f32 v14, v8;
	v16 =	vmul.f32 v16, v16;
	v17 =	vmul.f32 v17, v17  }
0x11d: {  	s16 =	simm.s32 $0xFFFFFC20;
	v9 =	vmul.f32 v9, v9;
	v24 =	vsub.s32 $0x5F3759DF, v24;
	v19 =	vsub.f32 $1.500000000e+00, v19  }
0x11e: {  	v29 =	vld [tilespmem:s16+$0xD000];
	v14 =	vmul.f32 v14, v14;
	v16 =	vadd.f32 v17, v16;
	v17 =	vmul.f32 v24, v26  }
0x11f: {  	v31 =	vld [tilespmem:s16+$0xD400];
	v19 =	vmul.f32 v21, v19;
	v21 =	vmul.f32 v23, v23  }
0x120: {  	v9 =	vadd.f32 v9, v16;
	v16 =	vmul.f32 v24, v17  }
0x121: {  	v18 =	vmul.f32 v18, v18;
	v23 =	vmul.f32 v19, v22;
	v14 =	vadd.f32 v21, v14  }
0x122: {  	v27 =	vsub.f32 $1.500000000e+00, v16  }
0x123: {  	v29 =	vsub.f32 v29, v8;
	v21 =	vld [tilespmem:s16+$0xD800];
	v17 =	vmul.f32 v23, v19;
	v18 =	vadd.f32 v18, v14  }
0x124: {  	v31 =	vsub.f32 v31, v10;
	v23 =	vld [tilespmem:s16+$0xC400];
	v24 =	vmul.f32 v24, v27  }
0x125: {  	v29 =	vmul.f32 v29, v29;
	v28 =	vsub.f32 $1.500000000e+00, v17;
	v16 =	vadd.f32 $9.999999960e-13, v18;
	v18 =	vld [tilespmem:s16+$0xC800]  }
0x126: {  	v31 =	vmul.f32 v31, v31;
	v14 =	vadd.f32 $9.999999960e-13, v9;
	v33 =	vmul.f32 v24, v26  }
0x127: {  	v27 =	vld [tilespmem:s16+$0xCC00];
	v19 =	vmul.f32 v28, v19;
	v28 =	vshra.s32 v16, $0x1;
	v32 =	vmul.f32 $5.000000000e-01, v16  }
0x128: {  	v9 =	vimm.f32 $0.0e+00;
	v30 =	vshra.s32 v14, $0x1;
	v28 =	vsub.s32 $0x5F3759DF, v28  }
0x129: {  	v21 =	vsub.f32 v21, v11;
	v33 =	vmul.f32 v33, v24;
	v34 =	vmul.f32 v28, v32  }
0x12a: {  	v17 =	vmul.f32 $5.000000000e-01, v14;
	v23 =	vsub.f32 v23, v12;
	v18 =	vsub.f32 v18, v13  }
0x12b: {  	v22 =	vmul.f32 v19, v22;
	v33 =	vsub.f32 $1.500000000e+00, v33;
	v34 =	vmul.f32 v28, v34  }
0x12c: {  	v27 =	vsub.f32 v27, v15;
	v23 =	vmul.f32 v23, v23;
	v18 =	vmul.f32 v18, v18  }
0x12d: {  	v21 =	vmul.f32 v21, v21;
	v24 =	vmul.f32 v33, v24;
	v34 =	vsub.f32 $1.500000000e+00, v34  }
0x12e: {  	v22 =	vmul.f32 v22, v19;
	v18 =	vadd.f32 v18, v23;
	v23 =	vmul.f32 v27, v27  }
0x12f: {  	v30 =	vsub.s32 $0x5F3759DF, v30;
	v26 =	vmul.f32 v24, v26;
	v27 =	vmul.f32 v28, v34  }
0x130: {  	s18 =	simm.s32 $0xFFFFFC30;
	v22 =	vsub.f32 $1.500000000e+00, v22;
	v28 =	vadd.f32 v31, v29;
	v29 =	vmul.f32 v30, v17  }
0x131: {  	v31 =	vld [tilespmem:s18+$0xCC00];
	v18 =	vadd.f32 v23, v18;
	v26 =	vmul.f32 v26, v24;
	v23 =	vmul.f32 v27, v32  }
0x132: {  	v22 =	vmul.f32 v22, v19;
	v21 =	vadd.f32 v21, v28;
	v29 =	vmul.f32 v30, v29  }
0x133: {  	v28 =	vld [tilespmem:s18+$0xD800];
	v18 =	vadd.f32 $9.999999960e-13, v18;
	v26 =	vsub.f32 $1.500000000e+00, v26;
	v23 =	vmul.f32 v23, v27  }
0x134: {  	v56 =	vld [tilespmem:s18+$0xC400];
	v35 =	vmul.f32 v22, v20;
	v19 =	vadd.f32 $9.999999960e-13, v21;
	v20 =	vsub.f32 $1.500000000e+00, v29  }
0x135: {  	v36 =	vshra.s32 v18, $0x1;
	v21 =	vmul.f32 $5.000000000e-01, v18;
	v22 =	vsub.f32 $1.500000000e+00, v23  }
0x136: {  	v29 =	vld [tilespmem:s18+$0xD000];
	v37 =	vsub.f32 v31, v15;
	v24 =	vmul.f32 v26, v24;
	v23 =	vmul.f32 v30, v20  }
0x137: {  	v31 =	vld [tilespmem:s18+$0xC800];
	v38 =	vshra.s32 v19, $0x1;
	v20 =	vmul.f32 $5.000000000e-01, v19;
	v22 =	vmul.f32 v22, v27  }
0x138: {  	v57 =	vld [tilespmem:s18+$0xD400];
	v38 =	vsub.s32 $0x5F3759DF, v38;
	v26 =	vsub.f32 v28, v11;
	v25 =	vmul.f32 v24, v25  }
0x139: {  	v33 =	vmul.f32 v37, v37;
	v27 =	vsub.f32 v56, v12;
	v28 =	vmul.f32 v22, v32  }
0x13a: {  	v24 =	vsub.s32 $0x5F3759DF, v36;
	v30 =	vmul.f32 v23, v17;
	v58 =	vmul.f32 v38, v20  }
0x13b: {  	v29 =	vsub.f32 v29, v8;
	v59 =	vmul.f32 v27, v27;
	v60 =	vmul.f32 v28, v22  }
0x13c: {  	v27 =	vsub.f32 v31, v13;
	v28 =	vmul.f32 v26, v26;
	v26 =	vmul.f32 v38, v58  }
0x13d: {  	v25 =	vsub.f32 v25, v35;
	v31 =	vsub.f32 v57, v10;
	v62 =	vmul.f32 v30, v23  }
0x13e: {  	v30 =	vmul.f32 v29, v29;
	v61 =	vmul.f32 v27, v27;
	v63 =	vsub.f32 $1.500000000e+00, v26  }
0x13f: {  	v31 =	vmul.f32 v31, v31;
	v29 =	vsub.f32 $1.500000000e+00, v62;
	v27 =	vsub.f32 $1.500000000e+00, v60  }
0x140: {  	s30 =	simm.s32 $0xFFFFF100;
	v26 =	vmul.f32 v25, v25;
	v32 =	vadd.f32 v61, v59;
	v25 =	vmul.f32 v38, v63  }
.LBB2_4:
0x141: {  	s0 =	sshra.s32 s30, $0x2;
	p0 =	sne.s32 s30, $0xFFFFFFC0;
	s30 =	sadd.s32 $0x40, s30;
	v30 =	vadd.f32 v31, v30;
	v31 =	vmul.f32 v24, v21;
	v29 =	vmul.f32 v29, v23  }
0x142: {  	v9 =	vadd.f32 v26, v9;
	v23 =	vld [tilespmem:s0+$0xCC00];
	v32 =	vadd.f32 v33, v32;
	v33 =	vmul.f32 v25, v20  }
0x143: {  	v22 =	vmul.f32 v27, v22;
	v26 =	vld [tilespmem:s0+$0xD800];
	v28 =	vadd.f32 v28, v30;
	v30 =	vmul.f32 v29, v17;
	v17 =	vmovc v21  }
0x144: {  	v21 =	vmul.f32 v24, v31;
	v27 =	vld [tilespmem:s0+$0xD400];
	v32 =	vadd.f32 $9.999999960e-13, v32;
	v31 =	vmul.f32 v33, v25  }
0x145: {  	v34 =	vmul.f32 v22, v16;
	v16 =	vmovc v19;
	v33 =	vld [tilespmem:s0+$0xC400];
	v30 =	vmul.f32 v30, v29;
	v19 =	vadd.f32 $9.999999960e-13, v28  }
0x146: {  	v22 =	vsub.f32 $1.500000000e+00, v21;
	v28 =	vld [tilespmem:s0+$0xC800];
	v35 =	vshra.s32 v32, $0x1;
	v31 =	vsub.f32 $1.500000000e+00, v31  }
0x147: {  	v21 =	vmul.f32 $5.000000000e-01, v32;
	v36 =	vsub.f32 v23, v15;
	v37 =	vld [tilespmem:s0+$0xD000];
	v30 =	vsub.f32 $1.500000000e+00, v30  }
0x148: {  	v38 =	vshra.s32 v19, $0x1;
	v23 =	vmul.f32 v24, v22;
	v26 =	vsub.f32 v26, v11  }
0x149: {  	v24 =	vmul.f32 $5.000000000e-01, v19;
	v38 =	vsub.s32 $0x5F3759DF, v38;
	v22 =	vmul.f32 v31, v25  }
0x14a: {  	v31 =	vmul.f32 v23, v17;
	v29 =	vmul.f32 v30, v29;
	v25 =	vsub.f32 v33, v12  }
0x14b: {  	v30 =	vmul.f32 v38, v24;
	v33 =	vmul.f32 v22, v20;
	v20 =	vmov v24  }
0x14c: {  	v29 =	vmul.f32 v29, v14;
	v14 =	vmovc v18;
	v37 =	vsub.f32 v37, v8;
	v25 =	vmul.f32 v25, v25  }
0x14d: {  	v40 =	vsub.f32 v27, v10;
	v39 =	vsub.f32 v28, v13;
	v18 =	vmovc v32;
	v27 =	vmul.f32 v33, v22  }
.Ltmp0:
0x14e: {  	v24 =	vsub.s32 $0x5F3759DF, v35;
	v28 =	vmul.f32 v26, v26;
	v26 =	vmul.f32 v38, v30;
	(pc) =	sbr.rel @p0 .LBB2_4-.Ltmp0, $4  }
0x14f: {  	v33 =	vmul.f32 v31, v23;
	v32 =	vmul.f32 v39, v39;
	v34 =	vsub.f32 v29, v34  }
0x150: {  	v35 =	vsub.f32 $1.500000000e+00, v26;
	v30 =	vmul.f32 v37, v37;
	v27 =	vsub.f32 $1.500000000e+00, v27  }
0x151: {  	v31 =	vmul.f32 v40, v40;
	v29 =	vsub.f32 $1.500000000e+00, v33;
	v26 =	vmul.f32 v34, v34  }
0x152: {  	v33 =	vmul.f32 v36, v36;
	v32 =	vadd.f32 v32, v25;
	v25 =	vmul.f32 v38, v35  }
0x153: {  	v8 =	vadd.f32 v31, v30  }
0x154: {  	v10 =	vadd.f32 v33, v32  }
0x155: {  	v8 =	vadd.f32 v28, v8  }
0x156: {  	v10 =	vadd.f32 $9.999999960e-13, v10  }
0x157: {  	v8 =	vadd.f32 $9.999999960e-13, v8  }
0x158: {  	v11 =	vmul.f32 v24, v21;
	v12 =	vshra.s32 v10, $0x1  }
0x159: {  	v13 =	vmul.f32 $5.000000000e-01, v10;
	v15 =	vshra.s32 v8, $0x1;
	v40 =	vmul.f32 $5.000000000e-01, v8  }
0x15a: {  	v11 =	vmul.f32 v24, v11;
	v12 =	vsub.s32 $0x5F3759DF, v12;
	v15 =	vsub.s32 $0x5F3759DF, v15  }
0x15b: {  	v42 =	vmul.f32 v12, v13;
	v41 =	vmul.f32 v15, v40  }
0x15c: {  	v23 =	vmul.f32 v29, v23;
	v22 =	vmul.f32 v27, v22;
	v11 =	vsub.f32 $1.500000000e+00, v11  }
0x15d: {  	v44 =	vmul.f32 v12, v42;
	v43 =	vmul.f32 v15, v41  }
0x15e: {  	v45 =	vmul.f32 v25, v20;
	v11 =	vmul.f32 v24, v11  }
0x15f: {  	v17 =	vmul.f32 v23, v17;
	v46 =	vsub.f32 $1.500000000e+00, v44;
	v24 =	vsub.f32 $1.500000000e+00, v43  }
0x160: {  	v47 =	vmul.f32 v45, v25;
	v48 =	vmul.f32 v11, v21  }
0x161: {  	v12 =	vmul.f32 v12, v46;
	v15 =	vmul.f32 v15, v24  }
0x162: {  	v17 =	vmul.f32 v17, v23;
	v49 =	vmul.f32 v48, v11  }
0x163: {  	v51 =	vmul.f32 v12, v13;
	v50 =	vmul.f32 v15, v40  }
0x164: {  	v16 =	vmul.f32 v22, v16;
	v52 =	vsub.f32 $1.500000000e+00, v47;
	v24 =	vsub.f32 $1.500000000e+00, v49  }
0x165: {  	v17 =	vsub.f32 $1.500000000e+00, v17;
	v53 =	vmul.f32 v51, v12;
	v27 =	vmul.f32 v50, v15  }
0x166: {  	v22 =	vmul.f32 v52, v25;
	v11 =	vmul.f32 v24, v11  }
0x167: {  	v17 =	vmul.f32 v17, v23;
	v55 =	vsub.f32 $1.500000000e+00, v53;
	v54 =	vsub.f32 $1.500000000e+00, v27  }
0x168: {  	v56 =	vmul.f32 v22, v20;
	v57 =	vmul.f32 v11, v21  }
0x169: {  	v12 =	vmul.f32 v55, v12;
	v15 =	vmul.f32 v54, v15  }
0x16a: {  	v20 =	vmul.f32 v56, v22;
	v21 =	vmul.f32 v57, v11  }
0x16b: {  	v13 =	vmul.f32 v12, v13;
	v23 =	vmul.f32 v15, v40  }
0x16c: {  	v14 =	vmul.f32 v17, v14;
	v58 =	vsub.f32 $1.500000000e+00, v20;
	v59 =	vsub.f32 $1.500000000e+00, v21  }
0x16d: {  	v13 =	vmul.f32 v13, v12;
	v60 =	vmul.f32 v23, v15  }
0x16e: {  	v17 =	vmul.f32 v58, v22;
	v11 =	vmul.f32 v59, v11  }
0x16f: {  	v13 =	vsub.f32 $1.500000000e+00, v13;
	v61 =	vsub.f32 $1.500000000e+00, v60  }
0x170: {  	v14 =	vsub.f32 v14, v16;
	v62 =	vmul.f32 v17, v19;
	v11 =	vmul.f32 v11, v18  }
0x171: {  	v12 =	vmul.f32 v13, v12;
	v15 =	vmul.f32 v61, v15  }
0x172: {  	v9 =	vadd.f32 v26, v9;
	s30 =	sshll.u32 s28, $0x1;
	v63 =	vmul.f32 v14, v14  }
0x173: {  	s0 =	sadd.s32 s23, s30;
	v11 =	vsub.f32 v11, v62;
	v10 =	vmul.f32 v12, v10;
	v8 =	vmul.f32 v15, v8  }
0x174: {  	p0 =	sgt.u32 s0, $0x14D  }
.Ltmp1:
0x175: {  	v9 =	vadd.f32 v63, v9;
	v11 =	vmul.f32 v11, v11;
	v8 =	vsub.f32 v10, v8;
	(pc) =	sbr.rel @p0 .LBB2_7-.Ltmp1, $3  }
0x176: {  	_ = 	snop  }
0x177: {  	v9 =	vadd.f32 v11, v9;
	v8 =	vmul.f32 v8, v8;
	_ =	sdelay $0x1  }
0x178: {  	v10 =	vadd.f32 v8, v9  }
0x179: {  	s0 =	sadd.s32 $0x2, s0  }
0x17a: {  	s12 =	sshrl.u32 s0, $0x4  }
0x17b: {  	s13 =	smul.u32 $0xAB, s12;
	_ =	sdelay $0x1  }
0x17c: {  	s13 =	sshrl.u32 s13, $0x9  }
0x17d: {  	s13 =	sand.u32 $0x7F, s13  }
0x17e: {  	s13 =	smul.u32 $0x3, s13;
	_ =	sdelay $0x1  }
0x17f: {  	s12 =	ssub.s32 s12, s13  }
0x180: {  	s0 =	sshll.u32 s0, $0xA;
	s12 =	sand.u32 $0xFF, s12  }
0x181: {  	s0 =	sand.u32 $0x3800, s0;
	s12 =	sshll.u32 s12, $0xE  }
0x182: {  	s11 =	simm.s32 $0xC000;
	s0 =	sor.u32 s0, s12  }
0x183: {  	[tilespmem:s11], [sflag:$0x2] =	stream.indirect.gather [hbm4b:s4+s19], $0x1, s0, s19, $0xb8;
	[tilespmem:$0xF160] =	vst v63  }
0x184: {  	s13 =	simm.s32 $0xC080;
	s12 =	sor.u32 $0x80, s0  }
0x185: {  	[tilespmem:s13], [sflag:$0x2] =	stream.indirect.gather [hbm4b:s4+s19], $0x1, s12, s19, $0xb8;
	[tilespmem:$0xF160] =	vst v63  }
0x186: {  	s14 =	simm.s32 $0xC100;
	s13 =	sor.u32 $0x100, s0  }
0x187: {  	[tilespmem:s14], [sflag:$0x2] =	stream.indirect.gather [hbm4b:s4+s19], $0x1, s13, s19, $0xb8;
	[tilespmem:$0xF160] =	vst v63  }
0x188: {  	s15 =	simm.s32 $0xC180;
	s14 =	sor.u32 $0x180, s0  }
0x189: {  	[tilespmem:s15], [sflag:$0x2] =	stream.indirect.gather [hbm4b:s4+s19], $0x1, s14, s19, $0xb8;
	[tilespmem:$0xF160] =	vst v63  }
0x18a: {  	s16 =	simm.s32 $0xC200;
	s15 =	sor.u32 $0x200, s0  }
0x18b: {  	[tilespmem:s16], [sflag:$0x2] =	stream.indirect.gather [hbm4b:s4+s19], $0x1, s15, s19, $0xb8;
	[tilespmem:$0xF160] =	vst v63  }
0x18c: {  	s18 =	simm.s32 $0xC280;
	s16 =	sor.u32 $0x280, s0  }
0x18d: {  	[tilespmem:s18], [sflag:$0x2] =	stream.indirect.gather [hbm4b:s4+s19], $0x1, s16, s19, $0xb8;
	[tilespmem:$0xF160] =	vst v63  }
0x18e: {  	s22 =	simm.s32 $0xC300;
	s18 =	sor.u32 $0x300, s0  }
0x18f: {  	[tilespmem:s22], [sflag:$0x2] =	stream.indirect.gather [hbm4b:s4+s19], $0x1, s18, s19, $0xb8;
	[tilespmem:$0xF160] =	vst v63  }
0x190: {  	s11 =	sor.u32 $0x380, s0;
	s22 =	simm.s32 $0xC380  }
0x191: {  	[tilespmem:s22], [sflag:$0x2] =	stream.indirect.gather [hbm4b:s4+s19], $0x1, s11, s19, $0xb8;
	[tilespmem:$0xF160] =	vst v63  }
0x192: {  	s22 =	simm.s32 $0xC400  }
0x193: {  	[tilespmem:s22], [sflag:$0x2] =	stream.indirect.gather [hbm4b:s5+s19], $0x1, s0, s19, $0xb8;
	[tilespmem:$0xF160] =	vst v63  }
0x194: {  	s22 =	simm.s32 $0xC480  }
0x195: {  	[tilespmem:s22], [sflag:$0x2] =	stream.indirect.gather [hbm4b:s5+s19], $0x1, s12, s19, $0xb8;
	[tilespmem:$0xF160] =	vst v63  }
0x196: {  	s22 =	simm.s32 $0xC500  }
0x197: {  	[tilespmem:s22], [sflag:$0x2] =	stream.indirect.gather [hbm4b:s5+s19], $0x1, s13, s19, $0xb8;
	[tilespmem:$0xF160] =	vst v63  }
0x198: {  	s22 =	simm.s32 $0xC580  }
0x199: {  	[tilespmem:s22], [sflag:$0x2] =	stream.indirect.gather [hbm4b:s5+s19], $0x1, s14, s19, $0xb8;
	[tilespmem:$0xF160] =	vst v63  }
0x19a: {  	s22 =	simm.s32 $0xC600  }
0x19b: {  	[tilespmem:s22], [sflag:$0x2] =	stream.indirect.gather [hbm4b:s5+s19], $0x1, s15, s19, $0xb8;
	[tilespmem:$0xF160] =	vst v63  }
0x19c: {  	s22 =	simm.s32 $0xC680  }
0x19d: {  	[tilespmem:s22], [sflag:$0x2] =	stream.indirect.gather [hbm4b:s5+s19], $0x1, s16, s19, $0xb8;
	[tilespmem:$0xF160] =	vst v63  }
0x19e: {  	s22 =	simm.s32 $0xC700  }
0x19f: {  	[tilespmem:s22], [sflag:$0x2] =	stream.indirect.gather [hbm4b:s5+s19], $0x1, s18, s19, $0xb8;
	[tilespmem:$0xF160] =	vst v63  }
0x1a0: {  	s22 =	simm.s32 $0xC780  }
0x1a1: {  	[tilespmem:s22], [sflag:$0x2] =	stream.indirect.gather [hbm4b:s5+s19], $0x1, s11, s19, $0xb8;
	[tilespmem:$0xF160] =	vst v63  }
0x1a2: {  	s22 =	simm.s32 $0xC800  }
0x1a3: {  	[tilespmem:s22], [sflag:$0x2] =	stream.indirect.gather [hbm4b:s6+s19], $0x1, s0, s19, $0xb8;
	[tilespmem:$0xF160] =	vst v63  }
0x1a4: {  	s22 =	simm.s32 $0xC880  }
0x1a5: {  	[tilespmem:s22], [sflag:$0x2] =	stream.indirect.gather [hbm4b:s6+s19], $0x1, s12, s19, $0xb8;
	[tilespmem:$0xF160] =	vst v63  }
0x1a6: {  	s22 =	simm.s32 $0xC900  }
0x1a7: {  	[tilespmem:s22], [sflag:$0x2] =	stream.indirect.gather [hbm4b:s6+s19], $0x1, s13, s19, $0xb8;
	[tilespmem:$0xF160] =	vst v63  }
0x1a8: {  	s22 =	simm.s32 $0xC980  }
0x1a9: {  	[tilespmem:s22], [sflag:$0x2] =	stream.indirect.gather [hbm4b:s6+s19], $0x1, s14, s19, $0xb8;
	[tilespmem:$0xF160] =	vst v63  }
0x1aa: {  	s22 =	simm.s32 $0xCA00  }
0x1ab: {  	[tilespmem:s22], [sflag:$0x2] =	stream.indirect.gather [hbm4b:s6+s19], $0x1, s15, s19, $0xb8;
	[tilespmem:$0xF160] =	vst v63  }
0x1ac: {  	s22 =	simm.s32 $0xCA80  }
0x1ad: {  	[tilespmem:s22], [sflag:$0x2] =	stream.indirect.gather [hbm4b:s6+s19], $0x1, s16, s19, $0xb8;
	[tilespmem:$0xF160] =	vst v63  }
0x1ae: {  	s22 =	simm.s32 $0xCB00  }
0x1af: {  	[tilespmem:s22], [sflag:$0x2] =	stream.indirect.gather [hbm4b:s6+s19], $0x1, s18, s19, $0xb8;
	[tilespmem:$0xF160] =	vst v63  }
0x1b0: {  	s22 =	simm.s32 $0xCB80  }
0x1b1: {  	[tilespmem:s22], [sflag:$0x2] =	stream.indirect.gather [hbm4b:s6+s19], $0x1, s11, s19, $0xb8;
	[tilespmem:$0xF160] =	vst v63  }
0x1b2: {  	s22 =	simm.s32 $0xCC00  }
0x1b3: {  	[tilespmem:s22], [sflag:$0x2] =	stream.indirect.gather [hbm4b:s7+s19], $0x1, s0, s19, $0xb8;
	[tilespmem:$0xF160] =	vst v63  }
0x1b4: {  	s22 =	simm.s32 $0xCC80  }
0x1b5: {  	[tilespmem:s22], [sflag:$0x2] =	stream.indirect.gather [hbm4b:s7+s19], $0x1, s12, s19, $0xb8;
	[tilespmem:$0xF160] =	vst v63  }
0x1b6: {  	s22 =	simm.s32 $0xCD00  }
0x1b7: {  	[tilespmem:s22], [sflag:$0x2] =	stream.indirect.gather [hbm4b:s7+s19], $0x1, s13, s19, $0xb8;
	[tilespmem:$0xF160] =	vst v63  }
0x1b8: {  	s22 =	simm.s32 $0xCD80  }
0x1b9: {  	[tilespmem:s22], [sflag:$0x2] =	stream.indirect.gather [hbm4b:s7+s19], $0x1, s14, s19, $0xb8;
	[tilespmem:$0xF160] =	vst v63  }
0x1ba: {  	s22 =	simm.s32 $0xCE00  }
0x1bb: {  	[tilespmem:s22], [sflag:$0x2] =	stream.indirect.gather [hbm4b:s7+s19], $0x1, s15, s19, $0xb8;
	[tilespmem:$0xF160] =	vst v63  }
0x1bc: {  	s22 =	simm.s32 $0xCE80  }
0x1bd: {  	[tilespmem:s22], [sflag:$0x2] =	stream.indirect.gather [hbm4b:s7+s19], $0x1, s16, s19, $0xb8;
	[tilespmem:$0xF160] =	vst v63  }
0x1be: {  	s22 =	simm.s32 $0xCF00  }
0x1bf: {  	[tilespmem:s22], [sflag:$0x2] =	stream.indirect.gather [hbm4b:s7+s19], $0x1, s18, s19, $0xb8;
	[tilespmem:$0xF160] =	vst v63  }
0x1c0: {  	s22 =	simm.s32 $0xCF80  }
0x1c1: {  	[tilespmem:s22], [sflag:$0x2] =	stream.indirect.gather [hbm4b:s7+s19], $0x1, s11, s19, $0xb8;
	[tilespmem:$0xF160] =	vst v63  }
0x1c2: {  	s22 =	simm.s32 $0xD000  }
0x1c3: {  	[tilespmem:s22], [sflag:$0x2] =	stream.indirect.gather [hbm4b:s8+s19], $0x1, s0, s19, $0xb8;
	[tilespmem:$0xF160] =	vst v63  }
0x1c4: {  	s22 =	simm.s32 $0xD080  }
0x1c5: {  	[tilespmem:s22], [sflag:$0x2] =	stream.indirect.gather [hbm4b:s8+s19], $0x1, s12, s19, $0xb8;
	[tilespmem:$0xF160] =	vst v63  }
0x1c6: {  	s22 =	simm.s32 $0xD100  }
0x1c7: {  	[tilespmem:s22], [sflag:$0x2] =	stream.indirect.gather [hbm4b:s8+s19], $0x1, s13, s19, $0xb8;
	[tilespmem:$0xF160] =	vst v63  }
0x1c8: {  	s22 =	simm.s32 $0xD180  }
0x1c9: {  	[tilespmem:s22], [sflag:$0x2] =	stream.indirect.gather [hbm4b:s8+s19], $0x1, s14, s19, $0xb8;
	[tilespmem:$0xF160] =	vst v63  }
0x1ca: {  	s22 =	simm.s32 $0xD200  }
0x1cb: {  	[tilespmem:s22], [sflag:$0x2] =	stream.indirect.gather [hbm4b:s8+s19], $0x1, s15, s19, $0xb8;
	[tilespmem:$0xF160] =	vst v63  }
0x1cc: {  	s22 =	simm.s32 $0xD280  }
0x1cd: {  	[tilespmem:s22], [sflag:$0x2] =	stream.indirect.gather [hbm4b:s8+s19], $0x1, s16, s19, $0xb8;
	[tilespmem:$0xF160] =	vst v63  }
0x1ce: {  	s22 =	simm.s32 $0xD300  }
0x1cf: {  	[tilespmem:s22], [sflag:$0x2] =	stream.indirect.gather [hbm4b:s8+s19], $0x1, s18, s19, $0xb8;
	[tilespmem:$0xF160] =	vst v63  }
0x1d0: {  	s22 =	simm.s32 $0xD380  }
0x1d1: {  	[tilespmem:s22], [sflag:$0x2] =	stream.indirect.gather [hbm4b:s8+s19], $0x1, s11, s19, $0xb8;
	[tilespmem:$0xF160] =	vst v63  }
0x1d2: {  	s22 =	simm.s32 $0xD400  }
0x1d3: {  	[tilespmem:s22], [sflag:$0x2] =	stream.indirect.gather [hbm4b:s2+s19], $0x1, s0, s19, $0xb8;
	[tilespmem:$0xF160] =	vst v63  }
0x1d4: {  	s0 =	simm.s32 $0xD480  }
0x1d5: {  	[tilespmem:s0], [sflag:$0x2] =	stream.indirect.gather [hbm4b:s2+s19], $0x1, s12, s19, $0xb8;
	[tilespmem:$0xF160] =	vst v63  }
0x1d6: {  	s12 =	simm.s32 $0xD500  }
0x1d7: {  	[tilespmem:s12], [sflag:$0x2] =	stream.indirect.gather [hbm4b:s2+s19], $0x1, s13, s19, $0xb8;
	[tilespmem:$0xF160] =	vst v63  }
0x1d8: {  	s13 =	simm.s32 $0xD580  }
0x1d9: {  	[tilespmem:s13], [sflag:$0x2] =	stream.indirect.gather [hbm4b:s2+s19], $0x1, s14, s19, $0xb8;
	[tilespmem:$0xF160] =	vst v63  }
0x1da: {  	s14 =	simm.s32 $0xD600  }
0x1db: {  	[tilespmem:s14], [sflag:$0x2] =	stream.indirect.gather [hbm4b:s2+s19], $0x1, s15, s19, $0xb8;
	[tilespmem:$0xF160] =	vst v63  }
0x1dc: {  	s15 =	simm.s32 $0xD680  }
0x1dd: {  	[tilespmem:s15], [sflag:$0x2] =	stream.indirect.gather [hbm4b:s2+s19], $0x1, s16, s19, $0xb8;
	[tilespmem:$0xF160] =	vst v63  }
0x1de: {  	s16 =	simm.s32 $0xD700  }
0x1df: {  	[tilespmem:s16], [sflag:$0x2] =	stream.indirect.gather [hbm4b:s2+s19], $0x1, s18, s19, $0xb8;
	[tilespmem:$0xF160] =	vst v63  }
0x1e0: {  	s22 =	simm.s32 $0xD800;
	s18 =	simm.s32 $0xD780  }
0x1e1: {  	[tilespmem:s18], [sflag:$0x2] =	stream.indirect.gather [hbm4b:s2+s19], $0x1, s11, s19, $0xb8;
	[tilespmem:$0xF160] =	vst v63  }
.LBB2_7:
0x1e2: {  	_ =	swait.ge [sflag:s21], $0x80  }
0x1e3: {  	[sflag:s21] =	ssyncset.done $0x0  }
0x1e4: {  	[sflag:s21] =	ssyncadd.s32 $0xFFFFFF80  }
0x1e5: {  	_ =	swait.ge [sflag:s21], $0x80  }
0x1e6: {  	[sflag:s21] =	ssyncset.done $0x0  }
0x1e7: {  	[sflag:s21] =	ssyncadd.s32 $0xFFFFFF80  }
0x1e8: {  	_ =	swait.ge [sflag:s21], $0x80  }
0x1e9: {  	[sflag:s21] =	ssyncset.done $0x0  }
0x1ea: {  	[sflag:s21] =	ssyncadd.s32 $0xFFFFFF80  }
0x1eb: {  	_ =	swait.ge [sflag:s21], $0x80  }
0x1ec: {  	[sflag:s21] =	ssyncset.done $0x0  }
0x1ed: {  	[sflag:s21] =	ssyncadd.s32 $0xFFFFFF80  }
0x1ee: {  	_ =	swait.ge [sflag:s21], $0x80  }
0x1ef: {  	[sflag:s21] =	ssyncset.done $0x0  }
0x1f0: {  	[sflag:s21] =	ssyncadd.s32 $0xFFFFFF80  }
0x1f1: {  	_ =	swait.ge [sflag:s21], $0x80  }
0x1f2: {  	[sflag:s21] =	ssyncset.done $0x0  }
0x1f3: {  	[sflag:s21] =	ssyncadd.s32 $0xFFFFFF80  }
0x1f4: {  	_ =	swait.ge [sflag:s21], $0x80  }
0x1f5: {  	[sflag:s21] =	ssyncset.done $0x0  }
0x1f6: {  	[sflag:s21] =	ssyncadd.s32 $0xFFFFFF80  }
0x1f7: {  	_ =	swait.ge [sflag:s21], $0x80  }
0x1f8: {  	[sflag:s21] =	ssyncset.done $0x0  }
0x1f9: {  	[sflag:s21] =	ssyncadd.s32 $0xFFFFFF80  }
0x1fa: {  	_ =	swait.ge [sflag:s21], $0x80  }
0x1fb: {  	[sflag:s21] =	ssyncset.done $0x0  }
0x1fc: {  	[sflag:s21] =	ssyncadd.s32 $0xFFFFFF80  }
0x1fd: {  	_ =	swait.ge [sflag:s21], $0x80  }
0x1fe: {  	[sflag:s21] =	ssyncset.done $0x0  }
0x1ff: {  	[sflag:s21] =	ssyncadd.s32 $0xFFFFFF80  }
0x200: {  	_ =	swait.ge [sflag:s21], $0x80  }
0x201: {  	[sflag:s21] =	ssyncset.done $0x0  }
0x202: {  	[sflag:s21] =	ssyncadd.s32 $0xFFFFFF80  }
0x203: {  	_ =	swait.ge [sflag:s21], $0x80  }
0x204: {  	[sflag:s21] =	ssyncset.done $0x0  }
0x205: {  	[sflag:s21] =	ssyncadd.s32 $0xFFFFFF80  }
0x206: {  	_ =	swait.ge [sflag:s21], $0x80  }
0x207: {  	[sflag:s21] =	ssyncset.done $0x0  }
0x208: {  	[sflag:s21] =	ssyncadd.s32 $0xFFFFFF80  }
0x209: {  	_ =	swait.ge [sflag:s21], $0x80  }
0x20a: {  	[sflag:s21] =	ssyncset.done $0x0  }
0x20b: {  	[sflag:s21] =	ssyncadd.s32 $0xFFFFFF80  }
0x20c: {  	_ =	swait.ge [sflag:s21], $0x80  }
0x20d: {  	[sflag:s21] =	ssyncset.done $0x0  }
0x20e: {  	[sflag:s21] =	ssyncadd.s32 $0xFFFFFF80  }
0x20f: {  	_ =	swait.ge [sflag:s21], $0x80  }
0x210: {  	[sflag:s21] =	ssyncset.done $0x0  }
0x211: {  	[sflag:s21] =	ssyncadd.s32 $0xFFFFFF80  }
0x212: {  	_ =	swait.ge [sflag:s21], $0x80  }
0x213: {  	[sflag:s21] =	ssyncset.done $0x0  }
0x214: {  	[sflag:s21] =	ssyncadd.s32 $0xFFFFFF80  }
0x215: {  	_ =	swait.ge [sflag:s21], $0x80  }
0x216: {  	[sflag:s21] =	ssyncset.done $0x0  }
0x217: {  	[sflag:s21] =	ssyncadd.s32 $0xFFFFFF80  }
0x218: {  	_ =	swait.ge [sflag:s21], $0x80  }
0x219: {  	[sflag:s21] =	ssyncset.done $0x0  }
0x21a: {  	[sflag:s21] =	ssyncadd.s32 $0xFFFFFF80  }
0x21b: {  	_ =	swait.ge [sflag:s21], $0x80  }
0x21c: {  	[sflag:s21] =	ssyncset.done $0x0  }
0x21d: {  	[sflag:s21] =	ssyncadd.s32 $0xFFFFFF80  }
0x21e: {  	_ =	swait.ge [sflag:s21], $0x80  }
0x21f: {  	[sflag:s21] =	ssyncset.done $0x0  }
0x220: {  	[sflag:s21] =	ssyncadd.s32 $0xFFFFFF80  }
0x221: {  	_ =	swait.ge [sflag:s21], $0x80  }
0x222: {  	[sflag:s21] =	ssyncset.done $0x0  }
0x223: {  	[sflag:s21] =	ssyncadd.s32 $0xFFFFFF80  }
0x224: {  	_ =	swait.ge [sflag:s21], $0x80  }
0x225: {  	[sflag:s21] =	ssyncset.done $0x0  }
0x226: {  	[sflag:s21] =	ssyncadd.s32 $0xFFFFFF80  }
0x227: {  	_ =	swait.ge [sflag:s21], $0x80  }
0x228: {  	[sflag:s21] =	ssyncset.done $0x0  }
0x229: {  	[sflag:s21] =	ssyncadd.s32 $0xFFFFFF80  }
0x22a: {  	_ =	swait.ge [sflag:s21], $0x80  }
0x22b: {  	[sflag:s21] =	ssyncset.done $0x0  }
0x22c: {  	[sflag:s21] =	ssyncadd.s32 $0xFFFFFF80  }
0x22d: {  	_ =	swait.ge [sflag:s21], $0x80  }
0x22e: {  	[sflag:s21] =	ssyncset.done $0x0  }
0x22f: {  	[sflag:s21] =	ssyncadd.s32 $0xFFFFFF80  }
0x230: {  	_ =	swait.ge [sflag:s21], $0x80  }
0x231: {  	[sflag:s21] =	ssyncset.done $0x0  }
0x232: {  	[sflag:s21] =	ssyncadd.s32 $0xFFFFFF80  }
0x233: {  	_ =	swait.ge [sflag:s21], $0x80  }
0x234: {  	[sflag:s21] =	ssyncset.done $0x0  }
0x235: {  	[sflag:s21] =	ssyncadd.s32 $0xFFFFFF80  }
0x236: {  	_ =	swait.ge [sflag:s21], $0x80  }
0x237: {  	[sflag:s21] =	ssyncset.done $0x0  }
0x238: {  	[sflag:s21] =	ssyncadd.s32 $0xFFFFFF80  }
0x239: {  	_ =	swait.ge [sflag:s21], $0x80  }
0x23a: {  	[sflag:s21] =	ssyncset.done $0x0  }
0x23b: {  	[sflag:s21] =	ssyncadd.s32 $0xFFFFFF80  }
0x23c: {  	_ =	swait.ge [sflag:s21], $0x80  }
0x23d: {  	[sflag:s21] =	ssyncset.done $0x0  }
0x23e: {  	[sflag:s21] =	ssyncadd.s32 $0xFFFFFF80  }
0x23f: {  	_ =	swait.ge [sflag:s21], $0x80  }
0x240: {  	[sflag:s21] =	ssyncset.done $0x0  }
0x241: {  	[sflag:s21] =	ssyncadd.s32 $0xFFFFFF80  }
0x242: {  	_ =	swait.ge [sflag:s21], $0x80  }
0x243: {  	[sflag:s21] =	ssyncset.done $0x0  }
0x244: {  	[sflag:s21] =	ssyncadd.s32 $0xFFFFFF80  }
0x245: {  	_ =	swait.ge [sflag:s21], $0x80  }
0x246: {  	[sflag:s21] =	ssyncset.done $0x0  }
0x247: {  	[sflag:s21] =	ssyncadd.s32 $0xFFFFFF80  }
0x248: {  	_ =	swait.ge [sflag:s21], $0x80  }
0x249: {  	[sflag:s21] =	ssyncset.done $0x0  }
0x24a: {  	[sflag:s21] =	ssyncadd.s32 $0xFFFFFF80  }
0x24b: {  	_ =	swait.ge [sflag:s21], $0x80  }
0x24c: {  	[sflag:s21] =	ssyncset.done $0x0  }
0x24d: {  	[sflag:s21] =	ssyncadd.s32 $0xFFFFFF80  }
0x24e: {  	_ =	swait.ge [sflag:s21], $0x80  }
0x24f: {  	[sflag:s21] =	ssyncset.done $0x0  }
0x250: {  	[sflag:s21] =	ssyncadd.s32 $0xFFFFFF80  }
0x251: {  	_ =	swait.ge [sflag:s21], $0x80  }
0x252: {  	[sflag:s21] =	ssyncset.done $0x0  }
0x253: {  	[sflag:s21] =	ssyncadd.s32 $0xFFFFFF80  }
0x254: {  	_ =	swait.ge [sflag:s21], $0x80  }
0x255: {  	[sflag:s21] =	ssyncset.done $0x0  }
0x256: {  	[sflag:s21] =	ssyncadd.s32 $0xFFFFFF80  }
0x257: {  	_ =	swait.ge [sflag:s21], $0x80  }
0x258: {  	[sflag:s21] =	ssyncset.done $0x0  }
0x259: {  	[sflag:s21] =	ssyncadd.s32 $0xFFFFFF80  }
0x25a: {  	_ =	swait.ge [sflag:s21], $0x80  }
0x25b: {  	[sflag:s21] =	ssyncset.done $0x0  }
0x25c: {  	[sflag:s21] =	ssyncadd.s32 $0xFFFFFF80  }
0x25d: {  	_ =	swait.ge [sflag:s21], $0x80  }
0x25e: {  	[sflag:s21] =	ssyncset.done $0x0  }
0x25f: {  	[sflag:s21] =	ssyncadd.s32 $0xFFFFFF80  }
0x260: {  	_ =	swait.ge [sflag:s21], $0x80  }
0x261: {  	[sflag:s21] =	ssyncset.done $0x0  }
0x262: {  	[sflag:s21] =	ssyncadd.s32 $0xFFFFFF80  }
0x263: {  	_ =	swait.ge [sflag:s21], $0x80  }
0x264: {  	[sflag:s21] =	ssyncset.done $0x0  }
0x265: {  	[sflag:s21] =	ssyncadd.s32 $0xFFFFFF80  }
0x266: {  	_ =	swait.ge [sflag:s21], $0x80  }
0x267: {  	[sflag:s21] =	ssyncset.done $0x0  }
0x268: {  	[sflag:s21] =	ssyncadd.s32 $0xFFFFFF80  }
0x269: {  	_ =	swait.ge [sflag:s21], $0x80  }
0x26a: {  	[sflag:s21] =	ssyncset.done $0x0  }
0x26b: {  	[sflag:s21] =	ssyncadd.s32 $0xFFFFFF80  }
0x26c: {  	_ =	swait.ge [sflag:s21], $0x80  }
0x26d: {  	[sflag:s21] =	ssyncset.done $0x0  }
0x26e: {  	[sflag:s21] =	ssyncadd.s32 $0xFFFFFF80  }
0x26f: {  	_ =	swait.ge [sflag:s21], $0x80  }
0x270: {  	[sflag:s21] =	ssyncset.done $0x0  }
0x271: {  	[sflag:s21] =	ssyncadd.s32 $0xFFFFFF80  }
0x272: {  	v11 =	vld [tilespmem:$0xD800]  }
0x273: {  	v8 =	vld [tilespmem:$0xE400]  }
0x274: {  	v9 =	vld [tilespmem:$0xE800]  }
0x275: {  	s0 =	simm.s32 $0xFFFFFC00;
	v12 =	vld [tilespmem:$0xEC00]  }
0x276: {  	v13 =	vld [tilespmem:s0+$0xEC00]  }
0x277: {  	v14 =	vld [tilespmem:s0+$0xE800]  }
0x278: {  	v15 =	vld [tilespmem:$0xDC00]  }
0x279: {  	v16 =	vperm.xlane v10, v0;
	v17 =	vld [tilespmem:s0+$0xF000]  }
0x27a: {  	v18 =	vld [tilespmem:$0xE000];
	v8 =	vperm.xlane v8, v3;
	v9 =	vperm.xlane v9, v3  }
0x27b: {  	v16 =	vadd.f32 v16, v10;
	v19 =	vld [tilespmem:s0+$0xDC00]  }
0x27c: {  	v20 =	vld [tilespmem:s0+$0xE000];
	v10 =	vperm.xlane v12, v3;
	v12 =	vsub.f32 v14, v8;
	v13 =	vsub.f32 v13, v9  }
0x27d: {  	v14 =	vperm.xlane v16, v1  }
0x27e: {  	v21 =	vld [tilespmem:s0+$0xE400];
	v17 =	vsub.f32 v17, v10;
	v22 =	vmul.f32 v12, v12;
	v23 =	vmul.f32 v13, v13  }
0x27f: {  	v12 =	vperm.xlane v11, v3;
	v13 =	vperm.xlane v15, v3  }
0x280: {  	s15 =	simm.s32 $0xFFFFFC10;
	v11 =	vadd.f32 v14, v16;
	v15 =	vmul.f32 v17, v17;
	v16 =	vadd.f32 v23, v22  }
0x281: {  	s16 =	simm.s32 $0xFFFFFC20;
	v25 =	vld [tilespmem:s15+$0xEC00];
	v14 =	vperm.xlane v18, v3;
	v17 =	vsub.f32 v19, v12;
	v18 =	vsub.f32 v20, v13  }
0x282: {  	v31 =	vld [tilespmem:s16+$0xEC00];
	v19 =	vperm.xlane v11, v2;
	v15 =	vadd.f32 v15, v16  }
0x283: {  	v20 =	vld [tilespmem:s15+$0xE400];
	v16 =	vsub.f32 v21, v14;
	v17 =	vmul.f32 v17, v17;
	v18 =	vmul.f32 v18, v18  }
0x284: {  	v21 =	vld [tilespmem:s15+$0xF000];
	v11 =	vadd.f32 v19, v11  }
0x285: {  	v22 =	vadd.f32 $9.999999960e-13, v15;
	v15 =	vadd.f32 v18, v17;
	v16 =	vmul.f32 v16, v16;
	v17 =	vld [tilespmem:s15+$0xDC00]  }
0x286: {  	v18 =	vld [tilespmem:s15+$0xE000];
	v24 =	vperm.xlane v11, v4  }
0x287: {  	v19 =	vshra.s32 v22, $0x1;
	v23 =	vmul.f32 $5.000000000e-01, v22;
	v15 =	vadd.f32 v16, v15;
	v16 =	vld [tilespmem:s15+$0xE800]  }
0x288: {  	v25 =	vsub.f32 v25, v9;
	v19 =	vsub.s32 $0x5F3759DF, v19  }
0x289: {  	v11 =	vadd.f32 v24, v11;
	v26 =	vmul.f32 v19, v23;
	v24 =	vadd.f32 $9.999999960e-13, v15  }
0x28a: {  	v15 =	vsub.f32 v20, v14;
	v20 =	vsub.f32 v21, v10  }
0x28b: {  	v29 =	vld [tilespmem:s16+$0xE000];
	v17 =	vsub.f32 v17, v12;
	v18 =	vsub.f32 v18, v13;
	v21 =	vmul.f32 v19, v26  }
0x28c: {  	v31 =	vsub.f32 v31, v9;
	v26 =	vshra.s32 v24, $0x1;
	v16 =	vsub.f32 v16, v8  }
0x28d: {  	v17 =	vmul.f32 v17, v17;
	v18 =	vmul.f32 v18, v18;
	v21 =	vsub.f32 $1.500000000e+00, v21  }
0x28e: {  	v27 =	vmul.f32 $5.000000000e-01, v24;
	v15 =	vmul.f32 v15, v15;
	v26 =	vsub.s32 $0x5F3759DF, v26  }
0x28f: {  	v16 =	vmul.f32 v16, v16;
	v17 =	vadd.f32 v18, v17;
	v19 =	vmul.f32 v19, v21  }
0x290: {  	v29 =	vsub.f32 v29, v13;
	v21 =	vmul.f32 v25, v25;
	v25 =	vmul.f32 v26, v27  }
0x291: {  	v20 =	vmul.f32 v20, v20;
	v15 =	vadd.f32 v15, v17;
	v28 =	vmul.f32 v19, v23  }
0x292: {  	v18 =	vmov s30;
	v16 =	vadd.f32 v21, v16;
	v17 =	vmul.f32 v26, v25;
	v25 =	vld [tilespmem:s16+$0xDC00]  }
0x293: {  	vm0 =	veq.s32 v18, v5;
	v15 =	vadd.f32 $9.999999960e-13, v15;
	v18 =	vmul.f32 v28, v19  }
0x294: {  	v21 =	vld [tilespmem:s16+$0xF000];
	v16 =	vadd.f32 v20, v16;
	v20 =	vsub.f32 $1.500000000e+00, v17  }
0x295: {  	v31 =	vmul.f32 v31, v31;
	v29 =	vmul.f32 v29, v29;
	v28 =	vld [tilespmem:s16+$0xE800];
	v18 =	vsub.f32 $1.500000000e+00, v18  }
0x296: {  	v30 =	vshra.s32 v15, $0x1;
	v16 =	vadd.f32 $9.999999960e-13, v16;
	v20 =	vmul.f32 v26, v20  }
0x297: {  	v17 =	vmul.f32 $5.000000000e-01, v15;
	v25 =	vsub.f32 v25, v12;
	v18 =	vmul.f32 v18, v19  }
0x298: {  	v19 =	vld [tilespmem:s16+$0xE400];
	v26 =	vshra.s32 v16, $0x1;
	v32 =	vmul.f32 $5.000000000e-01, v16;
	v33 =	vmul.f32 v20, v27  }
0x299: {  	v21 =	vsub.f32 v21, v10;
	v26 =	vsub.s32 $0x5F3759DF, v26;
	v25 =	vmul.f32 v25, v25  }
0x29a: {  	v28 =	vsub.f32 v28, v8;
	v34 =	vmul.f32 v26, v32;
	v33 =	vmul.f32 v33, v20  }
0x29b: {  	v30 =	vsub.s32 $0x5F3759DF, v30;
	v21 =	vmul.f32 v21, v21;
	v23 =	vmul.f32 v18, v23  }
0x29c: {  	v28 =	vmul.f32 v28, v28;
	v34 =	vmul.f32 v26, v34;
	v33 =	vsub.f32 $1.500000000e+00, v33  }
0x29d: {  	v25 =	vadd.f32 v29, v25;
	v23 =	vmul.f32 v23, v18;
	v19 =	vsub.f32 v19, v14  }
0x29e: {  	v28 =	vadd.f32 v31, v28;
	v34 =	vsub.f32 $1.500000000e+00, v34;
	v29 =	vmul.f32 v33, v20  }
0x29f: {  	v20 =	vsub.f32 $1.500000000e+00, v23;
	v23 =	vmul.f32 v30, v17;
	v19 =	vmul.f32 v19, v19  }
0x2a0: {  	s18 =	simm.s32 $0xFFFFFC30;
	v26 =	vmul.f32 v26, v34;
	v27 =	vmul.f32 v29, v27  }
0x2a1: {  	v21 =	vadd.f32 v21, v28;
	v28 =	vld [tilespmem:s18+$0xF000];
	v20 =	vmul.f32 v20, v18;
	v23 =	vmul.f32 v30, v23  }
0x2a2: {  	v31 =	vld [tilespmem:s18+$0xE400];
	v19 =	vadd.f32 v19, v25;
	v25 =	vmul.f32 v26, v32  }
0x2a3: {  	v27 =	vmul.f32 v27, v29;
	v35 =	vmul.f32 v20, v22;
	v20 =	vsub.f32 $1.500000000e+00, v23  }
0x2a4: {  	v7 =	vsel vm0, v11, v7;
	v18 =	vadd.f32 $9.999999960e-13, v19;
	v19 =	vadd.f32 $9.999999960e-13, v21  }
0x2a5: {  	v59 =	vld [tilespmem:s18+$0xDC00];
	v25 =	vmul.f32 v25, v26;
	v27 =	vsub.f32 $1.500000000e+00, v27;
	v23 =	vmul.f32 v30, v20  }
0x2a6: {  	v60 =	vld [tilespmem:s18+$0xEC00];
	v28 =	vsub.f32 v28, v10;
	v21 =	vmul.f32 $5.000000000e-01, v18;
	v38 =	vshra.s32 v19, $0x1  }
0x2a7: {  	v37 =	vld [tilespmem:s18+$0xE000];
	v20 =	vmul.f32 $5.000000000e-01, v19;
	v22 =	vsub.f32 $1.500000000e+00, v25;
	v25 =	vsub.f32 v31, v14  }
0x2a8: {  	v31 =	vld [tilespmem:s18+$0xE800];
	v38 =	vsub.s32 $0x5F3759DF, v38;
	v30 =	vmul.f32 v23, v17;
	v27 =	vmul.f32 v27, v29  }
0x2a9: {  	v11 =	vimm.f32 $0.0e+00;
	v29 =	vmul.f32 v38, v20;
	v22 =	vmul.f32 v22, v26  }
0x2aa: {  	v28 =	vmul.f32 v28, v28;
	v26 =	vsub.f32 v59, v12;
	v62 =	vmul.f32 v30, v23  }
0x2ab: {  	v34 =	vsub.f32 v60, v9;
	v29 =	vmul.f32 v38, v29;
	v32 =	vmul.f32 v22, v32  }
0x2ac: {  	v36 =	vshra.s32 v18, $0x1;
	v33 =	vmul.f32 v26, v26;
	v26 =	vmul.f32 v27, v24  }
0x2ad: {  	v27 =	vsub.f32 v37, v13;
	v24 =	vsub.s32 $0x5F3759DF, v36;
	v31 =	vsub.f32 v31, v8  }
0x2ae: {  	v63 =	vsub.f32 $1.500000000e+00, v29;
	v32 =	vmul.f32 v32, v22;
	v26 =	vsub.f32 v26, v35  }
0x2af: {  	v29 =	vsub.f32 $1.500000000e+00, v62;
	v61 =	vmul.f32 v27, v27;
	v30 =	vmul.f32 v31, v31  }
0x2b0: {  	v31 =	vmul.f32 v34, v34;
	v27 =	vsub.f32 $1.500000000e+00, v32;
	v26 =	vmul.f32 v26, v26  }
0x2b1: {  	s0 =	simm.s32 $0xFFFFF100;
	v32 =	vadd.f32 v61, v33;
	v33 =	vmul.f32 v25, v25;
	v25 =	vmul.f32 v38, v63  }
.LBB2_8:
0x2b2: {  	s11 =	sshra.s32 s0, $0x2;
	p0 =	sne.s32 s0, $0xFFFFFFC0;
	s0 =	sadd.s32 $0x40, s0;
	v30 =	vadd.f32 v31, v30;
	v31 =	vmul.f32 v24, v21;
	v29 =	vmul.f32 v29, v23  }
0x2b3: {  	v11 =	vadd.f32 v26, v11;
	v23 =	vld [tilespmem:s11+$0xE400];
	v32 =	vadd.f32 v33, v32;
	v33 =	vmul.f32 v25, v20  }
0x2b4: {  	v22 =	vmul.f32 v27, v22;
	v26 =	vld [tilespmem:s11+$0xF000];
	v28 =	vadd.f32 v28, v30;
	v30 =	vmul.f32 v29, v17;
	v17 =	vmovc v21  }
0x2b5: {  	v21 =	vmul.f32 v24, v31;
	v27 =	vld [tilespmem:s11+$0xEC00];
	v32 =	vadd.f32 $9.999999960e-13, v32;
	v31 =	vmul.f32 v33, v25  }
0x2b6: {  	v34 =	vmul.f32 v22, v16;
	v16 =	vmovc v19;
	v33 =	vld [tilespmem:s11+$0xDC00];
	v30 =	vmul.f32 v30, v29;
	v19 =	vadd.f32 $9.999999960e-13, v28  }
0x2b7: {  	v22 =	vsub.f32 $1.500000000e+00, v21;
	v28 =	vld [tilespmem:s11+$0xE000];
	v35 =	vshra.s32 v32, $0x1;
	v31 =	vsub.f32 $1.500000000e+00, v31  }
0x2b8: {  	v21 =	vmul.f32 $5.000000000e-01, v32;
	v36 =	vsub.f32 v23, v14;
	v37 =	vld [tilespmem:s11+$0xE800];
	v30 =	vsub.f32 $1.500000000e+00, v30  }
0x2b9: {  	v38 =	vshra.s32 v19, $0x1;
	v23 =	vmul.f32 v24, v22;
	v26 =	vsub.f32 v26, v10  }
0x2ba: {  	v24 =	vmul.f32 $5.000000000e-01, v19;
	v38 =	vsub.s32 $0x5F3759DF, v38;
	v22 =	vmul.f32 v31, v25  }
0x2bb: {  	v31 =	vmul.f32 v23, v17;
	v29 =	vmul.f32 v30, v29;
	v25 =	vsub.f32 v33, v12  }
0x2bc: {  	v30 =	vmul.f32 v38, v24;
	v33 =	vmul.f32 v22, v20;
	v20 =	vmov v24  }
0x2bd: {  	v29 =	vmul.f32 v29, v15;
	v15 =	vmovc v18;
	v37 =	vsub.f32 v37, v8;
	v25 =	vmul.f32 v25, v25  }
0x2be: {  	v40 =	vsub.f32 v27, v9;
	v39 =	vsub.f32 v28, v13;
	v18 =	vmovc v32;
	v27 =	vmul.f32 v33, v22  }
.Ltmp2:
0x2bf: {  	v24 =	vsub.s32 $0x5F3759DF, v35;
	v28 =	vmul.f32 v26, v26;
	v26 =	vmul.f32 v38, v30;
	(pc) =	sbr.rel @p0 .LBB2_8-.Ltmp2, $4  }
0x2c0: {  	v33 =	vmul.f32 v31, v23;
	v32 =	vmul.f32 v39, v39;
	v34 =	vsub.f32 v29, v34  }
0x2c1: {  	v35 =	vsub.f32 $1.500000000e+00, v26;
	v30 =	vmul.f32 v37, v37;
	v27 =	vsub.f32 $1.500000000e+00, v27  }
0x2c2: {  	v31 =	vmul.f32 v40, v40;
	v29 =	vsub.f32 $1.500000000e+00, v33;
	v26 =	vmul.f32 v34, v34  }
0x2c3: {  	v33 =	vmul.f32 v36, v36;
	v32 =	vadd.f32 v32, v25;
	v25 =	vmul.f32 v38, v35  }
0x2c4: {  	v8 =	vadd.f32 v31, v30  }
0x2c5: {  	v9 =	vadd.f32 v33, v32  }
0x2c6: {  	v8 =	vadd.f32 v28, v8  }
0x2c7: {  	v9 =	vadd.f32 $9.999999960e-13, v9  }
0x2c8: {  	v8 =	vadd.f32 $9.999999960e-13, v8  }
0x2c9: {  	v10 =	vmul.f32 v24, v21;
	v12 =	vshra.s32 v9, $0x1  }
0x2ca: {  	v13 =	vmul.f32 $5.000000000e-01, v9;
	v14 =	vshra.s32 v8, $0x1;
	v38 =	vmul.f32 $5.000000000e-01, v8  }
0x2cb: {  	v10 =	vmul.f32 v24, v10;
	v12 =	vsub.s32 $0x5F3759DF, v12;
	v14 =	vsub.s32 $0x5F3759DF, v14  }
0x2cc: {  	v40 =	vmul.f32 v12, v13;
	v39 =	vmul.f32 v14, v38  }
0x2cd: {  	v23 =	vmul.f32 v29, v23;
	v22 =	vmul.f32 v27, v22;
	v10 =	vsub.f32 $1.500000000e+00, v10  }
0x2ce: {  	v42 =	vmul.f32 v12, v40;
	v41 =	vmul.f32 v14, v39  }
0x2cf: {  	v43 =	vmul.f32 v25, v20;
	v10 =	vmul.f32 v24, v10  }
0x2d0: {  	v17 =	vmul.f32 v23, v17;
	v44 =	vsub.f32 $1.500000000e+00, v42;
	v24 =	vsub.f32 $1.500000000e+00, v41  }
0x2d1: {  	v45 =	vmul.f32 v43, v25;
	v46 =	vmul.f32 v10, v21  }
0x2d2: {  	v12 =	vmul.f32 v12, v44;
	v14 =	vmul.f32 v14, v24  }
0x2d3: {  	v17 =	vmul.f32 v17, v23;
	v47 =	vmul.f32 v46, v10  }
0x2d4: {  	v49 =	vmul.f32 v12, v13;
	v48 =	vmul.f32 v14, v38  }
0x2d5: {  	v16 =	vmul.f32 v22, v16;
	v50 =	vsub.f32 $1.500000000e+00, v45;
	v24 =	vsub.f32 $1.500000000e+00, v47  }
0x2d6: {  	v17 =	vsub.f32 $1.500000000e+00, v17;
	v51 =	vmul.f32 v49, v12;
	v27 =	vmul.f32 v48, v14  }
0x2d7: {  	v22 =	vmul.f32 v50, v25;
	v10 =	vmul.f32 v24, v10  }
0x2d8: {  	v17 =	vmul.f32 v17, v23;
	v53 =	vsub.f32 $1.500000000e+00, v51;
	v52 =	vsub.f32 $1.500000000e+00, v27  }
0x2d9: {  	v54 =	vmul.f32 v22, v20;
	v55 =	vmul.f32 v10, v21  }
0x2da: {  	v12 =	vmul.f32 v53, v12;
	v14 =	vmul.f32 v52, v14  }
0x2db: {  	v20 =	vmul.f32 v54, v22;
	v21 =	vmul.f32 v55, v10  }
0x2dc: {  	v13 =	vmul.f32 v12, v13;
	v23 =	vmul.f32 v14, v38  }
0x2dd: {  	v15 =	vmul.f32 v17, v15;
	v56 =	vsub.f32 $1.500000000e+00, v20;
	v57 =	vsub.f32 $1.500000000e+00, v21  }
0x2de: {  	v13 =	vmul.f32 v13, v12;
	v58 =	vmul.f32 v23, v14  }
0x2df: {  	v17 =	vmul.f32 v56, v22;
	v10 =	vmul.f32 v57, v10  }
0x2e0: {  	v13 =	vsub.f32 $1.500000000e+00, v13;
	v59 =	vsub.f32 $1.500000000e+00, v58  }
0x2e1: {  	v15 =	vsub.f32 v15, v16;
	v60 =	vmul.f32 v17, v19;
	v10 =	vmul.f32 v10, v18  }
0x2e2: {  	v12 =	vmul.f32 v13, v12;
	v14 =	vmul.f32 v59, v14  }
0x2e3: {  	v11 =	vadd.f32 v26, v11;
	v61 =	vmul.f32 v15, v15  }
0x2e4: {  	v10 =	vsub.f32 v10, v60;
	v9 =	vmul.f32 v12, v9;
	v8 =	vmul.f32 v14, v8;
	_ =	sdelay $0x1  }
0x2e5: {  	v11 =	vadd.f32 v61, v11;
	v10 =	vmul.f32 v10, v10;
	v8 =	vsub.f32 v9, v8;
	_ =	sdelay $0x1  }
0x2e6: {  	v62 =	vadd.f32 v10, v11;
	v8 =	vmul.f32 v8, v8;
	_ =	sdelay $0x1  }
0x2e7: {  	v8 =	vadd.f32 v8, v62;
	_ =	sdelay $0x1  }
0x2e8: {  	v9 =	vperm.xlane v8, v0;
	_ =	sdelay $0x1  }
0x2e9: {  	v8 =	vadd.f32 v9, v8;
	_ =	sdelay $0x1  }
0x2ea: {  	v9 =	vperm.xlane v8, v1;
	_ =	sdelay $0x1  }
0x2eb: {  	v8 =	vadd.f32 v9, v8;
	_ =	sdelay $0x1  }
0x2ec: {  	v9 =	vperm.xlane v8, v2;
	_ =	sdelay $0x1  }
0x2ed: {  	s28 =	sadd.s32 $0x1, s28;
	v8 =	vadd.f32 v9, v8  }
0x2ee: {  	p0 =	sne.s32 s28, $0x8  }
.Ltmp3:
0x2ef: {  	v9 =	vperm.xlane v8, v4;
	(pc) =	sbr.rel @p0 .LBB2_3-.Ltmp3, $4  }
0x2f0: {  	s0 =	sor.u32 $0x1, s30  }
0x2f1: {  	v63 =	vmov s0;
	v8 =	vadd.f32 v9, v8  }
0x2f2: {  	vm0 =	veq.s32 v63, v5  }
0x2f3: {  	v7 =	vsel vm0, v8, v7  }
0x2f4: {  	s0 =	sand.u32 $0x3FFFFFF0, s23  }
0x2f5: {  	v8 =	vld [tilespmem:s0+$0xF000];
	_ =	sdelay $0x4  }
0x2f6: {  	v7 =	vmul.f32 v8, v7;
	_ =	sdelay $0x1  }
0x2f7: {  	v8 =	vshra.s32 v7, $0x1;
	v9 =	vmul.f32 $5.000000000e-01, v7  }
0x2f8: {  	v8 =	vsub.s32 $0x5F3759DF, v8  }
0x2f9: {  	v10 =	vmul.f32 v8, v9;
	_ =	sdelay $0x1  }
0x2fa: {  	v10 =	vmul.f32 v8, v10;
	_ =	sdelay $0x1  }
0x2fb: {  	v10 =	vsub.f32 $1.500000000e+00, v10;
	_ =	sdelay $0x1  }
0x2fc: {  	v8 =	vmul.f32 v8, v10;
	_ =	sdelay $0x1  }
0x2fd: {  	v10 =	vmul.f32 v8, v9;
	_ =	sdelay $0x1  }
0x2fe: {  	v10 =	vmul.f32 v10, v8;
	_ =	sdelay $0x1  }
0x2ff: {  	v10 =	vsub.f32 $1.500000000e+00, v10;
	_ =	sdelay $0x1  }
0x300: {  	v8 =	vmul.f32 v10, v8;
	_ =	sdelay $0x1  }
0x301: {  	v9 =	vmul.f32 v8, v9;
	_ =	sdelay $0x1  }
0x302: {  	v9 =	vmul.f32 v9, v8;
	_ =	sdelay $0x1  }
0x303: {  	s0 =	rddreg [dreg:$0xa];
	v9 =	vsub.f32 $1.500000000e+00, v9  }
0x304: {  	p0 =	sne.s32 s0, $0x15  }
.Ltmp4:
0x305: {  	v8 =	vmul.f32 v9, v8;
	(pc) =	sbr.rel @p0 .LBB2_2-.Ltmp4, $3  }
0x306: {  	_ = 	snop  }
0x307: {  	v7 =	vmul.f32 v8, v7;
	_ =	sdelay $0x1  }
0x308: {  	v6 =	vadd.f32 v7, v6  }
0x309: {  	s11 =	simm.s32 $0x0  }
0x30a: {  	s0 =	rddreg [dreg:$0x7];
	s12 =	simm.s32 $0xF150;
	s13 =	simm.s32 $0x4;
	[tilespmem:$0xF150] =	vst v6  }
0x30b: {  	[hbm4b:s0+s11] =	stream.linear.scatter [tilespmem:s12], [sflag:$0x4], $0x10, $0x38;
	[tilespmem:$0xF160] =	vst v63  }
0x30c: {  	_ =	swait.ge [sflag:s13], $0x10  }
0x30d: {  	s28 =	rddreg [dreg:$0x9]  }
0x30e: {  	s30 =	rddreg [dreg:$0x8];
	s12 =	sadd.s32 $0x1, s28  }
0x30f: {  	p0 =	sne.s32 s12, s30  }
.Ltmp5:
0x310: {  	_ = 	snop;
	(pc) =	sbr.rel @p0 .LBB2_1-.Ltmp5, $3  }
0x311: {  	_ =	sdelay $0x1  }
0x312: {  	[sflag:s13] =	ssyncset.done $0x0  }
0x313: {  	[sflag:s13] =	ssyncadd.s32 $0xFFFFFFF0  }
0x314: {  	_ =	sfence.sel $0x180000  }
0x315: {  	[bflag:$0x0] =	sbarrier.arrive $0xFFFF  }
0x316: {  	_ =	strace $0x90000047  }
0x317: {  	s0 =	stileid.u32;
	[bflag:$0x2] =	sbarrier.arrive $0xFFFF  }
0x318: {  	p0 =	sne.s32 s0, $0x0;
	s0 =	rddreg [dreg:$0x1]  }
0x319: {  	s0 =	sadd.s32 @!p0 $0x100000, s0  }
0x31a: {  	[sflag:s0] =	ssyncadd.tile.s32 @!p0 $0x1;
	_ =	shalt  }
.Lfunc_end2:
_tile_overlayer_lowered:
.L_overlay_start_2:
0x31b: {  	(tag) =	ssettag $0x2  }
0x31c: {  	s0 =	rddreg [dreg:$0x0];
	s2 =	stileid.u32  }
0x31d: {  	s1 =	rddreg [dreg:$0x1];
	p0 =	sne.s32 s2, $0x0  }
0x31e: {  	s3 =	rddreg [dreg:$0x2];
	[bflag:$0x3] =	sbarrier.arrive $0xFFFF;
	s2 =	simm.s32 @!p0 $0x1C04  }
0x31f: {  	[timem:s3], [sflag:s2] =	dma.local @!p0 [hbm:s0], s1  }
0x320: {  	s0 =	simm.s32 @!p0 $0x4  }
0x321: {  	_ =	swait.ge @!p0 [sflag:s0], s1  }
0x322: {  	s1 =	ssub.s32 @!p0 $0x0, s1;
	[sflag:s0] =	ssyncset.done @!p0 $0x0  }
0x323: {  	[sflag:s0] =	ssyncadd.s32 @!p0 s1  }
0x324: {  	[bflag:$0x3] =	sbarrier.arrive $0xFFFF  }
0x325: {  	_ =	shalt  }

</sc_bundles>
